<compile_context>
chip_gen: v7x
topology: tpu7x:2x2x1
jax: 0.10.2.dev20260603
libtpu: 0.0.44.dev20260713+nightly
codegen_flags: <defaults>
</compile_context>

<pallas_src>
import functools

import jax
import jax.numpy as jnp
from jax import lax
from jax.experimental import pallas as pl
from jax.experimental.pallas import tpu as pltpu
from jax.experimental.pallas import tpu_sc as plsc

N = 10000
NFEAT = 128
NHID = 256
NCLASS = 40
NCLS_PAD = 64
EPS = 1e-5

NC = 2
NS = 16
GROUP = 128
ACC_ROWS = 10240
ZR = ACC_ROWS // NS
ZR_MAIN = N - (NS - 1) * ZR
CHUNK = 32


def _make_sc_aggregate(d: int, g: int):
    mesh = plsc.VectorSubcoreMesh(core_axis_name="c", subcore_axis_name="s")

    nbuf = 2 if d == 128 else 4

    @functools.partial(
        pl.kernel,
        out_type=jax.ShapeDtypeStruct((NC, N, d), jnp.float32),
        mesh=mesh,
        compiler_params=pltpu.CompilerParams(use_tc_tiling_on_sc=False),
        scratch_types=(
            [pltpu.VMEM((CHUNK, 2, GROUP), jnp.int32)]
            + [pltpu.VMEM((GROUP, d), jnp.float32) for _ in range(nbuf)]
            + [pltpu.VMEM_SHARED((ACC_ROWS, d), jnp.float32)]
            + [pltpu.SemaphoreType.DMA for _ in range(nbuf)]
        ),
    )
    def agg(table, er, out, idx_v, *rest):
        rows = rest[:nbuf]
        acc = rest[nbuf]
        sems = rest[nbuf + 1:]
        c = lax.axis_index("c")
        s = lax.axis_index("s")
        w = s * NC + c

        def zbody(i, carry):
            for k in range(d // 16):
                rows[0][i, pl.ds(16 * k, 16)] = jnp.zeros((16,), jnp.float32)
            return carry

        lax.fori_loop(0, GROUP, zbody, 0)
        for r in range(ZR // GROUP):
            pltpu.sync_copy(rows[0], acc.at[pl.ds(s * ZR + r * GROUP, GROUP)])
        plsc.subcore_barrier()

        def run(gbase, gw):
            for off in range(0, gw, CHUNK):
                cs = min(CHUNK, gw - off)
                pltpu.sync_copy(er.at[pl.ds(gbase + off, cs)],
                                idx_v.at[pl.ds(0, cs)])
                for k in range(min(nbuf, cs)):
                    pltpu.async_copy(table.at[idx_v.at[k, 0]], rows[k],
                                     sems[k])
                nfull = cs // nbuf

                def body(i, carry, cs=cs):
                    j0 = i * nbuf
                    for k in range(nbuf):
                        j = j0 + k
                        pltpu.make_async_copy(table.at[idx_v.at[0, 0]],
                                              rows[k], sems[k]).wait()
                        pltpu.sync_copy(rows[k], acc.at[idx_v.at[j, 1]],
                                        add=True)

                        @pl.when(j + nbuf < cs)
                        def _(k=k, j=j):
                            pltpu.async_copy(table.at[idx_v.at[j + nbuf, 0]],
                                             rows[k], sems[k])
                    return carry

                if nfull:
                    lax.fori_loop(0, nfull, body, 0)
                for k in range(cs % nbuf):
                    j = nfull * nbuf + k
                    pltpu.make_async_copy(table.at[idx_v.at[0, 0]],
                                          rows[k], sems[k]).wait()
                    pltpu.sync_copy(rows[k], acc.at[idx_v.at[j, 1]],
                                    add=True)

        nw = NC * NS
        rem = g % nw
        gq = g // nw
        gbase = w * gq + jnp.minimum(w, rem)
        if rem:
            @pl.when(w < rem)
            def _():
                run(gbase, gq + 1)

            @pl.when(w >= rem)
            def _():
                run(gbase, gq)
        else:
            run(gbase, gq)

        plsc.subcore_barrier()

        base = s * ZR
        pltpu.sync_copy(acc.at[pl.ds(base, ZR_MAIN)],
                        out.at[c].at[pl.ds(base, ZR_MAIN)])

        @pl.when(s < NS - 1)
        def _():
            pltpu.sync_copy(acc.at[pl.ds(base + ZR_MAIN, ZR - ZR_MAIN)],
                            out.at[c].at[pl.ds(base + ZR_MAIN, ZR - ZR_MAIN)])

    return agg


_BM = 2000


def _tca_body(ap, cs_ref, g_ref):
    a = ap[0] + ap[1]

    @pl.when(pl.program_id(0) == 0)
    def _():
        cs_ref[...] = jnp.zeros_like(cs_ref)
        g_ref[...] = jnp.zeros_like(g_ref)

    cs_ref[...] += jnp.sum(a, axis=0, keepdims=True)
    g_ref[...] += lax.dot_general(a, a, (((0,), (0,)), ((), ())),
                                  preferred_element_type=jnp.float32)


def _tcs_body(cs, g, w1, gamma, beta, scale_ref, shift_ref):
    w1v = w1[...]
    mean0 = jnp.dot(cs[...], w1v, preferred_element_type=jnp.float32) * (
        1.0 / N)
    gw = jnp.dot(g[...], w1v, preferred_element_type=jnp.float32)
    ssq = jnp.sum(w1v * gw, axis=0, keepdims=True)
    var = ssq * (1.0 / N) - mean0 * mean0
    scale = gamma[...] * lax.rsqrt(var + EPS)
    scale_ref[...] = scale
    shift_ref[...] = beta[...] - mean0 * scale


def _tcc_body(ap, w1, scale, shift, w2, y_ref):
    a = ap[0] + ap[1]
    h0 = jnp.dot(a, w1[...], preferred_element_type=jnp.float32)
    hr = jnp.maximum(h0 * scale[...] + shift[...], 0.0)
    y_ref[...] = jnp.dot(hr, w2[...], preferred_element_type=jnp.float32)


CROWS = 313
CLAST = N - 31 * CROWS


def _sc_combine(p, b2p):
    mesh = plsc.VectorSubcoreMesh(core_axis_name="c", subcore_axis_name="s")

    @functools.partial(
        pl.kernel,
        out_type=jax.ShapeDtypeStruct((N, NCLS_PAD), jnp.float32),
        mesh=mesh,
        compiler_params=pltpu.CompilerParams(use_tc_tiling_on_sc=False),
        scratch_types=[
            pltpu.VMEM((CROWS, NCLS_PAD), jnp.float32),
            pltpu.VMEM((CROWS, NCLS_PAD), jnp.float32),
            pltpu.VMEM((NCLS_PAD,), jnp.float32),
        ],
    )
    def comb(p_r, b2_r, out, buf0, buf1, bias_v):
        c = lax.axis_index("c")
        sx = lax.axis_index("s")
        w = sx * NC + c
        base = w * CROWS
        pltpu.sync_copy(b2_r, bias_v)

        def do(nrows):
            pltpu.sync_copy(p_r.at[0].at[pl.ds(base, nrows)],
                            buf0.at[pl.ds(0, nrows)])
            pltpu.sync_copy(p_r.at[1].at[pl.ds(base, nrows)],
                            buf1.at[pl.ds(0, nrows)])
            bias = [bias_v[pl.ds(16 * k, 16)]
                    for k in range(NCLS_PAD // 16)]

            def add_body(r, carry):
                for k in range(NCLS_PAD // 16):
                    col = 16 * k
                    buf0[r, pl.ds(col, 16)] = (buf0[r, pl.ds(col, 16)]
                                               + buf1[r, pl.ds(col, 16)]
                                               + bias[k])
                return carry

            lax.fori_loop(0, nrows, add_body, 0)
            pltpu.sync_copy(buf0.at[pl.ds(0, nrows)],
                            out.at[pl.ds(base, nrows)])

        @pl.when(w < 31)
        def _():
            do(CROWS)

        @pl.when(w == 31)
        def _():
            do(CLAST)

    return comb(p, b2p)


def kernel(x, edge_index, W1, b1, gamma, beta, W2, b2):
    e = edge_index.shape[1]
    g_total = -(-e // GROUP)
    e_pad = g_total * GROUP
    if e_pad != e:
        pad_idx = jnp.arange(e_pad - e, dtype=jnp.int32)
        dummy = jnp.stack([pad_idx % N, N + pad_idx % (ACC_ROWS - N)])
        edge_index = jnp.concatenate([edge_index, dummy], axis=1)
    er = jnp.stack([edge_index[0].reshape(g_total, GROUP),
                    edge_index[1].reshape(g_total, GROUP)], axis=1)

    w2p = jnp.pad(W2, ((0, 0), (0, NCLS_PAD - NCLASS)))

    agg1 = _make_sc_aggregate(NFEAT, g_total)(x, er)

    grid = (N // _BM,)
    cs, gmat = pl.pallas_call(
        _tca_body,
        grid=grid,
        in_specs=[
            pl.BlockSpec((NC, _BM, NFEAT), lambda i: (0, i, 0)),
        ],
        out_specs=[
            pl.BlockSpec((1, NFEAT), lambda i: (0, 0)),
            pl.BlockSpec((NFEAT, NFEAT), lambda i: (0, 0)),
        ],
        out_shape=[
            jax.ShapeDtypeStruct((1, NFEAT), jnp.float32),
            jax.ShapeDtypeStruct((NFEAT, NFEAT), jnp.float32),
        ],
    )(agg1)

    scale, shift = pl.pallas_call(
        _tcs_body,
        out_shape=[
            jax.ShapeDtypeStruct((1, NHID), jnp.float32),
            jax.ShapeDtypeStruct((1, NHID), jnp.float32),
        ],
    )(cs, gmat, W1, gamma.reshape(1, NHID), beta.reshape(1, NHID))

    y = pl.pallas_call(
        _tcc_body,
        grid=grid,
        in_specs=[
            pl.BlockSpec((NC, _BM, NFEAT), lambda i: (0, i, 0)),
            pl.BlockSpec((NFEAT, NHID), lambda i: (0, 0)),
            pl.BlockSpec((1, NHID), lambda i: (0, 0)),
            pl.BlockSpec((1, NHID), lambda i: (0, 0)),
            pl.BlockSpec((NHID, NCLS_PAD), lambda i: (0, 0)),
        ],
        out_specs=pl.BlockSpec((_BM, NCLS_PAD), lambda i: (i, 0)),
        out_shape=jax.ShapeDtypeStruct((N, NCLS_PAD), jnp.float32),
    )(agg1, W1, scale, shift, w2p)

    agg2 = _make_sc_aggregate(NCLS_PAD, g_total)(y, er)

    b2p = jnp.pad(b2, (0, NCLS_PAD - NCLASS))
    out64 = _sc_combine(agg2, b2p)

    return out64[:, :NCLASS]

# --- scband reference (transcript-rebuilt; emitter-appended) ---
"""Pipeline reference for scband-gcn-64510408786277 (READ-ONLY COPY).

The authoritative reference and input builder live on the scoring server;
editing this copy changes nothing except your own understanding.
"""

import jax, jax.numpy as jnp
import numpy as np

N = 10000
E = 320000
NFEAT = 128
NHID = 256
NCLASS = 40
EPS = 1e-5


def setup_inputs(seed: int = 0) -> dict:
    key = jax.random.key(seed)
    ks = jax.random.split(key, 8)
    x = jax.random.normal(ks[0], (N, NFEAT), dtype=jnp.float32)
    edge_index = jax.random.randint(ks[1], (2, E), 0, N, dtype=jnp.int32)
    W1 = jax.random.normal(ks[2], (NFEAT, NHID), dtype=jnp.float32) * (1.0 / np.sqrt(NFEAT))
    b1 = jnp.zeros((NHID,), dtype=jnp.float32)
    gamma = jnp.ones((NHID,), dtype=jnp.float32)
    beta = jnp.zeros((NHID,), dtype=jnp.float32)
    W2 = jax.random.normal(ks[3], (NHID, NCLASS), dtype=jnp.float32) * (1.0 / np.sqrt(NHID))
    b2 = jnp.zeros((NCLASS,), dtype=jnp.float32)
    return {"x": x, "edge_index": edge_index, "W1": W1, "b1": b1, "gamma": gamma, "beta": beta, "W2": W2, "b2": b2}


def _gcn_conv(x, W, b, src, dst):
    # GCNConv with normalize=False (save_mem=True): linear transform then
    # sum-aggregation of source messages at destination nodes, plus bias.
    h = x @ W
    out = jax.ops.segment_sum(h[src], dst, num_segments=N)
    return out + b


def _batchnorm(h, gamma, beta):
    # BatchNorm1d with batch statistics (training-mode statistics, biased var)
    mean = jnp.mean(h, axis=0)
    var = jnp.var(h, axis=0)
    return (h - mean) / jnp.sqrt(var + EPS) * gamma + beta


def reference(x, edge_index, W1, b1, gamma, beta, W2, b2):
    src = edge_index[0]
    dst = edge_index[1]
    h = _gcn_conv(x, W1, b1, src, dst)
    h = _batchnorm(h, gamma, beta)
    h = jax.nn.relu(h)
    # dropout treated as identity (deterministic reference)
    out = _gcn_conv(h, W2, b2, src, dst)
    return out

if __name__ == "__main__":
    import jax
    _d = setup_inputs()
    print(jax.jit(kernel)(*tuple(_d.values())))

</pallas_src>

<mosaic_0001>
#map = affine_map<(d0, d1) -> (0, 0, 0)>
#map1 = affine_map<(d0, d1) -> (0)>
#map2 = affine_map<(d0, d1) -> (0, 0)>
module attributes {stable_mosaic.version = 14 : i64} {
  func.func @comb(%arg0: i32, %arg1: i32, %arg2: memref<2x10000x64xf32, #tpu.memory_space<hbm>>, %arg3: memref<64xf32, #tpu.memory_space<hbm>>, %arg4: memref<10000x64xf32, #tpu.memory_space<hbm>>, %arg5: memref<313x64xf32, #tpu.memory_space<vmem>>, %arg6: memref<313x64xf32, #tpu.memory_space<vmem>>, %arg7: memref<64xf32, #tpu.memory_space<vmem>>) attributes {dimension_semantics = [#tpu.dimension_semantics<core_parallel>, #tpu.dimension_semantics<subcore_parallel>], iteration_bounds = array<i64: 2, 16>, scalar_prefetch = 0 : i64, scratch_operands = 3 : i64, tpu.core_type = #tpu.core_type<sc_vector_subcore>, window_params = [{transform_indices = #map}, {transform_indices = #map1}, {transform_indices = #map2}]} {
    %mul3A = arith.constant 2 : i32
    %mul3A_0 = arith.muli %arg1, %mul3A : i32
    %add3A = arith.addi %mul3A_0, %arg0 : i32
    %mul3A_1 = arith.constant 313 : i32
    %mul3A_2 = arith.muli %add3A, %mul3A_1 : i32
    "tpu.region"() ({
      %run_scoped3A = tpu.sem_alloc : memref<!tpu.dma_semaphore, #tpu.memory_space<semaphore_mem>>
      tpu.enqueue_dma source(%arg3 : memref<64xf32, #tpu.memory_space<hbm>>) target(%arg7 : memref<64xf32, #tpu.memory_space<vmem>>) target_semaphore(%run_scoped3A : memref<!tpu.dma_semaphore, #tpu.memory_space<semaphore_mem>>)
      tpu.wait_dma2 semaphore(%run_scoped3A : memref<!tpu.dma_semaphore, #tpu.memory_space<semaphore_mem>>) src(%arg3 : memref<64xf32, #tpu.memory_space<hbm>>) dst(%arg7 : memref<64xf32, #tpu.memory_space<vmem>>)
      tpu.yield
    }) : () -> ()
    %lt3A = arith.constant 31 : i32
    %lt3A_3 = arith.cmpi slt, %add3A, %lt3A : i32
    %convert_element_type3A = arith.extui %lt3A_3 : i1 to i32
    %cond3A = arith.constant 0 : i32
    %cond3A_4 = arith.cmpi ne, %convert_element_type3A, %cond3A : i32
    scf.if %cond3A_4 {
      %run_scoped3A = arith.constant 0 : i32
      "tpu.region"() ({
        %run_scoped3A_26 = tpu.sem_alloc : memref<!tpu.dma_semaphore, #tpu.memory_space<semaphore_mem>>
        %dma_start3A = arith.constant 0 : i32
        %dma_start3A_27 = arith.constant 0 : i32
        %dma_start3A_28 = tpu.memref_slice %arg5[%dma_start3A, %dma_start3A_27] : memref<313x64xf32, #tpu.memory_space<vmem>> -> memref<313x64xf32, #tpu.memory_space<vmem>>
        %dma_start3A_29 = arith.constant 0 : i32
        %dma_start3A_30 = arith.constant 0 : i32
        %dma_start3A_31 = tpu.memref_slice %arg2[%run_scoped3A, %dma_start3A_29, %dma_start3A_30] : memref<2x10000x64xf32, #tpu.memory_space<hbm>> -> memref<1x10000x64xf32, #tpu.memory_space<hbm>>
        %dma_start3A_32 = tpu.memref_squeeze %dma_start3A_31 : memref<1x10000x64xf32, #tpu.memory_space<hbm>> -> memref<10000x64xf32, #tpu.memory_space<hbm>>
        %dma_start3A_33 = arith.constant 0 : i32
        %dma_start3A_34 = tpu.memref_slice %dma_start3A_32[%mul3A_2, %dma_start3A_33] : memref<10000x64xf32, #tpu.memory_space<hbm>> -> memref<313x64xf32, #tpu.memory_space<hbm>>
        %dma_start3A_35 = arith.constant 0 : i32
        %dma_start3A_36 = arith.constant 0 : i32
        %dma_start3A_37 = tpu.memref_slice %arg5[%dma_start3A_35, %dma_start3A_36] : memref<313x64xf32, #tpu.memory_space<vmem>> -> memref<313x64xf32, #tpu.memory_space<vmem>>
        %dma_start3A_38 = arith.constant 0 : i32
        %dma_start3A_39 = arith.constant 0 : i32
        %dma_start3A_40 = tpu.memref_slice %arg2[%run_scoped3A, %dma_start3A_38, %dma_start3A_39] : memref<2x10000x64xf32, #tpu.memory_space<hbm>> -> memref<1x10000x64xf32, #tpu.memory_space<hbm>>
        %dma_start3A_41 = tpu.memref_squeeze %dma_start3A_40 : memref<1x10000x64xf32, #tpu.memory_space<hbm>> -> memref<10000x64xf32, #tpu.memory_space<hbm>>
        %dma_start3A_42 = arith.constant 0 : i32
        %dma_start3A_43 = tpu.memref_slice %dma_start3A_41[%mul3A_2, %dma_start3A_42] : memref<10000x64xf32, #tpu.memory_space<hbm>> -> memref<313x64xf32, #tpu.memory_space<hbm>>
        tpu.enqueue_dma source(%dma_start3A_43 : memref<313x64xf32, #tpu.memory_space<hbm>>) target(%dma_start3A_37 : memref<313x64xf32, #tpu.memory_space<vmem>>) target_semaphore(%run_scoped3A_26 : memref<!tpu.dma_semaphore, #tpu.memory_space<semaphore_mem>>)
        %dma_wait3A = arith.constant 0 : i32
        %dma_wait3A_44 = arith.constant 0 : i32
        %dma_wait3A_45 = tpu.memref_slice %arg5[%dma_wait3A, %dma_wait3A_44] : memref<313x64xf32, #tpu.memory_space<vmem>> -> memref<313x64xf32, #tpu.memory_space<vmem>>
        %dma_wait3A_46 = arith.constant 0 : i32
        %dma_wait3A_47 = arith.constant 0 : i32
        %dma_wait3A_48 = tpu.memref_slice %arg2[%run_scoped3A, %dma_wait3A_46, %dma_wait3A_47] : memref<2x10000x64xf32, #tpu.memory_space<hbm>> -> memref<1x10000x64xf32, #tpu.memory_space<hbm>>
        %dma_wait3A_49 = tpu.memref_squeeze %dma_wait3A_48 : memref<1x10000x64xf32, #tpu.memory_space<hbm>> -> memref<10000x64xf32, #tpu.memory_space<hbm>>
        %dma_wait3A_50 = arith.constant 0 : i32
        %dma_wait3A_51 = tpu.memref_slice %dma_wait3A_49[%mul3A_2, %dma_wait3A_50] : memref<10000x64xf32, #tpu.memory_space<hbm>> -> memref<313x64xf32, #tpu.memory_space<hbm>>
        %dma_wait3A_52 = arith.constant 0 : i32
        %dma_wait3A_53 = arith.constant 0 : i32
        %dma_wait3A_54 = tpu.memref_slice %arg5[%dma_wait3A_52, %dma_wait3A_53] : memref<313x64xf32, #tpu.memory_space<vmem>> -> memref<313x64xf32, #tpu.memory_space<vmem>>
        %dma_wait3A_55 = arith.constant 0 : i32
        %dma_wait3A_56 = arith.constant 0 : i32
        %dma_wait3A_57 = tpu.memref_slice %arg2[%run_scoped3A, %dma_wait3A_55, %dma_wait3A_56] : memref<2x10000x64xf32, #tpu.memory_space<hbm>> -> memref<1x10000x64xf32, #tpu.memory_space<hbm>>
        %dma_wait3A_58 = tpu.memref_squeeze %dma_wait3A_57 : memref<1x10000x64xf32, #tpu.memory_space<hbm>> -> memref<10000x64xf32, #tpu.memory_space<hbm>>
        %dma_wait3A_59 = arith.constant 0 : i32
        %dma_wait3A_60 = tpu.memref_slice %dma_wait3A_58[%mul3A_2, %dma_wait3A_59] : memref<10000x64xf32, #tpu.memory_space<hbm>> -> memref<313x64xf32, #tpu.memory_space<hbm>>
        tpu.wait_dma2 semaphore(%run_scoped3A_26 : memref<!tpu.dma_semaphore, #tpu.memory_space<semaphore_mem>>) src(%dma_wait3A_60 : memref<313x64xf32, #tpu.memory_space<hbm>>) dst(%dma_wait3A_54 : memref<313x64xf32, #tpu.memory_space<vmem>>)
        tpu.yield
      }) : () -> ()
      %run_scoped3A_9 = arith.constant 1 : i32
      "tpu.region"() ({
        %run_scoped3A_26 = tpu.sem_alloc : memref<!tpu.dma_semaphore, #tpu.memory_space<semaphore_mem>>
        %dma_start3A = arith.constant 0 : i32
        %dma_start3A_27 = arith.constant 0 : i32
        %dma_start3A_28 = tpu.memref_slice %arg6[%dma_start3A, %dma_start3A_27] : memref<313x64xf32, #tpu.memory_space<vmem>> -> memref<313x64xf32, #tpu.memory_space<vmem>>
        %dma_start3A_29 = arith.constant 0 : i32
        %dma_start3A_30 = arith.constant 0 : i32
        %dma_start3A_31 = tpu.memref_slice %arg2[%run_scoped3A_9, %dma_start3A_29, %dma_start3A_30] : memref<2x10000x64xf32, #tpu.memory_space<hbm>> -> memref<1x10000x64xf32, #tpu.memory_space<hbm>>
        %dma_start3A_32 = tpu.memref_squeeze %dma_start3A_31 : memref<1x10000x64xf32, #tpu.memory_space<hbm>> -> memref<10000x64xf32, #tpu.memory_space<hbm>>
        %dma_start3A_33 = arith.constant 0 : i32
        %dma_start3A_34 = tpu.memref_slice %dma_start3A_32[%mul3A_2, %dma_start3A_33] : memref<10000x64xf32, #tpu.memory_space<hbm>> -> memref<313x64xf32, #tpu.memory_space<hbm>>
        %dma_start3A_35 = arith.constant 0 : i32
        %dma_start3A_36 = arith.constant 0 : i32
        %dma_start3A_37 = tpu.memref_slice %arg6[%dma_start3A_35, %dma_start3A_36] : memref<313x64xf32, #tpu.memory_space<vmem>> -> memref<313x64xf32, #tpu.memory_space<vmem>>
        %dma_start3A_38 = arith.constant 0 : i32
        %dma_start3A_39 = arith.constant 0 : i32
        %dma_start3A_40 = tpu.memref_slice %arg2[%run_scoped3A_9, %dma_start3A_38, %dma_start3A_39] : memref<2x10000x64xf32, #tpu.memory_space<hbm>> -> memref<1x10000x64xf32, #tpu.memory_space<hbm>>
        %dma_start3A_41 = tpu.memref_squeeze %dma_start3A_40 : memref<1x10000x64xf32, #tpu.memory_space<hbm>> -> memref<10000x64xf32, #tpu.memory_space<hbm>>
        %dma_start3A_42 = arith.constant 0 : i32
        %dma_start3A_43 = tpu.memref_slice %dma_start3A_41[%mul3A_2, %dma_start3A_42] : memref<10000x64xf32, #tpu.memory_space<hbm>> -> memref<313x64xf32, #tpu.memory_space<hbm>>
        tpu.enqueue_dma source(%dma_start3A_43 : memref<313x64xf32, #tpu.memory_space<hbm>>) target(%dma_start3A_37 : memref<313x64xf32, #tpu.memory_space<vmem>>) target_semaphore(%run_scoped3A_26 : memref<!tpu.dma_semaphore, #tpu.memory_space<semaphore_mem>>)
        %dma_wait3A = arith.constant 0 : i32
        %dma_wait3A_44 = arith.constant 0 : i32
        %dma_wait3A_45 = tpu.memref_slice %arg6[%dma_wait3A, %dma_wait3A_44] : memref<313x64xf32, #tpu.memory_space<vmem>> -> memref<313x64xf32, #tpu.memory_space<vmem>>
        %dma_wait3A_46 = arith.constant 0 : i32
        %dma_wait3A_47 = arith.constant 0 : i32
        %dma_wait3A_48 = tpu.memref_slice %arg2[%run_scoped3A_9, %dma_wait3A_46, %dma_wait3A_47] : memref<2x10000x64xf32, #tpu.memory_space<hbm>> -> memref<1x10000x64xf32, #tpu.memory_space<hbm>>
        %dma_wait3A_49 = tpu.memref_squeeze %dma_wait3A_48 : memref<1x10000x64xf32, #tpu.memory_space<hbm>> -> memref<10000x64xf32, #tpu.memory_space<hbm>>
        %dma_wait3A_50 = arith.constant 0 : i32
        %dma_wait3A_51 = tpu.memref_slice %dma_wait3A_49[%mul3A_2, %dma_wait3A_50] : memref<10000x64xf32, #tpu.memory_space<hbm>> -> memref<313x64xf32, #tpu.memory_space<hbm>>
        %dma_wait3A_52 = arith.constant 0 : i32
        %dma_wait3A_53 = arith.constant 0 : i32
        %dma_wait3A_54 = tpu.memref_slice %arg6[%dma_wait3A_52, %dma_wait3A_53] : memref<313x64xf32, #tpu.memory_space<vmem>> -> memref<313x64xf32, #tpu.memory_space<vmem>>
        %dma_wait3A_55 = arith.constant 0 : i32
        %dma_wait3A_56 = arith.constant 0 : i32
        %dma_wait3A_57 = tpu.memref_slice %arg2[%run_scoped3A_9, %dma_wait3A_55, %dma_wait3A_56] : memref<2x10000x64xf32, #tpu.memory_space<hbm>> -> memref<1x10000x64xf32, #tpu.memory_space<hbm>>
        %dma_wait3A_58 = tpu.memref_squeeze %dma_wait3A_57 : memref<1x10000x64xf32, #tpu.memory_space<hbm>> -> memref<10000x64xf32, #tpu.memory_space<hbm>>
        %dma_wait3A_59 = arith.constant 0 : i32
        %dma_wait3A_60 = tpu.memref_slice %dma_wait3A_58[%mul3A_2, %dma_wait3A_59] : memref<10000x64xf32, #tpu.memory_space<hbm>> -> memref<313x64xf32, #tpu.memory_space<hbm>>
        tpu.wait_dma2 semaphore(%run_scoped3A_26 : memref<!tpu.dma_semaphore, #tpu.memory_space<semaphore_mem>>) src(%dma_wait3A_60 : memref<313x64xf32, #tpu.memory_space<hbm>>) dst(%dma_wait3A_54 : memref<313x64xf32, #tpu.memory_space<vmem>>)
        tpu.yield
      }) : () -> ()
      %get3A = arith.constant 0 : index
      %get3A_10 = tpu.vector_load %arg7[%get3A] {strides = array<i32>} : memref<64xf32, #tpu.memory_space<vmem>>, vector<16xf32>,
      %get3A_11 = vector.shape_cast %get3A_10 : vector<16xf32> to vector<16xf32>
      %get3A_12 = arith.constant 16 : index
      %get3A_13 = tpu.vector_load %arg7[%get3A_12] {strides = array<i32>} : memref<64xf32, #tpu.memory_space<vmem>>, vector<16xf32>,
      %get3A_14 = vector.shape_cast %get3A_13 : vector<16xf32> to vector<16xf32>
      %get3A_15 = arith.constant 32 : index
      %get3A_16 = tpu.vector_load %arg7[%get3A_15] {strides = array<i32>} : memref<64xf32, #tpu.memory_space<vmem>>, vector<16xf32>,
      %get3A_17 = vector.shape_cast %get3A_16 : vector<16xf32> to vector<16xf32>
      %get3A_18 = arith.constant 48 : index
      %get3A_19 = tpu.vector_load %arg7[%get3A_18] {strides = array<i32>} : memref<64xf32, #tpu.memory_space<vmem>>, vector<16xf32>,
      %get3A_20 = vector.shape_cast %get3A_19 : vector<16xf32> to vector<16xf32>
      %scan3A = arith.constant 0 : i32
      %scan3A_21 = arith.constant 0 : i32
      %scan3A_22 = arith.constant 313 : i32
      %scan3A_23 = arith.addi %scan3A_21, %scan3A_22 : i32
      %scan3A_24 = arith.constant 1 : i32
      scf.for %scan3A_26 = %scan3A_21 to %scan3A_23 step %scan3A_24  : i32 {
        %get3A_27 = arith.index_cast %scan3A_26 : i32 to index
        %get3A_28 = arith.constant 0 : index
        %get3A_29 = tpu.vector_load %arg5[%get3A_27, %get3A_28] {strides = array<i32>} : memref<313x64xf32, #tpu.memory_space<vmem>>, vector<1x16xf32>,
        %get3A_30 = vector.shape_cast %get3A_29 : vector<1x16xf32> to vector<16xf32>
        %get3A_31 = arith.index_cast %scan3A_26 : i32 to index
        %get3A_32 = arith.constant 0 : index
        %get3A_33 = tpu.vector_load %arg6[%get3A_31, %get3A_32] {strides = array<i32>} : memref<313x64xf32, #tpu.memory_space<vmem>>, vector<1x16xf32>,
        %get3A_34 = vector.shape_cast %get3A_33 : vector<1x16xf32> to vector<16xf32>
        %add3A_35 = arith.addf %get3A_30, %get3A_34 : vector<16xf32>
        %add3A_36 = arith.addf %add3A_35, %get3A_11 : vector<16xf32>
        %swap3A = arith.index_cast %scan3A_26 : i32 to index
        %swap3A_37 = arith.constant 0 : index
        %swap3A_38 = tpu.vector_load %arg5[%swap3A, %swap3A_37] {strides = array<i32>} : memref<313x64xf32, #tpu.memory_space<vmem>>, vector<1x16xf32>,
        %swap3A_39 = vector.shape_cast %swap3A_38 : vector<1x16xf32> to vector<16xf32>
        %swap3A_40 = vector.shape_cast %add3A_36 : vector<16xf32> to vector<1x16xf32>
        tpu.vector_store %arg5[%swap3A, %swap3A_37], %swap3A_40 {strides = array<i32>} : memref<313x64xf32, #tpu.memory_space<vmem>>, vector<1x16xf32>,
        %get3A_41 = arith.index_cast %scan3A_26 : i32 to index
        %get3A_42 = arith.constant 16 : index
        %get3A_43 = tpu.vector_load %arg5[%get3A_41, %get3A_42] {strides = array<i32>} : memref<313x64xf32, #tpu.memory_space<vmem>>, vector<1x16xf32>,
        %get3A_44 = vector.shape_cast %get3A_43 : vector<1x16xf32> to vector<16xf32>
        %get3A_45 = arith.index_cast %scan3A_26 : i32 to index
        %get3A_46 = arith.constant 16 : index
        %get3A_47 = tpu.vector_load %arg6[%get3A_45, %get3A_46] {strides = array<i32>} : memref<313x64xf32, #tpu.memory_space<vmem>>, vector<1x16xf32>,
        %get3A_48 = vector.shape_cast %get3A_47 : vector<1x16xf32> to vector<16xf32>
        %add3A_49 = arith.addf %get3A_44, %get3A_48 : vector<16xf32>
        %add3A_50 = arith.addf %add3A_49, %get3A_14 : vector<16xf32>
        %swap3A_51 = arith.index_cast %scan3A_26 : i32 to index
        %swap3A_52 = arith.constant 16 : index
        %swap3A_53 = tpu.vector_load %arg5[%swap3A_51, %swap3A_52] {strides = array<i32>} : memref<313x64xf32, #tpu.memory_space<vmem>>, vector<1x16xf32>,
        %swap3A_54 = vector.shape_cast %swap3A_53 : vector<1x16xf32> to vector<16xf32>
        %swap3A_55 = vector.shape_cast %add3A_50 : vector<16xf32> to vector<1x16xf32>
        tpu.vector_store %arg5[%swap3A_51, %swap3A_52], %swap3A_55 {strides = array<i32>} : memref<313x64xf32, #tpu.memory_space<vmem>>, vector<1x16xf32>,
        %get3A_56 = arith.index_cast %scan3A_26 : i32 to index
        %get3A_57 = arith.constant 32 : index
        %get3A_58 = tpu.vector_load %arg5[%get3A_56, %get3A_57] {strides = array<i32>} : memref<313x64xf32, #tpu.memory_space<vmem>>, vector<1x16xf32>,
        %get3A_59 = vector.shape_cast %get3A_58 : vector<1x16xf32> to vector<16xf32>
        %get3A_60 = arith.index_cast %scan3A_26 : i32 to index
        %get3A_61 = arith.constant 32 : index
        %get3A_62 = tpu.vector_load %arg6[%get3A_60, %get3A_61] {strides = array<i32>} : memref<313x64xf32, #tpu.memory_space<vmem>>, vector<1x16xf32>,
        %get3A_63 = vector.shape_cast %get3A_62 : vector<1x16xf32> to vector<16xf32>
        %add3A_64 = arith.addf %get3A_59, %get3A_63 : vector<16xf32>
        %add3A_65 = arith.addf %add3A_64, %get3A_17 : vector<16xf32>
        %swap3A_66 = arith.index_cast %scan3A_26 : i32 to index
        %swap3A_67 = arith.constant 32 : index
        %swap3A_68 = tpu.vector_load %arg5[%swap3A_66, %swap3A_67] {strides = array<i32>} : memref<313x64xf32, #tpu.memory_space<vmem>>, vector<1x16xf32>,
        %swap3A_69 = vector.shape_cast %swap3A_68 : vector<1x16xf32> to vector<16xf32>
        %swap3A_70 = vector.shape_cast %add3A_65 : vector<16xf32> to vector<1x16xf32>
        tpu.vector_store %arg5[%swap3A_66, %swap3A_67], %swap3A_70 {strides = array<i32>} : memref<313x64xf32, #tpu.memory_space<vmem>>, vector<1x16xf32>,
        %get3A_71 = arith.index_cast %scan3A_26 : i32 to index
        %get3A_72 = arith.constant 48 : index
        %get3A_73 = tpu.vector_load %arg5[%get3A_71, %get3A_72] {strides = array<i32>} : memref<313x64xf32, #tpu.memory_space<vmem>>, vector<1x16xf32>,
        %get3A_74 = vector.shape_cast %get3A_73 : vector<1x16xf32> to vector<16xf32>
        %get3A_75 = arith.index_cast %scan3A_26 : i32 to index
        %get3A_76 = arith.constant 48 : index
        %get3A_77 = tpu.vector_load %arg6[%get3A_75, %get3A_76] {strides = array<i32>} : memref<313x64xf32, #tpu.memory_space<vmem>>, vector<1x16xf32>,
        %get3A_78 = vector.shape_cast %get3A_77 : vector<1x16xf32> to vector<16xf32>
        %add3A_79 = arith.addf %get3A_74, %get3A_78 : vector<16xf32>
        %add3A_80 = arith.addf %add3A_79, %get3A_20 : vector<16xf32>
        %swap3A_81 = arith.index_cast %scan3A_26 : i32 to index
        %swap3A_82 = arith.constant 48 : index
        %swap3A_83 = tpu.vector_load %arg5[%swap3A_81, %swap3A_82] {strides = array<i32>} : memref<313x64xf32, #tpu.memory_space<vmem>>, vector<1x16xf32>,
        %swap3A_84 = vector.shape_cast %swap3A_83 : vector<1x16xf32> to vector<16xf32>
        %swap3A_85 = vector.shape_cast %add3A_80 : vector<16xf32> to vector<1x16xf32>
        tpu.vector_store %arg5[%swap3A_81, %swap3A_82], %swap3A_85 {strides = array<i32>} : memref<313x64xf32, #tpu.memory_space<vmem>>, vector<1x16xf32>,
      }
      %scan3A_25 = arith.constant 313 : i32
      "tpu.region"() ({
        %run_scoped3A_26 = tpu.sem_alloc : memref<!tpu.dma_semaphore, #tpu.memory_space<semaphore_mem>>
        %dma_start3A = arith.constant 0 : i32
        %dma_start3A_27 = arith.constant 0 : i32
        %dma_start3A_28 = tpu.memref_slice %arg5[%dma_start3A, %dma_start3A_27] : memref<313x64xf32, #tpu.memory_space<vmem>> -> memref<313x64xf32, #tpu.memory_space<vmem>>
        %dma_start3A_29 = arith.constant 0 : i32
        %dma_start3A_30 = tpu.memref_slice %arg4[%mul3A_2, %dma_start3A_29] : memref<10000x64xf32, #tpu.memory_space<hbm>> -> memref<313x64xf32, #tpu.memory_space<hbm>>
        %dma_start3A_31 = arith.constant 0 : i32
        %dma_start3A_32 = tpu.memref_slice %arg4[%mul3A_2, %dma_start3A_31] : memref<10000x64xf32, #tpu.memory_space<hbm>> -> memref<313x64xf32, #tpu.memory_space<hbm>>
        %dma_start3A_33 = arith.constant 0 : i32
        %dma_start3A_34 = arith.constant 0 : i32
        %dma_start3A_35 = tpu.memref_slice %arg5[%dma_start3A_33, %dma_start3A_34] : memref<313x64xf32, #tpu.memory_space<vmem>> -> memref<313x64xf32, #tpu.memory_space<vmem>>
        tpu.enqueue_dma source(%dma_start3A_35 : memref<313x64xf32, #tpu.memory_space<vmem>>) target(%dma_start3A_32 : memref<313x64xf32, #tpu.memory_space<hbm>>) target_semaphore(%run_scoped3A_26 : memref<!tpu.dma_semaphore, #tpu.memory_space<semaphore_mem>>)
        %dma_wait3A = arith.constant 0 : i32
        %dma_wait3A_36 = arith.constant 0 : i32
        %dma_wait3A_37 = tpu.memref_slice %arg5[%dma_wait3A, %dma_wait3A_36] : memref<313x64xf32, #tpu.memory_space<vmem>> -> memref<313x64xf32, #tpu.memory_space<vmem>>
        %dma_wait3A_38 = arith.constant 0 : i32
        %dma_wait3A_39 = tpu.memref_slice %arg4[%mul3A_2, %dma_wait3A_38] : memref<10000x64xf32, #tpu.memory_space<hbm>> -> memref<313x64xf32, #tpu.memory_space<hbm>>
        %dma_wait3A_40 = arith.constant 0 : i32
        %dma_wait3A_41 = tpu.memref_slice %arg4[%mul3A_2, %dma_wait3A_40] : memref<10000x64xf32, #tpu.memory_space<hbm>> -> memref<313x64xf32, #tpu.memory_space<hbm>>
        %dma_wait3A_42 = arith.constant 0 : i32
        %dma_wait3A_43 = arith.constant 0 : i32
        %dma_wait3A_44 = tpu.memref_slice %arg5[%dma_wait3A_42, %dma_wait3A_43] : memref<313x64xf32, #tpu.memory_space<vmem>> -> memref<313x64xf32, #tpu.memory_space<vmem>>
        tpu.wait_dma2 semaphore(%run_scoped3A_26 : memref<!tpu.dma_semaphore, #tpu.memory_space<semaphore_mem>>) src(%dma_wait3A_44 : memref<313x64xf32, #tpu.memory_space<vmem>>) dst(%dma_wait3A_41 : memref<313x64xf32, #tpu.memory_space<hbm>>)
        tpu.yield
      }) : () -> ()
    } else {
    }
    %eq3A = arith.constant 31 : i32
    %eq3A_5 = arith.cmpi eq, %add3A, %eq3A : i32
    %convert_element_type3A_6 = arith.extui %eq3A_5 : i1 to i32
    %cond3A_7 = arith.constant 0 : i32
    %cond3A_8 = arith.cmpi ne, %convert_element_type3A_6, %cond3A_7 : i32
    scf.if %cond3A_8 {
      %run_scoped3A = arith.constant 0 : i32
      "tpu.region"() ({
        %run_scoped3A_26 = tpu.sem_alloc : memref<!tpu.dma_semaphore, #tpu.memory_space<semaphore_mem>>
        %dma_start3A = arith.constant 0 : i32
        %dma_start3A_27 = arith.constant 0 : i32
        %dma_start3A_28 = tpu.memref_slice %arg5[%dma_start3A, %dma_start3A_27] : memref<313x64xf32, #tpu.memory_space<vmem>> -> memref<297x64xf32, #tpu.memory_space<vmem>>
        %dma_start3A_29 = arith.constant 0 : i32
        %dma_start3A_30 = arith.constant 0 : i32
        %dma_start3A_31 = tpu.memref_slice %arg2[%run_scoped3A, %dma_start3A_29, %dma_start3A_30] : memref<2x10000x64xf32, #tpu.memory_space<hbm>> -> memref<1x10000x64xf32, #tpu.memory_space<hbm>>
        %dma_start3A_32 = tpu.memref_squeeze %dma_start3A_31 : memref<1x10000x64xf32, #tpu.memory_space<hbm>> -> memref<10000x64xf32, #tpu.memory_space<hbm>>
        %dma_start3A_33 = arith.constant 0 : i32
        %dma_start3A_34 = tpu.memref_slice %dma_start3A_32[%mul3A_2, %dma_start3A_33] : memref<10000x64xf32, #tpu.memory_space<hbm>> -> memref<297x64xf32, #tpu.memory_space<hbm>>
        %dma_start3A_35 = arith.constant 0 : i32
        %dma_start3A_36 = arith.constant 0 : i32
        %dma_start3A_37 = tpu.memref_slice %arg5[%dma_start3A_35, %dma_start3A_36] : memref<313x64xf32, #tpu.memory_space<vmem>> -> memref<297x64xf32, #tpu.memory_space<vmem>>
        %dma_start3A_38 = arith.constant 0 : i32
        %dma_start3A_39 = arith.constant 0 : i32
        %dma_start3A_40 = tpu.memref_slice %arg2[%run_scoped3A, %dma_start3A_38, %dma_start3A_39] : memref<2x10000x64xf32, #tpu.memory_space<hbm>> -> memref<1x10000x64xf32, #tpu.memory_space<hbm>>
        %dma_start3A_41 = tpu.memref_squeeze %dma_start3A_40 : memref<1x10000x64xf32, #tpu.memory_space<hbm>> -> memref<10000x64xf32, #tpu.memory_space<hbm>>
        %dma_start3A_42 = arith.constant 0 : i32
        %dma_start3A_43 = tpu.memref_slice %dma_start3A_41[%mul3A_2, %dma_start3A_42] : memref<10000x64xf32, #tpu.memory_space<hbm>> -> memref<297x64xf32, #tpu.memory_space<hbm>>
        tpu.enqueue_dma source(%dma_start3A_43 : memref<297x64xf32, #tpu.memory_space<hbm>>) target(%dma_start3A_37 : memref<297x64xf32, #tpu.memory_space<vmem>>) target_semaphore(%run_scoped3A_26 : memref<!tpu.dma_semaphore, #tpu.memory_space<semaphore_mem>>)
        %dma_wait3A = arith.constant 0 : i32
        %dma_wait3A_44 = arith.constant 0 : i32
        %dma_wait3A_45 = tpu.memref_slice %arg5[%dma_wait3A, %dma_wait3A_44] : memref<313x64xf32, #tpu.memory_space<vmem>> -> memref<297x64xf32, #tpu.memory_space<vmem>>
        %dma_wait3A_46 = arith.constant 0 : i32
        %dma_wait3A_47 = arith.constant 0 : i32
        %dma_wait3A_48 = tpu.memref_slice %arg2[%run_scoped3A, %dma_wait3A_46, %dma_wait3A_47] : memref<2x10000x64xf32, #tpu.memory_space<hbm>> -> memref<1x10000x64xf32, #tpu.memory_space<hbm>>
        %dma_wait3A_49 = tpu.memref_squeeze %dma_wait3A_48 : memref<1x10000x64xf32, #tpu.memory_space<hbm>> -> memref<10000x64xf32, #tpu.memory_space<hbm>>
        %dma_wait3A_50 = arith.constant 0 : i32
        %dma_wait3A_51 = tpu.memref_slice %dma_wait3A_49[%mul3A_2, %dma_wait3A_50] : memref<10000x64xf32, #tpu.memory_space<hbm>> -> memref<297x64xf32, #tpu.memory_space<hbm>>
        %dma_wait3A_52 = arith.constant 0 : i32
        %dma_wait3A_53 = arith.constant 0 : i32
        %dma_wait3A_54 = tpu.memref_slice %arg5[%dma_wait3A_52, %dma_wait3A_53] : memref<313x64xf32, #tpu.memory_space<vmem>> -> memref<297x64xf32, #tpu.memory_space<vmem>>
        %dma_wait3A_55 = arith.constant 0 : i32
        %dma_wait3A_56 = arith.constant 0 : i32
        %dma_wait3A_57 = tpu.memref_slice %arg2[%run_scoped3A, %dma_wait3A_55, %dma_wait3A_56] : memref<2x10000x64xf32, #tpu.memory_space<hbm>> -> memref<1x10000x64xf32, #tpu.memory_space<hbm>>
        %dma_wait3A_58 = tpu.memref_squeeze %dma_wait3A_57 : memref<1x10000x64xf32, #tpu.memory_space<hbm>> -> memref<10000x64xf32, #tpu.memory_space<hbm>>
        %dma_wait3A_59 = arith.constant 0 : i32
        %dma_wait3A_60 = tpu.memref_slice %dma_wait3A_58[%mul3A_2, %dma_wait3A_59] : memref<10000x64xf32, #tpu.memory_space<hbm>> -> memref<297x64xf32, #tpu.memory_space<hbm>>
        tpu.wait_dma2 semaphore(%run_scoped3A_26 : memref<!tpu.dma_semaphore, #tpu.memory_space<semaphore_mem>>) src(%dma_wait3A_60 : memref<297x64xf32, #tpu.memory_space<hbm>>) dst(%dma_wait3A_54 : memref<297x64xf32, #tpu.memory_space<vmem>>)
        tpu.yield
      }) : () -> ()
      %run_scoped3A_9 = arith.constant 1 : i32
      "tpu.region"() ({
        %run_scoped3A_26 = tpu.sem_alloc : memref<!tpu.dma_semaphore, #tpu.memory_space<semaphore_mem>>
        %dma_start3A = arith.constant 0 : i32
        %dma_start3A_27 = arith.constant 0 : i32
        %dma_start3A_28 = tpu.memref_slice %arg6[%dma_start3A, %dma_start3A_27] : memref<313x64xf32, #tpu.memory_space<vmem>> -> memref<297x64xf32, #tpu.memory_space<vmem>>
        %dma_start3A_29 = arith.constant 0 : i32
        %dma_start3A_30 = arith.constant 0 : i32
        %dma_start3A_31 = tpu.memref_slice %arg2[%run_scoped3A_9, %dma_start3A_29, %dma_start3A_30] : memref<2x10000x64xf32, #tpu.memory_space<hbm>> -> memref<1x10000x64xf32, #tpu.memory_space<hbm>>
        %dma_start3A_32 = tpu.memref_squeeze %dma_start3A_31 : memref<1x10000x64xf32, #tpu.memory_space<hbm>> -> memref<10000x64xf32, #tpu.memory_space<hbm>>
        %dma_start3A_33 = arith.constant 0 : i32
        %dma_start3A_34 = tpu.memref_slice %dma_start3A_32[%mul3A_2, %dma_start3A_33] : memref<10000x64xf32, #tpu.memory_space<hbm>> -> memref<297x64xf32, #tpu.memory_space<hbm>>
        %dma_start3A_35 = arith.constant 0 : i32
        %dma_start3A_36 = arith.constant 0 : i32
        %dma_start3A_37 = tpu.memref_slice %arg6[%dma_start3A_35, %dma_start3A_36] : memref<313x64xf32, #tpu.memory_space<vmem>> -> memref<297x64xf32, #tpu.memory_space<vmem>>
        %dma_start3A_38 = arith.constant 0 : i32
        %dma_start3A_39 = arith.constant 0 : i32
        %dma_start3A_40 = tpu.memref_slice %arg2[%run_scoped3A_9, %dma_start3A_38, %dma_start3A_39] : memref<2x10000x64xf32, #tpu.memory_space<hbm>> -> memref<1x10000x64xf32, #tpu.memory_space<hbm>>
        %dma_start3A_41 = tpu.memref_squeeze %dma_start3A_40 : memref<1x10000x64xf32, #tpu.memory_space<hbm>> -> memref<10000x64xf32, #tpu.memory_space<hbm>>
        %dma_start3A_42 = arith.constant 0 : i32
        %dma_start3A_43 = tpu.memref_slice %dma_start3A_41[%mul3A_2, %dma_start3A_42] : memref<10000x64xf32, #tpu.memory_space<hbm>> -> memref<297x64xf32, #tpu.memory_space<hbm>>
        tpu.enqueue_dma source(%dma_start3A_43 : memref<297x64xf32, #tpu.memory_space<hbm>>) target(%dma_start3A_37 : memref<297x64xf32, #tpu.memory_space<vmem>>) target_semaphore(%run_scoped3A_26 : memref<!tpu.dma_semaphore, #tpu.memory_space<semaphore_mem>>)
        %dma_wait3A = arith.constant 0 : i32
        %dma_wait3A_44 = arith.constant 0 : i32
        %dma_wait3A_45 = tpu.memref_slice %arg6[%dma_wait3A, %dma_wait3A_44] : memref<313x64xf32, #tpu.memory_space<vmem>> -> memref<297x64xf32, #tpu.memory_space<vmem>>
        %dma_wait3A_46 = arith.constant 0 : i32
        %dma_wait3A_47 = arith.constant 0 : i32
        %dma_wait3A_48 = tpu.memref_slice %arg2[%run_scoped3A_9, %dma_wait3A_46, %dma_wait3A_47] : memref<2x10000x64xf32, #tpu.memory_space<hbm>> -> memref<1x10000x64xf32, #tpu.memory_space<hbm>>
        %dma_wait3A_49 = tpu.memref_squeeze %dma_wait3A_48 : memref<1x10000x64xf32, #tpu.memory_space<hbm>> -> memref<10000x64xf32, #tpu.memory_space<hbm>>
        %dma_wait3A_50 = arith.constant 0 : i32
        %dma_wait3A_51 = tpu.memref_slice %dma_wait3A_49[%mul3A_2, %dma_wait3A_50] : memref<10000x64xf32, #tpu.memory_space<hbm>> -> memref<297x64xf32, #tpu.memory_space<hbm>>
        %dma_wait3A_52 = arith.constant 0 : i32
        %dma_wait3A_53 = arith.constant 0 : i32
        %dma_wait3A_54 = tpu.memref_slice %arg6[%dma_wait3A_52, %dma_wait3A_53] : memref<313x64xf32, #tpu.memory_space<vmem>> -> memref<297x64xf32, #tpu.memory_space<vmem>>
        %dma_wait3A_55 = arith.constant 0 : i32
        %dma_wait3A_56 = arith.constant 0 : i32
        %dma_wait3A_57 = tpu.memref_slice %arg2[%run_scoped3A_9, %dma_wait3A_55, %dma_wait3A_56] : memref<2x10000x64xf32, #tpu.memory_space<hbm>> -> memref<1x10000x64xf32, #tpu.memory_space<hbm>>
        %dma_wait3A_58 = tpu.memref_squeeze %dma_wait3A_57 : memref<1x10000x64xf32, #tpu.memory_space<hbm>> -> memref<10000x64xf32, #tpu.memory_space<hbm>>
        %dma_wait3A_59 = arith.constant 0 : i32
        %dma_wait3A_60 = tpu.memref_slice %dma_wait3A_58[%mul3A_2, %dma_wait3A_59] : memref<10000x64xf32, #tpu.memory_space<hbm>> -> memref<297x64xf32, #tpu.memory_space<hbm>>
        tpu.wait_dma2 semaphore(%run_scoped3A_26 : memref<!tpu.dma_semaphore, #tpu.memory_space<semaphore_mem>>) src(%dma_wait3A_60 : memref<297x64xf32, #tpu.memory_space<hbm>>) dst(%dma_wait3A_54 : memref<297x64xf32, #tpu.memory_space<vmem>>)
        tpu.yield
      }) : () -> ()
      %get3A = arith.constant 0 : index
      %get3A_10 = tpu.vector_load %arg7[%get3A] {strides = array<i32>} : memref<64xf32, #tpu.memory_space<vmem>>, vector<16xf32>,
      %get3A_11 = vector.shape_cast %get3A_10 : vector<16xf32> to vector<16xf32>
      %get3A_12 = arith.constant 16 : index
      %get3A_13 = tpu.vector_load %arg7[%get3A_12] {strides = array<i32>} : memref<64xf32, #tpu.memory_space<vmem>>, vector<16xf32>,
      %get3A_14 = vector.shape_cast %get3A_13 : vector<16xf32> to vector<16xf32>
      %get3A_15 = arith.constant 32 : index
      %get3A_16 = tpu.vector_load %arg7[%get3A_15] {strides = array<i32>} : memref<64xf32, #tpu.memory_space<vmem>>, vector<16xf32>,
      %get3A_17 = vector.shape_cast %get3A_16 : vector<16xf32> to vector<16xf32>
      %get3A_18 = arith.constant 48 : index
      %get3A_19 = tpu.vector_load %arg7[%get3A_18] {strides = array<i32>} : memref<64xf32, #tpu.memory_space<vmem>>, vector<16xf32>,
      %get3A_20 = vector.shape_cast %get3A_19 : vector<16xf32> to vector<16xf32>
      %scan3A = arith.constant 0 : i32
      %scan3A_21 = arith.constant 0 : i32
      %scan3A_22 = arith.constant 297 : i32
      %scan3A_23 = arith.addi %scan3A_21, %scan3A_22 : i32
      %scan3A_24 = arith.constant 1 : i32
      scf.for %scan3A_26 = %scan3A_21 to %scan3A_23 step %scan3A_24  : i32 {
        %get3A_27 = arith.index_cast %scan3A_26 : i32 to index
        %get3A_28 = arith.constant 0 : index
        %get3A_29 = tpu.vector_load %arg5[%get3A_27, %get3A_28] {strides = array<i32>} : memref<313x64xf32, #tpu.memory_space<vmem>>, vector<1x16xf32>,
        %get3A_30 = vector.shape_cast %get3A_29 : vector<1x16xf32> to vector<16xf32>
        %get3A_31 = arith.index_cast %scan3A_26 : i32 to index
        %get3A_32 = arith.constant 0 : index
        %get3A_33 = tpu.vector_load %arg6[%get3A_31, %get3A_32] {strides = array<i32>} : memref<313x64xf32, #tpu.memory_space<vmem>>, vector<1x16xf32>,
        %get3A_34 = vector.shape_cast %get3A_33 : vector<1x16xf32> to vector<16xf32>
        %add3A_35 = arith.addf %get3A_30, %get3A_34 : vector<16xf32>
        %add3A_36 = arith.addf %add3A_35, %get3A_11 : vector<16xf32>
        %swap3A = arith.index_cast %scan3A_26 : i32 to index
        %swap3A_37 = arith.constant 0 : index
        %swap3A_38 = tpu.vector_load %arg5[%swap3A, %swap3A_37] {strides = array<i32>} : memref<313x64xf32, #tpu.memory_space<vmem>>, vector<1x16xf32>,
        %swap3A_39 = vector.shape_cast %swap3A_38 : vector<1x16xf32> to vector<16xf32>
        %swap3A_40 = vector.shape_cast %add3A_36 : vector<16xf32> to vector<1x16xf32>
        tpu.vector_store %arg5[%swap3A, %swap3A_37], %swap3A_40 {strides = array<i32>} : memref<313x64xf32, #tpu.memory_space<vmem>>, vector<1x16xf32>,
        %get3A_41 = arith.index_cast %scan3A_26 : i32 to index
        %get3A_42 = arith.constant 16 : index
        %get3A_43 = tpu.vector_load %arg5[%get3A_41, %get3A_42] {strides = array<i32>} : memref<313x64xf32, #tpu.memory_space<vmem>>, vector<1x16xf32>,
        %get3A_44 = vector.shape_cast %get3A_43 : vector<1x16xf32> to vector<16xf32>
        %get3A_45 = arith.index_cast %scan3A_26 : i32 to index
        %get3A_46 = arith.constant 16 : index
        %get3A_47 = tpu.vector_load %arg6[%get3A_45, %get3A_46] {strides = array<i32>} : memref<313x64xf32, #tpu.memory_space<vmem>>, vector<1x16xf32>,
        %get3A_48 = vector.shape_cast %get3A_47 : vector<1x16xf32> to vector<16xf32>
        %add3A_49 = arith.addf %get3A_44, %get3A_48 : vector<16xf32>
        %add3A_50 = arith.addf %add3A_49, %get3A_14 : vector<16xf32>
        %swap3A_51 = arith.index_cast %scan3A_26 : i32 to index
        %swap3A_52 = arith.constant 16 : index
        %swap3A_53 = tpu.vector_load %arg5[%swap3A_51, %swap3A_52] {strides = array<i32>} : memref<313x64xf32, #tpu.memory_space<vmem>>, vector<1x16xf32>,
        %swap3A_54 = vector.shape_cast %swap3A_53 : vector<1x16xf32> to vector<16xf32>
        %swap3A_55 = vector.shape_cast %add3A_50 : vector<16xf32> to vector<1x16xf32>
        tpu.vector_store %arg5[%swap3A_51, %swap3A_52], %swap3A_55 {strides = array<i32>} : memref<313x64xf32, #tpu.memory_space<vmem>>, vector<1x16xf32>,
        %get3A_56 = arith.index_cast %scan3A_26 : i32 to index
        %get3A_57 = arith.constant 32 : index
        %get3A_58 = tpu.vector_load %arg5[%get3A_56, %get3A_57] {strides = array<i32>} : memref<313x64xf32, #tpu.memory_space<vmem>>, vector<1x16xf32>,
        %get3A_59 = vector.shape_cast %get3A_58 : vector<1x16xf32> to vector<16xf32>
        %get3A_60 = arith.index_cast %scan3A_26 : i32 to index
        %get3A_61 = arith.constant 32 : index
        %get3A_62 = tpu.vector_load %arg6[%get3A_60, %get3A_61] {strides = array<i32>} : memref<313x64xf32, #tpu.memory_space<vmem>>, vector<1x16xf32>,
        %get3A_63 = vector.shape_cast %get3A_62 : vector<1x16xf32> to vector<16xf32>
        %add3A_64 = arith.addf %get3A_59, %get3A_63 : vector<16xf32>
        %add3A_65 = arith.addf %add3A_64, %get3A_17 : vector<16xf32>
        %swap3A_66 = arith.index_cast %scan3A_26 : i32 to index
        %swap3A_67 = arith.constant 32 : index
        %swap3A_68 = tpu.vector_load %arg5[%swap3A_66, %swap3A_67] {strides = array<i32>} : memref<313x64xf32, #tpu.memory_space<vmem>>, vector<1x16xf32>,
        %swap3A_69 = vector.shape_cast %swap3A_68 : vector<1x16xf32> to vector<16xf32>
        %swap3A_70 = vector.shape_cast %add3A_65 : vector<16xf32> to vector<1x16xf32>
        tpu.vector_store %arg5[%swap3A_66, %swap3A_67], %swap3A_70 {strides = array<i32>} : memref<313x64xf32, #tpu.memory_space<vmem>>, vector<1x16xf32>,
        %get3A_71 = arith.index_cast %scan3A_26 : i32 to index
        %get3A_72 = arith.constant 48 : index
        %get3A_73 = tpu.vector_load %arg5[%get3A_71, %get3A_72] {strides = array<i32>} : memref<313x64xf32, #tpu.memory_space<vmem>>, vector<1x16xf32>,
        %get3A_74 = vector.shape_cast %get3A_73 : vector<1x16xf32> to vector<16xf32>
        %get3A_75 = arith.index_cast %scan3A_26 : i32 to index
        %get3A_76 = arith.constant 48 : index
        %get3A_77 = tpu.vector_load %arg6[%get3A_75, %get3A_76] {strides = array<i32>} : memref<313x64xf32, #tpu.memory_space<vmem>>, vector<1x16xf32>,
        %get3A_78 = vector.shape_cast %get3A_77 : vector<1x16xf32> to vector<16xf32>
        %add3A_79 = arith.addf %get3A_74, %get3A_78 : vector<16xf32>
        %add3A_80 = arith.addf %add3A_79, %get3A_20 : vector<16xf32>
        %swap3A_81 = arith.index_cast %scan3A_26 : i32 to index
        %swap3A_82 = arith.constant 48 : index
        %swap3A_83 = tpu.vector_load %arg5[%swap3A_81, %swap3A_82] {strides = array<i32>} : memref<313x64xf32, #tpu.memory_space<vmem>>, vector<1x16xf32>,
        %swap3A_84 = vector.shape_cast %swap3A_83 : vector<1x16xf32> to vector<16xf32>
        %swap3A_85 = vector.shape_cast %add3A_80 : vector<16xf32> to vector<1x16xf32>
        tpu.vector_store %arg5[%swap3A_81, %swap3A_82], %swap3A_85 {strides = array<i32>} : memref<313x64xf32, #tpu.memory_space<vmem>>, vector<1x16xf32>,
      }
      %scan3A_25 = arith.constant 297 : i32
      "tpu.region"() ({
        %run_scoped3A_26 = tpu.sem_alloc : memref<!tpu.dma_semaphore, #tpu.memory_space<semaphore_mem>>
        %dma_start3A = arith.constant 0 : i32
        %dma_start3A_27 = arith.constant 0 : i32
        %dma_start3A_28 = tpu.memref_slice %arg5[%dma_start3A, %dma_start3A_27] : memref<313x64xf32, #tpu.memory_space<vmem>> -> memref<297x64xf32, #tpu.memory_space<vmem>>
        %dma_start3A_29 = arith.constant 0 : i32
        %dma_start3A_30 = tpu.memref_slice %arg4[%mul3A_2, %dma_start3A_29] : memref<10000x64xf32, #tpu.memory_space<hbm>> -> memref<297x64xf32, #tpu.memory_space<hbm>>
        %dma_start3A_31 = arith.constant 0 : i32
        %dma_start3A_32 = tpu.memref_slice %arg4[%mul3A_2, %dma_start3A_31] : memref<10000x64xf32, #tpu.memory_space<hbm>> -> memref<297x64xf32, #tpu.memory_space<hbm>>
        %dma_start3A_33 = arith.constant 0 : i32
        %dma_start3A_34 = arith.constant 0 : i32
        %dma_start3A_35 = tpu.memref_slice %arg5[%dma_start3A_33, %dma_start3A_34] : memref<313x64xf32, #tpu.memory_space<vmem>> -> memref<297x64xf32, #tpu.memory_space<vmem>>
        tpu.enqueue_dma source(%dma_start3A_35 : memref<297x64xf32, #tpu.memory_space<vmem>>) target(%dma_start3A_32 : memref<297x64xf32, #tpu.memory_space<hbm>>) target_semaphore(%run_scoped3A_26 : memref<!tpu.dma_semaphore, #tpu.memory_space<semaphore_mem>>)
        %dma_wait3A = arith.constant 0 : i32
        %dma_wait3A_36 = arith.constant 0 : i32
        %dma_wait3A_37 = tpu.memref_slice %arg5[%dma_wait3A, %dma_wait3A_36] : memref<313x64xf32, #tpu.memory_space<vmem>> -> memref<297x64xf32, #tpu.memory_space<vmem>>
        %dma_wait3A_38 = arith.constant 0 : i32
        %dma_wait3A_39 = tpu.memref_slice %arg4[%mul3A_2, %dma_wait3A_38] : memref<10000x64xf32, #tpu.memory_space<hbm>> -> memref<297x64xf32, #tpu.memory_space<hbm>>
        %dma_wait3A_40 = arith.constant 0 : i32
        %dma_wait3A_41 = tpu.memref_slice %arg4[%mul3A_2, %dma_wait3A_40] : memref<10000x64xf32, #tpu.memory_space<hbm>> -> memref<297x64xf32, #tpu.memory_space<hbm>>
        %dma_wait3A_42 = arith.constant 0 : i32
        %dma_wait3A_43 = arith.constant 0 : i32
        %dma_wait3A_44 = tpu.memref_slice %arg5[%dma_wait3A_42, %dma_wait3A_43] : memref<313x64xf32, #tpu.memory_space<vmem>> -> memref<297x64xf32, #tpu.memory_space<vmem>>
        tpu.wait_dma2 semaphore(%run_scoped3A_26 : memref<!tpu.dma_semaphore, #tpu.memory_space<semaphore_mem>>) src(%dma_wait3A_44 : memref<297x64xf32, #tpu.memory_space<vmem>>) dst(%dma_wait3A_41 : memref<297x64xf32, #tpu.memory_space<hbm>>)
        tpu.yield
      }) : () -> ()
    } else {
    }
    return
  }
}

#map = affine_map<(d0, d1) -> (0, 0)>
#map1 = affine_map<(d0, d1) -> (0, 0, 0)>
module attributes {stable_mosaic.version = 14 : i64} {
  func.func @agg(%arg0: i32, %arg1: i32, %arg2: memref<10000x128xf32, #tpu.memory_space<hbm>>, %arg3: memref<2500x2x128xi32, #tpu.memory_space<hbm>>, %arg4: memref<2x10000x128xf32, #tpu.memory_space<hbm>>, %arg5: memref<32x2x128xi32, #tpu.memory_space<vmem>>, %arg6: memref<128x128xf32, #tpu.memory_space<vmem>>, %arg7: memref<128x128xf32, #tpu.memory_space<vmem>>, %arg8: memref<10240x128xf32, #tpu.memory_space<vmem_shared>>, %arg9: memref<!tpu.dma_semaphore, #tpu.memory_space<semaphore_mem>>, %arg10: memref<!tpu.dma_semaphore, #tpu.memory_space<semaphore_mem>>) attributes {dimension_semantics = [#tpu.dimension_semantics<core_parallel>, #tpu.dimension_semantics<subcore_parallel>], iteration_bounds = array<i64: 2, 16>, scalar_prefetch = 0 : i64, scratch_operands = 6 : i64, tpu.core_type = #tpu.core_type<sc_vector_subcore>, window_params = [{transform_indices = #map}, {transform_indices = #map1}, {transform_indices = #map1}]} {
    %mul3A = arith.constant 2 : i32
    %mul3A_0 = arith.muli %arg1, %mul3A : i32
    %add3A = arith.addi %mul3A_0, %arg0 : i32
    %scan3A = arith.constant 0 : i32
    %scan3A_1 = arith.constant 0 : i32
    %scan3A_2 = arith.constant 128 : i32
    %scan3A_3 = arith.addi %scan3A_1, %scan3A_2 : i32
    %scan3A_4 = arith.constant 1 : i32
    scf.for %scan3A_44 = %scan3A_1 to %scan3A_3 step %scan3A_4  : i32 {
      %broadcast_in_dim3A = arith.constant 0.000000e+00 : f32
      %broadcast_in_dim3A_45 = vector.broadcast %broadcast_in_dim3A : f32 to vector<16xf32>
      %swap3A = arith.index_cast %scan3A_44 : i32 to index
      %swap3A_46 = arith.constant 0 : index
      %swap3A_47 = tpu.vector_load %arg6[%swap3A, %swap3A_46] {strides = array<i32>} : memref<128x128xf32, #tpu.memory_space<vmem>>, vector<1x16xf32>,
      %swap3A_48 = vector.shape_cast %swap3A_47 : vector<1x16xf32> to vector<16xf32>
      %swap3A_49 = vector.shape_cast %broadcast_in_dim3A_45 : vector<16xf32> to vector<1x16xf32>
      tpu.vector_store %arg6[%swap3A, %swap3A_46], %swap3A_49 {strides = array<i32>} : memref<128x128xf32, #tpu.memory_space<vmem>>, vector<1x16xf32>,
      %broadcast_in_dim3A_50 = arith.constant 0.000000e+00 : f32
      %broadcast_in_dim3A_51 = vector.broadcast %broadcast_in_dim3A_50 : f32 to vector<16xf32>
      %swap3A_52 = arith.index_cast %scan3A_44 : i32 to index
      %swap3A_53 = arith.constant 16 : index
      %swap3A_54 = tpu.vector_load %arg6[%swap3A_52, %swap3A_53] {strides = array<i32>} : memref<128x128xf32, #tpu.memory_space<vmem>>, vector<1x16xf32>,
      %swap3A_55 = vector.shape_cast %swap3A_54 : vector<1x16xf32> to vector<16xf32>
      %swap3A_56 = vector.shape_cast %broadcast_in_dim3A_51 : vector<16xf32> to vector<1x16xf32>
      tpu.vector_store %arg6[%swap3A_52, %swap3A_53], %swap3A_56 {strides = array<i32>} : memref<128x128xf32, #tpu.memory_space<vmem>>, vector<1x16xf32>,
      %broadcast_in_dim3A_57 = arith.constant 0.000000e+00 : f32
      %broadcast_in_dim3A_58 = vector.broadcast %broadcast_in_dim3A_57 : f32 to vector<16xf32>
      %swap3A_59 = arith.index_cast %scan3A_44 : i32 to index
      %swap3A_60 = arith.constant 32 : index
      %swap3A_61 = tpu.vector_load %arg6[%swap3A_59, %swap3A_60] {strides = array<i32>} : memref<128x128xf32, #tpu.memory_space<vmem>>, vector<1x16xf32>,
      %swap3A_62 = vector.shape_cast %swap3A_61 : vector<1x16xf32> to vector<16xf32>
      %swap3A_63 = vector.shape_cast %broadcast_in_dim3A_58 : vector<16xf32> to vector<1x16xf32>
      tpu.vector_store %arg6[%swap3A_59, %swap3A_60], %swap3A_63 {strides = array<i32>} : memref<128x128xf32, #tpu.memory_space<vmem>>, vector<1x16xf32>,
      %broadcast_in_dim3A_64 = arith.constant 0.000000e+00 : f32
      %broadcast_in_dim3A_65 = vector.broadcast %broadcast_in_dim3A_64 : f32 to vector<16xf32>
      %swap3A_66 = arith.index_cast %scan3A_44 : i32 to index
      %swap3A_67 = arith.constant 48 : index
      %swap3A_68 = tpu.vector_load %arg6[%swap3A_66, %swap3A_67] {strides = array<i32>} : memref<128x128xf32, #tpu.memory_space<vmem>>, vector<1x16xf32>,
      %swap3A_69 = vector.shape_cast %swap3A_68 : vector<1x16xf32> to vector<16xf32>
      %swap3A_70 = vector.shape_cast %broadcast_in_dim3A_65 : vector<16xf32> to vector<1x16xf32>
      tpu.vector_store %arg6[%swap3A_66, %swap3A_67], %swap3A_70 {strides = array<i32>} : memref<128x128xf32, #tpu.memory_space<vmem>>, vector<1x16xf32>,
      %broadcast_in_dim3A_71 = arith.constant 0.000000e+00 : f32
      %broadcast_in_dim3A_72 = vector.broadcast %broadcast_in_dim3A_71 : f32 to vector<16xf32>
      %swap3A_73 = arith.index_cast %scan3A_44 : i32 to index
      %swap3A_74 = arith.constant 64 : index
      %swap3A_75 = tpu.vector_load %arg6[%swap3A_73, %swap3A_74] {strides = array<i32>} : memref<128x128xf32, #tpu.memory_space<vmem>>, vector<1x16xf32>,
      %swap3A_76 = vector.shape_cast %swap3A_75 : vector<1x16xf32> to vector<16xf32>
      %swap3A_77 = vector.shape_cast %broadcast_in_dim3A_72 : vector<16xf32> to vector<1x16xf32>
      tpu.vector_store %arg6[%swap3A_73, %swap3A_74], %swap3A_77 {strides = array<i32>} : memref<128x128xf32, #tpu.memory_space<vmem>>, vector<1x16xf32>,
      %broadcast_in_dim3A_78 = arith.constant 0.000000e+00 : f32
      %broadcast_in_dim3A_79 = vector.broadcast %broadcast_in_dim3A_78 : f32 to vector<16xf32>
      %swap3A_80 = arith.index_cast %scan3A_44 : i32 to index
      %swap3A_81 = arith.constant 80 : index
      %swap3A_82 = tpu.vector_load %arg6[%swap3A_80, %swap3A_81] {strides = array<i32>} : memref<128x128xf32, #tpu.memory_space<vmem>>, vector<1x16xf32>,
      %swap3A_83 = vector.shape_cast %swap3A_82 : vector<1x16xf32> to vector<16xf32>
      %swap3A_84 = vector.shape_cast %broadcast_in_dim3A_79 : vector<16xf32> to vector<1x16xf32>
      tpu.vector_store %arg6[%swap3A_80, %swap3A_81], %swap3A_84 {strides = array<i32>} : memref<128x128xf32, #tpu.memory_space<vmem>>, vector<1x16xf32>,
      %broadcast_in_dim3A_85 = arith.constant 0.000000e+00 : f32
      %broadcast_in_dim3A_86 = vector.broadcast %broadcast_in_dim3A_85 : f32 to vector<16xf32>
      %swap3A_87 = arith.index_cast %scan3A_44 : i32 to index
      %swap3A_88 = arith.constant 96 : index
      %swap3A_89 = tpu.vector_load %arg6[%swap3A_87, %swap3A_88] {strides = array<i32>} : memref<128x128xf32, #tpu.memory_space<vmem>>, vector<1x16xf32>,
      %swap3A_90 = vector.shape_cast %swap3A_89 : vector<1x16xf32> to vector<16xf32>
      %swap3A_91 = vector.shape_cast %broadcast_in_dim3A_86 : vector<16xf32> to vector<1x16xf32>
      tpu.vector_store %arg6[%swap3A_87, %swap3A_88], %swap3A_91 {strides = array<i32>} : memref<128x128xf32, #tpu.memory_space<vmem>>, vector<1x16xf32>,
      %broadcast_in_dim3A_92 = arith.constant 0.000000e+00 : f32
      %broadcast_in_dim3A_93 = vector.broadcast %broadcast_in_dim3A_92 : f32 to vector<16xf32>
      %swap3A_94 = arith.index_cast %scan3A_44 : i32 to index
      %swap3A_95 = arith.constant 112 : index
      %swap3A_96 = tpu.vector_load %arg6[%swap3A_94, %swap3A_95] {strides = array<i32>} : memref<128x128xf32, #tpu.memory_space<vmem>>, vector<1x16xf32>,
      %swap3A_97 = vector.shape_cast %swap3A_96 : vector<1x16xf32> to vector<16xf32>
      %swap3A_98 = vector.shape_cast %broadcast_in_dim3A_93 : vector<16xf32> to vector<1x16xf32>
      tpu.vector_store %arg6[%swap3A_94, %swap3A_95], %swap3A_98 {strides = array<i32>} : memref<128x128xf32, #tpu.memory_space<vmem>>, vector<1x16xf32>,
    }
    %scan3A_5 = arith.constant 128 : i32
    %mul3A_6 = arith.constant 640 : i32
    %mul3A_7 = arith.muli %arg1, %mul3A_6 : i32
    %add3A_8 = arith.constant 0 : i32
    %add3A_9 = arith.addi %mul3A_7, %add3A_8 : i32
    "tpu.region"() ({
      %run_scoped3A = tpu.sem_alloc : memref<!tpu.dma_semaphore, #tpu.memory_space<semaphore_mem>>
      %dma_start3A = arith.constant 0 : i32
      %dma_start3A_44 = tpu.memref_slice %arg8[%add3A_9, %dma_start3A] : memref<10240x128xf32, #tpu.memory_space<vmem_shared>> -> memref<128x128xf32, #tpu.memory_space<vmem_shared>>
      %dma_start3A_45 = arith.constant 0 : i32
      %dma_start3A_46 = tpu.memref_slice %arg8[%add3A_9, %dma_start3A_45] : memref<10240x128xf32, #tpu.memory_space<vmem_shared>> -> memref<128x128xf32, #tpu.memory_space<vmem_shared>>
      tpu.enqueue_dma source(%arg6 : memref<128x128xf32, #tpu.memory_space<vmem>>) target(%dma_start3A_46 : memref<128x128xf32, #tpu.memory_space<vmem_shared>>) target_semaphore(%run_scoped3A : memref<!tpu.dma_semaphore, #tpu.memory_space<semaphore_mem>>)
      %dma_wait3A = arith.constant 0 : i32
      %dma_wait3A_47 = tpu.memref_slice %arg8[%add3A_9, %dma_wait3A] : memref<10240x128xf32, #tpu.memory_space<vmem_shared>> -> memref<128x128xf32, #tpu.memory_space<vmem_shared>>
      %dma_wait3A_48 = arith.constant 0 : i32
      %dma_wait3A_49 = tpu.memref_slice %arg8[%add3A_9, %dma_wait3A_48] : memref<10240x128xf32, #tpu.memory_space<vmem_shared>> -> memref<128x128xf32, #tpu.memory_space<vmem_shared>>
      tpu.wait_dma2 semaphore(%run_scoped3A : memref<!tpu.dma_semaphore, #tpu.memory_space<semaphore_mem>>) src(%arg6 : memref<128x128xf32, #tpu.memory_space<vmem>>) dst(%dma_wait3A_49 : memref<128x128xf32, #tpu.memory_space<vmem_shared>>)
      tpu.yield
    }) : () -> ()
    %mul3A_10 = arith.constant 640 : i32
    %mul3A_11 = arith.muli %arg1, %mul3A_10 : i32
    %add3A_12 = arith.constant 128 : i32
    %add3A_13 = arith.addi %mul3A_11, %add3A_12 : i32
    "tpu.region"() ({
      %run_scoped3A = tpu.sem_alloc : memref<!tpu.dma_semaphore, #tpu.memory_space<semaphore_mem>>
      %dma_start3A = arith.constant 0 : i32
      %dma_start3A_44 = tpu.memref_slice %arg8[%add3A_13, %dma_start3A] : memref<10240x128xf32, #tpu.memory_space<vmem_shared>> -> memref<128x128xf32, #tpu.memory_space<vmem_shared>>
      %dma_start3A_45 = arith.constant 0 : i32
      %dma_start3A_46 = tpu.memref_slice %arg8[%add3A_13, %dma_start3A_45] : memref<10240x128xf32, #tpu.memory_space<vmem_shared>> -> memref<128x128xf32, #tpu.memory_space<vmem_shared>>
      tpu.enqueue_dma source(%arg6 : memref<128x128xf32, #tpu.memory_space<vmem>>) target(%dma_start3A_46 : memref<128x128xf32, #tpu.memory_space<vmem_shared>>) target_semaphore(%run_scoped3A : memref<!tpu.dma_semaphore, #tpu.memory_space<semaphore_mem>>)
      %dma_wait3A = arith.constant 0 : i32
      %dma_wait3A_47 = tpu.memref_slice %arg8[%add3A_13, %dma_wait3A] : memref<10240x128xf32, #tpu.memory_space<vmem_shared>> -> memref<128x128xf32, #tpu.memory_space<vmem_shared>>
      %dma_wait3A_48 = arith.constant 0 : i32
      %dma_wait3A_49 = tpu.memref_slice %arg8[%add3A_13, %dma_wait3A_48] : memref<10240x128xf32, #tpu.memory_space<vmem_shared>> -> memref<128x128xf32, #tpu.memory_space<vmem_shared>>
      tpu.wait_dma2 semaphore(%run_scoped3A : memref<!tpu.dma_semaphore, #tpu.memory_space<semaphore_mem>>) src(%arg6 : memref<128x128xf32, #tpu.memory_space<vmem>>) dst(%dma_wait3A_49 : memref<128x128xf32, #tpu.memory_space<vmem_shared>>)
      tpu.yield
    }) : () -> ()
    %mul3A_14 = arith.constant 640 : i32
    %mul3A_15 = arith.muli %arg1, %mul3A_14 : i32
    %add3A_16 = arith.constant 256 : i32
    %add3A_17 = arith.addi %mul3A_15, %add3A_16 : i32
    "tpu.region"() ({
      %run_scoped3A = tpu.sem_alloc : memref<!tpu.dma_semaphore, #tpu.memory_space<semaphore_mem>>
      %dma_start3A = arith.constant 0 : i32
      %dma_start3A_44 = tpu.memref_slice %arg8[%add3A_17, %dma_start3A] : memref<10240x128xf32, #tpu.memory_space<vmem_shared>> -> memref<128x128xf32, #tpu.memory_space<vmem_shared>>
      %dma_start3A_45 = arith.constant 0 : i32
      %dma_start3A_46 = tpu.memref_slice %arg8[%add3A_17, %dma_start3A_45] : memref<10240x128xf32, #tpu.memory_space<vmem_shared>> -> memref<128x128xf32, #tpu.memory_space<vmem_shared>>
      tpu.enqueue_dma source(%arg6 : memref<128x128xf32, #tpu.memory_space<vmem>>) target(%dma_start3A_46 : memref<128x128xf32, #tpu.memory_space<vmem_shared>>) target_semaphore(%run_scoped3A : memref<!tpu.dma_semaphore, #tpu.memory_space<semaphore_mem>>)
      %dma_wait3A = arith.constant 0 : i32
      %dma_wait3A_47 = tpu.memref_slice %arg8[%add3A_17, %dma_wait3A] : memref<10240x128xf32, #tpu.memory_space<vmem_shared>> -> memref<128x128xf32, #tpu.memory_space<vmem_shared>>
      %dma_wait3A_48 = arith.constant 0 : i32
      %dma_wait3A_49 = tpu.memref_slice %arg8[%add3A_17, %dma_wait3A_48] : memref<10240x128xf32, #tpu.memory_space<vmem_shared>> -> memref<128x128xf32, #tpu.memory_space<vmem_shared>>
      tpu.wait_dma2 semaphore(%run_scoped3A : memref<!tpu.dma_semaphore, #tpu.memory_space<semaphore_mem>>) src(%arg6 : memref<128x128xf32, #tpu.memory_space<vmem>>) dst(%dma_wait3A_49 : memref<128x128xf32, #tpu.memory_space<vmem_shared>>)
      tpu.yield
    }) : () -> ()
    %mul3A_18 = arith.constant 640 : i32
    %mul3A_19 = arith.muli %arg1, %mul3A_18 : i32
    %add3A_20 = arith.constant 384 : i32
    %add3A_21 = arith.addi %mul3A_19, %add3A_20 : i32
    "tpu.region"() ({
      %run_scoped3A = tpu.sem_alloc : memref<!tpu.dma_semaphore, #tpu.memory_space<semaphore_mem>>
      %dma_start3A = arith.constant 0 : i32
      %dma_start3A_44 = tpu.memref_slice %arg8[%add3A_21, %dma_start3A] : memref<10240x128xf32, #tpu.memory_space<vmem_shared>> -> memref<128x128xf32, #tpu.memory_space<vmem_shared>>
      %dma_start3A_45 = arith.constant 0 : i32
      %dma_start3A_46 = tpu.memref_slice %arg8[%add3A_21, %dma_start3A_45] : memref<10240x128xf32, #tpu.memory_space<vmem_shared>> -> memref<128x128xf32, #tpu.memory_space<vmem_shared>>
      tpu.enqueue_dma source(%arg6 : memref<128x128xf32, #tpu.memory_space<vmem>>) target(%dma_start3A_46 : memref<128x128xf32, #tpu.memory_space<vmem_shared>>) target_semaphore(%run_scoped3A : memref<!tpu.dma_semaphore, #tpu.memory_space<semaphore_mem>>)
      %dma_wait3A = arith.constant 0 : i32
      %dma_wait3A_47 = tpu.memref_slice %arg8[%add3A_21, %dma_wait3A] : memref<10240x128xf32, #tpu.memory_space<vmem_shared>> -> memref<128x128xf32, #tpu.memory_space<vmem_shared>>
      %dma_wait3A_48 = arith.constant 0 : i32
      %dma_wait3A_49 = tpu.memref_slice %arg8[%add3A_21, %dma_wait3A_48] : memref<10240x128xf32, #tpu.memory_space<vmem_shared>> -> memref<128x128xf32, #tpu.memory_space<vmem_shared>>
      tpu.wait_dma2 semaphore(%run_scoped3A : memref<!tpu.dma_semaphore, #tpu.memory_space<semaphore_mem>>) src(%arg6 : memref<128x128xf32, #tpu.memory_space<vmem>>) dst(%dma_wait3A_49 : memref<128x128xf32, #tpu.memory_space<vmem_shared>>)
      tpu.yield
    }) : () -> ()
    %mul3A_22 = arith.constant 640 : i32
    %mul3A_23 = arith.muli %arg1, %mul3A_22 : i32
    %add3A_24 = arith.constant 512 : i32
    %add3A_25 = arith.addi %mul3A_23, %add3A_24 : i32
    "tpu.region"() ({
      %run_scoped3A = tpu.sem_alloc : memref<!tpu.dma_semaphore, #tpu.memory_space<semaphore_mem>>
      %dma_start3A = arith.constant 0 : i32
      %dma_start3A_44 = tpu.memref_slice %arg8[%add3A_25, %dma_start3A] : memref<10240x128xf32, #tpu.memory_space<vmem_shared>> -> memref<128x128xf32, #tpu.memory_space<vmem_shared>>
      %dma_start3A_45 = arith.constant 0 : i32
      %dma_start3A_46 = tpu.memref_slice %arg8[%add3A_25, %dma_start3A_45] : memref<10240x128xf32, #tpu.memory_space<vmem_shared>> -> memref<128x128xf32, #tpu.memory_space<vmem_shared>>
      tpu.enqueue_dma source(%arg6 : memref<128x128xf32, #tpu.memory_space<vmem>>) target(%dma_start3A_46 : memref<128x128xf32, #tpu.memory_space<vmem_shared>>) target_semaphore(%run_scoped3A : memref<!tpu.dma_semaphore, #tpu.memory_space<semaphore_mem>>)
      %dma_wait3A = arith.constant 0 : i32
      %dma_wait3A_47 = tpu.memref_slice %arg8[%add3A_25, %dma_wait3A] : memref<10240x128xf32, #tpu.memory_space<vmem_shared>> -> memref<128x128xf32, #tpu.memory_space<vmem_shared>>
      %dma_wait3A_48 = arith.constant 0 : i32
      %dma_wait3A_49 = tpu.memref_slice %arg8[%add3A_25, %dma_wait3A_48] : memref<10240x128xf32, #tpu.memory_space<vmem_shared>> -> memref<128x128xf32, #tpu.memory_space<vmem_shared>>
      tpu.wait_dma2 semaphore(%run_scoped3A : memref<!tpu.dma_semaphore, #tpu.memory_space<semaphore_mem>>) src(%arg6 : memref<128x128xf32, #tpu.memory_space<vmem>>) dst(%dma_wait3A_49 : memref<128x128xf32, #tpu.memory_space<vmem_shared>>)
      tpu.yield
    }) : () -> ()
    %barrier3A = arith.constant 0 : index
    tpu.barrier barrier_id(%barrier3A)
    %mul3A_26 = arith.constant 78 : i32
    %mul3A_27 = arith.muli %add3A, %mul3A_26 : i32
    %min3A = arith.constant 4 : i32
    %min3A_28 = arith.minsi %add3A, %min3A : i32
    %add3A_29 = arith.addi %mul3A_27, %min3A_28 : i32
    %lt3A = arith.constant 4 : i32
    %lt3A_30 = arith.cmpi slt, %add3A, %lt3A : i32
    %convert_element_type3A = arith.extui %lt3A_30 : i1 to i32
    %cond3A = arith.constant 0 : i32
    %cond3A_31 = arith.cmpi ne, %convert_element_type3A, %cond3A : i32
    scf.if %cond3A_31 {
      %add3A_44 = arith.constant 0 : i32
      %add3A_45 = arith.addi %add3A_29, %add3A_44 : i32
      "tpu.region"() ({
        %run_scoped3A_123 = tpu.sem_alloc : memref<!tpu.dma_semaphore, #tpu.memory_space<semaphore_mem>>
        %dma_start3A_124 = arith.constant 0 : i32
        %dma_start3A_125 = arith.constant 0 : i32
        %dma_start3A_126 = arith.constant 0 : i32
        %dma_start3A_127 = tpu.memref_slice %arg5[%dma_start3A_124, %dma_start3A_125, %dma_start3A_126] : memref<32x2x128xi32, #tpu.memory_space<vmem>> -> memref<32x2x128xi32, #tpu.memory_space<vmem>>
        %dma_start3A_128 = arith.constant 0 : i32
        %dma_start3A_129 = arith.constant 0 : i32
        %dma_start3A_130 = tpu.memref_slice %arg3[%add3A_45, %dma_start3A_128, %dma_start3A_129] : memref<2500x2x128xi32, #tpu.memory_space<hbm>> -> memref<32x2x128xi32, #tpu.memory_space<hbm>>
        %dma_start3A_131 = arith.constant 0 : i32
        %dma_start3A_132 = arith.constant 0 : i32
        %dma_start3A_133 = arith.constant 0 : i32
        %dma_start3A_134 = tpu.memref_slice %arg5[%dma_start3A_131, %dma_start3A_132, %dma_start3A_133] : memref<32x2x128xi32, #tpu.memory_space<vmem>> -> memref<32x2x128xi32, #tpu.memory_space<vmem>>
        %dma_start3A_135 = arith.constant 0 : i32
        %dma_start3A_136 = arith.constant 0 : i32
        %dma_start3A_137 = tpu.memref_slice %arg3[%add3A_45, %dma_start3A_135, %dma_start3A_136] : memref<2500x2x128xi32, #tpu.memory_space<hbm>> -> memref<32x2x128xi32, #tpu.memory_space<hbm>>
        tpu.enqueue_dma source(%dma_start3A_137 : memref<32x2x128xi32, #tpu.memory_space<hbm>>) target(%dma_start3A_134 : memref<32x2x128xi32, #tpu.memory_space<vmem>>) target_semaphore(%run_scoped3A_123 : memref<!tpu.dma_semaphore, #tpu.memory_space<semaphore_mem>>)
        %dma_wait3A_138 = arith.constant 0 : i32
        %dma_wait3A_139 = arith.constant 0 : i32
        %dma_wait3A_140 = arith.constant 0 : i32
        %dma_wait3A_141 = tpu.memref_slice %arg5[%dma_wait3A_138, %dma_wait3A_139, %dma_wait3A_140] : memref<32x2x128xi32, #tpu.memory_space<vmem>> -> memref<32x2x128xi32, #tpu.memory_space<vmem>>
        %dma_wait3A_142 = arith.constant 0 : i32
        %dma_wait3A_143 = arith.constant 0 : i32
        %dma_wait3A_144 = tpu.memref_slice %arg3[%add3A_45, %dma_wait3A_142, %dma_wait3A_143] : memref<2500x2x128xi32, #tpu.memory_space<hbm>> -> memref<32x2x128xi32, #tpu.memory_space<hbm>>
        %dma_wait3A_145 = arith.constant 0 : i32
        %dma_wait3A_146 = arith.constant 0 : i32
        %dma_wait3A_147 = arith.constant 0 : i32
        %dma_wait3A_148 = tpu.memref_slice %arg5[%dma_wait3A_145, %dma_wait3A_146, %dma_wait3A_147] : memref<32x2x128xi32, #tpu.memory_space<vmem>> -> memref<32x2x128xi32, #tpu.memory_space<vmem>>
        %dma_wait3A_149 = arith.constant 0 : i32
        %dma_wait3A_150 = arith.constant 0 : i32
        %dma_wait3A_151 = tpu.memref_slice %arg3[%add3A_45, %dma_wait3A_149, %dma_wait3A_150] : memref<2500x2x128xi32, #tpu.memory_space<hbm>> -> memref<32x2x128xi32, #tpu.memory_space<hbm>>
        tpu.wait_dma2 semaphore(%run_scoped3A_123 : memref<!tpu.dma_semaphore, #tpu.memory_space<semaphore_mem>>) src(%dma_wait3A_151 : memref<32x2x128xi32, #tpu.memory_space<hbm>>) dst(%dma_wait3A_148 : memref<32x2x128xi32, #tpu.memory_space<vmem>>)
        tpu.yield
      }) : () -> ()
      %dma_start3A = arith.constant 0 : i32
      %dma_start3A_46 = arith.constant 0 : i32
      %dma_start3A_47 = arith.constant 0 : i32
      %dma_start3A_48 = tpu.memref_slice %arg5[%dma_start3A, %dma_start3A_46, %dma_start3A_47] : memref<32x2x128xi32, #tpu.memory_space<vmem>> -> memref<1x1x128xi32, #tpu.memory_space<vmem>>
      %dma_start3A_49 = tpu.memref_squeeze %dma_start3A_48 : memref<1x1x128xi32, #tpu.memory_space<vmem>> -> memref<128xi32, #tpu.memory_space<vmem>>
      %dma_start3A_50 = arith.constant 0 : i32
      %dma_start3A_51 = arith.constant 0 : i32
      %dma_start3A_52 = tpu.memref_slice %arg2[%dma_start3A_50, %dma_start3A_51] : memref<10000x128xf32, #tpu.memory_space<hbm>> -> memref<10000x128xf32, #tpu.memory_space<hbm>>
      tpu.enqueue_indirect_dma source(%dma_start3A_52 : memref<10000x128xf32, #tpu.memory_space<hbm>>) target(%arg6 : memref<128x128xf32, #tpu.memory_space<vmem>>) offsets(%dma_start3A_49 : memref<128xi32, #tpu.memory_space<vmem>>) semaphore(%arg9 : memref<!tpu.dma_semaphore, #tpu.memory_space<semaphore_mem>>)
      %dma_start3A_53 = arith.constant 1 : i32
      %dma_start3A_54 = arith.constant 0 : i32
      %dma_start3A_55 = arith.constant 0 : i32
      %dma_start3A_56 = tpu.memref_slice %arg5[%dma_start3A_53, %dma_start3A_54, %dma_start3A_55] : memref<32x2x128xi32, #tpu.memory_space<vmem>> -> memref<1x1x128xi32, #tpu.memory_space<vmem>>
      %dma_start3A_57 = tpu.memref_squeeze %dma_start3A_56 : memref<1x1x128xi32, #tpu.memory_space<vmem>> -> memref<128xi32, #tpu.memory_space<vmem>>
      %dma_start3A_58 = arith.constant 0 : i32
      %dma_start3A_59 = arith.constant 0 : i32
      %dma_start3A_60 = tpu.memref_slice %arg2[%dma_start3A_58, %dma_start3A_59] : memref<10000x128xf32, #tpu.memory_space<hbm>> -> memref<10000x128xf32, #tpu.memory_space<hbm>>
      tpu.enqueue_indirect_dma source(%dma_start3A_60 : memref<10000x128xf32, #tpu.memory_space<hbm>>) target(%arg7 : memref<128x128xf32, #tpu.memory_space<vmem>>) offsets(%dma_start3A_57 : memref<128xi32, #tpu.memory_space<vmem>>) semaphore(%arg10 : memref<!tpu.dma_semaphore, #tpu.memory_space<semaphore_mem>>)
      %scan3A_61 = arith.constant 0 : i32
      %scan3A_62 = arith.constant 0 : i32
      %scan3A_63 = arith.constant 16 : i32
      %scan3A_64 = arith.addi %scan3A_62, %scan3A_63 : i32
      %scan3A_65 = arith.constant 1 : i32
      scf.for %scan3A_123 = %scan3A_62 to %scan3A_64 step %scan3A_65  : i32 {
        %mul3A_124 = arith.constant 2 : i32
        %mul3A_125 = arith.muli %scan3A_123, %mul3A_124 : i32
        %add3A_126 = arith.constant 0 : i32
        %add3A_127 = arith.addi %mul3A_125, %add3A_126 : i32
        %dma_wait3A_128 = arith.constant 0 : i32
        %dma_wait3A_129 = arith.constant 0 : i32
        %dma_wait3A_130 = arith.constant 0 : i32
        %dma_wait3A_131 = tpu.memref_slice %arg5[%dma_wait3A_128, %dma_wait3A_129, %dma_wait3A_130] : memref<32x2x128xi32, #tpu.memory_space<vmem>> -> memref<1x1x128xi32, #tpu.memory_space<vmem>>
        %dma_wait3A_132 = tpu.memref_squeeze %dma_wait3A_131 : memref<1x1x128xi32, #tpu.memory_space<vmem>> -> memref<128xi32, #tpu.memory_space<vmem>>
        %dma_wait3A_133 = arith.constant 0 : i32
        %dma_wait3A_134 = arith.constant 0 : i32
        %dma_wait3A_135 = tpu.memref_slice %arg2[%dma_wait3A_133, %dma_wait3A_134] : memref<10000x128xf32, #tpu.memory_space<hbm>> -> memref<10000x128xf32, #tpu.memory_space<hbm>>
        tpu.wait_indirect_dma semaphore(%arg9 : memref<!tpu.dma_semaphore, #tpu.memory_space<semaphore_mem>>) src(%dma_wait3A_135 : memref<10000x128xf32, #tpu.memory_space<hbm>>) dst(%arg6 : memref<128x128xf32, #tpu.memory_space<vmem>>)
        %run_scoped3A_136 = arith.constant 1 : i32
        "tpu.region"() ({
          %run_scoped3A_162 = tpu.sem_alloc : memref<!tpu.dma_semaphore, #tpu.memory_space<semaphore_mem>>
          %dma_start3A_163 = arith.constant 0 : i32
          %dma_start3A_164 = tpu.memref_slice %arg5[%add3A_127, %run_scoped3A_136, %dma_start3A_163] : memref<32x2x128xi32, #tpu.memory_space<vmem>> -> memref<1x1x128xi32, #tpu.memory_space<vmem>>
          %dma_start3A_165 = tpu.memref_squeeze %dma_start3A_164 : memref<1x1x128xi32, #tpu.memory_space<vmem>> -> memref<128xi32, #tpu.memory_space<vmem>>
          %dma_start3A_166 = arith.constant 0 : i32
          %dma_start3A_167 = arith.constant 0 : i32
          %dma_start3A_168 = tpu.memref_slice %arg8[%dma_start3A_166, %dma_start3A_167] : memref<10240x128xf32, #tpu.memory_space<vmem_shared>> -> memref<10240x128xf32, #tpu.memory_space<vmem_shared>>
          tpu.enqueue_indirect_dma source(%arg6 : memref<128x128xf32, #tpu.memory_space<vmem>>) target(%dma_start3A_168 : memref<10240x128xf32, #tpu.memory_space<vmem_shared>>) offsets(%dma_start3A_165 : memref<128xi32, #tpu.memory_space<vmem>>) semaphore(%run_scoped3A_162 : memref<!tpu.dma_semaphore, #tpu.memory_space<semaphore_mem>>) {add = true}
          %dma_wait3A_169 = arith.constant 0 : i32
          %dma_wait3A_170 = tpu.memref_slice %arg5[%add3A_127, %run_scoped3A_136, %dma_wait3A_169] : memref<32x2x128xi32, #tpu.memory_space<vmem>> -> memref<1x1x128xi32, #tpu.memory_space<vmem>>
          %dma_wait3A_171 = tpu.memref_squeeze %dma_wait3A_170 : memref<1x1x128xi32, #tpu.memory_space<vmem>> -> memref<128xi32, #tpu.memory_space<vmem>>
          %dma_wait3A_172 = arith.constant 0 : i32
          %dma_wait3A_173 = arith.constant 0 : i32
          %dma_wait3A_174 = tpu.memref_slice %arg8[%dma_wait3A_172, %dma_wait3A_173] : memref<10240x128xf32, #tpu.memory_space<vmem_shared>> -> memref<10240x128xf32, #tpu.memory_space<vmem_shared>>
          tpu.wait_indirect_dma semaphore(%run_scoped3A_162 : memref<!tpu.dma_semaphore, #tpu.memory_space<semaphore_mem>>) src(%arg6 : memref<128x128xf32, #tpu.memory_space<vmem>>) dst(%dma_wait3A_174 : memref<10240x128xf32, #tpu.memory_space<vmem_shared>>)
          tpu.yield
        }) : () -> ()
        %add3A_137 = arith.constant 2 : i32
        %add3A_138 = arith.addi %add3A_127, %add3A_137 : i32
        %lt3A_139 = arith.constant 32 : i32
        %lt3A_140 = arith.cmpi slt, %add3A_138, %lt3A_139 : i32
        %convert_element_type3A_141 = arith.extui %lt3A_140 : i1 to i32
        %cond3A_142 = arith.constant 0 : i32
        %cond3A_143 = arith.cmpi ne, %convert_element_type3A_141, %cond3A_142 : i32
        scf.if %cond3A_143 {
          %add3A_162 = arith.constant 2 : i32
          %add3A_163 = arith.addi %add3A_127, %add3A_162 : i32
          %dma_start3A_164 = arith.constant 0 : i32
          %dma_start3A_165 = arith.constant 0 : i32
          %dma_start3A_166 = tpu.memref_slice %arg5[%add3A_163, %dma_start3A_164, %dma_start3A_165] : memref<32x2x128xi32, #tpu.memory_space<vmem>> -> memref<1x1x128xi32, #tpu.memory_space<vmem>>
          %dma_start3A_167 = tpu.memref_squeeze %dma_start3A_166 : memref<1x1x128xi32, #tpu.memory_space<vmem>> -> memref<128xi32, #tpu.memory_space<vmem>>
          %dma_start3A_168 = arith.constant 0 : i32
          %dma_start3A_169 = arith.constant 0 : i32
          %dma_start3A_170 = tpu.memref_slice %arg2[%dma_start3A_168, %dma_start3A_169] : memref<10000x128xf32, #tpu.memory_space<hbm>> -> memref<10000x128xf32, #tpu.memory_space<hbm>>
          tpu.enqueue_indirect_dma source(%dma_start3A_170 : memref<10000x128xf32, #tpu.memory_space<hbm>>) target(%arg6 : memref<128x128xf32, #tpu.memory_space<vmem>>) offsets(%dma_start3A_167 : memref<128xi32, #tpu.memory_space<vmem>>) semaphore(%arg9 : memref<!tpu.dma_semaphore, #tpu.memory_space<semaphore_mem>>)
        } else {
        }
        %add3A_144 = arith.constant 1 : i32
        %add3A_145 = arith.addi %mul3A_125, %add3A_144 : i32
        %dma_wait3A_146 = arith.constant 0 : i32
        %dma_wait3A_147 = arith.constant 0 : i32
        %dma_wait3A_148 = arith.constant 0 : i32
        %dma_wait3A_149 = tpu.memref_slice %arg5[%dma_wait3A_146, %dma_wait3A_147, %dma_wait3A_148] : memref<32x2x128xi32, #tpu.memory_space<vmem>> -> memref<1x1x128xi32, #tpu.memory_space<vmem>>
        %dma_wait3A_150 = tpu.memref_squeeze %dma_wait3A_149 : memref<1x1x128xi32, #tpu.memory_space<vmem>> -> memref<128xi32, #tpu.memory_space<vmem>>
        %dma_wait3A_151 = arith.constant 0 : i32
        %dma_wait3A_152 = arith.constant 0 : i32
        %dma_wait3A_153 = tpu.memref_slice %arg2[%dma_wait3A_151, %dma_wait3A_152] : memref<10000x128xf32, #tpu.memory_space<hbm>> -> memref<10000x128xf32, #tpu.memory_space<hbm>>
        tpu.wait_indirect_dma semaphore(%arg10 : memref<!tpu.dma_semaphore, #tpu.memory_space<semaphore_mem>>) src(%dma_wait3A_153 : memref<10000x128xf32, #tpu.memory_space<hbm>>) dst(%arg7 : memref<128x128xf32, #tpu.memory_space<vmem>>)
        %run_scoped3A_154 = arith.constant 1 : i32
        "tpu.region"() ({
          %run_scoped3A_162 = tpu.sem_alloc : memref<!tpu.dma_semaphore, #tpu.memory_space<semaphore_mem>>
          %dma_start3A_163 = arith.constant 0 : i32
          %dma_start3A_164 = tpu.memref_slice %arg5[%add3A_145, %run_scoped3A_154, %dma_start3A_163] : memref<32x2x128xi32, #tpu.memory_space<vmem>> -> memref<1x1x128xi32, #tpu.memory_space<vmem>>
          %dma_start3A_165 = tpu.memref_squeeze %dma_start3A_164 : memref<1x1x128xi32, #tpu.memory_space<vmem>> -> memref<128xi32, #tpu.memory_space<vmem>>
          %dma_start3A_166 = arith.constant 0 : i32
          %dma_start3A_167 = arith.constant 0 : i32
          %dma_start3A_168 = tpu.memref_slice %arg8[%dma_start3A_166, %dma_start3A_167] : memref<10240x128xf32, #tpu.memory_space<vmem_shared>> -> memref<10240x128xf32, #tpu.memory_space<vmem_shared>>
          tpu.enqueue_indirect_dma source(%arg7 : memref<128x128xf32, #tpu.memory_space<vmem>>) target(%dma_start3A_168 : memref<10240x128xf32, #tpu.memory_space<vmem_shared>>) offsets(%dma_start3A_165 : memref<128xi32, #tpu.memory_space<vmem>>) semaphore(%run_scoped3A_162 : memref<!tpu.dma_semaphore, #tpu.memory_space<semaphore_mem>>) {add = true}
          %dma_wait3A_169 = arith.constant 0 : i32
          %dma_wait3A_170 = tpu.memref_slice %arg5[%add3A_145, %run_scoped3A_154, %dma_wait3A_169] : memref<32x2x128xi32, #tpu.memory_space<vmem>> -> memref<1x1x128xi32, #tpu.memory_space<vmem>>
          %dma_wait3A_171 = tpu.memref_squeeze %dma_wait3A_170 : memref<1x1x128xi32, #tpu.memory_space<vmem>> -> memref<128xi32, #tpu.memory_space<vmem>>
          %dma_wait3A_172 = arith.constant 0 : i32
          %dma_wait3A_173 = arith.constant 0 : i32
          %dma_wait3A_174 = tpu.memref_slice %arg8[%dma_wait3A_172, %dma_wait3A_173] : memref<10240x128xf32, #tpu.memory_space<vmem_shared>> -> memref<10240x128xf32, #tpu.memory_space<vmem_shared>>
          tpu.wait_indirect_dma semaphore(%run_scoped3A_162 : memref<!tpu.dma_semaphore, #tpu.memory_space<semaphore_mem>>) src(%arg7 : memref<128x128xf32, #tpu.memory_space<vmem>>) dst(%dma_wait3A_174 : memref<10240x128xf32, #tpu.memory_space<vmem_shared>>)
          tpu.yield
        }) : () -> ()
        %add3A_155 = arith.constant 2 : i32
        %add3A_156 = arith.addi %add3A_145, %add3A_155 : i32
        %lt3A_157 = arith.constant 32 : i32
        %lt3A_158 = arith.cmpi slt, %add3A_156, %lt3A_157 : i32
        %convert_element_type3A_159 = arith.extui %lt3A_158 : i1 to i32
        %cond3A_160 = arith.constant 0 : i32
        %cond3A_161 = arith.cmpi ne, %convert_element_type3A_159, %cond3A_160 : i32
        scf.if %cond3A_161 {
          %add3A_162 = arith.constant 2 : i32
          %add3A_163 = arith.addi %add3A_145, %add3A_162 : i32
          %dma_start3A_164 = arith.constant 0 : i32
          %dma_start3A_165 = arith.constant 0 : i32
          %dma_start3A_166 = tpu.memref_slice %arg5[%add3A_163, %dma_start3A_164, %dma_start3A_165] : memref<32x2x128xi32, #tpu.memory_space<vmem>> -> memref<1x1x128xi32, #tpu.memory_space<vmem>>
          %dma_start3A_167 = tpu.memref_squeeze %dma_start3A_166 : memref<1x1x128xi32, #tpu.memory_space<vmem>> -> memref<128xi32, #tpu.memory_space<vmem>>
          %dma_start3A_168 = arith.constant 0 : i32
          %dma_start3A_169 = arith.constant 0 : i32
          %dma_start3A_170 = tpu.memref_slice %arg2[%dma_start3A_168, %dma_start3A_169] : memref<10000x128xf32, #tpu.memory_space<hbm>> -> memref<10000x128xf32, #tpu.memory_space<hbm>>
          tpu.enqueue_indirect_dma source(%dma_start3A_170 : memref<10000x128xf32, #tpu.memory_space<hbm>>) target(%arg7 : memref<128x128xf32, #tpu.memory_space<vmem>>) offsets(%dma_start3A_167 : memref<128xi32, #tpu.memory_space<vmem>>) semaphore(%arg10 : memref<!tpu.dma_semaphore, #tpu.memory_space<semaphore_mem>>)
        } else {
        }
      }
      %scan3A_66 = arith.constant 16 : i32
      %add3A_67 = arith.constant 32 : i32
      %add3A_68 = arith.addi %add3A_29, %add3A_67 : i32
      "tpu.region"() ({
        %run_scoped3A_123 = tpu.sem_alloc : memref<!tpu.dma_semaphore, #tpu.memory_space<semaphore_mem>>
        %dma_start3A_124 = arith.constant 0 : i32
        %dma_start3A_125 = arith.constant 0 : i32
        %dma_start3A_126 = arith.constant 0 : i32
        %dma_start3A_127 = tpu.memref_slice %arg5[%dma_start3A_124, %dma_start3A_125, %dma_start3A_126] : memref<32x2x128xi32, #tpu.memory_space<vmem>> -> memref<32x2x128xi32, #tpu.memory_space<vmem>>
        %dma_start3A_128 = arith.constant 0 : i32
        %dma_start3A_129 = arith.constant 0 : i32
        %dma_start3A_130 = tpu.memref_slice %arg3[%add3A_68, %dma_start3A_128, %dma_start3A_129] : memref<2500x2x128xi32, #tpu.memory_space<hbm>> -> memref<32x2x128xi32, #tpu.memory_space<hbm>>
        %dma_start3A_131 = arith.constant 0 : i32
        %dma_start3A_132 = arith.constant 0 : i32
        %dma_start3A_133 = arith.constant 0 : i32
        %dma_start3A_134 = tpu.memref_slice %arg5[%dma_start3A_131, %dma_start3A_132, %dma_start3A_133] : memref<32x2x128xi32, #tpu.memory_space<vmem>> -> memref<32x2x128xi32, #tpu.memory_space<vmem>>
        %dma_start3A_135 = arith.constant 0 : i32
        %dma_start3A_136 = arith.constant 0 : i32
        %dma_start3A_137 = tpu.memref_slice %arg3[%add3A_68, %dma_start3A_135, %dma_start3A_136] : memref<2500x2x128xi32, #tpu.memory_space<hbm>> -> memref<32x2x128xi32, #tpu.memory_space<hbm>>
        tpu.enqueue_dma source(%dma_start3A_137 : memref<32x2x128xi32, #tpu.memory_space<hbm>>) target(%dma_start3A_134 : memref<32x2x128xi32, #tpu.memory_space<vmem>>) target_semaphore(%run_scoped3A_123 : memref<!tpu.dma_semaphore, #tpu.memory_space<semaphore_mem>>)
        %dma_wait3A_138 = arith.constant 0 : i32
        %dma_wait3A_139 = arith.constant 0 : i32
        %dma_wait3A_140 = arith.constant 0 : i32
        %dma_wait3A_141 = tpu.memref_slice %arg5[%dma_wait3A_138, %dma_wait3A_139, %dma_wait3A_140] : memref<32x2x128xi32, #tpu.memory_space<vmem>> -> memref<32x2x128xi32, #tpu.memory_space<vmem>>
        %dma_wait3A_142 = arith.constant 0 : i32
        %dma_wait3A_143 = arith.constant 0 : i32
        %dma_wait3A_144 = tpu.memref_slice %arg3[%add3A_68, %dma_wait3A_142, %dma_wait3A_143] : memref<2500x2x128xi32, #tpu.memory_space<hbm>> -> memref<32x2x128xi32, #tpu.memory_space<hbm>>
        %dma_wait3A_145 = arith.constant 0 : i32
        %dma_wait3A_146 = arith.constant 0 : i32
        %dma_wait3A_147 = arith.constant 0 : i32
        %dma_wait3A_148 = tpu.memref_slice %arg5[%dma_wait3A_145, %dma_wait3A_146, %dma_wait3A_147] : memref<32x2x128xi32, #tpu.memory_space<vmem>> -> memref<32x2x128xi32, #tpu.memory_space<vmem>>
        %dma_wait3A_149 = arith.constant 0 : i32
        %dma_wait3A_150 = arith.constant 0 : i32
        %dma_wait3A_151 = tpu.memref_slice %arg3[%add3A_68, %dma_wait3A_149, %dma_wait3A_150] : memref<2500x2x128xi32, #tpu.memory_space<hbm>> -> memref<32x2x128xi32, #tpu.memory_space<hbm>>
        tpu.wait_dma2 semaphore(%run_scoped3A_123 : memref<!tpu.dma_semaphore, #tpu.memory_space<semaphore_mem>>) src(%dma_wait3A_151 : memref<32x2x128xi32, #tpu.memory_space<hbm>>) dst(%dma_wait3A_148 : memref<32x2x128xi32, #tpu.memory_space<vmem>>)
        tpu.yield
      }) : () -> ()
      %dma_start3A_69 = arith.constant 0 : i32
      %dma_start3A_70 = arith.constant 0 : i32
      %dma_start3A_71 = arith.constant 0 : i32
      %dma_start3A_72 = tpu.memref_slice %arg5[%dma_start3A_69, %dma_start3A_70, %dma_start3A_71] : memref<32x2x128xi32, #tpu.memory_space<vmem>> -> memref<1x1x128xi32, #tpu.memory_space<vmem>>
      %dma_start3A_73 = tpu.memref_squeeze %dma_start3A_72 : memref<1x1x128xi32, #tpu.memory_space<vmem>> -> memref<128xi32, #tpu.memory_space<vmem>>
      %dma_start3A_74 = arith.constant 0 : i32
      %dma_start3A_75 = arith.constant 0 : i32
      %dma_start3A_76 = tpu.memref_slice %arg2[%dma_start3A_74, %dma_start3A_75] : memref<10000x128xf32, #tpu.memory_space<hbm>> -> memref<10000x128xf32, #tpu.memory_space<hbm>>
      tpu.enqueue_indirect_dma source(%dma_start3A_76 : memref<10000x128xf32, #tpu.memory_space<hbm>>) target(%arg6 : memref<128x128xf32, #tpu.memory_space<vmem>>) offsets(%dma_start3A_73 : memref<128xi32, #tpu.memory_space<vmem>>) semaphore(%arg9 : memref<!tpu.dma_semaphore, #tpu.memory_space<semaphore_mem>>)
      %dma_start3A_77 = arith.constant 1 : i32
      %dma_start3A_78 = arith.constant 0 : i32
      %dma_start3A_79 = arith.constant 0 : i32
      %dma_start3A_80 = tpu.memref_slice %arg5[%dma_start3A_77, %dma_start3A_78, %dma_start3A_79] : memref<32x2x128xi32, #tpu.memory_space<vmem>> -> memref<1x1x128xi32, #tpu.memory_space<vmem>>
      %dma_start3A_81 = tpu.memref_squeeze %dma_start3A_80 : memref<1x1x128xi32, #tpu.memory_space<vmem>> -> memref<128xi32, #tpu.memory_space<vmem>>
      %dma_start3A_82 = arith.constant 0 : i32
      %dma_start3A_83 = arith.constant 0 : i32
      %dma_start3A_84 = tpu.memref_slice %arg2[%dma_start3A_82, %dma_start3A_83] : memref<10000x128xf32, #tpu.memory_space<hbm>> -> memref<10000x128xf32, #tpu.memory_space<hbm>>
      tpu.enqueue_indirect_dma source(%dma_start3A_84 : memref<10000x128xf32, #tpu.memory_space<hbm>>) target(%arg7 : memref<128x128xf32, #tpu.memory_space<vmem>>) offsets(%dma_start3A_81 : memref<128xi32, #tpu.memory_space<vmem>>) semaphore(%arg10 : memref<!tpu.dma_semaphore, #tpu.memory_space<semaphore_mem>>)
      %scan3A_85 = arith.constant 0 : i32
      %scan3A_86 = arith.constant 0 : i32
      %scan3A_87 = arith.constant 16 : i32
      %scan3A_88 = arith.addi %scan3A_86, %scan3A_87 : i32
      %scan3A_89 = arith.constant 1 : i32
      scf.for %scan3A_123 = %scan3A_86 to %scan3A_88 step %scan3A_89  : i32 {
        %mul3A_124 = arith.constant 2 : i32
        %mul3A_125 = arith.muli %scan3A_123, %mul3A_124 : i32
        %add3A_126 = arith.constant 0 : i32
        %add3A_127 = arith.addi %mul3A_125, %add3A_126 : i32
        %dma_wait3A_128 = arith.constant 0 : i32
        %dma_wait3A_129 = arith.constant 0 : i32
        %dma_wait3A_130 = arith.constant 0 : i32
        %dma_wait3A_131 = tpu.memref_slice %arg5[%dma_wait3A_128, %dma_wait3A_129, %dma_wait3A_130] : memref<32x2x128xi32, #tpu.memory_space<vmem>> -> memref<1x1x128xi32, #tpu.memory_space<vmem>>
        %dma_wait3A_132 = tpu.memref_squeeze %dma_wait3A_131 : memref<1x1x128xi32, #tpu.memory_space<vmem>> -> memref<128xi32, #tpu.memory_space<vmem>>
        %dma_wait3A_133 = arith.constant 0 : i32
        %dma_wait3A_134 = arith.constant 0 : i32
        %dma_wait3A_135 = tpu.memref_slice %arg2[%dma_wait3A_133, %dma_wait3A_134] : memref<10000x128xf32, #tpu.memory_space<hbm>> -> memref<10000x128xf32, #tpu.memory_space<hbm>>
        tpu.wait_indirect_dma semaphore(%arg9 : memref<!tpu.dma_semaphore, #tpu.memory_space<semaphore_mem>>) src(%dma_wait3A_135 : memref<10000x128xf32, #tpu.memory_space<hbm>>) dst(%arg6 : memref<128x128xf32, #tpu.memory_space<vmem>>)
        %run_scoped3A_136 = arith.constant 1 : i32
        "tpu.region"() ({
          %run_scoped3A_162 = tpu.sem_alloc : memref<!tpu.dma_semaphore, #tpu.memory_space<semaphore_mem>>
          %dma_start3A_163 = arith.constant 0 : i32
          %dma_start3A_164 = tpu.memref_slice %arg5[%add3A_127, %run_scoped3A_136, %dma_start3A_163] : memref<32x2x128xi32, #tpu.memory_space<vmem>> -> memref<1x1x128xi32, #tpu.memory_space<vmem>>
          %dma_start3A_165 = tpu.memref_squeeze %dma_start3A_164 : memref<1x1x128xi32, #tpu.memory_space<vmem>> -> memref<128xi32, #tpu.memory_space<vmem>>
          %dma_start3A_166 = arith.constant 0 : i32
          %dma_start3A_167 = arith.constant 0 : i32
          %dma_start3A_168 = tpu.memref_slice %arg8[%dma_start3A_166, %dma_start3A_167] : memref<10240x128xf32, #tpu.memory_space<vmem_shared>> -> memref<10240x128xf32, #tpu.memory_space<vmem_shared>>
          tpu.enqueue_indirect_dma source(%arg6 : memref<128x128xf32, #tpu.memory_space<vmem>>) target(%dma_start3A_168 : memref<10240x128xf32, #tpu.memory_space<vmem_shared>>) offsets(%dma_start3A_165 : memref<128xi32, #tpu.memory_space<vmem>>) semaphore(%run_scoped3A_162 : memref<!tpu.dma_semaphore, #tpu.memory_space<semaphore_mem>>) {add = true}
          %dma_wait3A_169 = arith.constant 0 : i32
          %dma_wait3A_170 = tpu.memref_slice %arg5[%add3A_127, %run_scoped3A_136, %dma_wait3A_169] : memref<32x2x128xi32, #tpu.memory_space<vmem>> -> memref<1x1x128xi32, #tpu.memory_space<vmem>>
          %dma_wait3A_171 = tpu.memref_squeeze %dma_wait3A_170 : memref<1x1x128xi32, #tpu.memory_space<vmem>> -> memref<128xi32, #tpu.memory_space<vmem>>
          %dma_wait3A_172 = arith.constant 0 : i32
          %dma_wait3A_173 = arith.constant 0 : i32
          %dma_wait3A_174 = tpu.memref_slice %arg8[%dma_wait3A_172, %dma_wait3A_173] : memref<10240x128xf32, #tpu.memory_space<vmem_shared>> -> memref<10240x128xf32, #tpu.memory_space<vmem_shared>>
          tpu.wait_indirect_dma semaphore(%run_scoped3A_162 : memref<!tpu.dma_semaphore, #tpu.memory_space<semaphore_mem>>) src(%arg6 : memref<128x128xf32, #tpu.memory_space<vmem>>) dst(%dma_wait3A_174 : memref<10240x128xf32, #tpu.memory_space<vmem_shared>>)
          tpu.yield
        }) : () -> ()
        %add3A_137 = arith.constant 2 : i32
        %add3A_138 = arith.addi %add3A_127, %add3A_137 : i32
        %lt3A_139 = arith.constant 32 : i32
        %lt3A_140 = arith.cmpi slt, %add3A_138, %lt3A_139 : i32
        %convert_element_type3A_141 = arith.extui %lt3A_140 : i1 to i32
        %cond3A_142 = arith.constant 0 : i32
        %cond3A_143 = arith.cmpi ne, %convert_element_type3A_141, %cond3A_142 : i32
        scf.if %cond3A_143 {
          %add3A_162 = arith.constant 2 : i32
          %add3A_163 = arith.addi %add3A_127, %add3A_162 : i32
          %dma_start3A_164 = arith.constant 0 : i32
          %dma_start3A_165 = arith.constant 0 : i32
          %dma_start3A_166 = tpu.memref_slice %arg5[%add3A_163, %dma_start3A_164, %dma_start3A_165] : memref<32x2x128xi32, #tpu.memory_space<vmem>> -> memref<1x1x128xi32, #tpu.memory_space<vmem>>
          %dma_start3A_167 = tpu.memref_squeeze %dma_start3A_166 : memref<1x1x128xi32, #tpu.memory_space<vmem>> -> memref<128xi32, #tpu.memory_space<vmem>>
          %dma_start3A_168 = arith.constant 0 : i32
          %dma_start3A_169 = arith.constant 0 : i32
          %dma_start3A_170 = tpu.memref_slice %arg2[%dma_start3A_168, %dma_start3A_169] : memref<10000x128xf32, #tpu.memory_space<hbm>> -> memref<10000x128xf32, #tpu.memory_space<hbm>>
          tpu.enqueue_indirect_dma source(%dma_start3A_170 : memref<10000x128xf32, #tpu.memory_space<hbm>>) target(%arg6 : memref<128x128xf32, #tpu.memory_space<vmem>>) offsets(%dma_start3A_167 : memref<128xi32, #tpu.memory_space<vmem>>) semaphore(%arg9 : memref<!tpu.dma_semaphore, #tpu.memory_space<semaphore_mem>>)
        } else {
        }
        %add3A_144 = arith.constant 1 : i32
        %add3A_145 = arith.addi %mul3A_125, %add3A_144 : i32
        %dma_wait3A_146 = arith.constant 0 : i32
        %dma_wait3A_147 = arith.constant 0 : i32
        %dma_wait3A_148 = arith.constant 0 : i32
        %dma_wait3A_149 = tpu.memref_slice %arg5[%dma_wait3A_146, %dma_wait3A_147, %dma_wait3A_148] : memref<32x2x128xi32, #tpu.memory_space<vmem>> -> memref<1x1x128xi32, #tpu.memory_space<vmem>>
        %dma_wait3A_150 = tpu.memref_squeeze %dma_wait3A_149 : memref<1x1x128xi32, #tpu.memory_space<vmem>> -> memref<128xi32, #tpu.memory_space<vmem>>
        %dma_wait3A_151 = arith.constant 0 : i32
        %dma_wait3A_152 = arith.constant 0 : i32
        %dma_wait3A_153 = tpu.memref_slice %arg2[%dma_wait3A_151, %dma_wait3A_152] : memref<10000x128xf32, #tpu.memory_space<hbm>> -> memref<10000x128xf32, #tpu.memory_space<hbm>>
        tpu.wait_indirect_dma semaphore(%arg10 : memref<!tpu.dma_semaphore, #tpu.memory_space<semaphore_mem>>) src(%dma_wait3A_153 : memref<10000x128xf32, #tpu.memory_space<hbm>>) dst(%arg7 : memref<128x128xf32, #tpu.memory_space<vmem>>)
        %run_scoped3A_154 = arith.constant 1 : i32
        "tpu.region"() ({
          %run_scoped3A_162 = tpu.sem_alloc : memref<!tpu.dma_semaphore, #tpu.memory_space<semaphore_mem>>
          %dma_start3A_163 = arith.constant 0 : i32
          %dma_start3A_164 = tpu.memref_slice %arg5[%add3A_145, %run_scoped3A_154, %dma_start3A_163] : memref<32x2x128xi32, #tpu.memory_space<vmem>> -> memref<1x1x128xi32, #tpu.memory_space<vmem>>
          %dma_start3A_165 = tpu.memref_squeeze %dma_start3A_164 : memref<1x1x128xi32, #tpu.memory_space<vmem>> -> memref<128xi32, #tpu.memory_space<vmem>>
          %dma_start3A_166 = arith.constant 0 : i32
          %dma_start3A_167 = arith.constant 0 : i32
          %dma_start3A_168 = tpu.memref_slice %arg8[%dma_start3A_166, %dma_start3A_167] : memref<10240x128xf32, #tpu.memory_space<vmem_shared>> -> memref<10240x128xf32, #tpu.memory_space<vmem_shared>>
          tpu.enqueue_indirect_dma source(%arg7 : memref<128x128xf32, #tpu.memory_space<vmem>>) target(%dma_start3A_168 : memref<10240x128xf32, #tpu.memory_space<vmem_shared>>) offsets(%dma_start3A_165 : memref<128xi32, #tpu.memory_space<vmem>>) semaphore(%run_scoped3A_162 : memref<!tpu.dma_semaphore, #tpu.memory_space<semaphore_mem>>) {add = true}
          %dma_wait3A_169 = arith.constant 0 : i32
          %dma_wait3A_170 = tpu.memref_slice %arg5[%add3A_145, %run_scoped3A_154, %dma_wait3A_169] : memref<32x2x128xi32, #tpu.memory_space<vmem>> -> memref<1x1x128xi32, #tpu.memory_space<vmem>>
          %dma_wait3A_171 = tpu.memref_squeeze %dma_wait3A_170 : memref<1x1x128xi32, #tpu.memory_space<vmem>> -> memref<128xi32, #tpu.memory_space<vmem>>
          %dma_wait3A_172 = arith.constant 0 : i32
          %dma_wait3A_173 = arith.constant 0 : i32
          %dma_wait3A_174 = tpu.memref_slice %arg8[%dma_wait3A_172, %dma_wait3A_173] : memref<10240x128xf32, #tpu.memory_space<vmem_shared>> -> memref<10240x128xf32, #tpu.memory_space<vmem_shared>>
          tpu.wait_indirect_dma semaphore(%run_scoped3A_162 : memref<!tpu.dma_semaphore, #tpu.memory_space<semaphore_mem>>) src(%arg7 : memref<128x128xf32, #tpu.memory_space<vmem>>) dst(%dma_wait3A_174 : memref<10240x128xf32, #tpu.memory_space<vmem_shared>>)
          tpu.yield
        }) : () -> ()
        %add3A_155 = arith.constant 2 : i32
        %add3A_156 = arith.addi %add3A_145, %add3A_155 : i32
        %lt3A_157 = arith.constant 32 : i32
        %lt3A_158 = arith.cmpi slt, %add3A_156, %lt3A_157 : i32
        %convert_element_type3A_159 = arith.extui %lt3A_158 : i1 to i32
        %cond3A_160 = arith.constant 0 : i32
        %cond3A_161 = arith.cmpi ne, %convert_element_type3A_159, %cond3A_160 : i32
        scf.if %cond3A_161 {
          %add3A_162 = arith.constant 2 : i32
          %add3A_163 = arith.addi %add3A_145, %add3A_162 : i32
          %dma_start3A_164 = arith.constant 0 : i32
          %dma_start3A_165 = arith.constant 0 : i32
          %dma_start3A_166 = tpu.memref_slice %arg5[%add3A_163, %dma_start3A_164, %dma_start3A_165] : memref<32x2x128xi32, #tpu.memory_space<vmem>> -> memref<1x1x128xi32, #tpu.memory_space<vmem>>
          %dma_start3A_167 = tpu.memref_squeeze %dma_start3A_166 : memref<1x1x128xi32, #tpu.memory_space<vmem>> -> memref<128xi32, #tpu.memory_space<vmem>>
          %dma_start3A_168 = arith.constant 0 : i32
          %dma_start3A_169 = arith.constant 0 : i32
          %dma_start3A_170 = tpu.memref_slice %arg2[%dma_start3A_168, %dma_start3A_169] : memref<10000x128xf32, #tpu.memory_space<hbm>> -> memref<10000x128xf32, #tpu.memory_space<hbm>>
          tpu.enqueue_indirect_dma source(%dma_start3A_170 : memref<10000x128xf32, #tpu.memory_space<hbm>>) target(%arg7 : memref<128x128xf32, #tpu.memory_space<vmem>>) offsets(%dma_start3A_167 : memref<128xi32, #tpu.memory_space<vmem>>) semaphore(%arg10 : memref<!tpu.dma_semaphore, #tpu.memory_space<semaphore_mem>>)
        } else {
        }
      }
      %scan3A_90 = arith.constant 16 : i32
      %add3A_91 = arith.constant 64 : i32
      %add3A_92 = arith.addi %add3A_29, %add3A_91 : i32
      "tpu.region"() ({
        %run_scoped3A_123 = tpu.sem_alloc : memref<!tpu.dma_semaphore, #tpu.memory_space<semaphore_mem>>
        %dma_start3A_124 = arith.constant 0 : i32
        %dma_start3A_125 = arith.constant 0 : i32
        %dma_start3A_126 = arith.constant 0 : i32
        %dma_start3A_127 = tpu.memref_slice %arg5[%dma_start3A_124, %dma_start3A_125, %dma_start3A_126] : memref<32x2x128xi32, #tpu.memory_space<vmem>> -> memref<15x2x128xi32, #tpu.memory_space<vmem>>
        %dma_start3A_128 = arith.constant 0 : i32
        %dma_start3A_129 = arith.constant 0 : i32
        %dma_start3A_130 = tpu.memref_slice %arg3[%add3A_92, %dma_start3A_128, %dma_start3A_129] : memref<2500x2x128xi32, #tpu.memory_space<hbm>> -> memref<15x2x128xi32, #tpu.memory_space<hbm>>
        %dma_start3A_131 = arith.constant 0 : i32
        %dma_start3A_132 = arith.constant 0 : i32
        %dma_start3A_133 = arith.constant 0 : i32
        %dma_start3A_134 = tpu.memref_slice %arg5[%dma_start3A_131, %dma_start3A_132, %dma_start3A_133] : memref<32x2x128xi32, #tpu.memory_space<vmem>> -> memref<15x2x128xi32, #tpu.memory_space<vmem>>
        %dma_start3A_135 = arith.constant 0 : i32
        %dma_start3A_136 = arith.constant 0 : i32
        %dma_start3A_137 = tpu.memref_slice %arg3[%add3A_92, %dma_start3A_135, %dma_start3A_136] : memref<2500x2x128xi32, #tpu.memory_space<hbm>> -> memref<15x2x128xi32, #tpu.memory_space<hbm>>
        tpu.enqueue_dma source(%dma_start3A_137 : memref<15x2x128xi32, #tpu.memory_space<hbm>>) target(%dma_start3A_134 : memref<15x2x128xi32, #tpu.memory_space<vmem>>) target_semaphore(%run_scoped3A_123 : memref<!tpu.dma_semaphore, #tpu.memory_space<semaphore_mem>>)
        %dma_wait3A_138 = arith.constant 0 : i32
        %dma_wait3A_139 = arith.constant 0 : i32
        %dma_wait3A_140 = arith.constant 0 : i32
        %dma_wait3A_141 = tpu.memref_slice %arg5[%dma_wait3A_138, %dma_wait3A_139, %dma_wait3A_140] : memref<32x2x128xi32, #tpu.memory_space<vmem>> -> memref<15x2x128xi32, #tpu.memory_space<vmem>>
        %dma_wait3A_142 = arith.constant 0 : i32
        %dma_wait3A_143 = arith.constant 0 : i32
        %dma_wait3A_144 = tpu.memref_slice %arg3[%add3A_92, %dma_wait3A_142, %dma_wait3A_143] : memref<2500x2x128xi32, #tpu.memory_space<hbm>> -> memref<15x2x128xi32, #tpu.memory_space<hbm>>
        %dma_wait3A_145 = arith.constant 0 : i32
        %dma_wait3A_146 = arith.constant 0 : i32
        %dma_wait3A_147 = arith.constant 0 : i32
        %dma_wait3A_148 = tpu.memref_slice %arg5[%dma_wait3A_145, %dma_wait3A_146, %dma_wait3A_147] : memref<32x2x128xi32, #tpu.memory_space<vmem>> -> memref<15x2x128xi32, #tpu.memory_space<vmem>>
        %dma_wait3A_149 = arith.constant 0 : i32
        %dma_wait3A_150 = arith.constant 0 : i32
        %dma_wait3A_151 = tpu.memref_slice %arg3[%add3A_92, %dma_wait3A_149, %dma_wait3A_150] : memref<2500x2x128xi32, #tpu.memory_space<hbm>> -> memref<15x2x128xi32, #tpu.memory_space<hbm>>
        tpu.wait_dma2 semaphore(%run_scoped3A_123 : memref<!tpu.dma_semaphore, #tpu.memory_space<semaphore_mem>>) src(%dma_wait3A_151 : memref<15x2x128xi32, #tpu.memory_space<hbm>>) dst(%dma_wait3A_148 : memref<15x2x128xi32, #tpu.memory_space<vmem>>)
        tpu.yield
      }) : () -> ()
      %dma_start3A_93 = arith.constant 0 : i32
      %dma_start3A_94 = arith.constant 0 : i32
      %dma_start3A_95 = arith.constant 0 : i32
      %dma_start3A_96 = tpu.memref_slice %arg5[%dma_start3A_93, %dma_start3A_94, %dma_start3A_95] : memref<32x2x128xi32, #tpu.memory_space<vmem>> -> memref<1x1x128xi32, #tpu.memory_space<vmem>>
      %dma_start3A_97 = tpu.memref_squeeze %dma_start3A_96 : memref<1x1x128xi32, #tpu.memory_space<vmem>> -> memref<128xi32, #tpu.memory_space<vmem>>
      %dma_start3A_98 = arith.constant 0 : i32
      %dma_start3A_99 = arith.constant 0 : i32
      %dma_start3A_100 = tpu.memref_slice %arg2[%dma_start3A_98, %dma_start3A_99] : memref<10000x128xf32, #tpu.memory_space<hbm>> -> memref<10000x128xf32, #tpu.memory_space<hbm>>
      tpu.enqueue_indirect_dma source(%dma_start3A_100 : memref<10000x128xf32, #tpu.memory_space<hbm>>) target(%arg6 : memref<128x128xf32, #tpu.memory_space<vmem>>) offsets(%dma_start3A_97 : memref<128xi32, #tpu.memory_space<vmem>>) semaphore(%arg9 : memref<!tpu.dma_semaphore, #tpu.memory_space<semaphore_mem>>)
      %dma_start3A_101 = arith.constant 1 : i32
      %dma_start3A_102 = arith.constant 0 : i32
      %dma_start3A_103 = arith.constant 0 : i32
      %dma_start3A_104 = tpu.memref_slice %arg5[%dma_start3A_101, %dma_start3A_102, %dma_start3A_103] : memref<32x2x128xi32, #tpu.memory_space<vmem>> -> memref<1x1x128xi32, #tpu.memory_space<vmem>>
      %dma_start3A_105 = tpu.memref_squeeze %dma_start3A_104 : memref<1x1x128xi32, #tpu.memory_space<vmem>> -> memref<128xi32, #tpu.memory_space<vmem>>
      %dma_start3A_106 = arith.constant 0 : i32
      %dma_start3A_107 = arith.constant 0 : i32
      %dma_start3A_108 = tpu.memref_slice %arg2[%dma_start3A_106, %dma_start3A_107] : memref<10000x128xf32, #tpu.memory_space<hbm>> -> memref<10000x128xf32, #tpu.memory_space<hbm>>
      tpu.enqueue_indirect_dma source(%dma_start3A_108 : memref<10000x128xf32, #tpu.memory_space<hbm>>) target(%arg7 : memref<128x128xf32, #tpu.memory_space<vmem>>) offsets(%dma_start3A_105 : memref<128xi32, #tpu.memory_space<vmem>>) semaphore(%arg10 : memref<!tpu.dma_semaphore, #tpu.memory_space<semaphore_mem>>)
      %scan3A_109 = arith.constant 0 : i32
      %scan3A_110 = arith.constant 0 : i32
      %scan3A_111 = arith.constant 7 : i32
      %scan3A_112 = arith.addi %scan3A_110, %scan3A_111 : i32
      %scan3A_113 = arith.constant 1 : i32
      scf.for %scan3A_123 = %scan3A_110 to %scan3A_112 step %scan3A_113  : i32 {
        %mul3A_124 = arith.constant 2 : i32
        %mul3A_125 = arith.muli %scan3A_123, %mul3A_124 : i32
        %add3A_126 = arith.constant 0 : i32
        %add3A_127 = arith.addi %mul3A_125, %add3A_126 : i32
        %dma_wait3A_128 = arith.constant 0 : i32
        %dma_wait3A_129 = arith.constant 0 : i32
        %dma_wait3A_130 = arith.constant 0 : i32
        %dma_wait3A_131 = tpu.memref_slice %arg5[%dma_wait3A_128, %dma_wait3A_129, %dma_wait3A_130] : memref<32x2x128xi32, #tpu.memory_space<vmem>> -> memref<1x1x128xi32, #tpu.memory_space<vmem>>
        %dma_wait3A_132 = tpu.memref_squeeze %dma_wait3A_131 : memref<1x1x128xi32, #tpu.memory_space<vmem>> -> memref<128xi32, #tpu.memory_space<vmem>>
        %dma_wait3A_133 = arith.constant 0 : i32
        %dma_wait3A_134 = arith.constant 0 : i32
        %dma_wait3A_135 = tpu.memref_slice %arg2[%dma_wait3A_133, %dma_wait3A_134] : memref<10000x128xf32, #tpu.memory_space<hbm>> -> memref<10000x128xf32, #tpu.memory_space<hbm>>
        tpu.wait_indirect_dma semaphore(%arg9 : memref<!tpu.dma_semaphore, #tpu.memory_space<semaphore_mem>>) src(%dma_wait3A_135 : memref<10000x128xf32, #tpu.memory_space<hbm>>) dst(%arg6 : memref<128x128xf32, #tpu.memory_space<vmem>>)
        %run_scoped3A_136 = arith.constant 1 : i32
        "tpu.region"() ({
          %run_scoped3A_162 = tpu.sem_alloc : memref<!tpu.dma_semaphore, #tpu.memory_space<semaphore_mem>>
          %dma_start3A_163 = arith.constant 0 : i32
          %dma_start3A_164 = tpu.memref_slice %arg5[%add3A_127, %run_scoped3A_136, %dma_start3A_163] : memref<32x2x128xi32, #tpu.memory_space<vmem>> -> memref<1x1x128xi32, #tpu.memory_space<vmem>>
          %dma_start3A_165 = tpu.memref_squeeze %dma_start3A_164 : memref<1x1x128xi32, #tpu.memory_space<vmem>> -> memref<128xi32, #tpu.memory_space<vmem>>
          %dma_start3A_166 = arith.constant 0 : i32
          %dma_start3A_167 = arith.constant 0 : i32
          %dma_start3A_168 = tpu.memref_slice %arg8[%dma_start3A_166, %dma_start3A_167] : memref<10240x128xf32, #tpu.memory_space<vmem_shared>> -> memref<10240x128xf32, #tpu.memory_space<vmem_shared>>
          tpu.enqueue_indirect_dma source(%arg6 : memref<128x128xf32, #tpu.memory_space<vmem>>) target(%dma_start3A_168 : memref<10240x128xf32, #tpu.memory_space<vmem_shared>>) offsets(%dma_start3A_165 : memref<128xi32, #tpu.memory_space<vmem>>) semaphore(%run_scoped3A_162 : memref<!tpu.dma_semaphore, #tpu.memory_space<semaphore_mem>>) {add = true}
          %dma_wait3A_169 = arith.constant 0 : i32
          %dma_wait3A_170 = tpu.memref_slice %arg5[%add3A_127, %run_scoped3A_136, %dma_wait3A_169] : memref<32x2x128xi32, #tpu.memory_space<vmem>> -> memref<1x1x128xi32, #tpu.memory_space<vmem>>
          %dma_wait3A_171 = tpu.memref_squeeze %dma_wait3A_170 : memref<1x1x128xi32, #tpu.memory_space<vmem>> -> memref<128xi32, #tpu.memory_space<vmem>>
          %dma_wait3A_172 = arith.constant 0 : i32
          %dma_wait3A_173 = arith.constant 0 : i32
          %dma_wait3A_174 = tpu.memref_slice %arg8[%dma_wait3A_172, %dma_wait3A_173] : memref<10240x128xf32, #tpu.memory_space<vmem_shared>> -> memref<10240x128xf32, #tpu.memory_space<vmem_shared>>
          tpu.wait_indirect_dma semaphore(%run_scoped3A_162 : memref<!tpu.dma_semaphore, #tpu.memory_space<semaphore_mem>>) src(%arg6 : memref<128x128xf32, #tpu.memory_space<vmem>>) dst(%dma_wait3A_174 : memref<10240x128xf32, #tpu.memory_space<vmem_shared>>)
          tpu.yield
        }) : () -> ()
        %add3A_137 = arith.constant 2 : i32
        %add3A_138 = arith.addi %add3A_127, %add3A_137 : i32
        %lt3A_139 = arith.constant 15 : i32
        %lt3A_140 = arith.cmpi slt, %add3A_138, %lt3A_139 : i32
        %convert_element_type3A_141 = arith.extui %lt3A_140 : i1 to i32
        %cond3A_142 = arith.constant 0 : i32
        %cond3A_143 = arith.cmpi ne, %convert_element_type3A_141, %cond3A_142 : i32
        scf.if %cond3A_143 {
          %add3A_162 = arith.constant 2 : i32
          %add3A_163 = arith.addi %add3A_127, %add3A_162 : i32
          %dma_start3A_164 = arith.constant 0 : i32
          %dma_start3A_165 = arith.constant 0 : i32
          %dma_start3A_166 = tpu.memref_slice %arg5[%add3A_163, %dma_start3A_164, %dma_start3A_165] : memref<32x2x128xi32, #tpu.memory_space<vmem>> -> memref<1x1x128xi32, #tpu.memory_space<vmem>>
          %dma_start3A_167 = tpu.memref_squeeze %dma_start3A_166 : memref<1x1x128xi32, #tpu.memory_space<vmem>> -> memref<128xi32, #tpu.memory_space<vmem>>
          %dma_start3A_168 = arith.constant 0 : i32
          %dma_start3A_169 = arith.constant 0 : i32
          %dma_start3A_170 = tpu.memref_slice %arg2[%dma_start3A_168, %dma_start3A_169] : memref<10000x128xf32, #tpu.memory_space<hbm>> -> memref<10000x128xf32, #tpu.memory_space<hbm>>
          tpu.enqueue_indirect_dma source(%dma_start3A_170 : memref<10000x128xf32, #tpu.memory_space<hbm>>) target(%arg6 : memref<128x128xf32, #tpu.memory_space<vmem>>) offsets(%dma_start3A_167 : memref<128xi32, #tpu.memory_space<vmem>>) semaphore(%arg9 : memref<!tpu.dma_semaphore, #tpu.memory_space<semaphore_mem>>)
        } else {
        }
        %add3A_144 = arith.constant 1 : i32
        %add3A_145 = arith.addi %mul3A_125, %add3A_144 : i32
        %dma_wait3A_146 = arith.constant 0 : i32
        %dma_wait3A_147 = arith.constant 0 : i32
        %dma_wait3A_148 = arith.constant 0 : i32
        %dma_wait3A_149 = tpu.memref_slice %arg5[%dma_wait3A_146, %dma_wait3A_147, %dma_wait3A_148] : memref<32x2x128xi32, #tpu.memory_space<vmem>> -> memref<1x1x128xi32, #tpu.memory_space<vmem>>
        %dma_wait3A_150 = tpu.memref_squeeze %dma_wait3A_149 : memref<1x1x128xi32, #tpu.memory_space<vmem>> -> memref<128xi32, #tpu.memory_space<vmem>>
        %dma_wait3A_151 = arith.constant 0 : i32
        %dma_wait3A_152 = arith.constant 0 : i32
        %dma_wait3A_153 = tpu.memref_slice %arg2[%dma_wait3A_151, %dma_wait3A_152] : memref<10000x128xf32, #tpu.memory_space<hbm>> -> memref<10000x128xf32, #tpu.memory_space<hbm>>
        tpu.wait_indirect_dma semaphore(%arg10 : memref<!tpu.dma_semaphore, #tpu.memory_space<semaphore_mem>>) src(%dma_wait3A_153 : memref<10000x128xf32, #tpu.memory_space<hbm>>) dst(%arg7 : memref<128x128xf32, #tpu.memory_space<vmem>>)
        %run_scoped3A_154 = arith.constant 1 : i32
        "tpu.region"() ({
          %run_scoped3A_162 = tpu.sem_alloc : memref<!tpu.dma_semaphore, #tpu.memory_space<semaphore_mem>>
          %dma_start3A_163 = arith.constant 0 : i32
          %dma_start3A_164 = tpu.memref_slice %arg5[%add3A_145, %run_scoped3A_154, %dma_start3A_163] : memref<32x2x128xi32, #tpu.memory_space<vmem>> -> memref<1x1x128xi32, #tpu.memory_space<vmem>>
          %dma_start3A_165 = tpu.memref_squeeze %dma_start3A_164 : memref<1x1x128xi32, #tpu.memory_space<vmem>> -> memref<128xi32, #tpu.memory_space<vmem>>
          %dma_start3A_166 = arith.constant 0 : i32
          %dma_start3A_167 = arith.constant 0 : i32
          %dma_start3A_168 = tpu.memref_slice %arg8[%dma_start3A_166, %dma_start3A_167] : memref<10240x128xf32, #tpu.memory_space<vmem_shared>> -> memref<10240x128xf32, #tpu.memory_space<vmem_shared>>
          tpu.enqueue_indirect_dma source(%arg7 : memref<128x128xf32, #tpu.memory_space<vmem>>) target(%dma_start3A_168 : memref<10240x128xf32, #tpu.memory_space<vmem_shared>>) offsets(%dma_start3A_165 : memref<128xi32, #tpu.memory_space<vmem>>) semaphore(%run_scoped3A_162 : memref<!tpu.dma_semaphore, #tpu.memory_space<semaphore_mem>>) {add = true}
          %dma_wait3A_169 = arith.constant 0 : i32
          %dma_wait3A_170 = tpu.memref_slice %arg5[%add3A_145, %run_scoped3A_154, %dma_wait3A_169] : memref<32x2x128xi32, #tpu.memory_space<vmem>> -> memref<1x1x128xi32, #tpu.memory_space<vmem>>
          %dma_wait3A_171 = tpu.memref_squeeze %dma_wait3A_170 : memref<1x1x128xi32, #tpu.memory_space<vmem>> -> memref<128xi32, #tpu.memory_space<vmem>>
          %dma_wait3A_172 = arith.constant 0 : i32
          %dma_wait3A_173 = arith.constant 0 : i32
          %dma_wait3A_174 = tpu.memref_slice %arg8[%dma_wait3A_172, %dma_wait3A_173] : memref<10240x128xf32, #tpu.memory_space<vmem_shared>> -> memref<10240x128xf32, #tpu.memory_space<vmem_shared>>
          tpu.wait_indirect_dma semaphore(%run_scoped3A_162 : memref<!tpu.dma_semaphore, #tpu.memory_space<semaphore_mem>>) src(%arg7 : memref<128x128xf32, #tpu.memory_space<vmem>>) dst(%dma_wait3A_174 : memref<10240x128xf32, #tpu.memory_space<vmem_shared>>)
          tpu.yield
        }) : () -> ()
        %add3A_155 = arith.constant 2 : i32
        %add3A_156 = arith.addi %add3A_145, %add3A_155 : i32
        %lt3A_157 = arith.constant 15 : i32
        %lt3A_158 = arith.cmpi slt, %add3A_156, %lt3A_157 : i32
        %convert_element_type3A_159 = arith.extui %lt3A_158 : i1 to i32
        %cond3A_160 = arith.constant 0 : i32
        %cond3A_161 = arith.cmpi ne, %convert_element_type3A_159, %cond3A_160 : i32
        scf.if %cond3A_161 {
          %add3A_162 = arith.constant 2 : i32
          %add3A_163 = arith.addi %add3A_145, %add3A_162 : i32
          %dma_start3A_164 = arith.constant 0 : i32
          %dma_start3A_165 = arith.constant 0 : i32
          %dma_start3A_166 = tpu.memref_slice %arg5[%add3A_163, %dma_start3A_164, %dma_start3A_165] : memref<32x2x128xi32, #tpu.memory_space<vmem>> -> memref<1x1x128xi32, #tpu.memory_space<vmem>>
          %dma_start3A_167 = tpu.memref_squeeze %dma_start3A_166 : memref<1x1x128xi32, #tpu.memory_space<vmem>> -> memref<128xi32, #tpu.memory_space<vmem>>
          %dma_start3A_168 = arith.constant 0 : i32
          %dma_start3A_169 = arith.constant 0 : i32
          %dma_start3A_170 = tpu.memref_slice %arg2[%dma_start3A_168, %dma_start3A_169] : memref<10000x128xf32, #tpu.memory_space<hbm>> -> memref<10000x128xf32, #tpu.memory_space<hbm>>
          tpu.enqueue_indirect_dma source(%dma_start3A_170 : memref<10000x128xf32, #tpu.memory_space<hbm>>) target(%arg7 : memref<128x128xf32, #tpu.memory_space<vmem>>) offsets(%dma_start3A_167 : memref<128xi32, #tpu.memory_space<vmem>>) semaphore(%arg10 : memref<!tpu.dma_semaphore, #tpu.memory_space<semaphore_mem>>)
        } else {
        }
      }
      %scan3A_114 = arith.constant 7 : i32
      %dma_wait3A = arith.constant 0 : i32
      %dma_wait3A_115 = arith.constant 0 : i32
      %dma_wait3A_116 = arith.constant 0 : i32
      %dma_wait3A_117 = tpu.memref_slice %arg5[%dma_wait3A, %dma_wait3A_115, %dma_wait3A_116] : memref<32x2x128xi32, #tpu.memory_space<vmem>> -> memref<1x1x128xi32, #tpu.memory_space<vmem>>
      %dma_wait3A_118 = tpu.memref_squeeze %dma_wait3A_117 : memref<1x1x128xi32, #tpu.memory_space<vmem>> -> memref<128xi32, #tpu.memory_space<vmem>>
      %dma_wait3A_119 = arith.constant 0 : i32
      %dma_wait3A_120 = arith.constant 0 : i32
      %dma_wait3A_121 = tpu.memref_slice %arg2[%dma_wait3A_119, %dma_wait3A_120] : memref<10000x128xf32, #tpu.memory_space<hbm>> -> memref<10000x128xf32, #tpu.memory_space<hbm>>
      tpu.wait_indirect_dma semaphore(%arg9 : memref<!tpu.dma_semaphore, #tpu.memory_space<semaphore_mem>>) src(%dma_wait3A_121 : memref<10000x128xf32, #tpu.memory_space<hbm>>) dst(%arg6 : memref<128x128xf32, #tpu.memory_space<vmem>>)
      %run_scoped3A = arith.constant 14 : i32
      %run_scoped3A_122 = arith.constant 1 : i32
      "tpu.region"() ({
        %run_scoped3A_123 = tpu.sem_alloc : memref<!tpu.dma_semaphore, #tpu.memory_space<semaphore_mem>>
        %dma_start3A_124 = arith.constant 0 : i32
        %dma_start3A_125 = tpu.memref_slice %arg5[%run_scoped3A, %run_scoped3A_122, %dma_start3A_124] : memref<32x2x128xi32, #tpu.memory_space<vmem>> -> memref<1x1x128xi32, #tpu.memory_space<vmem>>
        %dma_start3A_126 = tpu.memref_squeeze %dma_start3A_125 : memref<1x1x128xi32, #tpu.memory_space<vmem>> -> memref<128xi32, #tpu.memory_space<vmem>>
        %dma_start3A_127 = arith.constant 0 : i32
        %dma_start3A_128 = arith.constant 0 : i32
        %dma_start3A_129 = tpu.memref_slice %arg8[%dma_start3A_127, %dma_start3A_128] : memref<10240x128xf32, #tpu.memory_space<vmem_shared>> -> memref<10240x128xf32, #tpu.memory_space<vmem_shared>>
        tpu.enqueue_indirect_dma source(%arg6 : memref<128x128xf32, #tpu.memory_space<vmem>>) target(%dma_start3A_129 : memref<10240x128xf32, #tpu.memory_space<vmem_shared>>) offsets(%dma_start3A_126 : memref<128xi32, #tpu.memory_space<vmem>>) semaphore(%run_scoped3A_123 : memref<!tpu.dma_semaphore, #tpu.memory_space<semaphore_mem>>) {add = true}
        %dma_wait3A_130 = arith.constant 0 : i32
        %dma_wait3A_131 = tpu.memref_slice %arg5[%run_scoped3A, %run_scoped3A_122, %dma_wait3A_130] : memref<32x2x128xi32, #tpu.memory_space<vmem>> -> memref<1x1x128xi32, #tpu.memory_space<vmem>>
        %dma_wait3A_132 = tpu.memref_squeeze %dma_wait3A_131 : memref<1x1x128xi32, #tpu.memory_space<vmem>> -> memref<128xi32, #tpu.memory_space<vmem>>
        %dma_wait3A_133 = arith.constant 0 : i32
        %dma_wait3A_134 = arith.constant 0 : i32
        %dma_wait3A_135 = tpu.memref_slice %arg8[%dma_wait3A_133, %dma_wait3A_134] : memref<10240x128xf32, #tpu.memory_space<vmem_shared>> -> memref<10240x128xf32, #tpu.memory_space<vmem_shared>>
        tpu.wait_indirect_dma semaphore(%run_scoped3A_123 : memref<!tpu.dma_semaphore, #tpu.memory_space<semaphore_mem>>) src(%arg6 : memref<128x128xf32, #tpu.memory_space<vmem>>) dst(%dma_wait3A_135 : memref<10240x128xf32, #tpu.memory_space<vmem_shared>>)
        tpu.yield
      }) : () -> ()
    } else {
    }
    %ge3A = arith.constant 4 : i32
    %ge3A_32 = arith.cmpi sge, %add3A, %ge3A : i32
    %convert_element_type3A_33 = arith.extui %ge3A_32 : i1 to i32
    %cond3A_34 = arith.constant 0 : i32
    %cond3A_35 = arith.cmpi ne, %convert_element_type3A_33, %cond3A_34 : i32
    scf.if %cond3A_35 {
      %add3A_44 = arith.constant 0 : i32
      %add3A_45 = arith.addi %add3A_29, %add3A_44 : i32
      "tpu.region"() ({
        %run_scoped3A = tpu.sem_alloc : memref<!tpu.dma_semaphore, #tpu.memory_space<semaphore_mem>>
        %dma_start3A_115 = arith.constant 0 : i32
        %dma_start3A_116 = arith.constant 0 : i32
        %dma_start3A_117 = arith.constant 0 : i32
        %dma_start3A_118 = tpu.memref_slice %arg5[%dma_start3A_115, %dma_start3A_116, %dma_start3A_117] : memref<32x2x128xi32, #tpu.memory_space<vmem>> -> memref<32x2x128xi32, #tpu.memory_space<vmem>>
        %dma_start3A_119 = arith.constant 0 : i32
        %dma_start3A_120 = arith.constant 0 : i32
        %dma_start3A_121 = tpu.memref_slice %arg3[%add3A_45, %dma_start3A_119, %dma_start3A_120] : memref<2500x2x128xi32, #tpu.memory_space<hbm>> -> memref<32x2x128xi32, #tpu.memory_space<hbm>>
        %dma_start3A_122 = arith.constant 0 : i32
        %dma_start3A_123 = arith.constant 0 : i32
        %dma_start3A_124 = arith.constant 0 : i32
        %dma_start3A_125 = tpu.memref_slice %arg5[%dma_start3A_122, %dma_start3A_123, %dma_start3A_124] : memref<32x2x128xi32, #tpu.memory_space<vmem>> -> memref<32x2x128xi32, #tpu.memory_space<vmem>>
        %dma_start3A_126 = arith.constant 0 : i32
        %dma_start3A_127 = arith.constant 0 : i32
        %dma_start3A_128 = tpu.memref_slice %arg3[%add3A_45, %dma_start3A_126, %dma_start3A_127] : memref<2500x2x128xi32, #tpu.memory_space<hbm>> -> memref<32x2x128xi32, #tpu.memory_space<hbm>>
        tpu.enqueue_dma source(%dma_start3A_128 : memref<32x2x128xi32, #tpu.memory_space<hbm>>) target(%dma_start3A_125 : memref<32x2x128xi32, #tpu.memory_space<vmem>>) target_semaphore(%run_scoped3A : memref<!tpu.dma_semaphore, #tpu.memory_space<semaphore_mem>>)
        %dma_wait3A = arith.constant 0 : i32
        %dma_wait3A_129 = arith.constant 0 : i32
        %dma_wait3A_130 = arith.constant 0 : i32
        %dma_wait3A_131 = tpu.memref_slice %arg5[%dma_wait3A, %dma_wait3A_129, %dma_wait3A_130] : memref<32x2x128xi32, #tpu.memory_space<vmem>> -> memref<32x2x128xi32, #tpu.memory_space<vmem>>
        %dma_wait3A_132 = arith.constant 0 : i32
        %dma_wait3A_133 = arith.constant 0 : i32
        %dma_wait3A_134 = tpu.memref_slice %arg3[%add3A_45, %dma_wait3A_132, %dma_wait3A_133] : memref<2500x2x128xi32, #tpu.memory_space<hbm>> -> memref<32x2x128xi32, #tpu.memory_space<hbm>>
        %dma_wait3A_135 = arith.constant 0 : i32
        %dma_wait3A_136 = arith.constant 0 : i32
        %dma_wait3A_137 = arith.constant 0 : i32
        %dma_wait3A_138 = tpu.memref_slice %arg5[%dma_wait3A_135, %dma_wait3A_136, %dma_wait3A_137] : memref<32x2x128xi32, #tpu.memory_space<vmem>> -> memref<32x2x128xi32, #tpu.memory_space<vmem>>
        %dma_wait3A_139 = arith.constant 0 : i32
        %dma_wait3A_140 = arith.constant 0 : i32
        %dma_wait3A_141 = tpu.memref_slice %arg3[%add3A_45, %dma_wait3A_139, %dma_wait3A_140] : memref<2500x2x128xi32, #tpu.memory_space<hbm>> -> memref<32x2x128xi32, #tpu.memory_space<hbm>>
        tpu.wait_dma2 semaphore(%run_scoped3A : memref<!tpu.dma_semaphore, #tpu.memory_space<semaphore_mem>>) src(%dma_wait3A_141 : memref<32x2x128xi32, #tpu.memory_space<hbm>>) dst(%dma_wait3A_138 : memref<32x2x128xi32, #tpu.memory_space<vmem>>)
        tpu.yield
      }) : () -> ()
      %dma_start3A = arith.constant 0 : i32
      %dma_start3A_46 = arith.constant 0 : i32
      %dma_start3A_47 = arith.constant 0 : i32
      %dma_start3A_48 = tpu.memref_slice %arg5[%dma_start3A, %dma_start3A_46, %dma_start3A_47] : memref<32x2x128xi32, #tpu.memory_space<vmem>> -> memref<1x1x128xi32, #tpu.memory_space<vmem>>
      %dma_start3A_49 = tpu.memref_squeeze %dma_start3A_48 : memref<1x1x128xi32, #tpu.memory_space<vmem>> -> memref<128xi32, #tpu.memory_space<vmem>>
      %dma_start3A_50 = arith.constant 0 : i32
      %dma_start3A_51 = arith.constant 0 : i32
      %dma_start3A_52 = tpu.memref_slice %arg2[%dma_start3A_50, %dma_start3A_51] : memref<10000x128xf32, #tpu.memory_space<hbm>> -> memref<10000x128xf32, #tpu.memory_space<hbm>>
      tpu.enqueue_indirect_dma source(%dma_start3A_52 : memref<10000x128xf32, #tpu.memory_space<hbm>>) target(%arg6 : memref<128x128xf32, #tpu.memory_space<vmem>>) offsets(%dma_start3A_49 : memref<128xi32, #tpu.memory_space<vmem>>) semaphore(%arg9 : memref<!tpu.dma_semaphore, #tpu.memory_space<semaphore_mem>>)
      %dma_start3A_53 = arith.constant 1 : i32
      %dma_start3A_54 = arith.constant 0 : i32
      %dma_start3A_55 = arith.constant 0 : i32
      %dma_start3A_56 = tpu.memref_slice %arg5[%dma_start3A_53, %dma_start3A_54, %dma_start3A_55] : memref<32x2x128xi32, #tpu.memory_space<vmem>> -> memref<1x1x128xi32, #tpu.memory_space<vmem>>
      %dma_start3A_57 = tpu.memref_squeeze %dma_start3A_56 : memref<1x1x128xi32, #tpu.memory_space<vmem>> -> memref<128xi32, #tpu.memory_space<vmem>>
      %dma_start3A_58 = arith.constant 0 : i32
      %dma_start3A_59 = arith.constant 0 : i32
      %dma_start3A_60 = tpu.memref_slice %arg2[%dma_start3A_58, %dma_start3A_59] : memref<10000x128xf32, #tpu.memory_space<hbm>> -> memref<10000x128xf32, #tpu.memory_space<hbm>>
      tpu.enqueue_indirect_dma source(%dma_start3A_60 : memref<10000x128xf32, #tpu.memory_space<hbm>>) target(%arg7 : memref<128x128xf32, #tpu.memory_space<vmem>>) offsets(%dma_start3A_57 : memref<128xi32, #tpu.memory_space<vmem>>) semaphore(%arg10 : memref<!tpu.dma_semaphore, #tpu.memory_space<semaphore_mem>>)
      %scan3A_61 = arith.constant 0 : i32
      %scan3A_62 = arith.constant 0 : i32
      %scan3A_63 = arith.constant 16 : i32
      %scan3A_64 = arith.addi %scan3A_62, %scan3A_63 : i32
      %scan3A_65 = arith.constant 1 : i32
      scf.for %scan3A_115 = %scan3A_62 to %scan3A_64 step %scan3A_65  : i32 {
        %mul3A_116 = arith.constant 2 : i32
        %mul3A_117 = arith.muli %scan3A_115, %mul3A_116 : i32
        %add3A_118 = arith.constant 0 : i32
        %add3A_119 = arith.addi %mul3A_117, %add3A_118 : i32
        %dma_wait3A = arith.constant 0 : i32
        %dma_wait3A_120 = arith.constant 0 : i32
        %dma_wait3A_121 = arith.constant 0 : i32
        %dma_wait3A_122 = tpu.memref_slice %arg5[%dma_wait3A, %dma_wait3A_120, %dma_wait3A_121] : memref<32x2x128xi32, #tpu.memory_space<vmem>> -> memref<1x1x128xi32, #tpu.memory_space<vmem>>
        %dma_wait3A_123 = tpu.memref_squeeze %dma_wait3A_122 : memref<1x1x128xi32, #tpu.memory_space<vmem>> -> memref<128xi32, #tpu.memory_space<vmem>>
        %dma_wait3A_124 = arith.constant 0 : i32
        %dma_wait3A_125 = arith.constant 0 : i32
        %dma_wait3A_126 = tpu.memref_slice %arg2[%dma_wait3A_124, %dma_wait3A_125] : memref<10000x128xf32, #tpu.memory_space<hbm>> -> memref<10000x128xf32, #tpu.memory_space<hbm>>
        tpu.wait_indirect_dma semaphore(%arg9 : memref<!tpu.dma_semaphore, #tpu.memory_space<semaphore_mem>>) src(%dma_wait3A_126 : memref<10000x128xf32, #tpu.memory_space<hbm>>) dst(%arg6 : memref<128x128xf32, #tpu.memory_space<vmem>>)
        %run_scoped3A = arith.constant 1 : i32
        "tpu.region"() ({
          %run_scoped3A_152 = tpu.sem_alloc : memref<!tpu.dma_semaphore, #tpu.memory_space<semaphore_mem>>
          %dma_start3A_153 = arith.constant 0 : i32
          %dma_start3A_154 = tpu.memref_slice %arg5[%add3A_119, %run_scoped3A, %dma_start3A_153] : memref<32x2x128xi32, #tpu.memory_space<vmem>> -> memref<1x1x128xi32, #tpu.memory_space<vmem>>
          %dma_start3A_155 = tpu.memref_squeeze %dma_start3A_154 : memref<1x1x128xi32, #tpu.memory_space<vmem>> -> memref<128xi32, #tpu.memory_space<vmem>>
          %dma_start3A_156 = arith.constant 0 : i32
          %dma_start3A_157 = arith.constant 0 : i32
          %dma_start3A_158 = tpu.memref_slice %arg8[%dma_start3A_156, %dma_start3A_157] : memref<10240x128xf32, #tpu.memory_space<vmem_shared>> -> memref<10240x128xf32, #tpu.memory_space<vmem_shared>>
          tpu.enqueue_indirect_dma source(%arg6 : memref<128x128xf32, #tpu.memory_space<vmem>>) target(%dma_start3A_158 : memref<10240x128xf32, #tpu.memory_space<vmem_shared>>) offsets(%dma_start3A_155 : memref<128xi32, #tpu.memory_space<vmem>>) semaphore(%run_scoped3A_152 : memref<!tpu.dma_semaphore, #tpu.memory_space<semaphore_mem>>) {add = true}
          %dma_wait3A_159 = arith.constant 0 : i32
          %dma_wait3A_160 = tpu.memref_slice %arg5[%add3A_119, %run_scoped3A, %dma_wait3A_159] : memref<32x2x128xi32, #tpu.memory_space<vmem>> -> memref<1x1x128xi32, #tpu.memory_space<vmem>>
          %dma_wait3A_161 = tpu.memref_squeeze %dma_wait3A_160 : memref<1x1x128xi32, #tpu.memory_space<vmem>> -> memref<128xi32, #tpu.memory_space<vmem>>
          %dma_wait3A_162 = arith.constant 0 : i32
          %dma_wait3A_163 = arith.constant 0 : i32
          %dma_wait3A_164 = tpu.memref_slice %arg8[%dma_wait3A_162, %dma_wait3A_163] : memref<10240x128xf32, #tpu.memory_space<vmem_shared>> -> memref<10240x128xf32, #tpu.memory_space<vmem_shared>>
          tpu.wait_indirect_dma semaphore(%run_scoped3A_152 : memref<!tpu.dma_semaphore, #tpu.memory_space<semaphore_mem>>) src(%arg6 : memref<128x128xf32, #tpu.memory_space<vmem>>) dst(%dma_wait3A_164 : memref<10240x128xf32, #tpu.memory_space<vmem_shared>>)
          tpu.yield
        }) : () -> ()
        %add3A_127 = arith.constant 2 : i32
        %add3A_128 = arith.addi %add3A_119, %add3A_127 : i32
        %lt3A_129 = arith.constant 32 : i32
        %lt3A_130 = arith.cmpi slt, %add3A_128, %lt3A_129 : i32
        %convert_element_type3A_131 = arith.extui %lt3A_130 : i1 to i32
        %cond3A_132 = arith.constant 0 : i32
        %cond3A_133 = arith.cmpi ne, %convert_element_type3A_131, %cond3A_132 : i32
        scf.if %cond3A_133 {
          %add3A_152 = arith.constant 2 : i32
          %add3A_153 = arith.addi %add3A_119, %add3A_152 : i32
          %dma_start3A_154 = arith.constant 0 : i32
          %dma_start3A_155 = arith.constant 0 : i32
          %dma_start3A_156 = tpu.memref_slice %arg5[%add3A_153, %dma_start3A_154, %dma_start3A_155] : memref<32x2x128xi32, #tpu.memory_space<vmem>> -> memref<1x1x128xi32, #tpu.memory_space<vmem>>
          %dma_start3A_157 = tpu.memref_squeeze %dma_start3A_156 : memref<1x1x128xi32, #tpu.memory_space<vmem>> -> memref<128xi32, #tpu.memory_space<vmem>>
          %dma_start3A_158 = arith.constant 0 : i32
          %dma_start3A_159 = arith.constant 0 : i32
          %dma_start3A_160 = tpu.memref_slice %arg2[%dma_start3A_158, %dma_start3A_159] : memref<10000x128xf32, #tpu.memory_space<hbm>> -> memref<10000x128xf32, #tpu.memory_space<hbm>>
          tpu.enqueue_indirect_dma source(%dma_start3A_160 : memref<10000x128xf32, #tpu.memory_space<hbm>>) target(%arg6 : memref<128x128xf32, #tpu.memory_space<vmem>>) offsets(%dma_start3A_157 : memref<128xi32, #tpu.memory_space<vmem>>) semaphore(%arg9 : memref<!tpu.dma_semaphore, #tpu.memory_space<semaphore_mem>>)
        } else {
        }
        %add3A_134 = arith.constant 1 : i32
        %add3A_135 = arith.addi %mul3A_117, %add3A_134 : i32
        %dma_wait3A_136 = arith.constant 0 : i32
        %dma_wait3A_137 = arith.constant 0 : i32
        %dma_wait3A_138 = arith.constant 0 : i32
        %dma_wait3A_139 = tpu.memref_slice %arg5[%dma_wait3A_136, %dma_wait3A_137, %dma_wait3A_138] : memref<32x2x128xi32, #tpu.memory_space<vmem>> -> memref<1x1x128xi32, #tpu.memory_space<vmem>>
        %dma_wait3A_140 = tpu.memref_squeeze %dma_wait3A_139 : memref<1x1x128xi32, #tpu.memory_space<vmem>> -> memref<128xi32, #tpu.memory_space<vmem>>
        %dma_wait3A_141 = arith.constant 0 : i32
        %dma_wait3A_142 = arith.constant 0 : i32
        %dma_wait3A_143 = tpu.memref_slice %arg2[%dma_wait3A_141, %dma_wait3A_142] : memref<10000x128xf32, #tpu.memory_space<hbm>> -> memref<10000x128xf32, #tpu.memory_space<hbm>>
        tpu.wait_indirect_dma semaphore(%arg10 : memref<!tpu.dma_semaphore, #tpu.memory_space<semaphore_mem>>) src(%dma_wait3A_143 : memref<10000x128xf32, #tpu.memory_space<hbm>>) dst(%arg7 : memref<128x128xf32, #tpu.memory_space<vmem>>)
        %run_scoped3A_144 = arith.constant 1 : i32
        "tpu.region"() ({
          %run_scoped3A_152 = tpu.sem_alloc : memref<!tpu.dma_semaphore, #tpu.memory_space<semaphore_mem>>
          %dma_start3A_153 = arith.constant 0 : i32
          %dma_start3A_154 = tpu.memref_slice %arg5[%add3A_135, %run_scoped3A_144, %dma_start3A_153] : memref<32x2x128xi32, #tpu.memory_space<vmem>> -> memref<1x1x128xi32, #tpu.memory_space<vmem>>
          %dma_start3A_155 = tpu.memref_squeeze %dma_start3A_154 : memref<1x1x128xi32, #tpu.memory_space<vmem>> -> memref<128xi32, #tpu.memory_space<vmem>>
          %dma_start3A_156 = arith.constant 0 : i32
          %dma_start3A_157 = arith.constant 0 : i32
          %dma_start3A_158 = tpu.memref_slice %arg8[%dma_start3A_156, %dma_start3A_157] : memref<10240x128xf32, #tpu.memory_space<vmem_shared>> -> memref<10240x128xf32, #tpu.memory_space<vmem_shared>>
          tpu.enqueue_indirect_dma source(%arg7 : memref<128x128xf32, #tpu.memory_space<vmem>>) target(%dma_start3A_158 : memref<10240x128xf32, #tpu.memory_space<vmem_shared>>) offsets(%dma_start3A_155 : memref<128xi32, #tpu.memory_space<vmem>>) semaphore(%run_scoped3A_152 : memref<!tpu.dma_semaphore, #tpu.memory_space<semaphore_mem>>) {add = true}
          %dma_wait3A_159 = arith.constant 0 : i32
          %dma_wait3A_160 = tpu.memref_slice %arg5[%add3A_135, %run_scoped3A_144, %dma_wait3A_159] : memref<32x2x128xi32, #tpu.memory_space<vmem>> -> memref<1x1x128xi32, #tpu.memory_space<vmem>>
          %dma_wait3A_161 = tpu.memref_squeeze %dma_wait3A_160 : memref<1x1x128xi32, #tpu.memory_space<vmem>> -> memref<128xi32, #tpu.memory_space<vmem>>
          %dma_wait3A_162 = arith.constant 0 : i32
          %dma_wait3A_163 = arith.constant 0 : i32
          %dma_wait3A_164 = tpu.memref_slice %arg8[%dma_wait3A_162, %dma_wait3A_163] : memref<10240x128xf32, #tpu.memory_space<vmem_shared>> -> memref<10240x128xf32, #tpu.memory_space<vmem_shared>>
          tpu.wait_indirect_dma semaphore(%run_scoped3A_152 : memref<!tpu.dma_semaphore, #tpu.memory_space<semaphore_mem>>) src(%arg7 : memref<128x128xf32, #tpu.memory_space<vmem>>) dst(%dma_wait3A_164 : memref<10240x128xf32, #tpu.memory_space<vmem_shared>>)
          tpu.yield
        }) : () -> ()
        %add3A_145 = arith.constant 2 : i32
        %add3A_146 = arith.addi %add3A_135, %add3A_145 : i32
        %lt3A_147 = arith.constant 32 : i32
        %lt3A_148 = arith.cmpi slt, %add3A_146, %lt3A_147 : i32
        %convert_element_type3A_149 = arith.extui %lt3A_148 : i1 to i32
        %cond3A_150 = arith.constant 0 : i32
        %cond3A_151 = arith.cmpi ne, %convert_element_type3A_149, %cond3A_150 : i32
        scf.if %cond3A_151 {
          %add3A_152 = arith.constant 2 : i32
          %add3A_153 = arith.addi %add3A_135, %add3A_152 : i32
          %dma_start3A_154 = arith.constant 0 : i32
          %dma_start3A_155 = arith.constant 0 : i32
          %dma_start3A_156 = tpu.memref_slice %arg5[%add3A_153, %dma_start3A_154, %dma_start3A_155] : memref<32x2x128xi32, #tpu.memory_space<vmem>> -> memref<1x1x128xi32, #tpu.memory_space<vmem>>
          %dma_start3A_157 = tpu.memref_squeeze %dma_start3A_156 : memref<1x1x128xi32, #tpu.memory_space<vmem>> -> memref<128xi32, #tpu.memory_space<vmem>>
          %dma_start3A_158 = arith.constant 0 : i32
          %dma_start3A_159 = arith.constant 0 : i32
          %dma_start3A_160 = tpu.memref_slice %arg2[%dma_start3A_158, %dma_start3A_159] : memref<10000x128xf32, #tpu.memory_space<hbm>> -> memref<10000x128xf32, #tpu.memory_space<hbm>>
          tpu.enqueue_indirect_dma source(%dma_start3A_160 : memref<10000x128xf32, #tpu.memory_space<hbm>>) target(%arg7 : memref<128x128xf32, #tpu.memory_space<vmem>>) offsets(%dma_start3A_157 : memref<128xi32, #tpu.memory_space<vmem>>) semaphore(%arg10 : memref<!tpu.dma_semaphore, #tpu.memory_space<semaphore_mem>>)
        } else {
        }
      }
      %scan3A_66 = arith.constant 16 : i32
      %add3A_67 = arith.constant 32 : i32
      %add3A_68 = arith.addi %add3A_29, %add3A_67 : i32
      "tpu.region"() ({
        %run_scoped3A = tpu.sem_alloc : memref<!tpu.dma_semaphore, #tpu.memory_space<semaphore_mem>>
        %dma_start3A_115 = arith.constant 0 : i32
        %dma_start3A_116 = arith.constant 0 : i32
        %dma_start3A_117 = arith.constant 0 : i32
        %dma_start3A_118 = tpu.memref_slice %arg5[%dma_start3A_115, %dma_start3A_116, %dma_start3A_117] : memref<32x2x128xi32, #tpu.memory_space<vmem>> -> memref<32x2x128xi32, #tpu.memory_space<vmem>>
        %dma_start3A_119 = arith.constant 0 : i32
        %dma_start3A_120 = arith.constant 0 : i32
        %dma_start3A_121 = tpu.memref_slice %arg3[%add3A_68, %dma_start3A_119, %dma_start3A_120] : memref<2500x2x128xi32, #tpu.memory_space<hbm>> -> memref<32x2x128xi32, #tpu.memory_space<hbm>>
        %dma_start3A_122 = arith.constant 0 : i32
        %dma_start3A_123 = arith.constant 0 : i32
        %dma_start3A_124 = arith.constant 0 : i32
        %dma_start3A_125 = tpu.memref_slice %arg5[%dma_start3A_122, %dma_start3A_123, %dma_start3A_124] : memref<32x2x128xi32, #tpu.memory_space<vmem>> -> memref<32x2x128xi32, #tpu.memory_space<vmem>>
        %dma_start3A_126 = arith.constant 0 : i32
        %dma_start3A_127 = arith.constant 0 : i32
        %dma_start3A_128 = tpu.memref_slice %arg3[%add3A_68, %dma_start3A_126, %dma_start3A_127] : memref<2500x2x128xi32, #tpu.memory_space<hbm>> -> memref<32x2x128xi32, #tpu.memory_space<hbm>>
        tpu.enqueue_dma source(%dma_start3A_128 : memref<32x2x128xi32, #tpu.memory_space<hbm>>) target(%dma_start3A_125 : memref<32x2x128xi32, #tpu.memory_space<vmem>>) target_semaphore(%run_scoped3A : memref<!tpu.dma_semaphore, #tpu.memory_space<semaphore_mem>>)
        %dma_wait3A = arith.constant 0 : i32
        %dma_wait3A_129 = arith.constant 0 : i32
        %dma_wait3A_130 = arith.constant 0 : i32
        %dma_wait3A_131 = tpu.memref_slice %arg5[%dma_wait3A, %dma_wait3A_129, %dma_wait3A_130] : memref<32x2x128xi32, #tpu.memory_space<vmem>> -> memref<32x2x128xi32, #tpu.memory_space<vmem>>
        %dma_wait3A_132 = arith.constant 0 : i32
        %dma_wait3A_133 = arith.constant 0 : i32
        %dma_wait3A_134 = tpu.memref_slice %arg3[%add3A_68, %dma_wait3A_132, %dma_wait3A_133] : memref<2500x2x128xi32, #tpu.memory_space<hbm>> -> memref<32x2x128xi32, #tpu.memory_space<hbm>>
        %dma_wait3A_135 = arith.constant 0 : i32
        %dma_wait3A_136 = arith.constant 0 : i32
        %dma_wait3A_137 = arith.constant 0 : i32
        %dma_wait3A_138 = tpu.memref_slice %arg5[%dma_wait3A_135, %dma_wait3A_136, %dma_wait3A_137] : memref<32x2x128xi32, #tpu.memory_space<vmem>> -> memref<32x2x128xi32, #tpu.memory_space<vmem>>
        %dma_wait3A_139 = arith.constant 0 : i32
        %dma_wait3A_140 = arith.constant 0 : i32
        %dma_wait3A_141 = tpu.memref_slice %arg3[%add3A_68, %dma_wait3A_139, %dma_wait3A_140] : memref<2500x2x128xi32, #tpu.memory_space<hbm>> -> memref<32x2x128xi32, #tpu.memory_space<hbm>>
        tpu.wait_dma2 semaphore(%run_scoped3A : memref<!tpu.dma_semaphore, #tpu.memory_space<semaphore_mem>>) src(%dma_wait3A_141 : memref<32x2x128xi32, #tpu.memory_space<hbm>>) dst(%dma_wait3A_138 : memref<32x2x128xi32, #tpu.memory_space<vmem>>)
        tpu.yield
      }) : () -> ()
      %dma_start3A_69 = arith.constant 0 : i32
      %dma_start3A_70 = arith.constant 0 : i32
      %dma_start3A_71 = arith.constant 0 : i32
      %dma_start3A_72 = tpu.memref_slice %arg5[%dma_start3A_69, %dma_start3A_70, %dma_start3A_71] : memref<32x2x128xi32, #tpu.memory_space<vmem>> -> memref<1x1x128xi32, #tpu.memory_space<vmem>>
      %dma_start3A_73 = tpu.memref_squeeze %dma_start3A_72 : memref<1x1x128xi32, #tpu.memory_space<vmem>> -> memref<128xi32, #tpu.memory_space<vmem>>
      %dma_start3A_74 = arith.constant 0 : i32
      %dma_start3A_75 = arith.constant 0 : i32
      %dma_start3A_76 = tpu.memref_slice %arg2[%dma_start3A_74, %dma_start3A_75] : memref<10000x128xf32, #tpu.memory_space<hbm>> -> memref<10000x128xf32, #tpu.memory_space<hbm>>
      tpu.enqueue_indirect_dma source(%dma_start3A_76 : memref<10000x128xf32, #tpu.memory_space<hbm>>) target(%arg6 : memref<128x128xf32, #tpu.memory_space<vmem>>) offsets(%dma_start3A_73 : memref<128xi32, #tpu.memory_space<vmem>>) semaphore(%arg9 : memref<!tpu.dma_semaphore, #tpu.memory_space<semaphore_mem>>)
      %dma_start3A_77 = arith.constant 1 : i32
      %dma_start3A_78 = arith.constant 0 : i32
      %dma_start3A_79 = arith.constant 0 : i32
      %dma_start3A_80 = tpu.memref_slice %arg5[%dma_start3A_77, %dma_start3A_78, %dma_start3A_79] : memref<32x2x128xi32, #tpu.memory_space<vmem>> -> memref<1x1x128xi32, #tpu.memory_space<vmem>>
      %dma_start3A_81 = tpu.memref_squeeze %dma_start3A_80 : memref<1x1x128xi32, #tpu.memory_space<vmem>> -> memref<128xi32, #tpu.memory_space<vmem>>
      %dma_start3A_82 = arith.constant 0 : i32
      %dma_start3A_83 = arith.constant 0 : i32
      %dma_start3A_84 = tpu.memref_slice %arg2[%dma_start3A_82, %dma_start3A_83] : memref<10000x128xf32, #tpu.memory_space<hbm>> -> memref<10000x128xf32, #tpu.memory_space<hbm>>
      tpu.enqueue_indirect_dma source(%dma_start3A_84 : memref<10000x128xf32, #tpu.memory_space<hbm>>) target(%arg7 : memref<128x128xf32, #tpu.memory_space<vmem>>) offsets(%dma_start3A_81 : memref<128xi32, #tpu.memory_space<vmem>>) semaphore(%arg10 : memref<!tpu.dma_semaphore, #tpu.memory_space<semaphore_mem>>)
      %scan3A_85 = arith.constant 0 : i32
      %scan3A_86 = arith.constant 0 : i32
      %scan3A_87 = arith.constant 16 : i32
      %scan3A_88 = arith.addi %scan3A_86, %scan3A_87 : i32
      %scan3A_89 = arith.constant 1 : i32
      scf.for %scan3A_115 = %scan3A_86 to %scan3A_88 step %scan3A_89  : i32 {
        %mul3A_116 = arith.constant 2 : i32
        %mul3A_117 = arith.muli %scan3A_115, %mul3A_116 : i32
        %add3A_118 = arith.constant 0 : i32
        %add3A_119 = arith.addi %mul3A_117, %add3A_118 : i32
        %dma_wait3A = arith.constant 0 : i32
        %dma_wait3A_120 = arith.constant 0 : i32
        %dma_wait3A_121 = arith.constant 0 : i32
        %dma_wait3A_122 = tpu.memref_slice %arg5[%dma_wait3A, %dma_wait3A_120, %dma_wait3A_121] : memref<32x2x128xi32, #tpu.memory_space<vmem>> -> memref<1x1x128xi32, #tpu.memory_space<vmem>>
        %dma_wait3A_123 = tpu.memref_squeeze %dma_wait3A_122 : memref<1x1x128xi32, #tpu.memory_space<vmem>> -> memref<128xi32, #tpu.memory_space<vmem>>
        %dma_wait3A_124 = arith.constant 0 : i32
        %dma_wait3A_125 = arith.constant 0 : i32
        %dma_wait3A_126 = tpu.memref_slice %arg2[%dma_wait3A_124, %dma_wait3A_125] : memref<10000x128xf32, #tpu.memory_space<hbm>> -> memref<10000x128xf32, #tpu.memory_space<hbm>>
        tpu.wait_indirect_dma semaphore(%arg9 : memref<!tpu.dma_semaphore, #tpu.memory_space<semaphore_mem>>) src(%dma_wait3A_126 : memref<10000x128xf32, #tpu.memory_space<hbm>>) dst(%arg6 : memref<128x128xf32, #tpu.memory_space<vmem>>)
        %run_scoped3A = arith.constant 1 : i32
        "tpu.region"() ({
          %run_scoped3A_152 = tpu.sem_alloc : memref<!tpu.dma_semaphore, #tpu.memory_space<semaphore_mem>>
          %dma_start3A_153 = arith.constant 0 : i32
          %dma_start3A_154 = tpu.memref_slice %arg5[%add3A_119, %run_scoped3A, %dma_start3A_153] : memref<32x2x128xi32, #tpu.memory_space<vmem>> -> memref<1x1x128xi32, #tpu.memory_space<vmem>>
          %dma_start3A_155 = tpu.memref_squeeze %dma_start3A_154 : memref<1x1x128xi32, #tpu.memory_space<vmem>> -> memref<128xi32, #tpu.memory_space<vmem>>
          %dma_start3A_156 = arith.constant 0 : i32
          %dma_start3A_157 = arith.constant 0 : i32
          %dma_start3A_158 = tpu.memref_slice %arg8[%dma_start3A_156, %dma_start3A_157] : memref<10240x128xf32, #tpu.memory_space<vmem_shared>> -> memref<10240x128xf32, #tpu.memory_space<vmem_shared>>
          tpu.enqueue_indirect_dma source(%arg6 : memref<128x128xf32, #tpu.memory_space<vmem>>) target(%dma_start3A_158 : memref<10240x128xf32, #tpu.memory_space<vmem_shared>>) offsets(%dma_start3A_155 : memref<128xi32, #tpu.memory_space<vmem>>) semaphore(%run_scoped3A_152 : memref<!tpu.dma_semaphore, #tpu.memory_space<semaphore_mem>>) {add = true}
          %dma_wait3A_159 = arith.constant 0 : i32
          %dma_wait3A_160 = tpu.memref_slice %arg5[%add3A_119, %run_scoped3A, %dma_wait3A_159] : memref<32x2x128xi32, #tpu.memory_space<vmem>> -> memref<1x1x128xi32, #tpu.memory_space<vmem>>
          %dma_wait3A_161 = tpu.memref_squeeze %dma_wait3A_160 : memref<1x1x128xi32, #tpu.memory_space<vmem>> -> memref<128xi32, #tpu.memory_space<vmem>>
          %dma_wait3A_162 = arith.constant 0 : i32
          %dma_wait3A_163 = arith.constant 0 : i32
          %dma_wait3A_164 = tpu.memref_slice %arg8[%dma_wait3A_162, %dma_wait3A_163] : memref<10240x128xf32, #tpu.memory_space<vmem_shared>> -> memref<10240x128xf32, #tpu.memory_space<vmem_shared>>
          tpu.wait_indirect_dma semaphore(%run_scoped3A_152 : memref<!tpu.dma_semaphore, #tpu.memory_space<semaphore_mem>>) src(%arg6 : memref<128x128xf32, #tpu.memory_space<vmem>>) dst(%dma_wait3A_164 : memref<10240x128xf32, #tpu.memory_space<vmem_shared>>)
          tpu.yield
        }) : () -> ()
        %add3A_127 = arith.constant 2 : i32
        %add3A_128 = arith.addi %add3A_119, %add3A_127 : i32
        %lt3A_129 = arith.constant 32 : i32
        %lt3A_130 = arith.cmpi slt, %add3A_128, %lt3A_129 : i32
        %convert_element_type3A_131 = arith.extui %lt3A_130 : i1 to i32
        %cond3A_132 = arith.constant 0 : i32
        %cond3A_133 = arith.cmpi ne, %convert_element_type3A_131, %cond3A_132 : i32
        scf.if %cond3A_133 {
          %add3A_152 = arith.constant 2 : i32
          %add3A_153 = arith.addi %add3A_119, %add3A_152 : i32
          %dma_start3A_154 = arith.constant 0 : i32
          %dma_start3A_155 = arith.constant 0 : i32
          %dma_start3A_156 = tpu.memref_slice %arg5[%add3A_153, %dma_start3A_154, %dma_start3A_155] : memref<32x2x128xi32, #tpu.memory_space<vmem>> -> memref<1x1x128xi32, #tpu.memory_space<vmem>>
          %dma_start3A_157 = tpu.memref_squeeze %dma_start3A_156 : memref<1x1x128xi32, #tpu.memory_space<vmem>> -> memref<128xi32, #tpu.memory_space<vmem>>
          %dma_start3A_158 = arith.constant 0 : i32
          %dma_start3A_159 = arith.constant 0 : i32
          %dma_start3A_160 = tpu.memref_slice %arg2[%dma_start3A_158, %dma_start3A_159] : memref<10000x128xf32, #tpu.memory_space<hbm>> -> memref<10000x128xf32, #tpu.memory_space<hbm>>
          tpu.enqueue_indirect_dma source(%dma_start3A_160 : memref<10000x128xf32, #tpu.memory_space<hbm>>) target(%arg6 : memref<128x128xf32, #tpu.memory_space<vmem>>) offsets(%dma_start3A_157 : memref<128xi32, #tpu.memory_space<vmem>>) semaphore(%arg9 : memref<!tpu.dma_semaphore, #tpu.memory_space<semaphore_mem>>)
        } else {
        }
        %add3A_134 = arith.constant 1 : i32
        %add3A_135 = arith.addi %mul3A_117, %add3A_134 : i32
        %dma_wait3A_136 = arith.constant 0 : i32
        %dma_wait3A_137 = arith.constant 0 : i32
        %dma_wait3A_138 = arith.constant 0 : i32
        %dma_wait3A_139 = tpu.memref_slice %arg5[%dma_wait3A_136, %dma_wait3A_137, %dma_wait3A_138] : memref<32x2x128xi32, #tpu.memory_space<vmem>> -> memref<1x1x128xi32, #tpu.memory_space<vmem>>
        %dma_wait3A_140 = tpu.memref_squeeze %dma_wait3A_139 : memref<1x1x128xi32, #tpu.memory_space<vmem>> -> memref<128xi32, #tpu.memory_space<vmem>>
        %dma_wait3A_141 = arith.constant 0 : i32
        %dma_wait3A_142 = arith.constant 0 : i32
        %dma_wait3A_143 = tpu.memref_slice %arg2[%dma_wait3A_141, %dma_wait3A_142] : memref<10000x128xf32, #tpu.memory_space<hbm>> -> memref<10000x128xf32, #tpu.memory_space<hbm>>
        tpu.wait_indirect_dma semaphore(%arg10 : memref<!tpu.dma_semaphore, #tpu.memory_space<semaphore_mem>>) src(%dma_wait3A_143 : memref<10000x128xf32, #tpu.memory_space<hbm>>) dst(%arg7 : memref<128x128xf32, #tpu.memory_space<vmem>>)
        %run_scoped3A_144 = arith.constant 1 : i32
        "tpu.region"() ({
          %run_scoped3A_152 = tpu.sem_alloc : memref<!tpu.dma_semaphore, #tpu.memory_space<semaphore_mem>>
          %dma_start3A_153 = arith.constant 0 : i32
          %dma_start3A_154 = tpu.memref_slice %arg5[%add3A_135, %run_scoped3A_144, %dma_start3A_153] : memref<32x2x128xi32, #tpu.memory_space<vmem>> -> memref<1x1x128xi32, #tpu.memory_space<vmem>>
          %dma_start3A_155 = tpu.memref_squeeze %dma_start3A_154 : memref<1x1x128xi32, #tpu.memory_space<vmem>> -> memref<128xi32, #tpu.memory_space<vmem>>
          %dma_start3A_156 = arith.constant 0 : i32
          %dma_start3A_157 = arith.constant 0 : i32
          %dma_start3A_158 = tpu.memref_slice %arg8[%dma_start3A_156, %dma_start3A_157] : memref<10240x128xf32, #tpu.memory_space<vmem_shared>> -> memref<10240x128xf32, #tpu.memory_space<vmem_shared>>
          tpu.enqueue_indirect_dma source(%arg7 : memref<128x128xf32, #tpu.memory_space<vmem>>) target(%dma_start3A_158 : memref<10240x128xf32, #tpu.memory_space<vmem_shared>>) offsets(%dma_start3A_155 : memref<128xi32, #tpu.memory_space<vmem>>) semaphore(%run_scoped3A_152 : memref<!tpu.dma_semaphore, #tpu.memory_space<semaphore_mem>>) {add = true}
          %dma_wait3A_159 = arith.constant 0 : i32
          %dma_wait3A_160 = tpu.memref_slice %arg5[%add3A_135, %run_scoped3A_144, %dma_wait3A_159] : memref<32x2x128xi32, #tpu.memory_space<vmem>> -> memref<1x1x128xi32, #tpu.memory_space<vmem>>
          %dma_wait3A_161 = tpu.memref_squeeze %dma_wait3A_160 : memref<1x1x128xi32, #tpu.memory_space<vmem>> -> memref<128xi32, #tpu.memory_space<vmem>>
          %dma_wait3A_162 = arith.constant 0 : i32
          %dma_wait3A_163 = arith.constant 0 : i32
          %dma_wait3A_164 = tpu.memref_slice %arg8[%dma_wait3A_162, %dma_wait3A_163] : memref<10240x128xf32, #tpu.memory_space<vmem_shared>> -> memref<10240x128xf32, #tpu.memory_space<vmem_shared>>
          tpu.wait_indirect_dma semaphore(%run_scoped3A_152 : memref<!tpu.dma_semaphore, #tpu.memory_space<semaphore_mem>>) src(%arg7 : memref<128x128xf32, #tpu.memory_space<vmem>>) dst(%dma_wait3A_164 : memref<10240x128xf32, #tpu.memory_space<vmem_shared>>)
          tpu.yield
        }) : () -> ()
        %add3A_145 = arith.constant 2 : i32
        %add3A_146 = arith.addi %add3A_135, %add3A_145 : i32
        %lt3A_147 = arith.constant 32 : i32
        %lt3A_148 = arith.cmpi slt, %add3A_146, %lt3A_147 : i32
        %convert_element_type3A_149 = arith.extui %lt3A_148 : i1 to i32
        %cond3A_150 = arith.constant 0 : i32
        %cond3A_151 = arith.cmpi ne, %convert_element_type3A_149, %cond3A_150 : i32
        scf.if %cond3A_151 {
          %add3A_152 = arith.constant 2 : i32
          %add3A_153 = arith.addi %add3A_135, %add3A_152 : i32
          %dma_start3A_154 = arith.constant 0 : i32
          %dma_start3A_155 = arith.constant 0 : i32
          %dma_start3A_156 = tpu.memref_slice %arg5[%add3A_153, %dma_start3A_154, %dma_start3A_155] : memref<32x2x128xi32, #tpu.memory_space<vmem>> -> memref<1x1x128xi32, #tpu.memory_space<vmem>>
          %dma_start3A_157 = tpu.memref_squeeze %dma_start3A_156 : memref<1x1x128xi32, #tpu.memory_space<vmem>> -> memref<128xi32, #tpu.memory_space<vmem>>
          %dma_start3A_158 = arith.constant 0 : i32
          %dma_start3A_159 = arith.constant 0 : i32
          %dma_start3A_160 = tpu.memref_slice %arg2[%dma_start3A_158, %dma_start3A_159] : memref<10000x128xf32, #tpu.memory_space<hbm>> -> memref<10000x128xf32, #tpu.memory_space<hbm>>
          tpu.enqueue_indirect_dma source(%dma_start3A_160 : memref<10000x128xf32, #tpu.memory_space<hbm>>) target(%arg7 : memref<128x128xf32, #tpu.memory_space<vmem>>) offsets(%dma_start3A_157 : memref<128xi32, #tpu.memory_space<vmem>>) semaphore(%arg10 : memref<!tpu.dma_semaphore, #tpu.memory_space<semaphore_mem>>)
        } else {
        }
      }
      %scan3A_90 = arith.constant 16 : i32
      %add3A_91 = arith.constant 64 : i32
      %add3A_92 = arith.addi %add3A_29, %add3A_91 : i32
      "tpu.region"() ({
        %run_scoped3A = tpu.sem_alloc : memref<!tpu.dma_semaphore, #tpu.memory_space<semaphore_mem>>
        %dma_start3A_115 = arith.constant 0 : i32
        %dma_start3A_116 = arith.constant 0 : i32
        %dma_start3A_117 = arith.constant 0 : i32
        %dma_start3A_118 = tpu.memref_slice %arg5[%dma_start3A_115, %dma_start3A_116, %dma_start3A_117] : memref<32x2x128xi32, #tpu.memory_space<vmem>> -> memref<14x2x128xi32, #tpu.memory_space<vmem>>
        %dma_start3A_119 = arith.constant 0 : i32
        %dma_start3A_120 = arith.constant 0 : i32
        %dma_start3A_121 = tpu.memref_slice %arg3[%add3A_92, %dma_start3A_119, %dma_start3A_120] : memref<2500x2x128xi32, #tpu.memory_space<hbm>> -> memref<14x2x128xi32, #tpu.memory_space<hbm>>
        %dma_start3A_122 = arith.constant 0 : i32
        %dma_start3A_123 = arith.constant 0 : i32
        %dma_start3A_124 = arith.constant 0 : i32
        %dma_start3A_125 = tpu.memref_slice %arg5[%dma_start3A_122, %dma_start3A_123, %dma_start3A_124] : memref<32x2x128xi32, #tpu.memory_space<vmem>> -> memref<14x2x128xi32, #tpu.memory_space<vmem>>
        %dma_start3A_126 = arith.constant 0 : i32
        %dma_start3A_127 = arith.constant 0 : i32
        %dma_start3A_128 = tpu.memref_slice %arg3[%add3A_92, %dma_start3A_126, %dma_start3A_127] : memref<2500x2x128xi32, #tpu.memory_space<hbm>> -> memref<14x2x128xi32, #tpu.memory_space<hbm>>
        tpu.enqueue_dma source(%dma_start3A_128 : memref<14x2x128xi32, #tpu.memory_space<hbm>>) target(%dma_start3A_125 : memref<14x2x128xi32, #tpu.memory_space<vmem>>) target_semaphore(%run_scoped3A : memref<!tpu.dma_semaphore, #tpu.memory_space<semaphore_mem>>)
        %dma_wait3A = arith.constant 0 : i32
        %dma_wait3A_129 = arith.constant 0 : i32
        %dma_wait3A_130 = arith.constant 0 : i32
        %dma_wait3A_131 = tpu.memref_slice %arg5[%dma_wait3A, %dma_wait3A_129, %dma_wait3A_130] : memref<32x2x128xi32, #tpu.memory_space<vmem>> -> memref<14x2x128xi32, #tpu.memory_space<vmem>>
        %dma_wait3A_132 = arith.constant 0 : i32
        %dma_wait3A_133 = arith.constant 0 : i32
        %dma_wait3A_134 = tpu.memref_slice %arg3[%add3A_92, %dma_wait3A_132, %dma_wait3A_133] : memref<2500x2x128xi32, #tpu.memory_space<hbm>> -> memref<14x2x128xi32, #tpu.memory_space<hbm>>
        %dma_wait3A_135 = arith.constant 0 : i32
        %dma_wait3A_136 = arith.constant 0 : i32
        %dma_wait3A_137 = arith.constant 0 : i32
        %dma_wait3A_138 = tpu.memref_slice %arg5[%dma_wait3A_135, %dma_wait3A_136, %dma_wait3A_137] : memref<32x2x128xi32, #tpu.memory_space<vmem>> -> memref<14x2x128xi32, #tpu.memory_space<vmem>>
        %dma_wait3A_139 = arith.constant 0 : i32
        %dma_wait3A_140 = arith.constant 0 : i32
        %dma_wait3A_141 = tpu.memref_slice %arg3[%add3A_92, %dma_wait3A_139, %dma_wait3A_140] : memref<2500x2x128xi32, #tpu.memory_space<hbm>> -> memref<14x2x128xi32, #tpu.memory_space<hbm>>
        tpu.wait_dma2 semaphore(%run_scoped3A : memref<!tpu.dma_semaphore, #tpu.memory_space<semaphore_mem>>) src(%dma_wait3A_141 : memref<14x2x128xi32, #tpu.memory_space<hbm>>) dst(%dma_wait3A_138 : memref<14x2x128xi32, #tpu.memory_space<vmem>>)
        tpu.yield
      }) : () -> ()
      %dma_start3A_93 = arith.constant 0 : i32
      %dma_start3A_94 = arith.constant 0 : i32
      %dma_start3A_95 = arith.constant 0 : i32
      %dma_start3A_96 = tpu.memref_slice %arg5[%dma_start3A_93, %dma_start3A_94, %dma_start3A_95] : memref<32x2x128xi32, #tpu.memory_space<vmem>> -> memref<1x1x128xi32, #tpu.memory_space<vmem>>
      %dma_start3A_97 = tpu.memref_squeeze %dma_start3A_96 : memref<1x1x128xi32, #tpu.memory_space<vmem>> -> memref<128xi32, #tpu.memory_space<vmem>>
      %dma_start3A_98 = arith.constant 0 : i32
      %dma_start3A_99 = arith.constant 0 : i32
      %dma_start3A_100 = tpu.memref_slice %arg2[%dma_start3A_98, %dma_start3A_99] : memref<10000x128xf32, #tpu.memory_space<hbm>> -> memref<10000x128xf32, #tpu.memory_space<hbm>>
      tpu.enqueue_indirect_dma source(%dma_start3A_100 : memref<10000x128xf32, #tpu.memory_space<hbm>>) target(%arg6 : memref<128x128xf32, #tpu.memory_space<vmem>>) offsets(%dma_start3A_97 : memref<128xi32, #tpu.memory_space<vmem>>) semaphore(%arg9 : memref<!tpu.dma_semaphore, #tpu.memory_space<semaphore_mem>>)
      %dma_start3A_101 = arith.constant 1 : i32
      %dma_start3A_102 = arith.constant 0 : i32
      %dma_start3A_103 = arith.constant 0 : i32
      %dma_start3A_104 = tpu.memref_slice %arg5[%dma_start3A_101, %dma_start3A_102, %dma_start3A_103] : memref<32x2x128xi32, #tpu.memory_space<vmem>> -> memref<1x1x128xi32, #tpu.memory_space<vmem>>
      %dma_start3A_105 = tpu.memref_squeeze %dma_start3A_104 : memref<1x1x128xi32, #tpu.memory_space<vmem>> -> memref<128xi32, #tpu.memory_space<vmem>>
      %dma_start3A_106 = arith.constant 0 : i32
      %dma_start3A_107 = arith.constant 0 : i32
      %dma_start3A_108 = tpu.memref_slice %arg2[%dma_start3A_106, %dma_start3A_107] : memref<10000x128xf32, #tpu.memory_space<hbm>> -> memref<10000x128xf32, #tpu.memory_space<hbm>>
      tpu.enqueue_indirect_dma source(%dma_start3A_108 : memref<10000x128xf32, #tpu.memory_space<hbm>>) target(%arg7 : memref<128x128xf32, #tpu.memory_space<vmem>>) offsets(%dma_start3A_105 : memref<128xi32, #tpu.memory_space<vmem>>) semaphore(%arg10 : memref<!tpu.dma_semaphore, #tpu.memory_space<semaphore_mem>>)
      %scan3A_109 = arith.constant 0 : i32
      %scan3A_110 = arith.constant 0 : i32
      %scan3A_111 = arith.constant 7 : i32
      %scan3A_112 = arith.addi %scan3A_110, %scan3A_111 : i32
      %scan3A_113 = arith.constant 1 : i32
      scf.for %scan3A_115 = %scan3A_110 to %scan3A_112 step %scan3A_113  : i32 {
        %mul3A_116 = arith.constant 2 : i32
        %mul3A_117 = arith.muli %scan3A_115, %mul3A_116 : i32
        %add3A_118 = arith.constant 0 : i32
        %add3A_119 = arith.addi %mul3A_117, %add3A_118 : i32
        %dma_wait3A = arith.constant 0 : i32
        %dma_wait3A_120 = arith.constant 0 : i32
        %dma_wait3A_121 = arith.constant 0 : i32
        %dma_wait3A_122 = tpu.memref_slice %arg5[%dma_wait3A, %dma_wait3A_120, %dma_wait3A_121] : memref<32x2x128xi32, #tpu.memory_space<vmem>> -> memref<1x1x128xi32, #tpu.memory_space<vmem>>
        %dma_wait3A_123 = tpu.memref_squeeze %dma_wait3A_122 : memref<1x1x128xi32, #tpu.memory_space<vmem>> -> memref<128xi32, #tpu.memory_space<vmem>>
        %dma_wait3A_124 = arith.constant 0 : i32
        %dma_wait3A_125 = arith.constant 0 : i32
        %dma_wait3A_126 = tpu.memref_slice %arg2[%dma_wait3A_124, %dma_wait3A_125] : memref<10000x128xf32, #tpu.memory_space<hbm>> -> memref<10000x128xf32, #tpu.memory_space<hbm>>
        tpu.wait_indirect_dma semaphore(%arg9 : memref<!tpu.dma_semaphore, #tpu.memory_space<semaphore_mem>>) src(%dma_wait3A_126 : memref<10000x128xf32, #tpu.memory_space<hbm>>) dst(%arg6 : memref<128x128xf32, #tpu.memory_space<vmem>>)
        %run_scoped3A = arith.constant 1 : i32
        "tpu.region"() ({
          %run_scoped3A_152 = tpu.sem_alloc : memref<!tpu.dma_semaphore, #tpu.memory_space<semaphore_mem>>
          %dma_start3A_153 = arith.constant 0 : i32
          %dma_start3A_154 = tpu.memref_slice %arg5[%add3A_119, %run_scoped3A, %dma_start3A_153] : memref<32x2x128xi32, #tpu.memory_space<vmem>> -> memref<1x1x128xi32, #tpu.memory_space<vmem>>
          %dma_start3A_155 = tpu.memref_squeeze %dma_start3A_154 : memref<1x1x128xi32, #tpu.memory_space<vmem>> -> memref<128xi32, #tpu.memory_space<vmem>>
          %dma_start3A_156 = arith.constant 0 : i32
          %dma_start3A_157 = arith.constant 0 : i32
          %dma_start3A_158 = tpu.memref_slice %arg8[%dma_start3A_156, %dma_start3A_157] : memref<10240x128xf32, #tpu.memory_space<vmem_shared>> -> memref<10240x128xf32, #tpu.memory_space<vmem_shared>>
          tpu.enqueue_indirect_dma source(%arg6 : memref<128x128xf32, #tpu.memory_space<vmem>>) target(%dma_start3A_158 : memref<10240x128xf32, #tpu.memory_space<vmem_shared>>) offsets(%dma_start3A_155 : memref<128xi32, #tpu.memory_space<vmem>>) semaphore(%run_scoped3A_152 : memref<!tpu.dma_semaphore, #tpu.memory_space<semaphore_mem>>) {add = true}
          %dma_wait3A_159 = arith.constant 0 : i32
          %dma_wait3A_160 = tpu.memref_slice %arg5[%add3A_119, %run_scoped3A, %dma_wait3A_159] : memref<32x2x128xi32, #tpu.memory_space<vmem>> -> memref<1x1x128xi32, #tpu.memory_space<vmem>>
          %dma_wait3A_161 = tpu.memref_squeeze %dma_wait3A_160 : memref<1x1x128xi32, #tpu.memory_space<vmem>> -> memref<128xi32, #tpu.memory_space<vmem>>
          %dma_wait3A_162 = arith.constant 0 : i32
          %dma_wait3A_163 = arith.constant 0 : i32
          %dma_wait3A_164 = tpu.memref_slice %arg8[%dma_wait3A_162, %dma_wait3A_163] : memref<10240x128xf32, #tpu.memory_space<vmem_shared>> -> memref<10240x128xf32, #tpu.memory_space<vmem_shared>>
          tpu.wait_indirect_dma semaphore(%run_scoped3A_152 : memref<!tpu.dma_semaphore, #tpu.memory_space<semaphore_mem>>) src(%arg6 : memref<128x128xf32, #tpu.memory_space<vmem>>) dst(%dma_wait3A_164 : memref<10240x128xf32, #tpu.memory_space<vmem_shared>>)
          tpu.yield
        }) : () -> ()
        %add3A_127 = arith.constant 2 : i32
        %add3A_128 = arith.addi %add3A_119, %add3A_127 : i32
        %lt3A_129 = arith.constant 14 : i32
        %lt3A_130 = arith.cmpi slt, %add3A_128, %lt3A_129 : i32
        %convert_element_type3A_131 = arith.extui %lt3A_130 : i1 to i32
        %cond3A_132 = arith.constant 0 : i32
        %cond3A_133 = arith.cmpi ne, %convert_element_type3A_131, %cond3A_132 : i32
        scf.if %cond3A_133 {
          %add3A_152 = arith.constant 2 : i32
          %add3A_153 = arith.addi %add3A_119, %add3A_152 : i32
          %dma_start3A_154 = arith.constant 0 : i32
          %dma_start3A_155 = arith.constant 0 : i32
          %dma_start3A_156 = tpu.memref_slice %arg5[%add3A_153, %dma_start3A_154, %dma_start3A_155] : memref<32x2x128xi32, #tpu.memory_space<vmem>> -> memref<1x1x128xi32, #tpu.memory_space<vmem>>
          %dma_start3A_157 = tpu.memref_squeeze %dma_start3A_156 : memref<1x1x128xi32, #tpu.memory_space<vmem>> -> memref<128xi32, #tpu.memory_space<vmem>>
          %dma_start3A_158 = arith.constant 0 : i32
          %dma_start3A_159 = arith.constant 0 : i32
          %dma_start3A_160 = tpu.memref_slice %arg2[%dma_start3A_158, %dma_start3A_159] : memref<10000x128xf32, #tpu.memory_space<hbm>> -> memref<10000x128xf32, #tpu.memory_space<hbm>>
          tpu.enqueue_indirect_dma source(%dma_start3A_160 : memref<10000x128xf32, #tpu.memory_space<hbm>>) target(%arg6 : memref<128x128xf32, #tpu.memory_space<vmem>>) offsets(%dma_start3A_157 : memref<128xi32, #tpu.memory_space<vmem>>) semaphore(%arg9 : memref<!tpu.dma_semaphore, #tpu.memory_space<semaphore_mem>>)
        } else {
        }
        %add3A_134 = arith.constant 1 : i32
        %add3A_135 = arith.addi %mul3A_117, %add3A_134 : i32
        %dma_wait3A_136 = arith.constant 0 : i32
        %dma_wait3A_137 = arith.constant 0 : i32
        %dma_wait3A_138 = arith.constant 0 : i32
        %dma_wait3A_139 = tpu.memref_slice %arg5[%dma_wait3A_136, %dma_wait3A_137, %dma_wait3A_138] : memref<32x2x128xi32, #tpu.memory_space<vmem>> -> memref<1x1x128xi32, #tpu.memory_space<vmem>>
        %dma_wait3A_140 = tpu.memref_squeeze %dma_wait3A_139 : memref<1x1x128xi32, #tpu.memory_space<vmem>> -> memref<128xi32, #tpu.memory_space<vmem>>
        %dma_wait3A_141 = arith.constant 0 : i32
        %dma_wait3A_142 = arith.constant 0 : i32
        %dma_wait3A_143 = tpu.memref_slice %arg2[%dma_wait3A_141, %dma_wait3A_142] : memref<10000x128xf32, #tpu.memory_space<hbm>> -> memref<10000x128xf32, #tpu.memory_space<hbm>>
        tpu.wait_indirect_dma semaphore(%arg10 : memref<!tpu.dma_semaphore, #tpu.memory_space<semaphore_mem>>) src(%dma_wait3A_143 : memref<10000x128xf32, #tpu.memory_space<hbm>>) dst(%arg7 : memref<128x128xf32, #tpu.memory_space<vmem>>)
        %run_scoped3A_144 = arith.constant 1 : i32
        "tpu.region"() ({
          %run_scoped3A_152 = tpu.sem_alloc : memref<!tpu.dma_semaphore, #tpu.memory_space<semaphore_mem>>
          %dma_start3A_153 = arith.constant 0 : i32
          %dma_start3A_154 = tpu.memref_slice %arg5[%add3A_135, %run_scoped3A_144, %dma_start3A_153] : memref<32x2x128xi32, #tpu.memory_space<vmem>> -> memref<1x1x128xi32, #tpu.memory_space<vmem>>
          %dma_start3A_155 = tpu.memref_squeeze %dma_start3A_154 : memref<1x1x128xi32, #tpu.memory_space<vmem>> -> memref<128xi32, #tpu.memory_space<vmem>>
          %dma_start3A_156 = arith.constant 0 : i32
          %dma_start3A_157 = arith.constant 0 : i32
          %dma_start3A_158 = tpu.memref_slice %arg8[%dma_start3A_156, %dma_start3A_157] : memref<10240x128xf32, #tpu.memory_space<vmem_shared>> -> memref<10240x128xf32, #tpu.memory_space<vmem_shared>>
          tpu.enqueue_indirect_dma source(%arg7 : memref<128x128xf32, #tpu.memory_space<vmem>>) target(%dma_start3A_158 : memref<10240x128xf32, #tpu.memory_space<vmem_shared>>) offsets(%dma_start3A_155 : memref<128xi32, #tpu.memory_space<vmem>>) semaphore(%run_scoped3A_152 : memref<!tpu.dma_semaphore, #tpu.memory_space<semaphore_mem>>) {add = true}
          %dma_wait3A_159 = arith.constant 0 : i32
          %dma_wait3A_160 = tpu.memref_slice %arg5[%add3A_135, %run_scoped3A_144, %dma_wait3A_159] : memref<32x2x128xi32, #tpu.memory_space<vmem>> -> memref<1x1x128xi32, #tpu.memory_space<vmem>>
          %dma_wait3A_161 = tpu.memref_squeeze %dma_wait3A_160 : memref<1x1x128xi32, #tpu.memory_space<vmem>> -> memref<128xi32, #tpu.memory_space<vmem>>
          %dma_wait3A_162 = arith.constant 0 : i32
          %dma_wait3A_163 = arith.constant 0 : i32
          %dma_wait3A_164 = tpu.memref_slice %arg8[%dma_wait3A_162, %dma_wait3A_163] : memref<10240x128xf32, #tpu.memory_space<vmem_shared>> -> memref<10240x128xf32, #tpu.memory_space<vmem_shared>>
          tpu.wait_indirect_dma semaphore(%run_scoped3A_152 : memref<!tpu.dma_semaphore, #tpu.memory_space<semaphore_mem>>) src(%arg7 : memref<128x128xf32, #tpu.memory_space<vmem>>) dst(%dma_wait3A_164 : memref<10240x128xf32, #tpu.memory_space<vmem_shared>>)
          tpu.yield
        }) : () -> ()
        %add3A_145 = arith.constant 2 : i32
        %add3A_146 = arith.addi %add3A_135, %add3A_145 : i32
        %lt3A_147 = arith.constant 14 : i32
        %lt3A_148 = arith.cmpi slt, %add3A_146, %lt3A_147 : i32
        %convert_element_type3A_149 = arith.extui %lt3A_148 : i1 to i32
        %cond3A_150 = arith.constant 0 : i32
        %cond3A_151 = arith.cmpi ne, %convert_element_type3A_149, %cond3A_150 : i32
        scf.if %cond3A_151 {
          %add3A_152 = arith.constant 2 : i32
          %add3A_153 = arith.addi %add3A_135, %add3A_152 : i32
          %dma_start3A_154 = arith.constant 0 : i32
          %dma_start3A_155 = arith.constant 0 : i32
          %dma_start3A_156 = tpu.memref_slice %arg5[%add3A_153, %dma_start3A_154, %dma_start3A_155] : memref<32x2x128xi32, #tpu.memory_space<vmem>> -> memref<1x1x128xi32, #tpu.memory_space<vmem>>
          %dma_start3A_157 = tpu.memref_squeeze %dma_start3A_156 : memref<1x1x128xi32, #tpu.memory_space<vmem>> -> memref<128xi32, #tpu.memory_space<vmem>>
          %dma_start3A_158 = arith.constant 0 : i32
          %dma_start3A_159 = arith.constant 0 : i32
          %dma_start3A_160 = tpu.memref_slice %arg2[%dma_start3A_158, %dma_start3A_159] : memref<10000x128xf32, #tpu.memory_space<hbm>> -> memref<10000x128xf32, #tpu.memory_space<hbm>>
          tpu.enqueue_indirect_dma source(%dma_start3A_160 : memref<10000x128xf32, #tpu.memory_space<hbm>>) target(%arg7 : memref<128x128xf32, #tpu.memory_space<vmem>>) offsets(%dma_start3A_157 : memref<128xi32, #tpu.memory_space<vmem>>) semaphore(%arg10 : memref<!tpu.dma_semaphore, #tpu.memory_space<semaphore_mem>>)
        } else {
        }
      }
      %scan3A_114 = arith.constant 7 : i32
    } else {
    }
    %barrier3A_36 = arith.constant 0 : index
    tpu.barrier barrier_id(%barrier3A_36)
    %mul3A_37 = arith.constant 640 : i32
    %mul3A_38 = arith.muli %arg1, %mul3A_37 : i32
    "tpu.region"() ({
      %run_scoped3A = tpu.sem_alloc : memref<!tpu.dma_semaphore, #tpu.memory_space<semaphore_mem>>
      %dma_start3A = arith.constant 0 : i32
      %dma_start3A_44 = arith.constant 0 : i32
      %dma_start3A_45 = tpu.memref_slice %arg4[%arg0, %dma_start3A, %dma_start3A_44] : memref<2x10000x128xf32, #tpu.memory_space<hbm>> -> memref<1x10000x128xf32, #tpu.memory_space<hbm>>
      %dma_start3A_46 = tpu.memref_squeeze %dma_start3A_45 : memref<1x10000x128xf32, #tpu.memory_space<hbm>> -> memref<10000x128xf32, #tpu.memory_space<hbm>>
      %dma_start3A_47 = arith.constant 0 : i32
      %dma_start3A_48 = tpu.memref_slice %dma_start3A_46[%mul3A_38, %dma_start3A_47] : memref<10000x128xf32, #tpu.memory_space<hbm>> -> memref<400x128xf32, #tpu.memory_space<hbm>>
      %dma_start3A_49 = arith.constant 0 : i32
      %dma_start3A_50 = tpu.memref_slice %arg8[%mul3A_38, %dma_start3A_49] : memref<10240x128xf32, #tpu.memory_space<vmem_shared>> -> memref<400x128xf32, #tpu.memory_space<vmem_shared>>
      tpu.enqueue_dma source(%dma_start3A_50 : memref<400x128xf32, #tpu.memory_space<vmem_shared>>) target(%dma_start3A_48 : memref<400x128xf32, #tpu.memory_space<hbm>>) target_semaphore(%run_scoped3A : memref<!tpu.dma_semaphore, #tpu.memory_space<semaphore_mem>>)
      %dma_wait3A = arith.constant 0 : i32
      %dma_wait3A_51 = arith.constant 0 : i32
      %dma_wait3A_52 = tpu.memref_slice %arg4[%arg0, %dma_wait3A, %dma_wait3A_51] : memref<2x10000x128xf32, #tpu.memory_space<hbm>> -> memref<1x10000x128xf32, #tpu.memory_space<hbm>>
      %dma_wait3A_53 = tpu.memref_squeeze %dma_wait3A_52 : memref<1x10000x128xf32, #tpu.memory_space<hbm>> -> memref<10000x128xf32, #tpu.memory_space<hbm>>
      %dma_wait3A_54 = arith.constant 0 : i32
      %dma_wait3A_55 = tpu.memref_slice %dma_wait3A_53[%mul3A_38, %dma_wait3A_54] : memref<10000x128xf32, #tpu.memory_space<hbm>> -> memref<400x128xf32, #tpu.memory_space<hbm>>
      %dma_wait3A_56 = arith.constant 0 : i32
      %dma_wait3A_57 = tpu.memref_slice %arg8[%mul3A_38, %dma_wait3A_56] : memref<10240x128xf32, #tpu.memory_space<vmem_shared>> -> memref<400x128xf32, #tpu.memory_space<vmem_shared>>
      tpu.wait_dma2 semaphore(%run_scoped3A : memref<!tpu.dma_semaphore, #tpu.memory_space<semaphore_mem>>) src(%dma_wait3A_57 : memref<400x128xf32, #tpu.memory_space<vmem_shared>>) dst(%dma_wait3A_55 : memref<400x128xf32, #tpu.memory_space<hbm>>)
      tpu.yield
    }) : () -> ()
    %lt3A_39 = arith.constant 15 : i32
    %lt3A_40 = arith.cmpi slt, %arg1, %lt3A_39 : i32
    %convert_element_type3A_41 = arith.extui %lt3A_40 : i1 to i32
    %cond3A_42 = arith.constant 0 : i32
    %cond3A_43 = arith.cmpi ne, %convert_element_type3A_41, %cond3A_42 : i32
    scf.if %cond3A_43 {
      %add3A_44 = arith.constant 400 : i32
      %add3A_45 = arith.addi %mul3A_38, %add3A_44 : i32
      %add3A_46 = arith.constant 400 : i32
      %add3A_47 = arith.addi %mul3A_38, %add3A_46 : i32
      "tpu.region"() ({
        %run_scoped3A = tpu.sem_alloc : memref<!tpu.dma_semaphore, #tpu.memory_space<semaphore_mem>>
        %dma_start3A = arith.constant 0 : i32
        %dma_start3A_48 = arith.constant 0 : i32
        %dma_start3A_49 = tpu.memref_slice %arg4[%arg0, %dma_start3A, %dma_start3A_48] : memref<2x10000x128xf32, #tpu.memory_space<hbm>> -> memref<1x10000x128xf32, #tpu.memory_space<hbm>>
        %dma_start3A_50 = tpu.memref_squeeze %dma_start3A_49 : memref<1x10000x128xf32, #tpu.memory_space<hbm>> -> memref<10000x128xf32, #tpu.memory_space<hbm>>
        %dma_start3A_51 = arith.constant 0 : i32
        %dma_start3A_52 = tpu.memref_slice %dma_start3A_50[%add3A_47, %dma_start3A_51] : memref<10000x128xf32, #tpu.memory_space<hbm>> -> memref<240x128xf32, #tpu.memory_space<hbm>>
        %dma_start3A_53 = arith.constant 0 : i32
        %dma_start3A_54 = tpu.memref_slice %arg8[%add3A_45, %dma_start3A_53] : memref<10240x128xf32, #tpu.memory_space<vmem_shared>> -> memref<240x128xf32, #tpu.memory_space<vmem_shared>>
        tpu.enqueue_dma source(%dma_start3A_54 : memref<240x128xf32, #tpu.memory_space<vmem_shared>>) target(%dma_start3A_52 : memref<240x128xf32, #tpu.memory_space<hbm>>) target_semaphore(%run_scoped3A : memref<!tpu.dma_semaphore, #tpu.memory_space<semaphore_mem>>)
        %dma_wait3A = arith.constant 0 : i32
        %dma_wait3A_55 = arith.constant 0 : i32
        %dma_wait3A_56 = tpu.memref_slice %arg4[%arg0, %dma_wait3A, %dma_wait3A_55] : memref<2x10000x128xf32, #tpu.memory_space<hbm>> -> memref<1x10000x128xf32, #tpu.memory_space<hbm>>
        %dma_wait3A_57 = tpu.memref_squeeze %dma_wait3A_56 : memref<1x10000x128xf32, #tpu.memory_space<hbm>> -> memref<10000x128xf32, #tpu.memory_space<hbm>>
        %dma_wait3A_58 = arith.constant 0 : i32
        %dma_wait3A_59 = tpu.memref_slice %dma_wait3A_57[%add3A_47, %dma_wait3A_58] : memref<10000x128xf32, #tpu.memory_space<hbm>> -> memref<240x128xf32, #tpu.memory_space<hbm>>
        %dma_wait3A_60 = arith.constant 0 : i32
        %dma_wait3A_61 = tpu.memref_slice %arg8[%add3A_45, %dma_wait3A_60] : memref<10240x128xf32, #tpu.memory_space<vmem_shared>> -> memref<240x128xf32, #tpu.memory_space<vmem_shared>>
        tpu.wait_dma2 semaphore(%run_scoped3A : memref<!tpu.dma_semaphore, #tpu.memory_space<semaphore_mem>>) src(%dma_wait3A_61 : memref<240x128xf32, #tpu.memory_space<vmem_shared>>) dst(%dma_wait3A_59 : memref<240x128xf32, #tpu.memory_space<hbm>>)
        tpu.yield
      }) : () -> ()
    } else {
    }
    return
  }
}

#map = affine_map<(d0, d1) -> (0, 0)>
#map1 = affine_map<(d0, d1) -> (0, 0, 0)>
module attributes {stable_mosaic.version = 14 : i64} {
  func.func @agg(%arg0: i32, %arg1: i32, %arg2: memref<10000x64xf32, #tpu.memory_space<hbm>>, %arg3: memref<2500x2x128xi32, #tpu.memory_space<hbm>>, %arg4: memref<2x10000x64xf32, #tpu.memory_space<hbm>>, %arg5: memref<32x2x128xi32, #tpu.memory_space<vmem>>, %arg6: memref<128x64xf32, #tpu.memory_space<vmem>>, %arg7: memref<128x64xf32, #tpu.memory_space<vmem>>, %arg8: memref<128x64xf32, #tpu.memory_space<vmem>>, %arg9: memref<128x64xf32, #tpu.memory_space<vmem>>, %arg10: memref<10240x64xf32, #tpu.memory_space<vmem_shared>>, %arg11: memref<!tpu.dma_semaphore, #tpu.memory_space<semaphore_mem>>, %arg12: memref<!tpu.dma_semaphore, #tpu.memory_space<semaphore_mem>>, %arg13: memref<!tpu.dma_semaphore, #tpu.memory_space<semaphore_mem>>, %arg14: memref<!tpu.dma_semaphore, #tpu.memory_space<semaphore_mem>>) attributes {dimension_semantics = [#tpu.dimension_semantics<core_parallel>, #tpu.dimension_semantics<subcore_parallel>], iteration_bounds = array<i64: 2, 16>, scalar_prefetch = 0 : i64, scratch_operands = 10 : i64, tpu.core_type = #tpu.core_type<sc_vector_subcore>, window_params = [{transform_indices = #map}, {transform_indices = #map1}, {transform_indices = #map1}]} {
    %mul3A = arith.constant 2 : i32
    %mul3A_0 = arith.muli %arg1, %mul3A : i32
    %add3A = arith.addi %mul3A_0, %arg0 : i32
    %scan3A = arith.constant 0 : i32
    %scan3A_1 = arith.constant 0 : i32
    %scan3A_2 = arith.constant 128 : i32
    %scan3A_3 = arith.addi %scan3A_1, %scan3A_2 : i32
    %scan3A_4 = arith.constant 1 : i32
    scf.for %scan3A_44 = %scan3A_1 to %scan3A_3 step %scan3A_4  : i32 {
      %broadcast_in_dim3A = arith.constant 0.000000e+00 : f32
      %broadcast_in_dim3A_45 = vector.broadcast %broadcast_in_dim3A : f32 to vector<16xf32>
      %swap3A = arith.index_cast %scan3A_44 : i32 to index
      %swap3A_46 = arith.constant 0 : index
      %swap3A_47 = tpu.vector_load %arg6[%swap3A, %swap3A_46] {strides = array<i32>} : memref<128x64xf32, #tpu.memory_space<vmem>>, vector<1x16xf32>,
      %swap3A_48 = vector.shape_cast %swap3A_47 : vector<1x16xf32> to vector<16xf32>
      %swap3A_49 = vector.shape_cast %broadcast_in_dim3A_45 : vector<16xf32> to vector<1x16xf32>
      tpu.vector_store %arg6[%swap3A, %swap3A_46], %swap3A_49 {strides = array<i32>} : memref<128x64xf32, #tpu.memory_space<vmem>>, vector<1x16xf32>,
      %broadcast_in_dim3A_50 = arith.constant 0.000000e+00 : f32
      %broadcast_in_dim3A_51 = vector.broadcast %broadcast_in_dim3A_50 : f32 to vector<16xf32>
      %swap3A_52 = arith.index_cast %scan3A_44 : i32 to index
      %swap3A_53 = arith.constant 16 : index
      %swap3A_54 = tpu.vector_load %arg6[%swap3A_52, %swap3A_53] {strides = array<i32>} : memref<128x64xf32, #tpu.memory_space<vmem>>, vector<1x16xf32>,
      %swap3A_55 = vector.shape_cast %swap3A_54 : vector<1x16xf32> to vector<16xf32>
      %swap3A_56 = vector.shape_cast %broadcast_in_dim3A_51 : vector<16xf32> to vector<1x16xf32>
      tpu.vector_store %arg6[%swap3A_52, %swap3A_53], %swap3A_56 {strides = array<i32>} : memref<128x64xf32, #tpu.memory_space<vmem>>, vector<1x16xf32>,
      %broadcast_in_dim3A_57 = arith.constant 0.000000e+00 : f32
      %broadcast_in_dim3A_58 = vector.broadcast %broadcast_in_dim3A_57 : f32 to vector<16xf32>
      %swap3A_59 = arith.index_cast %scan3A_44 : i32 to index
      %swap3A_60 = arith.constant 32 : index
      %swap3A_61 = tpu.vector_load %arg6[%swap3A_59, %swap3A_60] {strides = array<i32>} : memref<128x64xf32, #tpu.memory_space<vmem>>, vector<1x16xf32>,
      %swap3A_62 = vector.shape_cast %swap3A_61 : vector<1x16xf32> to vector<16xf32>
      %swap3A_63 = vector.shape_cast %broadcast_in_dim3A_58 : vector<16xf32> to vector<1x16xf32>
      tpu.vector_store %arg6[%swap3A_59, %swap3A_60], %swap3A_63 {strides = array<i32>} : memref<128x64xf32, #tpu.memory_space<vmem>>, vector<1x16xf32>,
      %broadcast_in_dim3A_64 = arith.constant 0.000000e+00 : f32
      %broadcast_in_dim3A_65 = vector.broadcast %broadcast_in_dim3A_64 : f32 to vector<16xf32>
      %swap3A_66 = arith.index_cast %scan3A_44 : i32 to index
      %swap3A_67 = arith.constant 48 : index
      %swap3A_68 = tpu.vector_load %arg6[%swap3A_66, %swap3A_67] {strides = array<i32>} : memref<128x64xf32, #tpu.memory_space<vmem>>, vector<1x16xf32>,
      %swap3A_69 = vector.shape_cast %swap3A_68 : vector<1x16xf32> to vector<16xf32>
      %swap3A_70 = vector.shape_cast %broadcast_in_dim3A_65 : vector<16xf32> to vector<1x16xf32>
      tpu.vector_store %arg6[%swap3A_66, %swap3A_67], %swap3A_70 {strides = array<i32>} : memref<128x64xf32, #tpu.memory_space<vmem>>, vector<1x16xf32>,
    }
    %scan3A_5 = arith.constant 128 : i32
    %mul3A_6 = arith.constant 640 : i32
    %mul3A_7 = arith.muli %arg1, %mul3A_6 : i32
    %add3A_8 = arith.constant 0 : i32
    %add3A_9 = arith.addi %mul3A_7, %add3A_8 : i32
    "tpu.region"() ({
      %run_scoped3A = tpu.sem_alloc : memref<!tpu.dma_semaphore, #tpu.memory_space<semaphore_mem>>
      %dma_start3A = arith.constant 0 : i32
      %dma_start3A_44 = tpu.memref_slice %arg10[%add3A_9, %dma_start3A] : memref<10240x64xf32, #tpu.memory_space<vmem_shared>> -> memref<128x64xf32, #tpu.memory_space<vmem_shared>>
      %dma_start3A_45 = arith.constant 0 : i32
      %dma_start3A_46 = tpu.memref_slice %arg10[%add3A_9, %dma_start3A_45] : memref<10240x64xf32, #tpu.memory_space<vmem_shared>> -> memref<128x64xf32, #tpu.memory_space<vmem_shared>>
      tpu.enqueue_dma source(%arg6 : memref<128x64xf32, #tpu.memory_space<vmem>>) target(%dma_start3A_46 : memref<128x64xf32, #tpu.memory_space<vmem_shared>>) target_semaphore(%run_scoped3A : memref<!tpu.dma_semaphore, #tpu.memory_space<semaphore_mem>>)
      %dma_wait3A = arith.constant 0 : i32
      %dma_wait3A_47 = tpu.memref_slice %arg10[%add3A_9, %dma_wait3A] : memref<10240x64xf32, #tpu.memory_space<vmem_shared>> -> memref<128x64xf32, #tpu.memory_space<vmem_shared>>
      %dma_wait3A_48 = arith.constant 0 : i32
      %dma_wait3A_49 = tpu.memref_slice %arg10[%add3A_9, %dma_wait3A_48] : memref<10240x64xf32, #tpu.memory_space<vmem_shared>> -> memref<128x64xf32, #tpu.memory_space<vmem_shared>>
      tpu.wait_dma2 semaphore(%run_scoped3A : memref<!tpu.dma_semaphore, #tpu.memory_space<semaphore_mem>>) src(%arg6 : memref<128x64xf32, #tpu.memory_space<vmem>>) dst(%dma_wait3A_49 : memref<128x64xf32, #tpu.memory_space<vmem_shared>>)
      tpu.yield
    }) : () -> ()
    %mul3A_10 = arith.constant 640 : i32
    %mul3A_11 = arith.muli %arg1, %mul3A_10 : i32
    %add3A_12 = arith.constant 128 : i32
    %add3A_13 = arith.addi %mul3A_11, %add3A_12 : i32
    "tpu.region"() ({
      %run_scoped3A = tpu.sem_alloc : memref<!tpu.dma_semaphore, #tpu.memory_space<semaphore_mem>>
      %dma_start3A = arith.constant 0 : i32
      %dma_start3A_44 = tpu.memref_slice %arg10[%add3A_13, %dma_start3A] : memref<10240x64xf32, #tpu.memory_space<vmem_shared>> -> memref<128x64xf32, #tpu.memory_space<vmem_shared>>
      %dma_start3A_45 = arith.constant 0 : i32
      %dma_start3A_46 = tpu.memref_slice %arg10[%add3A_13, %dma_start3A_45] : memref<10240x64xf32, #tpu.memory_space<vmem_shared>> -> memref<128x64xf32, #tpu.memory_space<vmem_shared>>
      tpu.enqueue_dma source(%arg6 : memref<128x64xf32, #tpu.memory_space<vmem>>) target(%dma_start3A_46 : memref<128x64xf32, #tpu.memory_space<vmem_shared>>) target_semaphore(%run_scoped3A : memref<!tpu.dma_semaphore, #tpu.memory_space<semaphore_mem>>)
      %dma_wait3A = arith.constant 0 : i32
      %dma_wait3A_47 = tpu.memref_slice %arg10[%add3A_13, %dma_wait3A] : memref<10240x64xf32, #tpu.memory_space<vmem_shared>> -> memref<128x64xf32, #tpu.memory_space<vmem_shared>>
      %dma_wait3A_48 = arith.constant 0 : i32
      %dma_wait3A_49 = tpu.memref_slice %arg10[%add3A_13, %dma_wait3A_48] : memref<10240x64xf32, #tpu.memory_space<vmem_shared>> -> memref<128x64xf32, #tpu.memory_space<vmem_shared>>
      tpu.wait_dma2 semaphore(%run_scoped3A : memref<!tpu.dma_semaphore, #tpu.memory_space<semaphore_mem>>) src(%arg6 : memref<128x64xf32, #tpu.memory_space<vmem>>) dst(%dma_wait3A_49 : memref<128x64xf32, #tpu.memory_space<vmem_shared>>)
      tpu.yield
    }) : () -> ()
    %mul3A_14 = arith.constant 640 : i32
    %mul3A_15 = arith.muli %arg1, %mul3A_14 : i32
    %add3A_16 = arith.constant 256 : i32
    %add3A_17 = arith.addi %mul3A_15, %add3A_16 : i32
    "tpu.region"() ({
      %run_scoped3A = tpu.sem_alloc : memref<!tpu.dma_semaphore, #tpu.memory_space<semaphore_mem>>
      %dma_start3A = arith.constant 0 : i32
      %dma_start3A_44 = tpu.memref_slice %arg10[%add3A_17, %dma_start3A] : memref<10240x64xf32, #tpu.memory_space<vmem_shared>> -> memref<128x64xf32, #tpu.memory_space<vmem_shared>>
      %dma_start3A_45 = arith.constant 0 : i32
      %dma_start3A_46 = tpu.memref_slice %arg10[%add3A_17, %dma_start3A_45] : memref<10240x64xf32, #tpu.memory_space<vmem_shared>> -> memref<128x64xf32, #tpu.memory_space<vmem_shared>>
      tpu.enqueue_dma source(%arg6 : memref<128x64xf32, #tpu.memory_space<vmem>>) target(%dma_start3A_46 : memref<128x64xf32, #tpu.memory_space<vmem_shared>>) target_semaphore(%run_scoped3A : memref<!tpu.dma_semaphore, #tpu.memory_space<semaphore_mem>>)
      %dma_wait3A = arith.constant 0 : i32
      %dma_wait3A_47 = tpu.memref_slice %arg10[%add3A_17, %dma_wait3A] : memref<10240x64xf32, #tpu.memory_space<vmem_shared>> -> memref<128x64xf32, #tpu.memory_space<vmem_shared>>
      %dma_wait3A_48 = arith.constant 0 : i32
      %dma_wait3A_49 = tpu.memref_slice %arg10[%add3A_17, %dma_wait3A_48] : memref<10240x64xf32, #tpu.memory_space<vmem_shared>> -> memref<128x64xf32, #tpu.memory_space<vmem_shared>>
      tpu.wait_dma2 semaphore(%run_scoped3A : memref<!tpu.dma_semaphore, #tpu.memory_space<semaphore_mem>>) src(%arg6 : memref<128x64xf32, #tpu.memory_space<vmem>>) dst(%dma_wait3A_49 : memref<128x64xf32, #tpu.memory_space<vmem_shared>>)
      tpu.yield
    }) : () -> ()
    %mul3A_18 = arith.constant 640 : i32
    %mul3A_19 = arith.muli %arg1, %mul3A_18 : i32
    %add3A_20 = arith.constant 384 : i32
    %add3A_21 = arith.addi %mul3A_19, %add3A_20 : i32
    "tpu.region"() ({
      %run_scoped3A = tpu.sem_alloc : memref<!tpu.dma_semaphore, #tpu.memory_space<semaphore_mem>>
      %dma_start3A = arith.constant 0 : i32
      %dma_start3A_44 = tpu.memref_slice %arg10[%add3A_21, %dma_start3A] : memref<10240x64xf32, #tpu.memory_space<vmem_shared>> -> memref<128x64xf32, #tpu.memory_space<vmem_shared>>
      %dma_start3A_45 = arith.constant 0 : i32
      %dma_start3A_46 = tpu.memref_slice %arg10[%add3A_21, %dma_start3A_45] : memref<10240x64xf32, #tpu.memory_space<vmem_shared>> -> memref<128x64xf32, #tpu.memory_space<vmem_shared>>
      tpu.enqueue_dma source(%arg6 : memref<128x64xf32, #tpu.memory_space<vmem>>) target(%dma_start3A_46 : memref<128x64xf32, #tpu.memory_space<vmem_shared>>) target_semaphore(%run_scoped3A : memref<!tpu.dma_semaphore, #tpu.memory_space<semaphore_mem>>)
      %dma_wait3A = arith.constant 0 : i32
      %dma_wait3A_47 = tpu.memref_slice %arg10[%add3A_21, %dma_wait3A] : memref<10240x64xf32, #tpu.memory_space<vmem_shared>> -> memref<128x64xf32, #tpu.memory_space<vmem_shared>>
      %dma_wait3A_48 = arith.constant 0 : i32
      %dma_wait3A_49 = tpu.memref_slice %arg10[%add3A_21, %dma_wait3A_48] : memref<10240x64xf32, #tpu.memory_space<vmem_shared>> -> memref<128x64xf32, #tpu.memory_space<vmem_shared>>
      tpu.wait_dma2 semaphore(%run_scoped3A : memref<!tpu.dma_semaphore, #tpu.memory_space<semaphore_mem>>) src(%arg6 : memref<128x64xf32, #tpu.memory_space<vmem>>) dst(%dma_wait3A_49 : memref<128x64xf32, #tpu.memory_space<vmem_shared>>)
      tpu.yield
    }) : () -> ()
    %mul3A_22 = arith.constant 640 : i32
    %mul3A_23 = arith.muli %arg1, %mul3A_22 : i32
    %add3A_24 = arith.constant 512 : i32
    %add3A_25 = arith.addi %mul3A_23, %add3A_24 : i32
    "tpu.region"() ({
      %run_scoped3A = tpu.sem_alloc : memref<!tpu.dma_semaphore, #tpu.memory_space<semaphore_mem>>
      %dma_start3A = arith.constant 0 : i32
      %dma_start3A_44 = tpu.memref_slice %arg10[%add3A_25, %dma_start3A] : memref<10240x64xf32, #tpu.memory_space<vmem_shared>> -> memref<128x64xf32, #tpu.memory_space<vmem_shared>>
      %dma_start3A_45 = arith.constant 0 : i32
      %dma_start3A_46 = tpu.memref_slice %arg10[%add3A_25, %dma_start3A_45] : memref<10240x64xf32, #tpu.memory_space<vmem_shared>> -> memref<128x64xf32, #tpu.memory_space<vmem_shared>>
      tpu.enqueue_dma source(%arg6 : memref<128x64xf32, #tpu.memory_space<vmem>>) target(%dma_start3A_46 : memref<128x64xf32, #tpu.memory_space<vmem_shared>>) target_semaphore(%run_scoped3A : memref<!tpu.dma_semaphore, #tpu.memory_space<semaphore_mem>>)
      %dma_wait3A = arith.constant 0 : i32
      %dma_wait3A_47 = tpu.memref_slice %arg10[%add3A_25, %dma_wait3A] : memref<10240x64xf32, #tpu.memory_space<vmem_shared>> -> memref<128x64xf32, #tpu.memory_space<vmem_shared>>
      %dma_wait3A_48 = arith.constant 0 : i32
      %dma_wait3A_49 = tpu.memref_slice %arg10[%add3A_25, %dma_wait3A_48] : memref<10240x64xf32, #tpu.memory_space<vmem_shared>> -> memref<128x64xf32, #tpu.memory_space<vmem_shared>>
      tpu.wait_dma2 semaphore(%run_scoped3A : memref<!tpu.dma_semaphore, #tpu.memory_space<semaphore_mem>>) src(%arg6 : memref<128x64xf32, #tpu.memory_space<vmem>>) dst(%dma_wait3A_49 : memref<128x64xf32, #tpu.memory_space<vmem_shared>>)
      tpu.yield
    }) : () -> ()
    %barrier3A = arith.constant 0 : index
    tpu.barrier barrier_id(%barrier3A)
    %mul3A_26 = arith.constant 78 : i32
    %mul3A_27 = arith.muli %add3A, %mul3A_26 : i32
    %min3A = arith.constant 4 : i32
    %min3A_28 = arith.minsi %add3A, %min3A : i32
    %add3A_29 = arith.addi %mul3A_27, %min3A_28 : i32
    %lt3A = arith.constant 4 : i32
    %lt3A_30 = arith.cmpi slt, %add3A, %lt3A : i32
    %convert_element_type3A = arith.extui %lt3A_30 : i1 to i32
    %cond3A = arith.constant 0 : i32
    %cond3A_31 = arith.cmpi ne, %convert_element_type3A, %cond3A : i32
    scf.if %cond3A_31 {
      %add3A_44 = arith.constant 0 : i32
      %add3A_45 = arith.addi %add3A_29, %add3A_44 : i32
      "tpu.region"() ({
        %run_scoped3A_191 = tpu.sem_alloc : memref<!tpu.dma_semaphore, #tpu.memory_space<semaphore_mem>>
        %dma_start3A_192 = arith.constant 0 : i32
        %dma_start3A_193 = arith.constant 0 : i32
        %dma_start3A_194 = arith.constant 0 : i32
        %dma_start3A_195 = tpu.memref_slice %arg5[%dma_start3A_192, %dma_start3A_193, %dma_start3A_194] : memref<32x2x128xi32, #tpu.memory_space<vmem>> -> memref<32x2x128xi32, #tpu.memory_space<vmem>>
        %dma_start3A_196 = arith.constant 0 : i32
        %dma_start3A_197 = arith.constant 0 : i32
        %dma_start3A_198 = tpu.memref_slice %arg3[%add3A_45, %dma_start3A_196, %dma_start3A_197] : memref<2500x2x128xi32, #tpu.memory_space<hbm>> -> memref<32x2x128xi32, #tpu.memory_space<hbm>>
        %dma_start3A_199 = arith.constant 0 : i32
        %dma_start3A_200 = arith.constant 0 : i32
        %dma_start3A_201 = arith.constant 0 : i32
        %dma_start3A_202 = tpu.memref_slice %arg5[%dma_start3A_199, %dma_start3A_200, %dma_start3A_201] : memref<32x2x128xi32, #tpu.memory_space<vmem>> -> memref<32x2x128xi32, #tpu.memory_space<vmem>>
        %dma_start3A_203 = arith.constant 0 : i32
        %dma_start3A_204 = arith.constant 0 : i32
        %dma_start3A_205 = tpu.memref_slice %arg3[%add3A_45, %dma_start3A_203, %dma_start3A_204] : memref<2500x2x128xi32, #tpu.memory_space<hbm>> -> memref<32x2x128xi32, #tpu.memory_space<hbm>>
        tpu.enqueue_dma source(%dma_start3A_205 : memref<32x2x128xi32, #tpu.memory_space<hbm>>) target(%dma_start3A_202 : memref<32x2x128xi32, #tpu.memory_space<vmem>>) target_semaphore(%run_scoped3A_191 : memref<!tpu.dma_semaphore, #tpu.memory_space<semaphore_mem>>)
        %dma_wait3A_206 = arith.constant 0 : i32
        %dma_wait3A_207 = arith.constant 0 : i32
        %dma_wait3A_208 = arith.constant 0 : i32
        %dma_wait3A_209 = tpu.memref_slice %arg5[%dma_wait3A_206, %dma_wait3A_207, %dma_wait3A_208] : memref<32x2x128xi32, #tpu.memory_space<vmem>> -> memref<32x2x128xi32, #tpu.memory_space<vmem>>
        %dma_wait3A_210 = arith.constant 0 : i32
        %dma_wait3A_211 = arith.constant 0 : i32
        %dma_wait3A_212 = tpu.memref_slice %arg3[%add3A_45, %dma_wait3A_210, %dma_wait3A_211] : memref<2500x2x128xi32, #tpu.memory_space<hbm>> -> memref<32x2x128xi32, #tpu.memory_space<hbm>>
        %dma_wait3A_213 = arith.constant 0 : i32
        %dma_wait3A_214 = arith.constant 0 : i32
        %dma_wait3A_215 = arith.constant 0 : i32
        %dma_wait3A_216 = tpu.memref_slice %arg5[%dma_wait3A_213, %dma_wait3A_214, %dma_wait3A_215] : memref<32x2x128xi32, #tpu.memory_space<vmem>> -> memref<32x2x128xi32, #tpu.memory_space<vmem>>
        %dma_wait3A_217 = arith.constant 0 : i32
        %dma_wait3A_218 = arith.constant 0 : i32
        %dma_wait3A_219 = tpu.memref_slice %arg3[%add3A_45, %dma_wait3A_217, %dma_wait3A_218] : memref<2500x2x128xi32, #tpu.memory_space<hbm>> -> memref<32x2x128xi32, #tpu.memory_space<hbm>>
        tpu.wait_dma2 semaphore(%run_scoped3A_191 : memref<!tpu.dma_semaphore, #tpu.memory_space<semaphore_mem>>) src(%dma_wait3A_219 : memref<32x2x128xi32, #tpu.memory_space<hbm>>) dst(%dma_wait3A_216 : memref<32x2x128xi32, #tpu.memory_space<vmem>>)
        tpu.yield
      }) : () -> ()
      %dma_start3A = arith.constant 0 : i32
      %dma_start3A_46 = arith.constant 0 : i32
      %dma_start3A_47 = arith.constant 0 : i32
      %dma_start3A_48 = tpu.memref_slice %arg5[%dma_start3A, %dma_start3A_46, %dma_start3A_47] : memref<32x2x128xi32, #tpu.memory_space<vmem>> -> memref<1x1x128xi32, #tpu.memory_space<vmem>>
      %dma_start3A_49 = tpu.memref_squeeze %dma_start3A_48 : memref<1x1x128xi32, #tpu.memory_space<vmem>> -> memref<128xi32, #tpu.memory_space<vmem>>
      %dma_start3A_50 = arith.constant 0 : i32
      %dma_start3A_51 = arith.constant 0 : i32
      %dma_start3A_52 = tpu.memref_slice %arg2[%dma_start3A_50, %dma_start3A_51] : memref<10000x64xf32, #tpu.memory_space<hbm>> -> memref<10000x64xf32, #tpu.memory_space<hbm>>
      tpu.enqueue_indirect_dma source(%dma_start3A_52 : memref<10000x64xf32, #tpu.memory_space<hbm>>) target(%arg6 : memref<128x64xf32, #tpu.memory_space<vmem>>) offsets(%dma_start3A_49 : memref<128xi32, #tpu.memory_space<vmem>>) semaphore(%arg11 : memref<!tpu.dma_semaphore, #tpu.memory_space<semaphore_mem>>)
      %dma_start3A_53 = arith.constant 1 : i32
      %dma_start3A_54 = arith.constant 0 : i32
      %dma_start3A_55 = arith.constant 0 : i32
      %dma_start3A_56 = tpu.memref_slice %arg5[%dma_start3A_53, %dma_start3A_54, %dma_start3A_55] : memref<32x2x128xi32, #tpu.memory_space<vmem>> -> memref<1x1x128xi32, #tpu.memory_space<vmem>>
      %dma_start3A_57 = tpu.memref_squeeze %dma_start3A_56 : memref<1x1x128xi32, #tpu.memory_space<vmem>> -> memref<128xi32, #tpu.memory_space<vmem>>
      %dma_start3A_58 = arith.constant 0 : i32
      %dma_start3A_59 = arith.constant 0 : i32
      %dma_start3A_60 = tpu.memref_slice %arg2[%dma_start3A_58, %dma_start3A_59] : memref<10000x64xf32, #tpu.memory_space<hbm>> -> memref<10000x64xf32, #tpu.memory_space<hbm>>
      tpu.enqueue_indirect_dma source(%dma_start3A_60 : memref<10000x64xf32, #tpu.memory_space<hbm>>) target(%arg7 : memref<128x64xf32, #tpu.memory_space<vmem>>) offsets(%dma_start3A_57 : memref<128xi32, #tpu.memory_space<vmem>>) semaphore(%arg12 : memref<!tpu.dma_semaphore, #tpu.memory_space<semaphore_mem>>)
      %dma_start3A_61 = arith.constant 2 : i32
      %dma_start3A_62 = arith.constant 0 : i32
      %dma_start3A_63 = arith.constant 0 : i32
      %dma_start3A_64 = tpu.memref_slice %arg5[%dma_start3A_61, %dma_start3A_62, %dma_start3A_63] : memref<32x2x128xi32, #tpu.memory_space<vmem>> -> memref<1x1x128xi32, #tpu.memory_space<vmem>>
      %dma_start3A_65 = tpu.memref_squeeze %dma_start3A_64 : memref<1x1x128xi32, #tpu.memory_space<vmem>> -> memref<128xi32, #tpu.memory_space<vmem>>
      %dma_start3A_66 = arith.constant 0 : i32
      %dma_start3A_67 = arith.constant 0 : i32
      %dma_start3A_68 = tpu.memref_slice %arg2[%dma_start3A_66, %dma_start3A_67] : memref<10000x64xf32, #tpu.memory_space<hbm>> -> memref<10000x64xf32, #tpu.memory_space<hbm>>
      tpu.enqueue_indirect_dma source(%dma_start3A_68 : memref<10000x64xf32, #tpu.memory_space<hbm>>) target(%arg8 : memref<128x64xf32, #tpu.memory_space<vmem>>) offsets(%dma_start3A_65 : memref<128xi32, #tpu.memory_space<vmem>>) semaphore(%arg13 : memref<!tpu.dma_semaphore, #tpu.memory_space<semaphore_mem>>)
      %dma_start3A_69 = arith.constant 3 : i32
      %dma_start3A_70 = arith.constant 0 : i32
      %dma_start3A_71 = arith.constant 0 : i32
      %dma_start3A_72 = tpu.memref_slice %arg5[%dma_start3A_69, %dma_start3A_70, %dma_start3A_71] : memref<32x2x128xi32, #tpu.memory_space<vmem>> -> memref<1x1x128xi32, #tpu.memory_space<vmem>>
      %dma_start3A_73 = tpu.memref_squeeze %dma_start3A_72 : memref<1x1x128xi32, #tpu.memory_space<vmem>> -> memref<128xi32, #tpu.memory_space<vmem>>
      %dma_start3A_74 = arith.constant 0 : i32
      %dma_start3A_75 = arith.constant 0 : i32
      %dma_start3A_76 = tpu.memref_slice %arg2[%dma_start3A_74, %dma_start3A_75] : memref<10000x64xf32, #tpu.memory_space<hbm>> -> memref<10000x64xf32, #tpu.memory_space<hbm>>
      tpu.enqueue_indirect_dma source(%dma_start3A_76 : memref<10000x64xf32, #tpu.memory_space<hbm>>) target(%arg9 : memref<128x64xf32, #tpu.memory_space<vmem>>) offsets(%dma_start3A_73 : memref<128xi32, #tpu.memory_space<vmem>>) semaphore(%arg14 : memref<!tpu.dma_semaphore, #tpu.memory_space<semaphore_mem>>)
      %scan3A_77 = arith.constant 0 : i32
      %scan3A_78 = arith.constant 0 : i32
      %scan3A_79 = arith.constant 8 : i32
      %scan3A_80 = arith.addi %scan3A_78, %scan3A_79 : i32
      %scan3A_81 = arith.constant 1 : i32
      scf.for %scan3A_191 = %scan3A_78 to %scan3A_80 step %scan3A_81  : i32 {
        %mul3A_192 = arith.constant 4 : i32
        %mul3A_193 = arith.muli %scan3A_191, %mul3A_192 : i32
        %add3A_194 = arith.constant 0 : i32
        %add3A_195 = arith.addi %mul3A_193, %add3A_194 : i32
        %dma_wait3A_196 = arith.constant 0 : i32
        %dma_wait3A_197 = arith.constant 0 : i32
        %dma_wait3A_198 = arith.constant 0 : i32
        %dma_wait3A_199 = tpu.memref_slice %arg5[%dma_wait3A_196, %dma_wait3A_197, %dma_wait3A_198] : memref<32x2x128xi32, #tpu.memory_space<vmem>> -> memref<1x1x128xi32, #tpu.memory_space<vmem>>
        %dma_wait3A_200 = tpu.memref_squeeze %dma_wait3A_199 : memref<1x1x128xi32, #tpu.memory_space<vmem>> -> memref<128xi32, #tpu.memory_space<vmem>>
        %dma_wait3A_201 = arith.constant 0 : i32
        %dma_wait3A_202 = arith.constant 0 : i32
        %dma_wait3A_203 = tpu.memref_slice %arg2[%dma_wait3A_201, %dma_wait3A_202] : memref<10000x64xf32, #tpu.memory_space<hbm>> -> memref<10000x64xf32, #tpu.memory_space<hbm>>
        tpu.wait_indirect_dma semaphore(%arg11 : memref<!tpu.dma_semaphore, #tpu.memory_space<semaphore_mem>>) src(%dma_wait3A_203 : memref<10000x64xf32, #tpu.memory_space<hbm>>) dst(%arg6 : memref<128x64xf32, #tpu.memory_space<vmem>>)
        %run_scoped3A_204 = arith.constant 1 : i32
        "tpu.region"() ({
          %run_scoped3A_266 = tpu.sem_alloc : memref<!tpu.dma_semaphore, #tpu.memory_space<semaphore_mem>>
          %dma_start3A_267 = arith.constant 0 : i32
          %dma_start3A_268 = tpu.memref_slice %arg5[%add3A_195, %run_scoped3A_204, %dma_start3A_267] : memref<32x2x128xi32, #tpu.memory_space<vmem>> -> memref<1x1x128xi32, #tpu.memory_space<vmem>>
          %dma_start3A_269 = tpu.memref_squeeze %dma_start3A_268 : memref<1x1x128xi32, #tpu.memory_space<vmem>> -> memref<128xi32, #tpu.memory_space<vmem>>
          %dma_start3A_270 = arith.constant 0 : i32
          %dma_start3A_271 = arith.constant 0 : i32
          %dma_start3A_272 = tpu.memref_slice %arg10[%dma_start3A_270, %dma_start3A_271] : memref<10240x64xf32, #tpu.memory_space<vmem_shared>> -> memref<10240x64xf32, #tpu.memory_space<vmem_shared>>
          tpu.enqueue_indirect_dma source(%arg6 : memref<128x64xf32, #tpu.memory_space<vmem>>) target(%dma_start3A_272 : memref<10240x64xf32, #tpu.memory_space<vmem_shared>>) offsets(%dma_start3A_269 : memref<128xi32, #tpu.memory_space<vmem>>) semaphore(%run_scoped3A_266 : memref<!tpu.dma_semaphore, #tpu.memory_space<semaphore_mem>>) {add = true}
          %dma_wait3A_273 = arith.constant 0 : i32
          %dma_wait3A_274 = tpu.memref_slice %arg5[%add3A_195, %run_scoped3A_204, %dma_wait3A_273] : memref<32x2x128xi32, #tpu.memory_space<vmem>> -> memref<1x1x128xi32, #tpu.memory_space<vmem>>
          %dma_wait3A_275 = tpu.memref_squeeze %dma_wait3A_274 : memref<1x1x128xi32, #tpu.memory_space<vmem>> -> memref<128xi32, #tpu.memory_space<vmem>>
          %dma_wait3A_276 = arith.constant 0 : i32
          %dma_wait3A_277 = arith.constant 0 : i32
          %dma_wait3A_278 = tpu.memref_slice %arg10[%dma_wait3A_276, %dma_wait3A_277] : memref<10240x64xf32, #tpu.memory_space<vmem_shared>> -> memref<10240x64xf32, #tpu.memory_space<vmem_shared>>
          tpu.wait_indirect_dma semaphore(%run_scoped3A_266 : memref<!tpu.dma_semaphore, #tpu.memory_space<semaphore_mem>>) src(%arg6 : memref<128x64xf32, #tpu.memory_space<vmem>>) dst(%dma_wait3A_278 : memref<10240x64xf32, #tpu.memory_space<vmem_shared>>)
          tpu.yield
        }) : () -> ()
        %add3A_205 = arith.constant 4 : i32
        %add3A_206 = arith.addi %add3A_195, %add3A_205 : i32
        %lt3A_207 = arith.constant 32 : i32
        %lt3A_208 = arith.cmpi slt, %add3A_206, %lt3A_207 : i32
        %convert_element_type3A_209 = arith.extui %lt3A_208 : i1 to i32
        %cond3A_210 = arith.constant 0 : i32
        %cond3A_211 = arith.cmpi ne, %convert_element_type3A_209, %cond3A_210 : i32
        scf.if %cond3A_211 {
          %add3A_266 = arith.constant 4 : i32
          %add3A_267 = arith.addi %add3A_195, %add3A_266 : i32
          %dma_start3A_268 = arith.constant 0 : i32
          %dma_start3A_269 = arith.constant 0 : i32
          %dma_start3A_270 = tpu.memref_slice %arg5[%add3A_267, %dma_start3A_268, %dma_start3A_269] : memref<32x2x128xi32, #tpu.memory_space<vmem>> -> memref<1x1x128xi32, #tpu.memory_space<vmem>>
          %dma_start3A_271 = tpu.memref_squeeze %dma_start3A_270 : memref<1x1x128xi32, #tpu.memory_space<vmem>> -> memref<128xi32, #tpu.memory_space<vmem>>
          %dma_start3A_272 = arith.constant 0 : i32
          %dma_start3A_273 = arith.constant 0 : i32
          %dma_start3A_274 = tpu.memref_slice %arg2[%dma_start3A_272, %dma_start3A_273] : memref<10000x64xf32, #tpu.memory_space<hbm>> -> memref<10000x64xf32, #tpu.memory_space<hbm>>
          tpu.enqueue_indirect_dma source(%dma_start3A_274 : memref<10000x64xf32, #tpu.memory_space<hbm>>) target(%arg6 : memref<128x64xf32, #tpu.memory_space<vmem>>) offsets(%dma_start3A_271 : memref<128xi32, #tpu.memory_space<vmem>>) semaphore(%arg11 : memref<!tpu.dma_semaphore, #tpu.memory_space<semaphore_mem>>)
        } else {
        }
        %add3A_212 = arith.constant 1 : i32
        %add3A_213 = arith.addi %mul3A_193, %add3A_212 : i32
        %dma_wait3A_214 = arith.constant 0 : i32
        %dma_wait3A_215 = arith.constant 0 : i32
        %dma_wait3A_216 = arith.constant 0 : i32
        %dma_wait3A_217 = tpu.memref_slice %arg5[%dma_wait3A_214, %dma_wait3A_215, %dma_wait3A_216] : memref<32x2x128xi32, #tpu.memory_space<vmem>> -> memref<1x1x128xi32, #tpu.memory_space<vmem>>
        %dma_wait3A_218 = tpu.memref_squeeze %dma_wait3A_217 : memref<1x1x128xi32, #tpu.memory_space<vmem>> -> memref<128xi32, #tpu.memory_space<vmem>>
        %dma_wait3A_219 = arith.constant 0 : i32
        %dma_wait3A_220 = arith.constant 0 : i32
        %dma_wait3A_221 = tpu.memref_slice %arg2[%dma_wait3A_219, %dma_wait3A_220] : memref<10000x64xf32, #tpu.memory_space<hbm>> -> memref<10000x64xf32, #tpu.memory_space<hbm>>
        tpu.wait_indirect_dma semaphore(%arg12 : memref<!tpu.dma_semaphore, #tpu.memory_space<semaphore_mem>>) src(%dma_wait3A_221 : memref<10000x64xf32, #tpu.memory_space<hbm>>) dst(%arg7 : memref<128x64xf32, #tpu.memory_space<vmem>>)
        %run_scoped3A_222 = arith.constant 1 : i32
        "tpu.region"() ({
          %run_scoped3A_266 = tpu.sem_alloc : memref<!tpu.dma_semaphore, #tpu.memory_space<semaphore_mem>>
          %dma_start3A_267 = arith.constant 0 : i32
          %dma_start3A_268 = tpu.memref_slice %arg5[%add3A_213, %run_scoped3A_222, %dma_start3A_267] : memref<32x2x128xi32, #tpu.memory_space<vmem>> -> memref<1x1x128xi32, #tpu.memory_space<vmem>>
          %dma_start3A_269 = tpu.memref_squeeze %dma_start3A_268 : memref<1x1x128xi32, #tpu.memory_space<vmem>> -> memref<128xi32, #tpu.memory_space<vmem>>
          %dma_start3A_270 = arith.constant 0 : i32
          %dma_start3A_271 = arith.constant 0 : i32
          %dma_start3A_272 = tpu.memref_slice %arg10[%dma_start3A_270, %dma_start3A_271] : memref<10240x64xf32, #tpu.memory_space<vmem_shared>> -> memref<10240x64xf32, #tpu.memory_space<vmem_shared>>
          tpu.enqueue_indirect_dma source(%arg7 : memref<128x64xf32, #tpu.memory_space<vmem>>) target(%dma_start3A_272 : memref<10240x64xf32, #tpu.memory_space<vmem_shared>>) offsets(%dma_start3A_269 : memref<128xi32, #tpu.memory_space<vmem>>) semaphore(%run_scoped3A_266 : memref<!tpu.dma_semaphore, #tpu.memory_space<semaphore_mem>>) {add = true}
          %dma_wait3A_273 = arith.constant 0 : i32
          %dma_wait3A_274 = tpu.memref_slice %arg5[%add3A_213, %run_scoped3A_222, %dma_wait3A_273] : memref<32x2x128xi32, #tpu.memory_space<vmem>> -> memref<1x1x128xi32, #tpu.memory_space<vmem>>
          %dma_wait3A_275 = tpu.memref_squeeze %dma_wait3A_274 : memref<1x1x128xi32, #tpu.memory_space<vmem>> -> memref<128xi32, #tpu.memory_space<vmem>>
          %dma_wait3A_276 = arith.constant 0 : i32
          %dma_wait3A_277 = arith.constant 0 : i32
          %dma_wait3A_278 = tpu.memref_slice %arg10[%dma_wait3A_276, %dma_wait3A_277] : memref<10240x64xf32, #tpu.memory_space<vmem_shared>> -> memref<10240x64xf32, #tpu.memory_space<vmem_shared>>
          tpu.wait_indirect_dma semaphore(%run_scoped3A_266 : memref<!tpu.dma_semaphore, #tpu.memory_space<semaphore_mem>>) src(%arg7 : memref<128x64xf32, #tpu.memory_space<vmem>>) dst(%dma_wait3A_278 : memref<10240x64xf32, #tpu.memory_space<vmem_shared>>)
          tpu.yield
        }) : () -> ()
        %add3A_223 = arith.constant 4 : i32
        %add3A_224 = arith.addi %add3A_213, %add3A_223 : i32
        %lt3A_225 = arith.constant 32 : i32
        %lt3A_226 = arith.cmpi slt, %add3A_224, %lt3A_225 : i32
        %convert_element_type3A_227 = arith.extui %lt3A_226 : i1 to i32
        %cond3A_228 = arith.constant 0 : i32
        %cond3A_229 = arith.cmpi ne, %convert_element_type3A_227, %cond3A_228 : i32
        scf.if %cond3A_229 {
          %add3A_266 = arith.constant 4 : i32
          %add3A_267 = arith.addi %add3A_213, %add3A_266 : i32
          %dma_start3A_268 = arith.constant 0 : i32
          %dma_start3A_269 = arith.constant 0 : i32
          %dma_start3A_270 = tpu.memref_slice %arg5[%add3A_267, %dma_start3A_268, %dma_start3A_269] : memref<32x2x128xi32, #tpu.memory_space<vmem>> -> memref<1x1x128xi32, #tpu.memory_space<vmem>>
          %dma_start3A_271 = tpu.memref_squeeze %dma_start3A_270 : memref<1x1x128xi32, #tpu.memory_space<vmem>> -> memref<128xi32, #tpu.memory_space<vmem>>
          %dma_start3A_272 = arith.constant 0 : i32
          %dma_start3A_273 = arith.constant 0 : i32
          %dma_start3A_274 = tpu.memref_slice %arg2[%dma_start3A_272, %dma_start3A_273] : memref<10000x64xf32, #tpu.memory_space<hbm>> -> memref<10000x64xf32, #tpu.memory_space<hbm>>
          tpu.enqueue_indirect_dma source(%dma_start3A_274 : memref<10000x64xf32, #tpu.memory_space<hbm>>) target(%arg7 : memref<128x64xf32, #tpu.memory_space<vmem>>) offsets(%dma_start3A_271 : memref<128xi32, #tpu.memory_space<vmem>>) semaphore(%arg12 : memref<!tpu.dma_semaphore, #tpu.memory_space<semaphore_mem>>)
        } else {
        }
        %add3A_230 = arith.constant 2 : i32
        %add3A_231 = arith.addi %mul3A_193, %add3A_230 : i32
        %dma_wait3A_232 = arith.constant 0 : i32
        %dma_wait3A_233 = arith.constant 0 : i32
        %dma_wait3A_234 = arith.constant 0 : i32
        %dma_wait3A_235 = tpu.memref_slice %arg5[%dma_wait3A_232, %dma_wait3A_233, %dma_wait3A_234] : memref<32x2x128xi32, #tpu.memory_space<vmem>> -> memref<1x1x128xi32, #tpu.memory_space<vmem>>
        %dma_wait3A_236 = tpu.memref_squeeze %dma_wait3A_235 : memref<1x1x128xi32, #tpu.memory_space<vmem>> -> memref<128xi32, #tpu.memory_space<vmem>>
        %dma_wait3A_237 = arith.constant 0 : i32
        %dma_wait3A_238 = arith.constant 0 : i32
        %dma_wait3A_239 = tpu.memref_slice %arg2[%dma_wait3A_237, %dma_wait3A_238] : memref<10000x64xf32, #tpu.memory_space<hbm>> -> memref<10000x64xf32, #tpu.memory_space<hbm>>
        tpu.wait_indirect_dma semaphore(%arg13 : memref<!tpu.dma_semaphore, #tpu.memory_space<semaphore_mem>>) src(%dma_wait3A_239 : memref<10000x64xf32, #tpu.memory_space<hbm>>) dst(%arg8 : memref<128x64xf32, #tpu.memory_space<vmem>>)
        %run_scoped3A_240 = arith.constant 1 : i32
        "tpu.region"() ({
          %run_scoped3A_266 = tpu.sem_alloc : memref<!tpu.dma_semaphore, #tpu.memory_space<semaphore_mem>>
          %dma_start3A_267 = arith.constant 0 : i32
          %dma_start3A_268 = tpu.memref_slice %arg5[%add3A_231, %run_scoped3A_240, %dma_start3A_267] : memref<32x2x128xi32, #tpu.memory_space<vmem>> -> memref<1x1x128xi32, #tpu.memory_space<vmem>>
          %dma_start3A_269 = tpu.memref_squeeze %dma_start3A_268 : memref<1x1x128xi32, #tpu.memory_space<vmem>> -> memref<128xi32, #tpu.memory_space<vmem>>
          %dma_start3A_270 = arith.constant 0 : i32
          %dma_start3A_271 = arith.constant 0 : i32
          %dma_start3A_272 = tpu.memref_slice %arg10[%dma_start3A_270, %dma_start3A_271] : memref<10240x64xf32, #tpu.memory_space<vmem_shared>> -> memref<10240x64xf32, #tpu.memory_space<vmem_shared>>
          tpu.enqueue_indirect_dma source(%arg8 : memref<128x64xf32, #tpu.memory_space<vmem>>) target(%dma_start3A_272 : memref<10240x64xf32, #tpu.memory_space<vmem_shared>>) offsets(%dma_start3A_269 : memref<128xi32, #tpu.memory_space<vmem>>) semaphore(%run_scoped3A_266 : memref<!tpu.dma_semaphore, #tpu.memory_space<semaphore_mem>>) {add = true}
          %dma_wait3A_273 = arith.constant 0 : i32
          %dma_wait3A_274 = tpu.memref_slice %arg5[%add3A_231, %run_scoped3A_240, %dma_wait3A_273] : memref<32x2x128xi32, #tpu.memory_space<vmem>> -> memref<1x1x128xi32, #tpu.memory_space<vmem>>
          %dma_wait3A_275 = tpu.memref_squeeze %dma_wait3A_274 : memref<1x1x128xi32, #tpu.memory_space<vmem>> -> memref<128xi32, #tpu.memory_space<vmem>>
          %dma_wait3A_276 = arith.constant 0 : i32
          %dma_wait3A_277 = arith.constant 0 : i32
          %dma_wait3A_278 = tpu.memref_slice %arg10[%dma_wait3A_276, %dma_wait3A_277] : memref<10240x64xf32, #tpu.memory_space<vmem_shared>> -> memref<10240x64xf32, #tpu.memory_space<vmem_shared>>
          tpu.wait_indirect_dma semaphore(%run_scoped3A_266 : memref<!tpu.dma_semaphore, #tpu.memory_space<semaphore_mem>>) src(%arg8 : memref<128x64xf32, #tpu.memory_space<vmem>>) dst(%dma_wait3A_278 : memref<10240x64xf32, #tpu.memory_space<vmem_shared>>)
          tpu.yield
        }) : () -> ()
        %add3A_241 = arith.constant 4 : i32
        %add3A_242 = arith.addi %add3A_231, %add3A_241 : i32
        %lt3A_243 = arith.constant 32 : i32
        %lt3A_244 = arith.cmpi slt, %add3A_242, %lt3A_243 : i32
        %convert_element_type3A_245 = arith.extui %lt3A_244 : i1 to i32
        %cond3A_246 = arith.constant 0 : i32
        %cond3A_247 = arith.cmpi ne, %convert_element_type3A_245, %cond3A_246 : i32
        scf.if %cond3A_247 {
          %add3A_266 = arith.constant 4 : i32
          %add3A_267 = arith.addi %add3A_231, %add3A_266 : i32
          %dma_start3A_268 = arith.constant 0 : i32
          %dma_start3A_269 = arith.constant 0 : i32
          %dma_start3A_270 = tpu.memref_slice %arg5[%add3A_267, %dma_start3A_268, %dma_start3A_269] : memref<32x2x128xi32, #tpu.memory_space<vmem>> -> memref<1x1x128xi32, #tpu.memory_space<vmem>>
          %dma_start3A_271 = tpu.memref_squeeze %dma_start3A_270 : memref<1x1x128xi32, #tpu.memory_space<vmem>> -> memref<128xi32, #tpu.memory_space<vmem>>
          %dma_start3A_272 = arith.constant 0 : i32
          %dma_start3A_273 = arith.constant 0 : i32
          %dma_start3A_274 = tpu.memref_slice %arg2[%dma_start3A_272, %dma_start3A_273] : memref<10000x64xf32, #tpu.memory_space<hbm>> -> memref<10000x64xf32, #tpu.memory_space<hbm>>
          tpu.enqueue_indirect_dma source(%dma_start3A_274 : memref<10000x64xf32, #tpu.memory_space<hbm>>) target(%arg8 : memref<128x64xf32, #tpu.memory_space<vmem>>) offsets(%dma_start3A_271 : memref<128xi32, #tpu.memory_space<vmem>>) semaphore(%arg13 : memref<!tpu.dma_semaphore, #tpu.memory_space<semaphore_mem>>)
        } else {
        }
        %add3A_248 = arith.constant 3 : i32
        %add3A_249 = arith.addi %mul3A_193, %add3A_248 : i32
        %dma_wait3A_250 = arith.constant 0 : i32
        %dma_wait3A_251 = arith.constant 0 : i32
        %dma_wait3A_252 = arith.constant 0 : i32
        %dma_wait3A_253 = tpu.memref_slice %arg5[%dma_wait3A_250, %dma_wait3A_251, %dma_wait3A_252] : memref<32x2x128xi32, #tpu.memory_space<vmem>> -> memref<1x1x128xi32, #tpu.memory_space<vmem>>
        %dma_wait3A_254 = tpu.memref_squeeze %dma_wait3A_253 : memref<1x1x128xi32, #tpu.memory_space<vmem>> -> memref<128xi32, #tpu.memory_space<vmem>>
        %dma_wait3A_255 = arith.constant 0 : i32
        %dma_wait3A_256 = arith.constant 0 : i32
        %dma_wait3A_257 = tpu.memref_slice %arg2[%dma_wait3A_255, %dma_wait3A_256] : memref<10000x64xf32, #tpu.memory_space<hbm>> -> memref<10000x64xf32, #tpu.memory_space<hbm>>
        tpu.wait_indirect_dma semaphore(%arg14 : memref<!tpu.dma_semaphore, #tpu.memory_space<semaphore_mem>>) src(%dma_wait3A_257 : memref<10000x64xf32, #tpu.memory_space<hbm>>) dst(%arg9 : memref<128x64xf32, #tpu.memory_space<vmem>>)
        %run_scoped3A_258 = arith.constant 1 : i32
        "tpu.region"() ({
          %run_scoped3A_266 = tpu.sem_alloc : memref<!tpu.dma_semaphore, #tpu.memory_space<semaphore_mem>>
          %dma_start3A_267 = arith.constant 0 : i32
          %dma_start3A_268 = tpu.memref_slice %arg5[%add3A_249, %run_scoped3A_258, %dma_start3A_267] : memref<32x2x128xi32, #tpu.memory_space<vmem>> -> memref<1x1x128xi32, #tpu.memory_space<vmem>>
          %dma_start3A_269 = tpu.memref_squeeze %dma_start3A_268 : memref<1x1x128xi32, #tpu.memory_space<vmem>> -> memref<128xi32, #tpu.memory_space<vmem>>
          %dma_start3A_270 = arith.constant 0 : i32
          %dma_start3A_271 = arith.constant 0 : i32
          %dma_start3A_272 = tpu.memref_slice %arg10[%dma_start3A_270, %dma_start3A_271] : memref<10240x64xf32, #tpu.memory_space<vmem_shared>> -> memref<10240x64xf32, #tpu.memory_space<vmem_shared>>
          tpu.enqueue_indirect_dma source(%arg9 : memref<128x64xf32, #tpu.memory_space<vmem>>) target(%dma_start3A_272 : memref<10240x64xf32, #tpu.memory_space<vmem_shared>>) offsets(%dma_start3A_269 : memref<128xi32, #tpu.memory_space<vmem>>) semaphore(%run_scoped3A_266 : memref<!tpu.dma_semaphore, #tpu.memory_space<semaphore_mem>>) {add = true}
          %dma_wait3A_273 = arith.constant 0 : i32
          %dma_wait3A_274 = tpu.memref_slice %arg5[%add3A_249, %run_scoped3A_258, %dma_wait3A_273] : memref<32x2x128xi32, #tpu.memory_space<vmem>> -> memref<1x1x128xi32, #tpu.memory_space<vmem>>
          %dma_wait3A_275 = tpu.memref_squeeze %dma_wait3A_274 : memref<1x1x128xi32, #tpu.memory_space<vmem>> -> memref<128xi32, #tpu.memory_space<vmem>>
          %dma_wait3A_276 = arith.constant 0 : i32
          %dma_wait3A_277 = arith.constant 0 : i32
          %dma_wait3A_278 = tpu.memref_slice %arg10[%dma_wait3A_276, %dma_wait3A_277] : memref<10240x64xf32, #tpu.memory_space<vmem_shared>> -> memref<10240x64xf32, #tpu.memory_space<vmem_shared>>
          tpu.wait_indirect_dma semaphore(%run_scoped3A_266 : memref<!tpu.dma_semaphore, #tpu.memory_space<semaphore_mem>>) src(%arg9 : memref<128x64xf32, #tpu.memory_space<vmem>>) dst(%dma_wait3A_278 : memref<10240x64xf32, #tpu.memory_space<vmem_shared>>)
          tpu.yield
        }) : () -> ()
        %add3A_259 = arith.constant 4 : i32
        %add3A_260 = arith.addi %add3A_249, %add3A_259 : i32
        %lt3A_261 = arith.constant 32 : i32
        %lt3A_262 = arith.cmpi slt, %add3A_260, %lt3A_261 : i32
        %convert_element_type3A_263 = arith.extui %lt3A_262 : i1 to i32
        %cond3A_264 = arith.constant 0 : i32
        %cond3A_265 = arith.cmpi ne, %convert_element_type3A_263, %cond3A_264 : i32
        scf.if %cond3A_265 {
          %add3A_266 = arith.constant 4 : i32
          %add3A_267 = arith.addi %add3A_249, %add3A_266 : i32
          %dma_start3A_268 = arith.constant 0 : i32
          %dma_start3A_269 = arith.constant 0 : i32
          %dma_start3A_270 = tpu.memref_slice %arg5[%add3A_267, %dma_start3A_268, %dma_start3A_269] : memref<32x2x128xi32, #tpu.memory_space<vmem>> -> memref<1x1x128xi32, #tpu.memory_space<vmem>>
          %dma_start3A_271 = tpu.memref_squeeze %dma_start3A_270 : memref<1x1x128xi32, #tpu.memory_space<vmem>> -> memref<128xi32, #tpu.memory_space<vmem>>
          %dma_start3A_272 = arith.constant 0 : i32
          %dma_start3A_273 = arith.constant 0 : i32
          %dma_start3A_274 = tpu.memref_slice %arg2[%dma_start3A_272, %dma_start3A_273] : memref<10000x64xf32, #tpu.memory_space<hbm>> -> memref<10000x64xf32, #tpu.memory_space<hbm>>
          tpu.enqueue_indirect_dma source(%dma_start3A_274 : memref<10000x64xf32, #tpu.memory_space<hbm>>) target(%arg9 : memref<128x64xf32, #tpu.memory_space<vmem>>) offsets(%dma_start3A_271 : memref<128xi32, #tpu.memory_space<vmem>>) semaphore(%arg14 : memref<!tpu.dma_semaphore, #tpu.memory_space<semaphore_mem>>)
        } else {
        }
      }
      %scan3A_82 = arith.constant 8 : i32
      %add3A_83 = arith.constant 32 : i32
      %add3A_84 = arith.addi %add3A_29, %add3A_83 : i32
      "tpu.region"() ({
        %run_scoped3A_191 = tpu.sem_alloc : memref<!tpu.dma_semaphore, #tpu.memory_space<semaphore_mem>>
        %dma_start3A_192 = arith.constant 0 : i32
        %dma_start3A_193 = arith.constant 0 : i32
        %dma_start3A_194 = arith.constant 0 : i32
        %dma_start3A_195 = tpu.memref_slice %arg5[%dma_start3A_192, %dma_start3A_193, %dma_start3A_194] : memref<32x2x128xi32, #tpu.memory_space<vmem>> -> memref<32x2x128xi32, #tpu.memory_space<vmem>>
        %dma_start3A_196 = arith.constant 0 : i32
        %dma_start3A_197 = arith.constant 0 : i32
        %dma_start3A_198 = tpu.memref_slice %arg3[%add3A_84, %dma_start3A_196, %dma_start3A_197] : memref<2500x2x128xi32, #tpu.memory_space<hbm>> -> memref<32x2x128xi32, #tpu.memory_space<hbm>>
        %dma_start3A_199 = arith.constant 0 : i32
        %dma_start3A_200 = arith.constant 0 : i32
        %dma_start3A_201 = arith.constant 0 : i32
        %dma_start3A_202 = tpu.memref_slice %arg5[%dma_start3A_199, %dma_start3A_200, %dma_start3A_201] : memref<32x2x128xi32, #tpu.memory_space<vmem>> -> memref<32x2x128xi32, #tpu.memory_space<vmem>>
        %dma_start3A_203 = arith.constant 0 : i32
        %dma_start3A_204 = arith.constant 0 : i32
        %dma_start3A_205 = tpu.memref_slice %arg3[%add3A_84, %dma_start3A_203, %dma_start3A_204] : memref<2500x2x128xi32, #tpu.memory_space<hbm>> -> memref<32x2x128xi32, #tpu.memory_space<hbm>>
        tpu.enqueue_dma source(%dma_start3A_205 : memref<32x2x128xi32, #tpu.memory_space<hbm>>) target(%dma_start3A_202 : memref<32x2x128xi32, #tpu.memory_space<vmem>>) target_semaphore(%run_scoped3A_191 : memref<!tpu.dma_semaphore, #tpu.memory_space<semaphore_mem>>)
        %dma_wait3A_206 = arith.constant 0 : i32
        %dma_wait3A_207 = arith.constant 0 : i32
        %dma_wait3A_208 = arith.constant 0 : i32
        %dma_wait3A_209 = tpu.memref_slice %arg5[%dma_wait3A_206, %dma_wait3A_207, %dma_wait3A_208] : memref<32x2x128xi32, #tpu.memory_space<vmem>> -> memref<32x2x128xi32, #tpu.memory_space<vmem>>
        %dma_wait3A_210 = arith.constant 0 : i32
        %dma_wait3A_211 = arith.constant 0 : i32
        %dma_wait3A_212 = tpu.memref_slice %arg3[%add3A_84, %dma_wait3A_210, %dma_wait3A_211] : memref<2500x2x128xi32, #tpu.memory_space<hbm>> -> memref<32x2x128xi32, #tpu.memory_space<hbm>>
        %dma_wait3A_213 = arith.constant 0 : i32
        %dma_wait3A_214 = arith.constant 0 : i32
        %dma_wait3A_215 = arith.constant 0 : i32
        %dma_wait3A_216 = tpu.memref_slice %arg5[%dma_wait3A_213, %dma_wait3A_214, %dma_wait3A_215] : memref<32x2x128xi32, #tpu.memory_space<vmem>> -> memref<32x2x128xi32, #tpu.memory_space<vmem>>
        %dma_wait3A_217 = arith.constant 0 : i32
        %dma_wait3A_218 = arith.constant 0 : i32
        %dma_wait3A_219 = tpu.memref_slice %arg3[%add3A_84, %dma_wait3A_217, %dma_wait3A_218] : memref<2500x2x128xi32, #tpu.memory_space<hbm>> -> memref<32x2x128xi32, #tpu.memory_space<hbm>>
        tpu.wait_dma2 semaphore(%run_scoped3A_191 : memref<!tpu.dma_semaphore, #tpu.memory_space<semaphore_mem>>) src(%dma_wait3A_219 : memref<32x2x128xi32, #tpu.memory_space<hbm>>) dst(%dma_wait3A_216 : memref<32x2x128xi32, #tpu.memory_space<vmem>>)
        tpu.yield
      }) : () -> ()
      %dma_start3A_85 = arith.constant 0 : i32
      %dma_start3A_86 = arith.constant 0 : i32
      %dma_start3A_87 = arith.constant 0 : i32
      %dma_start3A_88 = tpu.memref_slice %arg5[%dma_start3A_85, %dma_start3A_86, %dma_start3A_87] : memref<32x2x128xi32, #tpu.memory_space<vmem>> -> memref<1x1x128xi32, #tpu.memory_space<vmem>>
      %dma_start3A_89 = tpu.memref_squeeze %dma_start3A_88 : memref<1x1x128xi32, #tpu.memory_space<vmem>> -> memref<128xi32, #tpu.memory_space<vmem>>
      %dma_start3A_90 = arith.constant 0 : i32
      %dma_start3A_91 = arith.constant 0 : i32
      %dma_start3A_92 = tpu.memref_slice %arg2[%dma_start3A_90, %dma_start3A_91] : memref<10000x64xf32, #tpu.memory_space<hbm>> -> memref<10000x64xf32, #tpu.memory_space<hbm>>
      tpu.enqueue_indirect_dma source(%dma_start3A_92 : memref<10000x64xf32, #tpu.memory_space<hbm>>) target(%arg6 : memref<128x64xf32, #tpu.memory_space<vmem>>) offsets(%dma_start3A_89 : memref<128xi32, #tpu.memory_space<vmem>>) semaphore(%arg11 : memref<!tpu.dma_semaphore, #tpu.memory_space<semaphore_mem>>)
      %dma_start3A_93 = arith.constant 1 : i32
      %dma_start3A_94 = arith.constant 0 : i32
      %dma_start3A_95 = arith.constant 0 : i32
      %dma_start3A_96 = tpu.memref_slice %arg5[%dma_start3A_93, %dma_start3A_94, %dma_start3A_95] : memref<32x2x128xi32, #tpu.memory_space<vmem>> -> memref<1x1x128xi32, #tpu.memory_space<vmem>>
      %dma_start3A_97 = tpu.memref_squeeze %dma_start3A_96 : memref<1x1x128xi32, #tpu.memory_space<vmem>> -> memref<128xi32, #tpu.memory_space<vmem>>
      %dma_start3A_98 = arith.constant 0 : i32
      %dma_start3A_99 = arith.constant 0 : i32
      %dma_start3A_100 = tpu.memref_slice %arg2[%dma_start3A_98, %dma_start3A_99] : memref<10000x64xf32, #tpu.memory_space<hbm>> -> memref<10000x64xf32, #tpu.memory_space<hbm>>
      tpu.enqueue_indirect_dma source(%dma_start3A_100 : memref<10000x64xf32, #tpu.memory_space<hbm>>) target(%arg7 : memref<128x64xf32, #tpu.memory_space<vmem>>) offsets(%dma_start3A_97 : memref<128xi32, #tpu.memory_space<vmem>>) semaphore(%arg12 : memref<!tpu.dma_semaphore, #tpu.memory_space<semaphore_mem>>)
      %dma_start3A_101 = arith.constant 2 : i32
      %dma_start3A_102 = arith.constant 0 : i32
      %dma_start3A_103 = arith.constant 0 : i32
      %dma_start3A_104 = tpu.memref_slice %arg5[%dma_start3A_101, %dma_start3A_102, %dma_start3A_103] : memref<32x2x128xi32, #tpu.memory_space<vmem>> -> memref<1x1x128xi32, #tpu.memory_space<vmem>>
      %dma_start3A_105 = tpu.memref_squeeze %dma_start3A_104 : memref<1x1x128xi32, #tpu.memory_space<vmem>> -> memref<128xi32, #tpu.memory_space<vmem>>
      %dma_start3A_106 = arith.constant 0 : i32
      %dma_start3A_107 = arith.constant 0 : i32
      %dma_start3A_108 = tpu.memref_slice %arg2[%dma_start3A_106, %dma_start3A_107] : memref<10000x64xf32, #tpu.memory_space<hbm>> -> memref<10000x64xf32, #tpu.memory_space<hbm>>
      tpu.enqueue_indirect_dma source(%dma_start3A_108 : memref<10000x64xf32, #tpu.memory_space<hbm>>) target(%arg8 : memref<128x64xf32, #tpu.memory_space<vmem>>) offsets(%dma_start3A_105 : memref<128xi32, #tpu.memory_space<vmem>>) semaphore(%arg13 : memref<!tpu.dma_semaphore, #tpu.memory_space<semaphore_mem>>)
      %dma_start3A_109 = arith.constant 3 : i32
      %dma_start3A_110 = arith.constant 0 : i32
      %dma_start3A_111 = arith.constant 0 : i32
      %dma_start3A_112 = tpu.memref_slice %arg5[%dma_start3A_109, %dma_start3A_110, %dma_start3A_111] : memref<32x2x128xi32, #tpu.memory_space<vmem>> -> memref<1x1x128xi32, #tpu.memory_space<vmem>>
      %dma_start3A_113 = tpu.memref_squeeze %dma_start3A_112 : memref<1x1x128xi32, #tpu.memory_space<vmem>> -> memref<128xi32, #tpu.memory_space<vmem>>
      %dma_start3A_114 = arith.constant 0 : i32
      %dma_start3A_115 = arith.constant 0 : i32
      %dma_start3A_116 = tpu.memref_slice %arg2[%dma_start3A_114, %dma_start3A_115] : memref<10000x64xf32, #tpu.memory_space<hbm>> -> memref<10000x64xf32, #tpu.memory_space<hbm>>
      tpu.enqueue_indirect_dma source(%dma_start3A_116 : memref<10000x64xf32, #tpu.memory_space<hbm>>) target(%arg9 : memref<128x64xf32, #tpu.memory_space<vmem>>) offsets(%dma_start3A_113 : memref<128xi32, #tpu.memory_space<vmem>>) semaphore(%arg14 : memref<!tpu.dma_semaphore, #tpu.memory_space<semaphore_mem>>)
      %scan3A_117 = arith.constant 0 : i32
      %scan3A_118 = arith.constant 0 : i32
      %scan3A_119 = arith.constant 8 : i32
      %scan3A_120 = arith.addi %scan3A_118, %scan3A_119 : i32
      %scan3A_121 = arith.constant 1 : i32
      scf.for %scan3A_191 = %scan3A_118 to %scan3A_120 step %scan3A_121  : i32 {
        %mul3A_192 = arith.constant 4 : i32
        %mul3A_193 = arith.muli %scan3A_191, %mul3A_192 : i32
        %add3A_194 = arith.constant 0 : i32
        %add3A_195 = arith.addi %mul3A_193, %add3A_194 : i32
        %dma_wait3A_196 = arith.constant 0 : i32
        %dma_wait3A_197 = arith.constant 0 : i32
        %dma_wait3A_198 = arith.constant 0 : i32
        %dma_wait3A_199 = tpu.memref_slice %arg5[%dma_wait3A_196, %dma_wait3A_197, %dma_wait3A_198] : memref<32x2x128xi32, #tpu.memory_space<vmem>> -> memref<1x1x128xi32, #tpu.memory_space<vmem>>
        %dma_wait3A_200 = tpu.memref_squeeze %dma_wait3A_199 : memref<1x1x128xi32, #tpu.memory_space<vmem>> -> memref<128xi32, #tpu.memory_space<vmem>>
        %dma_wait3A_201 = arith.constant 0 : i32
        %dma_wait3A_202 = arith.constant 0 : i32
        %dma_wait3A_203 = tpu.memref_slice %arg2[%dma_wait3A_201, %dma_wait3A_202] : memref<10000x64xf32, #tpu.memory_space<hbm>> -> memref<10000x64xf32, #tpu.memory_space<hbm>>
        tpu.wait_indirect_dma semaphore(%arg11 : memref<!tpu.dma_semaphore, #tpu.memory_space<semaphore_mem>>) src(%dma_wait3A_203 : memref<10000x64xf32, #tpu.memory_space<hbm>>) dst(%arg6 : memref<128x64xf32, #tpu.memory_space<vmem>>)
        %run_scoped3A_204 = arith.constant 1 : i32
        "tpu.region"() ({
          %run_scoped3A_266 = tpu.sem_alloc : memref<!tpu.dma_semaphore, #tpu.memory_space<semaphore_mem>>
          %dma_start3A_267 = arith.constant 0 : i32
          %dma_start3A_268 = tpu.memref_slice %arg5[%add3A_195, %run_scoped3A_204, %dma_start3A_267] : memref<32x2x128xi32, #tpu.memory_space<vmem>> -> memref<1x1x128xi32, #tpu.memory_space<vmem>>
          %dma_start3A_269 = tpu.memref_squeeze %dma_start3A_268 : memref<1x1x128xi32, #tpu.memory_space<vmem>> -> memref<128xi32, #tpu.memory_space<vmem>>
          %dma_start3A_270 = arith.constant 0 : i32
          %dma_start3A_271 = arith.constant 0 : i32
          %dma_start3A_272 = tpu.memref_slice %arg10[%dma_start3A_270, %dma_start3A_271] : memref<10240x64xf32, #tpu.memory_space<vmem_shared>> -> memref<10240x64xf32, #tpu.memory_space<vmem_shared>>
          tpu.enqueue_indirect_dma source(%arg6 : memref<128x64xf32, #tpu.memory_space<vmem>>) target(%dma_start3A_272 : memref<10240x64xf32, #tpu.memory_space<vmem_shared>>) offsets(%dma_start3A_269 : memref<128xi32, #tpu.memory_space<vmem>>) semaphore(%run_scoped3A_266 : memref<!tpu.dma_semaphore, #tpu.memory_space<semaphore_mem>>) {add = true}
          %dma_wait3A_273 = arith.constant 0 : i32
          %dma_wait3A_274 = tpu.memref_slice %arg5[%add3A_195, %run_scoped3A_204, %dma_wait3A_273] : memref<32x2x128xi32, #tpu.memory_space<vmem>> -> memref<1x1x128xi32, #tpu.memory_space<vmem>>
          %dma_wait3A_275 = tpu.memref_squeeze %dma_wait3A_274 : memref<1x1x128xi32, #tpu.memory_space<vmem>> -> memref<128xi32, #tpu.memory_space<vmem>>
          %dma_wait3A_276 = arith.constant 0 : i32
          %dma_wait3A_277 = arith.constant 0 : i32
          %dma_wait3A_278 = tpu.memref_slice %arg10[%dma_wait3A_276, %dma_wait3A_277] : memref<10240x64xf32, #tpu.memory_space<vmem_shared>> -> memref<10240x64xf32, #tpu.memory_space<vmem_shared>>
          tpu.wait_indirect_dma semaphore(%run_scoped3A_266 : memref<!tpu.dma_semaphore, #tpu.memory_space<semaphore_mem>>) src(%arg6 : memref<128x64xf32, #tpu.memory_space<vmem>>) dst(%dma_wait3A_278 : memref<10240x64xf32, #tpu.memory_space<vmem_shared>>)
          tpu.yield
        }) : () -> ()
        %add3A_205 = arith.constant 4 : i32
        %add3A_206 = arith.addi %add3A_195, %add3A_205 : i32
        %lt3A_207 = arith.constant 32 : i32
        %lt3A_208 = arith.cmpi slt, %add3A_206, %lt3A_207 : i32
        %convert_element_type3A_209 = arith.extui %lt3A_208 : i1 to i32
        %cond3A_210 = arith.constant 0 : i32
        %cond3A_211 = arith.cmpi ne, %convert_element_type3A_209, %cond3A_210 : i32
        scf.if %cond3A_211 {
          %add3A_266 = arith.constant 4 : i32
          %add3A_267 = arith.addi %add3A_195, %add3A_266 : i32
          %dma_start3A_268 = arith.constant 0 : i32
          %dma_start3A_269 = arith.constant 0 : i32
          %dma_start3A_270 = tpu.memref_slice %arg5[%add3A_267, %dma_start3A_268, %dma_start3A_269] : memref<32x2x128xi32, #tpu.memory_space<vmem>> -> memref<1x1x128xi32, #tpu.memory_space<vmem>>
          %dma_start3A_271 = tpu.memref_squeeze %dma_start3A_270 : memref<1x1x128xi32, #tpu.memory_space<vmem>> -> memref<128xi32, #tpu.memory_space<vmem>>
          %dma_start3A_272 = arith.constant 0 : i32
          %dma_start3A_273 = arith.constant 0 : i32
          %dma_start3A_274 = tpu.memref_slice %arg2[%dma_start3A_272, %dma_start3A_273] : memref<10000x64xf32, #tpu.memory_space<hbm>> -> memref<10000x64xf32, #tpu.memory_space<hbm>>
          tpu.enqueue_indirect_dma source(%dma_start3A_274 : memref<10000x64xf32, #tpu.memory_space<hbm>>) target(%arg6 : memref<128x64xf32, #tpu.memory_space<vmem>>) offsets(%dma_start3A_271 : memref<128xi32, #tpu.memory_space<vmem>>) semaphore(%arg11 : memref<!tpu.dma_semaphore, #tpu.memory_space<semaphore_mem>>)
        } else {
        }
        %add3A_212 = arith.constant 1 : i32
        %add3A_213 = arith.addi %mul3A_193, %add3A_212 : i32
        %dma_wait3A_214 = arith.constant 0 : i32
        %dma_wait3A_215 = arith.constant 0 : i32
        %dma_wait3A_216 = arith.constant 0 : i32
        %dma_wait3A_217 = tpu.memref_slice %arg5[%dma_wait3A_214, %dma_wait3A_215, %dma_wait3A_216] : memref<32x2x128xi32, #tpu.memory_space<vmem>> -> memref<1x1x128xi32, #tpu.memory_space<vmem>>
        %dma_wait3A_218 = tpu.memref_squeeze %dma_wait3A_217 : memref<1x1x128xi32, #tpu.memory_space<vmem>> -> memref<128xi32, #tpu.memory_space<vmem>>
        %dma_wait3A_219 = arith.constant 0 : i32
        %dma_wait3A_220 = arith.constant 0 : i32
        %dma_wait3A_221 = tpu.memref_slice %arg2[%dma_wait3A_219, %dma_wait3A_220] : memref<10000x64xf32, #tpu.memory_space<hbm>> -> memref<10000x64xf32, #tpu.memory_space<hbm>>
        tpu.wait_indirect_dma semaphore(%arg12 : memref<!tpu.dma_semaphore, #tpu.memory_space<semaphore_mem>>) src(%dma_wait3A_221 : memref<10000x64xf32, #tpu.memory_space<hbm>>) dst(%arg7 : memref<128x64xf32, #tpu.memory_space<vmem>>)
        %run_scoped3A_222 = arith.constant 1 : i32
        "tpu.region"() ({
          %run_scoped3A_266 = tpu.sem_alloc : memref<!tpu.dma_semaphore, #tpu.memory_space<semaphore_mem>>
          %dma_start3A_267 = arith.constant 0 : i32
          %dma_start3A_268 = tpu.memref_slice %arg5[%add3A_213, %run_scoped3A_222, %dma_start3A_267] : memref<32x2x128xi32, #tpu.memory_space<vmem>> -> memref<1x1x128xi32, #tpu.memory_space<vmem>>
          %dma_start3A_269 = tpu.memref_squeeze %dma_start3A_268 : memref<1x1x128xi32, #tpu.memory_space<vmem>> -> memref<128xi32, #tpu.memory_space<vmem>>
          %dma_start3A_270 = arith.constant 0 : i32
          %dma_start3A_271 = arith.constant 0 : i32
          %dma_start3A_272 = tpu.memref_slice %arg10[%dma_start3A_270, %dma_start3A_271] : memref<10240x64xf32, #tpu.memory_space<vmem_shared>> -> memref<10240x64xf32, #tpu.memory_space<vmem_shared>>
          tpu.enqueue_indirect_dma source(%arg7 : memref<128x64xf32, #tpu.memory_space<vmem>>) target(%dma_start3A_272 : memref<10240x64xf32, #tpu.memory_space<vmem_shared>>) offsets(%dma_start3A_269 : memref<128xi32, #tpu.memory_space<vmem>>) semaphore(%run_scoped3A_266 : memref<!tpu.dma_semaphore, #tpu.memory_space<semaphore_mem>>) {add = true}
          %dma_wait3A_273 = arith.constant 0 : i32
          %dma_wait3A_274 = tpu.memref_slice %arg5[%add3A_213, %run_scoped3A_222, %dma_wait3A_273] : memref<32x2x128xi32, #tpu.memory_space<vmem>> -> memref<1x1x128xi32, #tpu.memory_space<vmem>>
          %dma_wait3A_275 = tpu.memref_squeeze %dma_wait3A_274 : memref<1x1x128xi32, #tpu.memory_space<vmem>> -> memref<128xi32, #tpu.memory_space<vmem>>
          %dma_wait3A_276 = arith.constant 0 : i32
          %dma_wait3A_277 = arith.constant 0 : i32
          %dma_wait3A_278 = tpu.memref_slice %arg10[%dma_wait3A_276, %dma_wait3A_277] : memref<10240x64xf32, #tpu.memory_space<vmem_shared>> -> memref<10240x64xf32, #tpu.memory_space<vmem_shared>>
          tpu.wait_indirect_dma semaphore(%run_scoped3A_266 : memref<!tpu.dma_semaphore, #tpu.memory_space<semaphore_mem>>) src(%arg7 : memref<128x64xf32, #tpu.memory_space<vmem>>) dst(%dma_wait3A_278 : memref<10240x64xf32, #tpu.memory_space<vmem_shared>>)
          tpu.yield
        }) : () -> ()
        %add3A_223 = arith.constant 4 : i32
        %add3A_224 = arith.addi %add3A_213, %add3A_223 : i32
        %lt3A_225 = arith.constant 32 : i32
        %lt3A_226 = arith.cmpi slt, %add3A_224, %lt3A_225 : i32
        %convert_element_type3A_227 = arith.extui %lt3A_226 : i1 to i32
        %cond3A_228 = arith.constant 0 : i32
        %cond3A_229 = arith.cmpi ne, %convert_element_type3A_227, %cond3A_228 : i32
        scf.if %cond3A_229 {
          %add3A_266 = arith.constant 4 : i32
          %add3A_267 = arith.addi %add3A_213, %add3A_266 : i32
          %dma_start3A_268 = arith.constant 0 : i32
          %dma_start3A_269 = arith.constant 0 : i32
          %dma_start3A_270 = tpu.memref_slice %arg5[%add3A_267, %dma_start3A_268, %dma_start3A_269] : memref<32x2x128xi32, #tpu.memory_space<vmem>> -> memref<1x1x128xi32, #tpu.memory_space<vmem>>
          %dma_start3A_271 = tpu.memref_squeeze %dma_start3A_270 : memref<1x1x128xi32, #tpu.memory_space<vmem>> -> memref<128xi32, #tpu.memory_space<vmem>>
          %dma_start3A_272 = arith.constant 0 : i32
          %dma_start3A_273 = arith.constant 0 : i32
          %dma_start3A_274 = tpu.memref_slice %arg2[%dma_start3A_272, %dma_start3A_273] : memref<10000x64xf32, #tpu.memory_space<hbm>> -> memref<10000x64xf32, #tpu.memory_space<hbm>>
          tpu.enqueue_indirect_dma source(%dma_start3A_274 : memref<10000x64xf32, #tpu.memory_space<hbm>>) target(%arg7 : memref<128x64xf32, #tpu.memory_space<vmem>>) offsets(%dma_start3A_271 : memref<128xi32, #tpu.memory_space<vmem>>) semaphore(%arg12 : memref<!tpu.dma_semaphore, #tpu.memory_space<semaphore_mem>>)
        } else {
        }
        %add3A_230 = arith.constant 2 : i32
        %add3A_231 = arith.addi %mul3A_193, %add3A_230 : i32
        %dma_wait3A_232 = arith.constant 0 : i32
        %dma_wait3A_233 = arith.constant 0 : i32
        %dma_wait3A_234 = arith.constant 0 : i32
        %dma_wait3A_235 = tpu.memref_slice %arg5[%dma_wait3A_232, %dma_wait3A_233, %dma_wait3A_234] : memref<32x2x128xi32, #tpu.memory_space<vmem>> -> memref<1x1x128xi32, #tpu.memory_space<vmem>>
        %dma_wait3A_236 = tpu.memref_squeeze %dma_wait3A_235 : memref<1x1x128xi32, #tpu.memory_space<vmem>> -> memref<128xi32, #tpu.memory_space<vmem>>
        %dma_wait3A_237 = arith.constant 0 : i32
        %dma_wait3A_238 = arith.constant 0 : i32
        %dma_wait3A_239 = tpu.memref_slice %arg2[%dma_wait3A_237, %dma_wait3A_238] : memref<10000x64xf32, #tpu.memory_space<hbm>> -> memref<10000x64xf32, #tpu.memory_space<hbm>>
        tpu.wait_indirect_dma semaphore(%arg13 : memref<!tpu.dma_semaphore, #tpu.memory_space<semaphore_mem>>) src(%dma_wait3A_239 : memref<10000x64xf32, #tpu.memory_space<hbm>>) dst(%arg8 : memref<128x64xf32, #tpu.memory_space<vmem>>)
        %run_scoped3A_240 = arith.constant 1 : i32
        "tpu.region"() ({
          %run_scoped3A_266 = tpu.sem_alloc : memref<!tpu.dma_semaphore, #tpu.memory_space<semaphore_mem>>
          %dma_start3A_267 = arith.constant 0 : i32
          %dma_start3A_268 = tpu.memref_slice %arg5[%add3A_231, %run_scoped3A_240, %dma_start3A_267] : memref<32x2x128xi32, #tpu.memory_space<vmem>> -> memref<1x1x128xi32, #tpu.memory_space<vmem>>
          %dma_start3A_269 = tpu.memref_squeeze %dma_start3A_268 : memref<1x1x128xi32, #tpu.memory_space<vmem>> -> memref<128xi32, #tpu.memory_space<vmem>>
          %dma_start3A_270 = arith.constant 0 : i32
          %dma_start3A_271 = arith.constant 0 : i32
          %dma_start3A_272 = tpu.memref_slice %arg10[%dma_start3A_270, %dma_start3A_271] : memref<10240x64xf32, #tpu.memory_space<vmem_shared>> -> memref<10240x64xf32, #tpu.memory_space<vmem_shared>>
          tpu.enqueue_indirect_dma source(%arg8 : memref<128x64xf32, #tpu.memory_space<vmem>>) target(%dma_start3A_272 : memref<10240x64xf32, #tpu.memory_space<vmem_shared>>) offsets(%dma_start3A_269 : memref<128xi32, #tpu.memory_space<vmem>>) semaphore(%run_scoped3A_266 : memref<!tpu.dma_semaphore, #tpu.memory_space<semaphore_mem>>) {add = true}
          %dma_wait3A_273 = arith.constant 0 : i32
          %dma_wait3A_274 = tpu.memref_slice %arg5[%add3A_231, %run_scoped3A_240, %dma_wait3A_273] : memref<32x2x128xi32, #tpu.memory_space<vmem>> -> memref<1x1x128xi32, #tpu.memory_space<vmem>>
          %dma_wait3A_275 = tpu.memref_squeeze %dma_wait3A_274 : memref<1x1x128xi32, #tpu.memory_space<vmem>> -> memref<128xi32, #tpu.memory_space<vmem>>
          %dma_wait3A_276 = arith.constant 0 : i32
          %dma_wait3A_277 = arith.constant 0 : i32
          %dma_wait3A_278 = tpu.memref_slice %arg10[%dma_wait3A_276, %dma_wait3A_277] : memref<10240x64xf32, #tpu.memory_space<vmem_shared>> -> memref<10240x64xf32, #tpu.memory_space<vmem_shared>>
          tpu.wait_indirect_dma semaphore(%run_scoped3A_266 : memref<!tpu.dma_semaphore, #tpu.memory_space<semaphore_mem>>) src(%arg8 : memref<128x64xf32, #tpu.memory_space<vmem>>) dst(%dma_wait3A_278 : memref<10240x64xf32, #tpu.memory_space<vmem_shared>>)
          tpu.yield
        }) : () -> ()
        %add3A_241 = arith.constant 4 : i32
        %add3A_242 = arith.addi %add3A_231, %add3A_241 : i32
        %lt3A_243 = arith.constant 32 : i32
        %lt3A_244 = arith.cmpi slt, %add3A_242, %lt3A_243 : i32
        %convert_element_type3A_245 = arith.extui %lt3A_244 : i1 to i32
        %cond3A_246 = arith.constant 0 : i32
        %cond3A_247 = arith.cmpi ne, %convert_element_type3A_245, %cond3A_246 : i32
        scf.if %cond3A_247 {
          %add3A_266 = arith.constant 4 : i32
          %add3A_267 = arith.addi %add3A_231, %add3A_266 : i32
          %dma_start3A_268 = arith.constant 0 : i32
          %dma_start3A_269 = arith.constant 0 : i32
          %dma_start3A_270 = tpu.memref_slice %arg5[%add3A_267, %dma_start3A_268, %dma_start3A_269] : memref<32x2x128xi32, #tpu.memory_space<vmem>> -> memref<1x1x128xi32, #tpu.memory_space<vmem>>
          %dma_start3A_271 = tpu.memref_squeeze %dma_start3A_270 : memref<1x1x128xi32, #tpu.memory_space<vmem>> -> memref<128xi32, #tpu.memory_space<vmem>>
          %dma_start3A_272 = arith.constant 0 : i32
          %dma_start3A_273 = arith.constant 0 : i32
          %dma_start3A_274 = tpu.memref_slice %arg2[%dma_start3A_272, %dma_start3A_273] : memref<10000x64xf32, #tpu.memory_space<hbm>> -> memref<10000x64xf32, #tpu.memory_space<hbm>>
          tpu.enqueue_indirect_dma source(%dma_start3A_274 : memref<10000x64xf32, #tpu.memory_space<hbm>>) target(%arg8 : memref<128x64xf32, #tpu.memory_space<vmem>>) offsets(%dma_start3A_271 : memref<128xi32, #tpu.memory_space<vmem>>) semaphore(%arg13 : memref<!tpu.dma_semaphore, #tpu.memory_space<semaphore_mem>>)
        } else {
        }
        %add3A_248 = arith.constant 3 : i32
        %add3A_249 = arith.addi %mul3A_193, %add3A_248 : i32
        %dma_wait3A_250 = arith.constant 0 : i32
        %dma_wait3A_251 = arith.constant 0 : i32
        %dma_wait3A_252 = arith.constant 0 : i32
        %dma_wait3A_253 = tpu.memref_slice %arg5[%dma_wait3A_250, %dma_wait3A_251, %dma_wait3A_252] : memref<32x2x128xi32, #tpu.memory_space<vmem>> -> memref<1x1x128xi32, #tpu.memory_space<vmem>>
        %dma_wait3A_254 = tpu.memref_squeeze %dma_wait3A_253 : memref<1x1x128xi32, #tpu.memory_space<vmem>> -> memref<128xi32, #tpu.memory_space<vmem>>
        %dma_wait3A_255 = arith.constant 0 : i32
        %dma_wait3A_256 = arith.constant 0 : i32
        %dma_wait3A_257 = tpu.memref_slice %arg2[%dma_wait3A_255, %dma_wait3A_256] : memref<10000x64xf32, #tpu.memory_space<hbm>> -> memref<10000x64xf32, #tpu.memory_space<hbm>>
        tpu.wait_indirect_dma semaphore(%arg14 : memref<!tpu.dma_semaphore, #tpu.memory_space<semaphore_mem>>) src(%dma_wait3A_257 : memref<10000x64xf32, #tpu.memory_space<hbm>>) dst(%arg9 : memref<128x64xf32, #tpu.memory_space<vmem>>)
        %run_scoped3A_258 = arith.constant 1 : i32
        "tpu.region"() ({
          %run_scoped3A_266 = tpu.sem_alloc : memref<!tpu.dma_semaphore, #tpu.memory_space<semaphore_mem>>
          %dma_start3A_267 = arith.constant 0 : i32
          %dma_start3A_268 = tpu.memref_slice %arg5[%add3A_249, %run_scoped3A_258, %dma_start3A_267] : memref<32x2x128xi32, #tpu.memory_space<vmem>> -> memref<1x1x128xi32, #tpu.memory_space<vmem>>
          %dma_start3A_269 = tpu.memref_squeeze %dma_start3A_268 : memref<1x1x128xi32, #tpu.memory_space<vmem>> -> memref<128xi32, #tpu.memory_space<vmem>>
          %dma_start3A_270 = arith.constant 0 : i32
          %dma_start3A_271 = arith.constant 0 : i32
          %dma_start3A_272 = tpu.memref_slice %arg10[%dma_start3A_270, %dma_start3A_271] : memref<10240x64xf32, #tpu.memory_space<vmem_shared>> -> memref<10240x64xf32, #tpu.memory_space<vmem_shared>>
          tpu.enqueue_indirect_dma source(%arg9 : memref<128x64xf32, #tpu.memory_space<vmem>>) target(%dma_start3A_272 : memref<10240x64xf32, #tpu.memory_space<vmem_shared>>) offsets(%dma_start3A_269 : memref<128xi32, #tpu.memory_space<vmem>>) semaphore(%run_scoped3A_266 : memref<!tpu.dma_semaphore, #tpu.memory_space<semaphore_mem>>) {add = true}
          %dma_wait3A_273 = arith.constant 0 : i32
          %dma_wait3A_274 = tpu.memref_slice %arg5[%add3A_249, %run_scoped3A_258, %dma_wait3A_273] : memref<32x2x128xi32, #tpu.memory_space<vmem>> -> memref<1x1x128xi32, #tpu.memory_space<vmem>>
          %dma_wait3A_275 = tpu.memref_squeeze %dma_wait3A_274 : memref<1x1x128xi32, #tpu.memory_space<vmem>> -> memref<128xi32, #tpu.memory_space<vmem>>
          %dma_wait3A_276 = arith.constant 0 : i32
          %dma_wait3A_277 = arith.constant 0 : i32
          %dma_wait3A_278 = tpu.memref_slice %arg10[%dma_wait3A_276, %dma_wait3A_277] : memref<10240x64xf32, #tpu.memory_space<vmem_shared>> -> memref<10240x64xf32, #tpu.memory_space<vmem_shared>>
          tpu.wait_indirect_dma semaphore(%run_scoped3A_266 : memref<!tpu.dma_semaphore, #tpu.memory_space<semaphore_mem>>) src(%arg9 : memref<128x64xf32, #tpu.memory_space<vmem>>) dst(%dma_wait3A_278 : memref<10240x64xf32, #tpu.memory_space<vmem_shared>>)
          tpu.yield
        }) : () -> ()
        %add3A_259 = arith.constant 4 : i32
        %add3A_260 = arith.addi %add3A_249, %add3A_259 : i32
        %lt3A_261 = arith.constant 32 : i32
        %lt3A_262 = arith.cmpi slt, %add3A_260, %lt3A_261 : i32
        %convert_element_type3A_263 = arith.extui %lt3A_262 : i1 to i32
        %cond3A_264 = arith.constant 0 : i32
        %cond3A_265 = arith.cmpi ne, %convert_element_type3A_263, %cond3A_264 : i32
        scf.if %cond3A_265 {
          %add3A_266 = arith.constant 4 : i32
          %add3A_267 = arith.addi %add3A_249, %add3A_266 : i32
          %dma_start3A_268 = arith.constant 0 : i32
          %dma_start3A_269 = arith.constant 0 : i32
          %dma_start3A_270 = tpu.memref_slice %arg5[%add3A_267, %dma_start3A_268, %dma_start3A_269] : memref<32x2x128xi32, #tpu.memory_space<vmem>> -> memref<1x1x128xi32, #tpu.memory_space<vmem>>
          %dma_start3A_271 = tpu.memref_squeeze %dma_start3A_270 : memref<1x1x128xi32, #tpu.memory_space<vmem>> -> memref<128xi32, #tpu.memory_space<vmem>>
          %dma_start3A_272 = arith.constant 0 : i32
          %dma_start3A_273 = arith.constant 0 : i32
          %dma_start3A_274 = tpu.memref_slice %arg2[%dma_start3A_272, %dma_start3A_273] : memref<10000x64xf32, #tpu.memory_space<hbm>> -> memref<10000x64xf32, #tpu.memory_space<hbm>>
          tpu.enqueue_indirect_dma source(%dma_start3A_274 : memref<10000x64xf32, #tpu.memory_space<hbm>>) target(%arg9 : memref<128x64xf32, #tpu.memory_space<vmem>>) offsets(%dma_start3A_271 : memref<128xi32, #tpu.memory_space<vmem>>) semaphore(%arg14 : memref<!tpu.dma_semaphore, #tpu.memory_space<semaphore_mem>>)
        } else {
        }
      }
      %scan3A_122 = arith.constant 8 : i32
      %add3A_123 = arith.constant 64 : i32
      %add3A_124 = arith.addi %add3A_29, %add3A_123 : i32
      "tpu.region"() ({
        %run_scoped3A_191 = tpu.sem_alloc : memref<!tpu.dma_semaphore, #tpu.memory_space<semaphore_mem>>
        %dma_start3A_192 = arith.constant 0 : i32
        %dma_start3A_193 = arith.constant 0 : i32
        %dma_start3A_194 = arith.constant 0 : i32
        %dma_start3A_195 = tpu.memref_slice %arg5[%dma_start3A_192, %dma_start3A_193, %dma_start3A_194] : memref<32x2x128xi32, #tpu.memory_space<vmem>> -> memref<15x2x128xi32, #tpu.memory_space<vmem>>
        %dma_start3A_196 = arith.constant 0 : i32
        %dma_start3A_197 = arith.constant 0 : i32
        %dma_start3A_198 = tpu.memref_slice %arg3[%add3A_124, %dma_start3A_196, %dma_start3A_197] : memref<2500x2x128xi32, #tpu.memory_space<hbm>> -> memref<15x2x128xi32, #tpu.memory_space<hbm>>
        %dma_start3A_199 = arith.constant 0 : i32
        %dma_start3A_200 = arith.constant 0 : i32
        %dma_start3A_201 = arith.constant 0 : i32
        %dma_start3A_202 = tpu.memref_slice %arg5[%dma_start3A_199, %dma_start3A_200, %dma_start3A_201] : memref<32x2x128xi32, #tpu.memory_space<vmem>> -> memref<15x2x128xi32, #tpu.memory_space<vmem>>
        %dma_start3A_203 = arith.constant 0 : i32
        %dma_start3A_204 = arith.constant 0 : i32
        %dma_start3A_205 = tpu.memref_slice %arg3[%add3A_124, %dma_start3A_203, %dma_start3A_204] : memref<2500x2x128xi32, #tpu.memory_space<hbm>> -> memref<15x2x128xi32, #tpu.memory_space<hbm>>
        tpu.enqueue_dma source(%dma_start3A_205 : memref<15x2x128xi32, #tpu.memory_space<hbm>>) target(%dma_start3A_202 : memref<15x2x128xi32, #tpu.memory_space<vmem>>) target_semaphore(%run_scoped3A_191 : memref<!tpu.dma_semaphore, #tpu.memory_space<semaphore_mem>>)
        %dma_wait3A_206 = arith.constant 0 : i32
        %dma_wait3A_207 = arith.constant 0 : i32
        %dma_wait3A_208 = arith.constant 0 : i32
        %dma_wait3A_209 = tpu.memref_slice %arg5[%dma_wait3A_206, %dma_wait3A_207, %dma_wait3A_208] : memref<32x2x128xi32, #tpu.memory_space<vmem>> -> memref<15x2x128xi32, #tpu.memory_space<vmem>>
        %dma_wait3A_210 = arith.constant 0 : i32
        %dma_wait3A_211 = arith.constant 0 : i32
        %dma_wait3A_212 = tpu.memref_slice %arg3[%add3A_124, %dma_wait3A_210, %dma_wait3A_211] : memref<2500x2x128xi32, #tpu.memory_space<hbm>> -> memref<15x2x128xi32, #tpu.memory_space<hbm>>
        %dma_wait3A_213 = arith.constant 0 : i32
        %dma_wait3A_214 = arith.constant 0 : i32
        %dma_wait3A_215 = arith.constant 0 : i32
        %dma_wait3A_216 = tpu.memref_slice %arg5[%dma_wait3A_213, %dma_wait3A_214, %dma_wait3A_215] : memref<32x2x128xi32, #tpu.memory_space<vmem>> -> memref<15x2x128xi32, #tpu.memory_space<vmem>>
        %dma_wait3A_217 = arith.constant 0 : i32
        %dma_wait3A_218 = arith.constant 0 : i32
        %dma_wait3A_219 = tpu.memref_slice %arg3[%add3A_124, %dma_wait3A_217, %dma_wait3A_218] : memref<2500x2x128xi32, #tpu.memory_space<hbm>> -> memref<15x2x128xi32, #tpu.memory_space<hbm>>
        tpu.wait_dma2 semaphore(%run_scoped3A_191 : memref<!tpu.dma_semaphore, #tpu.memory_space<semaphore_mem>>) src(%dma_wait3A_219 : memref<15x2x128xi32, #tpu.memory_space<hbm>>) dst(%dma_wait3A_216 : memref<15x2x128xi32, #tpu.memory_space<vmem>>)
        tpu.yield
      }) : () -> ()
      %dma_start3A_125 = arith.constant 0 : i32
      %dma_start3A_126 = arith.constant 0 : i32
      %dma_start3A_127 = arith.constant 0 : i32
      %dma_start3A_128 = tpu.memref_slice %arg5[%dma_start3A_125, %dma_start3A_126, %dma_start3A_127] : memref<32x2x128xi32, #tpu.memory_space<vmem>> -> memref<1x1x128xi32, #tpu.memory_space<vmem>>
      %dma_start3A_129 = tpu.memref_squeeze %dma_start3A_128 : memref<1x1x128xi32, #tpu.memory_space<vmem>> -> memref<128xi32, #tpu.memory_space<vmem>>
      %dma_start3A_130 = arith.constant 0 : i32
      %dma_start3A_131 = arith.constant 0 : i32
      %dma_start3A_132 = tpu.memref_slice %arg2[%dma_start3A_130, %dma_start3A_131] : memref<10000x64xf32, #tpu.memory_space<hbm>> -> memref<10000x64xf32, #tpu.memory_space<hbm>>
      tpu.enqueue_indirect_dma source(%dma_start3A_132 : memref<10000x64xf32, #tpu.memory_space<hbm>>) target(%arg6 : memref<128x64xf32, #tpu.memory_space<vmem>>) offsets(%dma_start3A_129 : memref<128xi32, #tpu.memory_space<vmem>>) semaphore(%arg11 : memref<!tpu.dma_semaphore, #tpu.memory_space<semaphore_mem>>)
      %dma_start3A_133 = arith.constant 1 : i32
      %dma_start3A_134 = arith.constant 0 : i32
      %dma_start3A_135 = arith.constant 0 : i32
      %dma_start3A_136 = tpu.memref_slice %arg5[%dma_start3A_133, %dma_start3A_134, %dma_start3A_135] : memref<32x2x128xi32, #tpu.memory_space<vmem>> -> memref<1x1x128xi32, #tpu.memory_space<vmem>>
      %dma_start3A_137 = tpu.memref_squeeze %dma_start3A_136 : memref<1x1x128xi32, #tpu.memory_space<vmem>> -> memref<128xi32, #tpu.memory_space<vmem>>
      %dma_start3A_138 = arith.constant 0 : i32
      %dma_start3A_139 = arith.constant 0 : i32
      %dma_start3A_140 = tpu.memref_slice %arg2[%dma_start3A_138, %dma_start3A_139] : memref<10000x64xf32, #tpu.memory_space<hbm>> -> memref<10000x64xf32, #tpu.memory_space<hbm>>
      tpu.enqueue_indirect_dma source(%dma_start3A_140 : memref<10000x64xf32, #tpu.memory_space<hbm>>) target(%arg7 : memref<128x64xf32, #tpu.memory_space<vmem>>) offsets(%dma_start3A_137 : memref<128xi32, #tpu.memory_space<vmem>>) semaphore(%arg12 : memref<!tpu.dma_semaphore, #tpu.memory_space<semaphore_mem>>)
      %dma_start3A_141 = arith.constant 2 : i32
      %dma_start3A_142 = arith.constant 0 : i32
      %dma_start3A_143 = arith.constant 0 : i32
      %dma_start3A_144 = tpu.memref_slice %arg5[%dma_start3A_141, %dma_start3A_142, %dma_start3A_143] : memref<32x2x128xi32, #tpu.memory_space<vmem>> -> memref<1x1x128xi32, #tpu.memory_space<vmem>>
      %dma_start3A_145 = tpu.memref_squeeze %dma_start3A_144 : memref<1x1x128xi32, #tpu.memory_space<vmem>> -> memref<128xi32, #tpu.memory_space<vmem>>
      %dma_start3A_146 = arith.constant 0 : i32
      %dma_start3A_147 = arith.constant 0 : i32
      %dma_start3A_148 = tpu.memref_slice %arg2[%dma_start3A_146, %dma_start3A_147] : memref<10000x64xf32, #tpu.memory_space<hbm>> -> memref<10000x64xf32, #tpu.memory_space<hbm>>
      tpu.enqueue_indirect_dma source(%dma_start3A_148 : memref<10000x64xf32, #tpu.memory_space<hbm>>) target(%arg8 : memref<128x64xf32, #tpu.memory_space<vmem>>) offsets(%dma_start3A_145 : memref<128xi32, #tpu.memory_space<vmem>>) semaphore(%arg13 : memref<!tpu.dma_semaphore, #tpu.memory_space<semaphore_mem>>)
      %dma_start3A_149 = arith.constant 3 : i32
      %dma_start3A_150 = arith.constant 0 : i32
      %dma_start3A_151 = arith.constant 0 : i32
      %dma_start3A_152 = tpu.memref_slice %arg5[%dma_start3A_149, %dma_start3A_150, %dma_start3A_151] : memref<32x2x128xi32, #tpu.memory_space<vmem>> -> memref<1x1x128xi32, #tpu.memory_space<vmem>>
      %dma_start3A_153 = tpu.memref_squeeze %dma_start3A_152 : memref<1x1x128xi32, #tpu.memory_space<vmem>> -> memref<128xi32, #tpu.memory_space<vmem>>
      %dma_start3A_154 = arith.constant 0 : i32
      %dma_start3A_155 = arith.constant 0 : i32
      %dma_start3A_156 = tpu.memref_slice %arg2[%dma_start3A_154, %dma_start3A_155] : memref<10000x64xf32, #tpu.memory_space<hbm>> -> memref<10000x64xf32, #tpu.memory_space<hbm>>
      tpu.enqueue_indirect_dma source(%dma_start3A_156 : memref<10000x64xf32, #tpu.memory_space<hbm>>) target(%arg9 : memref<128x64xf32, #tpu.memory_space<vmem>>) offsets(%dma_start3A_153 : memref<128xi32, #tpu.memory_space<vmem>>) semaphore(%arg14 : memref<!tpu.dma_semaphore, #tpu.memory_space<semaphore_mem>>)
      %scan3A_157 = arith.constant 0 : i32
      %scan3A_158 = arith.constant 0 : i32
      %scan3A_159 = arith.constant 3 : i32
      %scan3A_160 = arith.addi %scan3A_158, %scan3A_159 : i32
      %scan3A_161 = arith.constant 1 : i32
      scf.for %scan3A_191 = %scan3A_158 to %scan3A_160 step %scan3A_161  : i32 {
        %mul3A_192 = arith.constant 4 : i32
        %mul3A_193 = arith.muli %scan3A_191, %mul3A_192 : i32
        %add3A_194 = arith.constant 0 : i32
        %add3A_195 = arith.addi %mul3A_193, %add3A_194 : i32
        %dma_wait3A_196 = arith.constant 0 : i32
        %dma_wait3A_197 = arith.constant 0 : i32
        %dma_wait3A_198 = arith.constant 0 : i32
        %dma_wait3A_199 = tpu.memref_slice %arg5[%dma_wait3A_196, %dma_wait3A_197, %dma_wait3A_198] : memref<32x2x128xi32, #tpu.memory_space<vmem>> -> memref<1x1x128xi32, #tpu.memory_space<vmem>>
        %dma_wait3A_200 = tpu.memref_squeeze %dma_wait3A_199 : memref<1x1x128xi32, #tpu.memory_space<vmem>> -> memref<128xi32, #tpu.memory_space<vmem>>
        %dma_wait3A_201 = arith.constant 0 : i32
        %dma_wait3A_202 = arith.constant 0 : i32
        %dma_wait3A_203 = tpu.memref_slice %arg2[%dma_wait3A_201, %dma_wait3A_202] : memref<10000x64xf32, #tpu.memory_space<hbm>> -> memref<10000x64xf32, #tpu.memory_space<hbm>>
        tpu.wait_indirect_dma semaphore(%arg11 : memref<!tpu.dma_semaphore, #tpu.memory_space<semaphore_mem>>) src(%dma_wait3A_203 : memref<10000x64xf32, #tpu.memory_space<hbm>>) dst(%arg6 : memref<128x64xf32, #tpu.memory_space<vmem>>)
        %run_scoped3A_204 = arith.constant 1 : i32
        "tpu.region"() ({
          %run_scoped3A_266 = tpu.sem_alloc : memref<!tpu.dma_semaphore, #tpu.memory_space<semaphore_mem>>
          %dma_start3A_267 = arith.constant 0 : i32
          %dma_start3A_268 = tpu.memref_slice %arg5[%add3A_195, %run_scoped3A_204, %dma_start3A_267] : memref<32x2x128xi32, #tpu.memory_space<vmem>> -> memref<1x1x128xi32, #tpu.memory_space<vmem>>
          %dma_start3A_269 = tpu.memref_squeeze %dma_start3A_268 : memref<1x1x128xi32, #tpu.memory_space<vmem>> -> memref<128xi32, #tpu.memory_space<vmem>>
          %dma_start3A_270 = arith.constant 0 : i32
          %dma_start3A_271 = arith.constant 0 : i32
          %dma_start3A_272 = tpu.memref_slice %arg10[%dma_start3A_270, %dma_start3A_271] : memref<10240x64xf32, #tpu.memory_space<vmem_shared>> -> memref<10240x64xf32, #tpu.memory_space<vmem_shared>>
          tpu.enqueue_indirect_dma source(%arg6 : memref<128x64xf32, #tpu.memory_space<vmem>>) target(%dma_start3A_272 : memref<10240x64xf32, #tpu.memory_space<vmem_shared>>) offsets(%dma_start3A_269 : memref<128xi32, #tpu.memory_space<vmem>>) semaphore(%run_scoped3A_266 : memref<!tpu.dma_semaphore, #tpu.memory_space<semaphore_mem>>) {add = true}
          %dma_wait3A_273 = arith.constant 0 : i32
          %dma_wait3A_274 = tpu.memref_slice %arg5[%add3A_195, %run_scoped3A_204, %dma_wait3A_273] : memref<32x2x128xi32, #tpu.memory_space<vmem>> -> memref<1x1x128xi32, #tpu.memory_space<vmem>>
          %dma_wait3A_275 = tpu.memref_squeeze %dma_wait3A_274 : memref<1x1x128xi32, #tpu.memory_space<vmem>> -> memref<128xi32, #tpu.memory_space<vmem>>
          %dma_wait3A_276 = arith.constant 0 : i32
          %dma_wait3A_277 = arith.constant 0 : i32
          %dma_wait3A_278 = tpu.memref_slice %arg10[%dma_wait3A_276, %dma_wait3A_277] : memref<10240x64xf32, #tpu.memory_space<vmem_shared>> -> memref<10240x64xf32, #tpu.memory_space<vmem_shared>>
          tpu.wait_indirect_dma semaphore(%run_scoped3A_266 : memref<!tpu.dma_semaphore, #tpu.memory_space<semaphore_mem>>) src(%arg6 : memref<128x64xf32, #tpu.memory_space<vmem>>) dst(%dma_wait3A_278 : memref<10240x64xf32, #tpu.memory_space<vmem_shared>>)
          tpu.yield
        }) : () -> ()
        %add3A_205 = arith.constant 4 : i32
        %add3A_206 = arith.addi %add3A_195, %add3A_205 : i32
        %lt3A_207 = arith.constant 15 : i32
        %lt3A_208 = arith.cmpi slt, %add3A_206, %lt3A_207 : i32
        %convert_element_type3A_209 = arith.extui %lt3A_208 : i1 to i32
        %cond3A_210 = arith.constant 0 : i32
        %cond3A_211 = arith.cmpi ne, %convert_element_type3A_209, %cond3A_210 : i32
        scf.if %cond3A_211 {
          %add3A_266 = arith.constant 4 : i32
          %add3A_267 = arith.addi %add3A_195, %add3A_266 : i32
          %dma_start3A_268 = arith.constant 0 : i32
          %dma_start3A_269 = arith.constant 0 : i32
          %dma_start3A_270 = tpu.memref_slice %arg5[%add3A_267, %dma_start3A_268, %dma_start3A_269] : memref<32x2x128xi32, #tpu.memory_space<vmem>> -> memref<1x1x128xi32, #tpu.memory_space<vmem>>
          %dma_start3A_271 = tpu.memref_squeeze %dma_start3A_270 : memref<1x1x128xi32, #tpu.memory_space<vmem>> -> memref<128xi32, #tpu.memory_space<vmem>>
          %dma_start3A_272 = arith.constant 0 : i32
          %dma_start3A_273 = arith.constant 0 : i32
          %dma_start3A_274 = tpu.memref_slice %arg2[%dma_start3A_272, %dma_start3A_273] : memref<10000x64xf32, #tpu.memory_space<hbm>> -> memref<10000x64xf32, #tpu.memory_space<hbm>>
          tpu.enqueue_indirect_dma source(%dma_start3A_274 : memref<10000x64xf32, #tpu.memory_space<hbm>>) target(%arg6 : memref<128x64xf32, #tpu.memory_space<vmem>>) offsets(%dma_start3A_271 : memref<128xi32, #tpu.memory_space<vmem>>) semaphore(%arg11 : memref<!tpu.dma_semaphore, #tpu.memory_space<semaphore_mem>>)
        } else {
        }
        %add3A_212 = arith.constant 1 : i32
        %add3A_213 = arith.addi %mul3A_193, %add3A_212 : i32
        %dma_wait3A_214 = arith.constant 0 : i32
        %dma_wait3A_215 = arith.constant 0 : i32
        %dma_wait3A_216 = arith.constant 0 : i32
        %dma_wait3A_217 = tpu.memref_slice %arg5[%dma_wait3A_214, %dma_wait3A_215, %dma_wait3A_216] : memref<32x2x128xi32, #tpu.memory_space<vmem>> -> memref<1x1x128xi32, #tpu.memory_space<vmem>>
        %dma_wait3A_218 = tpu.memref_squeeze %dma_wait3A_217 : memref<1x1x128xi32, #tpu.memory_space<vmem>> -> memref<128xi32, #tpu.memory_space<vmem>>
        %dma_wait3A_219 = arith.constant 0 : i32
        %dma_wait3A_220 = arith.constant 0 : i32
        %dma_wait3A_221 = tpu.memref_slice %arg2[%dma_wait3A_219, %dma_wait3A_220] : memref<10000x64xf32, #tpu.memory_space<hbm>> -> memref<10000x64xf32, #tpu.memory_space<hbm>>
        tpu.wait_indirect_dma semaphore(%arg12 : memref<!tpu.dma_semaphore, #tpu.memory_space<semaphore_mem>>) src(%dma_wait3A_221 : memref<10000x64xf32, #tpu.memory_space<hbm>>) dst(%arg7 : memref<128x64xf32, #tpu.memory_space<vmem>>)
        %run_scoped3A_222 = arith.constant 1 : i32
        "tpu.region"() ({
          %run_scoped3A_266 = tpu.sem_alloc : memref<!tpu.dma_semaphore, #tpu.memory_space<semaphore_mem>>
          %dma_start3A_267 = arith.constant 0 : i32
          %dma_start3A_268 = tpu.memref_slice %arg5[%add3A_213, %run_scoped3A_222, %dma_start3A_267] : memref<32x2x128xi32, #tpu.memory_space<vmem>> -> memref<1x1x128xi32, #tpu.memory_space<vmem>>
          %dma_start3A_269 = tpu.memref_squeeze %dma_start3A_268 : memref<1x1x128xi32, #tpu.memory_space<vmem>> -> memref<128xi32, #tpu.memory_space<vmem>>
          %dma_start3A_270 = arith.constant 0 : i32
          %dma_start3A_271 = arith.constant 0 : i32
          %dma_start3A_272 = tpu.memref_slice %arg10[%dma_start3A_270, %dma_start3A_271] : memref<10240x64xf32, #tpu.memory_space<vmem_shared>> -> memref<10240x64xf32, #tpu.memory_space<vmem_shared>>
          tpu.enqueue_indirect_dma source(%arg7 : memref<128x64xf32, #tpu.memory_space<vmem>>) target(%dma_start3A_272 : memref<10240x64xf32, #tpu.memory_space<vmem_shared>>) offsets(%dma_start3A_269 : memref<128xi32, #tpu.memory_space<vmem>>) semaphore(%run_scoped3A_266 : memref<!tpu.dma_semaphore, #tpu.memory_space<semaphore_mem>>) {add = true}
          %dma_wait3A_273 = arith.constant 0 : i32
          %dma_wait3A_274 = tpu.memref_slice %arg5[%add3A_213, %run_scoped3A_222, %dma_wait3A_273] : memref<32x2x128xi32, #tpu.memory_space<vmem>> -> memref<1x1x128xi32, #tpu.memory_space<vmem>>
          %dma_wait3A_275 = tpu.memref_squeeze %dma_wait3A_274 : memref<1x1x128xi32, #tpu.memory_space<vmem>> -> memref<128xi32, #tpu.memory_space<vmem>>
          %dma_wait3A_276 = arith.constant 0 : i32
          %dma_wait3A_277 = arith.constant 0 : i32
          %dma_wait3A_278 = tpu.memref_slice %arg10[%dma_wait3A_276, %dma_wait3A_277] : memref<10240x64xf32, #tpu.memory_space<vmem_shared>> -> memref<10240x64xf32, #tpu.memory_space<vmem_shared>>
          tpu.wait_indirect_dma semaphore(%run_scoped3A_266 : memref<!tpu.dma_semaphore, #tpu.memory_space<semaphore_mem>>) src(%arg7 : memref<128x64xf32, #tpu.memory_space<vmem>>) dst(%dma_wait3A_278 : memref<10240x64xf32, #tpu.memory_space<vmem_shared>>)
          tpu.yield
        }) : () -> ()
        %add3A_223 = arith.constant 4 : i32
        %add3A_224 = arith.addi %add3A_213, %add3A_223 : i32
        %lt3A_225 = arith.constant 15 : i32
        %lt3A_226 = arith.cmpi slt, %add3A_224, %lt3A_225 : i32
        %convert_element_type3A_227 = arith.extui %lt3A_226 : i1 to i32
        %cond3A_228 = arith.constant 0 : i32
        %cond3A_229 = arith.cmpi ne, %convert_element_type3A_227, %cond3A_228 : i32
        scf.if %cond3A_229 {
          %add3A_266 = arith.constant 4 : i32
          %add3A_267 = arith.addi %add3A_213, %add3A_266 : i32
          %dma_start3A_268 = arith.constant 0 : i32
          %dma_start3A_269 = arith.constant 0 : i32
          %dma_start3A_270 = tpu.memref_slice %arg5[%add3A_267, %dma_start3A_268, %dma_start3A_269] : memref<32x2x128xi32, #tpu.memory_space<vmem>> -> memref<1x1x128xi32, #tpu.memory_space<vmem>>
          %dma_start3A_271 = tpu.memref_squeeze %dma_start3A_270 : memref<1x1x128xi32, #tpu.memory_space<vmem>> -> memref<128xi32, #tpu.memory_space<vmem>>
          %dma_start3A_272 = arith.constant 0 : i32
          %dma_start3A_273 = arith.constant 0 : i32
          %dma_start3A_274 = tpu.memref_slice %arg2[%dma_start3A_272, %dma_start3A_273] : memref<10000x64xf32, #tpu.memory_space<hbm>> -> memref<10000x64xf32, #tpu.memory_space<hbm>>
          tpu.enqueue_indirect_dma source(%dma_start3A_274 : memref<10000x64xf32, #tpu.memory_space<hbm>>) target(%arg7 : memref<128x64xf32, #tpu.memory_space<vmem>>) offsets(%dma_start3A_271 : memref<128xi32, #tpu.memory_space<vmem>>) semaphore(%arg12 : memref<!tpu.dma_semaphore, #tpu.memory_space<semaphore_mem>>)
        } else {
        }
        %add3A_230 = arith.constant 2 : i32
        %add3A_231 = arith.addi %mul3A_193, %add3A_230 : i32
        %dma_wait3A_232 = arith.constant 0 : i32
        %dma_wait3A_233 = arith.constant 0 : i32
        %dma_wait3A_234 = arith.constant 0 : i32
        %dma_wait3A_235 = tpu.memref_slice %arg5[%dma_wait3A_232, %dma_wait3A_233, %dma_wait3A_234] : memref<32x2x128xi32, #tpu.memory_space<vmem>> -> memref<1x1x128xi32, #tpu.memory_space<vmem>>
        %dma_wait3A_236 = tpu.memref_squeeze %dma_wait3A_235 : memref<1x1x128xi32, #tpu.memory_space<vmem>> -> memref<128xi32, #tpu.memory_space<vmem>>
        %dma_wait3A_237 = arith.constant 0 : i32
        %dma_wait3A_238 = arith.constant 0 : i32
        %dma_wait3A_239 = tpu.memref_slice %arg2[%dma_wait3A_237, %dma_wait3A_238] : memref<10000x64xf32, #tpu.memory_space<hbm>> -> memref<10000x64xf32, #tpu.memory_space<hbm>>
        tpu.wait_indirect_dma semaphore(%arg13 : memref<!tpu.dma_semaphore, #tpu.memory_space<semaphore_mem>>) src(%dma_wait3A_239 : memref<10000x64xf32, #tpu.memory_space<hbm>>) dst(%arg8 : memref<128x64xf32, #tpu.memory_space<vmem>>)
        %run_scoped3A_240 = arith.constant 1 : i32
        "tpu.region"() ({
          %run_scoped3A_266 = tpu.sem_alloc : memref<!tpu.dma_semaphore, #tpu.memory_space<semaphore_mem>>
          %dma_start3A_267 = arith.constant 0 : i32
          %dma_start3A_268 = tpu.memref_slice %arg5[%add3A_231, %run_scoped3A_240, %dma_start3A_267] : memref<32x2x128xi32, #tpu.memory_space<vmem>> -> memref<1x1x128xi32, #tpu.memory_space<vmem>>
          %dma_start3A_269 = tpu.memref_squeeze %dma_start3A_268 : memref<1x1x128xi32, #tpu.memory_space<vmem>> -> memref<128xi32, #tpu.memory_space<vmem>>
          %dma_start3A_270 = arith.constant 0 : i32
          %dma_start3A_271 = arith.constant 0 : i32
          %dma_start3A_272 = tpu.memref_slice %arg10[%dma_start3A_270, %dma_start3A_271] : memref<10240x64xf32, #tpu.memory_space<vmem_shared>> -> memref<10240x64xf32, #tpu.memory_space<vmem_shared>>
          tpu.enqueue_indirect_dma source(%arg8 : memref<128x64xf32, #tpu.memory_space<vmem>>) target(%dma_start3A_272 : memref<10240x64xf32, #tpu.memory_space<vmem_shared>>) offsets(%dma_start3A_269 : memref<128xi32, #tpu.memory_space<vmem>>) semaphore(%run_scoped3A_266 : memref<!tpu.dma_semaphore, #tpu.memory_space<semaphore_mem>>) {add = true}
          %dma_wait3A_273 = arith.constant 0 : i32
          %dma_wait3A_274 = tpu.memref_slice %arg5[%add3A_231, %run_scoped3A_240, %dma_wait3A_273] : memref<32x2x128xi32, #tpu.memory_space<vmem>> -> memref<1x1x128xi32, #tpu.memory_space<vmem>>
          %dma_wait3A_275 = tpu.memref_squeeze %dma_wait3A_274 : memref<1x1x128xi32, #tpu.memory_space<vmem>> -> memref<128xi32, #tpu.memory_space<vmem>>
          %dma_wait3A_276 = arith.constant 0 : i32
          %dma_wait3A_277 = arith.constant 0 : i32
          %dma_wait3A_278 = tpu.memref_slice %arg10[%dma_wait3A_276, %dma_wait3A_277] : memref<10240x64xf32, #tpu.memory_space<vmem_shared>> -> memref<10240x64xf32, #tpu.memory_space<vmem_shared>>
          tpu.wait_indirect_dma semaphore(%run_scoped3A_266 : memref<!tpu.dma_semaphore, #tpu.memory_space<semaphore_mem>>) src(%arg8 : memref<128x64xf32, #tpu.memory_space<vmem>>) dst(%dma_wait3A_278 : memref<10240x64xf32, #tpu.memory_space<vmem_shared>>)
          tpu.yield
        }) : () -> ()
        %add3A_241 = arith.constant 4 : i32
        %add3A_242 = arith.addi %add3A_231, %add3A_241 : i32
        %lt3A_243 = arith.constant 15 : i32
        %lt3A_244 = arith.cmpi slt, %add3A_242, %lt3A_243 : i32
        %convert_element_type3A_245 = arith.extui %lt3A_244 : i1 to i32
        %cond3A_246 = arith.constant 0 : i32
        %cond3A_247 = arith.cmpi ne, %convert_element_type3A_245, %cond3A_246 : i32
        scf.if %cond3A_247 {
          %add3A_266 = arith.constant 4 : i32
          %add3A_267 = arith.addi %add3A_231, %add3A_266 : i32
          %dma_start3A_268 = arith.constant 0 : i32
          %dma_start3A_269 = arith.constant 0 : i32
          %dma_start3A_270 = tpu.memref_slice %arg5[%add3A_267, %dma_start3A_268, %dma_start3A_269] : memref<32x2x128xi32, #tpu.memory_space<vmem>> -> memref<1x1x128xi32, #tpu.memory_space<vmem>>
          %dma_start3A_271 = tpu.memref_squeeze %dma_start3A_270 : memref<1x1x128xi32, #tpu.memory_space<vmem>> -> memref<128xi32, #tpu.memory_space<vmem>>
          %dma_start3A_272 = arith.constant 0 : i32
          %dma_start3A_273 = arith.constant 0 : i32
          %dma_start3A_274 = tpu.memref_slice %arg2[%dma_start3A_272, %dma_start3A_273] : memref<10000x64xf32, #tpu.memory_space<hbm>> -> memref<10000x64xf32, #tpu.memory_space<hbm>>
          tpu.enqueue_indirect_dma source(%dma_start3A_274 : memref<10000x64xf32, #tpu.memory_space<hbm>>) target(%arg8 : memref<128x64xf32, #tpu.memory_space<vmem>>) offsets(%dma_start3A_271 : memref<128xi32, #tpu.memory_space<vmem>>) semaphore(%arg13 : memref<!tpu.dma_semaphore, #tpu.memory_space<semaphore_mem>>)
        } else {
        }
        %add3A_248 = arith.constant 3 : i32
        %add3A_249 = arith.addi %mul3A_193, %add3A_248 : i32
        %dma_wait3A_250 = arith.constant 0 : i32
        %dma_wait3A_251 = arith.constant 0 : i32
        %dma_wait3A_252 = arith.constant 0 : i32
        %dma_wait3A_253 = tpu.memref_slice %arg5[%dma_wait3A_250, %dma_wait3A_251, %dma_wait3A_252] : memref<32x2x128xi32, #tpu.memory_space<vmem>> -> memref<1x1x128xi32, #tpu.memory_space<vmem>>
        %dma_wait3A_254 = tpu.memref_squeeze %dma_wait3A_253 : memref<1x1x128xi32, #tpu.memory_space<vmem>> -> memref<128xi32, #tpu.memory_space<vmem>>
        %dma_wait3A_255 = arith.constant 0 : i32
        %dma_wait3A_256 = arith.constant 0 : i32
        %dma_wait3A_257 = tpu.memref_slice %arg2[%dma_wait3A_255, %dma_wait3A_256] : memref<10000x64xf32, #tpu.memory_space<hbm>> -> memref<10000x64xf32, #tpu.memory_space<hbm>>
        tpu.wait_indirect_dma semaphore(%arg14 : memref<!tpu.dma_semaphore, #tpu.memory_space<semaphore_mem>>) src(%dma_wait3A_257 : memref<10000x64xf32, #tpu.memory_space<hbm>>) dst(%arg9 : memref<128x64xf32, #tpu.memory_space<vmem>>)
        %run_scoped3A_258 = arith.constant 1 : i32
        "tpu.region"() ({
          %run_scoped3A_266 = tpu.sem_alloc : memref<!tpu.dma_semaphore, #tpu.memory_space<semaphore_mem>>
          %dma_start3A_267 = arith.constant 0 : i32
          %dma_start3A_268 = tpu.memref_slice %arg5[%add3A_249, %run_scoped3A_258, %dma_start3A_267] : memref<32x2x128xi32, #tpu.memory_space<vmem>> -> memref<1x1x128xi32, #tpu.memory_space<vmem>>
          %dma_start3A_269 = tpu.memref_squeeze %dma_start3A_268 : memref<1x1x128xi32, #tpu.memory_space<vmem>> -> memref<128xi32, #tpu.memory_space<vmem>>
          %dma_start3A_270 = arith.constant 0 : i32
          %dma_start3A_271 = arith.constant 0 : i32
          %dma_start3A_272 = tpu.memref_slice %arg10[%dma_start3A_270, %dma_start3A_271] : memref<10240x64xf32, #tpu.memory_space<vmem_shared>> -> memref<10240x64xf32, #tpu.memory_space<vmem_shared>>
          tpu.enqueue_indirect_dma source(%arg9 : memref<128x64xf32, #tpu.memory_space<vmem>>) target(%dma_start3A_272 : memref<10240x64xf32, #tpu.memory_space<vmem_shared>>) offsets(%dma_start3A_269 : memref<128xi32, #tpu.memory_space<vmem>>) semaphore(%run_scoped3A_266 : memref<!tpu.dma_semaphore, #tpu.memory_space<semaphore_mem>>) {add = true}
          %dma_wait3A_273 = arith.constant 0 : i32
          %dma_wait3A_274 = tpu.memref_slice %arg5[%add3A_249, %run_scoped3A_258, %dma_wait3A_273] : memref<32x2x128xi32, #tpu.memory_space<vmem>> -> memref<1x1x128xi32, #tpu.memory_space<vmem>>
          %dma_wait3A_275 = tpu.memref_squeeze %dma_wait3A_274 : memref<1x1x128xi32, #tpu.memory_space<vmem>> -> memref<128xi32, #tpu.memory_space<vmem>>
          %dma_wait3A_276 = arith.constant 0 : i32
          %dma_wait3A_277 = arith.constant 0 : i32
          %dma_wait3A_278 = tpu.memref_slice %arg10[%dma_wait3A_276, %dma_wait3A_277] : memref<10240x64xf32, #tpu.memory_space<vmem_shared>> -> memref<10240x64xf32, #tpu.memory_space<vmem_shared>>
          tpu.wait_indirect_dma semaphore(%run_scoped3A_266 : memref<!tpu.dma_semaphore, #tpu.memory_space<semaphore_mem>>) src(%arg9 : memref<128x64xf32, #tpu.memory_space<vmem>>) dst(%dma_wait3A_278 : memref<10240x64xf32, #tpu.memory_space<vmem_shared>>)
          tpu.yield
        }) : () -> ()
        %add3A_259 = arith.constant 4 : i32
        %add3A_260 = arith.addi %add3A_249, %add3A_259 : i32
        %lt3A_261 = arith.constant 15 : i32
        %lt3A_262 = arith.cmpi slt, %add3A_260, %lt3A_261 : i32
        %convert_element_type3A_263 = arith.extui %lt3A_262 : i1 to i32
        %cond3A_264 = arith.constant 0 : i32
        %cond3A_265 = arith.cmpi ne, %convert_element_type3A_263, %cond3A_264 : i32
        scf.if %cond3A_265 {
          %add3A_266 = arith.constant 4 : i32
          %add3A_267 = arith.addi %add3A_249, %add3A_266 : i32
          %dma_start3A_268 = arith.constant 0 : i32
          %dma_start3A_269 = arith.constant 0 : i32
          %dma_start3A_270 = tpu.memref_slice %arg5[%add3A_267, %dma_start3A_268, %dma_start3A_269] : memref<32x2x128xi32, #tpu.memory_space<vmem>> -> memref<1x1x128xi32, #tpu.memory_space<vmem>>
          %dma_start3A_271 = tpu.memref_squeeze %dma_start3A_270 : memref<1x1x128xi32, #tpu.memory_space<vmem>> -> memref<128xi32, #tpu.memory_space<vmem>>
          %dma_start3A_272 = arith.constant 0 : i32
          %dma_start3A_273 = arith.constant 0 : i32
          %dma_start3A_274 = tpu.memref_slice %arg2[%dma_start3A_272, %dma_start3A_273] : memref<10000x64xf32, #tpu.memory_space<hbm>> -> memref<10000x64xf32, #tpu.memory_space<hbm>>
          tpu.enqueue_indirect_dma source(%dma_start3A_274 : memref<10000x64xf32, #tpu.memory_space<hbm>>) target(%arg9 : memref<128x64xf32, #tpu.memory_space<vmem>>) offsets(%dma_start3A_271 : memref<128xi32, #tpu.memory_space<vmem>>) semaphore(%arg14 : memref<!tpu.dma_semaphore, #tpu.memory_space<semaphore_mem>>)
        } else {
        }
      }
      %scan3A_162 = arith.constant 3 : i32
      %dma_wait3A = arith.constant 0 : i32
      %dma_wait3A_163 = arith.constant 0 : i32
      %dma_wait3A_164 = arith.constant 0 : i32
      %dma_wait3A_165 = tpu.memref_slice %arg5[%dma_wait3A, %dma_wait3A_163, %dma_wait3A_164] : memref<32x2x128xi32, #tpu.memory_space<vmem>> -> memref<1x1x128xi32, #tpu.memory_space<vmem>>
      %dma_wait3A_166 = tpu.memref_squeeze %dma_wait3A_165 : memref<1x1x128xi32, #tpu.memory_space<vmem>> -> memref<128xi32, #tpu.memory_space<vmem>>
      %dma_wait3A_167 = arith.constant 0 : i32
      %dma_wait3A_168 = arith.constant 0 : i32
      %dma_wait3A_169 = tpu.memref_slice %arg2[%dma_wait3A_167, %dma_wait3A_168] : memref<10000x64xf32, #tpu.memory_space<hbm>> -> memref<10000x64xf32, #tpu.memory_space<hbm>>
      tpu.wait_indirect_dma semaphore(%arg11 : memref<!tpu.dma_semaphore, #tpu.memory_space<semaphore_mem>>) src(%dma_wait3A_169 : memref<10000x64xf32, #tpu.memory_space<hbm>>) dst(%arg6 : memref<128x64xf32, #tpu.memory_space<vmem>>)
      %run_scoped3A = arith.constant 12 : i32
      %run_scoped3A_170 = arith.constant 1 : i32
      "tpu.region"() ({
        %run_scoped3A_191 = tpu.sem_alloc : memref<!tpu.dma_semaphore, #tpu.memory_space<semaphore_mem>>
        %dma_start3A_192 = arith.constant 0 : i32
        %dma_start3A_193 = tpu.memref_slice %arg5[%run_scoped3A, %run_scoped3A_170, %dma_start3A_192] : memref<32x2x128xi32, #tpu.memory_space<vmem>> -> memref<1x1x128xi32, #tpu.memory_space<vmem>>
        %dma_start3A_194 = tpu.memref_squeeze %dma_start3A_193 : memref<1x1x128xi32, #tpu.memory_space<vmem>> -> memref<128xi32, #tpu.memory_space<vmem>>
        %dma_start3A_195 = arith.constant 0 : i32
        %dma_start3A_196 = arith.constant 0 : i32
        %dma_start3A_197 = tpu.memref_slice %arg10[%dma_start3A_195, %dma_start3A_196] : memref<10240x64xf32, #tpu.memory_space<vmem_shared>> -> memref<10240x64xf32, #tpu.memory_space<vmem_shared>>
        tpu.enqueue_indirect_dma source(%arg6 : memref<128x64xf32, #tpu.memory_space<vmem>>) target(%dma_start3A_197 : memref<10240x64xf32, #tpu.memory_space<vmem_shared>>) offsets(%dma_start3A_194 : memref<128xi32, #tpu.memory_space<vmem>>) semaphore(%run_scoped3A_191 : memref<!tpu.dma_semaphore, #tpu.memory_space<semaphore_mem>>) {add = true}
        %dma_wait3A_198 = arith.constant 0 : i32
        %dma_wait3A_199 = tpu.memref_slice %arg5[%run_scoped3A, %run_scoped3A_170, %dma_wait3A_198] : memref<32x2x128xi32, #tpu.memory_space<vmem>> -> memref<1x1x128xi32, #tpu.memory_space<vmem>>
        %dma_wait3A_200 = tpu.memref_squeeze %dma_wait3A_199 : memref<1x1x128xi32, #tpu.memory_space<vmem>> -> memref<128xi32, #tpu.memory_space<vmem>>
        %dma_wait3A_201 = arith.constant 0 : i32
        %dma_wait3A_202 = arith.constant 0 : i32
        %dma_wait3A_203 = tpu.memref_slice %arg10[%dma_wait3A_201, %dma_wait3A_202] : memref<10240x64xf32, #tpu.memory_space<vmem_shared>> -> memref<10240x64xf32, #tpu.memory_space<vmem_shared>>
        tpu.wait_indirect_dma semaphore(%run_scoped3A_191 : memref<!tpu.dma_semaphore, #tpu.memory_space<semaphore_mem>>) src(%arg6 : memref<128x64xf32, #tpu.memory_space<vmem>>) dst(%dma_wait3A_203 : memref<10240x64xf32, #tpu.memory_space<vmem_shared>>)
        tpu.yield
      }) : () -> ()
      %dma_wait3A_171 = arith.constant 0 : i32
      %dma_wait3A_172 = arith.constant 0 : i32
      %dma_wait3A_173 = arith.constant 0 : i32
      %dma_wait3A_174 = tpu.memref_slice %arg5[%dma_wait3A_171, %dma_wait3A_172, %dma_wait3A_173] : memref<32x2x128xi32, #tpu.memory_space<vmem>> -> memref<1x1x128xi32, #tpu.memory_space<vmem>>
      %dma_wait3A_175 = tpu.memref_squeeze %dma_wait3A_174 : memref<1x1x128xi32, #tpu.memory_space<vmem>> -> memref<128xi32, #tpu.memory_space<vmem>>
      %dma_wait3A_176 = arith.constant 0 : i32
      %dma_wait3A_177 = arith.constant 0 : i32
      %dma_wait3A_178 = tpu.memref_slice %arg2[%dma_wait3A_176, %dma_wait3A_177] : memref<10000x64xf32, #tpu.memory_space<hbm>> -> memref<10000x64xf32, #tpu.memory_space<hbm>>
      tpu.wait_indirect_dma semaphore(%arg12 : memref<!tpu.dma_semaphore, #tpu.memory_space<semaphore_mem>>) src(%dma_wait3A_178 : memref<10000x64xf32, #tpu.memory_space<hbm>>) dst(%arg7 : memref<128x64xf32, #tpu.memory_space<vmem>>)
      %run_scoped3A_179 = arith.constant 13 : i32
      %run_scoped3A_180 = arith.constant 1 : i32
      "tpu.region"() ({
        %run_scoped3A_191 = tpu.sem_alloc : memref<!tpu.dma_semaphore, #tpu.memory_space<semaphore_mem>>
        %dma_start3A_192 = arith.constant 0 : i32
        %dma_start3A_193 = tpu.memref_slice %arg5[%run_scoped3A_179, %run_scoped3A_180, %dma_start3A_192] : memref<32x2x128xi32, #tpu.memory_space<vmem>> -> memref<1x1x128xi32, #tpu.memory_space<vmem>>
        %dma_start3A_194 = tpu.memref_squeeze %dma_start3A_193 : memref<1x1x128xi32, #tpu.memory_space<vmem>> -> memref<128xi32, #tpu.memory_space<vmem>>
        %dma_start3A_195 = arith.constant 0 : i32
        %dma_start3A_196 = arith.constant 0 : i32
        %dma_start3A_197 = tpu.memref_slice %arg10[%dma_start3A_195, %dma_start3A_196] : memref<10240x64xf32, #tpu.memory_space<vmem_shared>> -> memref<10240x64xf32, #tpu.memory_space<vmem_shared>>
        tpu.enqueue_indirect_dma source(%arg7 : memref<128x64xf32, #tpu.memory_space<vmem>>) target(%dma_start3A_197 : memref<10240x64xf32, #tpu.memory_space<vmem_shared>>) offsets(%dma_start3A_194 : memref<128xi32, #tpu.memory_space<vmem>>) semaphore(%run_scoped3A_191 : memref<!tpu.dma_semaphore, #tpu.memory_space<semaphore_mem>>) {add = true}
        %dma_wait3A_198 = arith.constant 0 : i32
        %dma_wait3A_199 = tpu.memref_slice %arg5[%run_scoped3A_179, %run_scoped3A_180, %dma_wait3A_198] : memref<32x2x128xi32, #tpu.memory_space<vmem>> -> memref<1x1x128xi32, #tpu.memory_space<vmem>>
        %dma_wait3A_200 = tpu.memref_squeeze %dma_wait3A_199 : memref<1x1x128xi32, #tpu.memory_space<vmem>> -> memref<128xi32, #tpu.memory_space<vmem>>
        %dma_wait3A_201 = arith.constant 0 : i32
        %dma_wait3A_202 = arith.constant 0 : i32
        %dma_wait3A_203 = tpu.memref_slice %arg10[%dma_wait3A_201, %dma_wait3A_202] : memref<10240x64xf32, #tpu.memory_space<vmem_shared>> -> memref<10240x64xf32, #tpu.memory_space<vmem_shared>>
        tpu.wait_indirect_dma semaphore(%run_scoped3A_191 : memref<!tpu.dma_semaphore, #tpu.memory_space<semaphore_mem>>) src(%arg7 : memref<128x64xf32, #tpu.memory_space<vmem>>) dst(%dma_wait3A_203 : memref<10240x64xf32, #tpu.memory_space<vmem_shared>>)
        tpu.yield
      }) : () -> ()
      %dma_wait3A_181 = arith.constant 0 : i32
      %dma_wait3A_182 = arith.constant 0 : i32
      %dma_wait3A_183 = arith.constant 0 : i32
      %dma_wait3A_184 = tpu.memref_slice %arg5[%dma_wait3A_181, %dma_wait3A_182, %dma_wait3A_183] : memref<32x2x128xi32, #tpu.memory_space<vmem>> -> memref<1x1x128xi32, #tpu.memory_space<vmem>>
      %dma_wait3A_185 = tpu.memref_squeeze %dma_wait3A_184 : memref<1x1x128xi32, #tpu.memory_space<vmem>> -> memref<128xi32, #tpu.memory_space<vmem>>
      %dma_wait3A_186 = arith.constant 0 : i32
      %dma_wait3A_187 = arith.constant 0 : i32
      %dma_wait3A_188 = tpu.memref_slice %arg2[%dma_wait3A_186, %dma_wait3A_187] : memref<10000x64xf32, #tpu.memory_space<hbm>> -> memref<10000x64xf32, #tpu.memory_space<hbm>>
      tpu.wait_indirect_dma semaphore(%arg13 : memref<!tpu.dma_semaphore, #tpu.memory_space<semaphore_mem>>) src(%dma_wait3A_188 : memref<10000x64xf32, #tpu.memory_space<hbm>>) dst(%arg8 : memref<128x64xf32, #tpu.memory_space<vmem>>)
      %run_scoped3A_189 = arith.constant 14 : i32
      %run_scoped3A_190 = arith.constant 1 : i32
      "tpu.region"() ({
        %run_scoped3A_191 = tpu.sem_alloc : memref<!tpu.dma_semaphore, #tpu.memory_space<semaphore_mem>>
        %dma_start3A_192 = arith.constant 0 : i32
        %dma_start3A_193 = tpu.memref_slice %arg5[%run_scoped3A_189, %run_scoped3A_190, %dma_start3A_192] : memref<32x2x128xi32, #tpu.memory_space<vmem>> -> memref<1x1x128xi32, #tpu.memory_space<vmem>>
        %dma_start3A_194 = tpu.memref_squeeze %dma_start3A_193 : memref<1x1x128xi32, #tpu.memory_space<vmem>> -> memref<128xi32, #tpu.memory_space<vmem>>
        %dma_start3A_195 = arith.constant 0 : i32
        %dma_start3A_196 = arith.constant 0 : i32
        %dma_start3A_197 = tpu.memref_slice %arg10[%dma_start3A_195, %dma_start3A_196] : memref<10240x64xf32, #tpu.memory_space<vmem_shared>> -> memref<10240x64xf32, #tpu.memory_space<vmem_shared>>
        tpu.enqueue_indirect_dma source(%arg8 : memref<128x64xf32, #tpu.memory_space<vmem>>) target(%dma_start3A_197 : memref<10240x64xf32, #tpu.memory_space<vmem_shared>>) offsets(%dma_start3A_194 : memref<128xi32, #tpu.memory_space<vmem>>) semaphore(%run_scoped3A_191 : memref<!tpu.dma_semaphore, #tpu.memory_space<semaphore_mem>>) {add = true}
        %dma_wait3A_198 = arith.constant 0 : i32
        %dma_wait3A_199 = tpu.memref_slice %arg5[%run_scoped3A_189, %run_scoped3A_190, %dma_wait3A_198] : memref<32x2x128xi32, #tpu.memory_space<vmem>> -> memref<1x1x128xi32, #tpu.memory_space<vmem>>
        %dma_wait3A_200 = tpu.memref_squeeze %dma_wait3A_199 : memref<1x1x128xi32, #tpu.memory_space<vmem>> -> memref<128xi32, #tpu.memory_space<vmem>>
        %dma_wait3A_201 = arith.constant 0 : i32
        %dma_wait3A_202 = arith.constant 0 : i32
        %dma_wait3A_203 = tpu.memref_slice %arg10[%dma_wait3A_201, %dma_wait3A_202] : memref<10240x64xf32, #tpu.memory_space<vmem_shared>> -> memref<10240x64xf32, #tpu.memory_space<vmem_shared>>
        tpu.wait_indirect_dma semaphore(%run_scoped3A_191 : memref<!tpu.dma_semaphore, #tpu.memory_space<semaphore_mem>>) src(%arg8 : memref<128x64xf32, #tpu.memory_space<vmem>>) dst(%dma_wait3A_203 : memref<10240x64xf32, #tpu.memory_space<vmem_shared>>)
        tpu.yield
      }) : () -> ()
    } else {
    }
    %ge3A = arith.constant 4 : i32
    %ge3A_32 = arith.cmpi sge, %add3A, %ge3A : i32
    %convert_element_type3A_33 = arith.extui %ge3A_32 : i1 to i32
    %cond3A_34 = arith.constant 0 : i32
    %cond3A_35 = arith.cmpi ne, %convert_element_type3A_33, %cond3A_34 : i32
    scf.if %cond3A_35 {
      %add3A_44 = arith.constant 0 : i32
      %add3A_45 = arith.addi %add3A_29, %add3A_44 : i32
      "tpu.region"() ({
        %run_scoped3A_181 = tpu.sem_alloc : memref<!tpu.dma_semaphore, #tpu.memory_space<semaphore_mem>>
        %dma_start3A_182 = arith.constant 0 : i32
        %dma_start3A_183 = arith.constant 0 : i32
        %dma_start3A_184 = arith.constant 0 : i32
        %dma_start3A_185 = tpu.memref_slice %arg5[%dma_start3A_182, %dma_start3A_183, %dma_start3A_184] : memref<32x2x128xi32, #tpu.memory_space<vmem>> -> memref<32x2x128xi32, #tpu.memory_space<vmem>>
        %dma_start3A_186 = arith.constant 0 : i32
        %dma_start3A_187 = arith.constant 0 : i32
        %dma_start3A_188 = tpu.memref_slice %arg3[%add3A_45, %dma_start3A_186, %dma_start3A_187] : memref<2500x2x128xi32, #tpu.memory_space<hbm>> -> memref<32x2x128xi32, #tpu.memory_space<hbm>>
        %dma_start3A_189 = arith.constant 0 : i32
        %dma_start3A_190 = arith.constant 0 : i32
        %dma_start3A_191 = arith.constant 0 : i32
        %dma_start3A_192 = tpu.memref_slice %arg5[%dma_start3A_189, %dma_start3A_190, %dma_start3A_191] : memref<32x2x128xi32, #tpu.memory_space<vmem>> -> memref<32x2x128xi32, #tpu.memory_space<vmem>>
        %dma_start3A_193 = arith.constant 0 : i32
        %dma_start3A_194 = arith.constant 0 : i32
        %dma_start3A_195 = tpu.memref_slice %arg3[%add3A_45, %dma_start3A_193, %dma_start3A_194] : memref<2500x2x128xi32, #tpu.memory_space<hbm>> -> memref<32x2x128xi32, #tpu.memory_space<hbm>>
        tpu.enqueue_dma source(%dma_start3A_195 : memref<32x2x128xi32, #tpu.memory_space<hbm>>) target(%dma_start3A_192 : memref<32x2x128xi32, #tpu.memory_space<vmem>>) target_semaphore(%run_scoped3A_181 : memref<!tpu.dma_semaphore, #tpu.memory_space<semaphore_mem>>)
        %dma_wait3A_196 = arith.constant 0 : i32
        %dma_wait3A_197 = arith.constant 0 : i32
        %dma_wait3A_198 = arith.constant 0 : i32
        %dma_wait3A_199 = tpu.memref_slice %arg5[%dma_wait3A_196, %dma_wait3A_197, %dma_wait3A_198] : memref<32x2x128xi32, #tpu.memory_space<vmem>> -> memref<32x2x128xi32, #tpu.memory_space<vmem>>
        %dma_wait3A_200 = arith.constant 0 : i32
        %dma_wait3A_201 = arith.constant 0 : i32
        %dma_wait3A_202 = tpu.memref_slice %arg3[%add3A_45, %dma_wait3A_200, %dma_wait3A_201] : memref<2500x2x128xi32, #tpu.memory_space<hbm>> -> memref<32x2x128xi32, #tpu.memory_space<hbm>>
        %dma_wait3A_203 = arith.constant 0 : i32
        %dma_wait3A_204 = arith.constant 0 : i32
        %dma_wait3A_205 = arith.constant 0 : i32
        %dma_wait3A_206 = tpu.memref_slice %arg5[%dma_wait3A_203, %dma_wait3A_204, %dma_wait3A_205] : memref<32x2x128xi32, #tpu.memory_space<vmem>> -> memref<32x2x128xi32, #tpu.memory_space<vmem>>
        %dma_wait3A_207 = arith.constant 0 : i32
        %dma_wait3A_208 = arith.constant 0 : i32
        %dma_wait3A_209 = tpu.memref_slice %arg3[%add3A_45, %dma_wait3A_207, %dma_wait3A_208] : memref<2500x2x128xi32, #tpu.memory_space<hbm>> -> memref<32x2x128xi32, #tpu.memory_space<hbm>>
        tpu.wait_dma2 semaphore(%run_scoped3A_181 : memref<!tpu.dma_semaphore, #tpu.memory_space<semaphore_mem>>) src(%dma_wait3A_209 : memref<32x2x128xi32, #tpu.memory_space<hbm>>) dst(%dma_wait3A_206 : memref<32x2x128xi32, #tpu.memory_space<vmem>>)
        tpu.yield
      }) : () -> ()
      %dma_start3A = arith.constant 0 : i32
      %dma_start3A_46 = arith.constant 0 : i32
      %dma_start3A_47 = arith.constant 0 : i32
      %dma_start3A_48 = tpu.memref_slice %arg5[%dma_start3A, %dma_start3A_46, %dma_start3A_47] : memref<32x2x128xi32, #tpu.memory_space<vmem>> -> memref<1x1x128xi32, #tpu.memory_space<vmem>>
      %dma_start3A_49 = tpu.memref_squeeze %dma_start3A_48 : memref<1x1x128xi32, #tpu.memory_space<vmem>> -> memref<128xi32, #tpu.memory_space<vmem>>
      %dma_start3A_50 = arith.constant 0 : i32
      %dma_start3A_51 = arith.constant 0 : i32
      %dma_start3A_52 = tpu.memref_slice %arg2[%dma_start3A_50, %dma_start3A_51] : memref<10000x64xf32, #tpu.memory_space<hbm>> -> memref<10000x64xf32, #tpu.memory_space<hbm>>
      tpu.enqueue_indirect_dma source(%dma_start3A_52 : memref<10000x64xf32, #tpu.memory_space<hbm>>) target(%arg6 : memref<128x64xf32, #tpu.memory_space<vmem>>) offsets(%dma_start3A_49 : memref<128xi32, #tpu.memory_space<vmem>>) semaphore(%arg11 : memref<!tpu.dma_semaphore, #tpu.memory_space<semaphore_mem>>)
      %dma_start3A_53 = arith.constant 1 : i32
      %dma_start3A_54 = arith.constant 0 : i32
      %dma_start3A_55 = arith.constant 0 : i32
      %dma_start3A_56 = tpu.memref_slice %arg5[%dma_start3A_53, %dma_start3A_54, %dma_start3A_55] : memref<32x2x128xi32, #tpu.memory_space<vmem>> -> memref<1x1x128xi32, #tpu.memory_space<vmem>>
      %dma_start3A_57 = tpu.memref_squeeze %dma_start3A_56 : memref<1x1x128xi32, #tpu.memory_space<vmem>> -> memref<128xi32, #tpu.memory_space<vmem>>
      %dma_start3A_58 = arith.constant 0 : i32
      %dma_start3A_59 = arith.constant 0 : i32
      %dma_start3A_60 = tpu.memref_slice %arg2[%dma_start3A_58, %dma_start3A_59] : memref<10000x64xf32, #tpu.memory_space<hbm>> -> memref<10000x64xf32, #tpu.memory_space<hbm>>
      tpu.enqueue_indirect_dma source(%dma_start3A_60 : memref<10000x64xf32, #tpu.memory_space<hbm>>) target(%arg7 : memref<128x64xf32, #tpu.memory_space<vmem>>) offsets(%dma_start3A_57 : memref<128xi32, #tpu.memory_space<vmem>>) semaphore(%arg12 : memref<!tpu.dma_semaphore, #tpu.memory_space<semaphore_mem>>)
      %dma_start3A_61 = arith.constant 2 : i32
      %dma_start3A_62 = arith.constant 0 : i32
      %dma_start3A_63 = arith.constant 0 : i32
      %dma_start3A_64 = tpu.memref_slice %arg5[%dma_start3A_61, %dma_start3A_62, %dma_start3A_63] : memref<32x2x128xi32, #tpu.memory_space<vmem>> -> memref<1x1x128xi32, #tpu.memory_space<vmem>>
      %dma_start3A_65 = tpu.memref_squeeze %dma_start3A_64 : memref<1x1x128xi32, #tpu.memory_space<vmem>> -> memref<128xi32, #tpu.memory_space<vmem>>
      %dma_start3A_66 = arith.constant 0 : i32
      %dma_start3A_67 = arith.constant 0 : i32
      %dma_start3A_68 = tpu.memref_slice %arg2[%dma_start3A_66, %dma_start3A_67] : memref<10000x64xf32, #tpu.memory_space<hbm>> -> memref<10000x64xf32, #tpu.memory_space<hbm>>
      tpu.enqueue_indirect_dma source(%dma_start3A_68 : memref<10000x64xf32, #tpu.memory_space<hbm>>) target(%arg8 : memref<128x64xf32, #tpu.memory_space<vmem>>) offsets(%dma_start3A_65 : memref<128xi32, #tpu.memory_space<vmem>>) semaphore(%arg13 : memref<!tpu.dma_semaphore, #tpu.memory_space<semaphore_mem>>)
      %dma_start3A_69 = arith.constant 3 : i32
      %dma_start3A_70 = arith.constant 0 : i32
      %dma_start3A_71 = arith.constant 0 : i32
      %dma_start3A_72 = tpu.memref_slice %arg5[%dma_start3A_69, %dma_start3A_70, %dma_start3A_71] : memref<32x2x128xi32, #tpu.memory_space<vmem>> -> memref<1x1x128xi32, #tpu.memory_space<vmem>>
      %dma_start3A_73 = tpu.memref_squeeze %dma_start3A_72 : memref<1x1x128xi32, #tpu.memory_space<vmem>> -> memref<128xi32, #tpu.memory_space<vmem>>
      %dma_start3A_74 = arith.constant 0 : i32
      %dma_start3A_75 = arith.constant 0 : i32
      %dma_start3A_76 = tpu.memref_slice %arg2[%dma_start3A_74, %dma_start3A_75] : memref<10000x64xf32, #tpu.memory_space<hbm>> -> memref<10000x64xf32, #tpu.memory_space<hbm>>
      tpu.enqueue_indirect_dma source(%dma_start3A_76 : memref<10000x64xf32, #tpu.memory_space<hbm>>) target(%arg9 : memref<128x64xf32, #tpu.memory_space<vmem>>) offsets(%dma_start3A_73 : memref<128xi32, #tpu.memory_space<vmem>>) semaphore(%arg14 : memref<!tpu.dma_semaphore, #tpu.memory_space<semaphore_mem>>)
      %scan3A_77 = arith.constant 0 : i32
      %scan3A_78 = arith.constant 0 : i32
      %scan3A_79 = arith.constant 8 : i32
      %scan3A_80 = arith.addi %scan3A_78, %scan3A_79 : i32
      %scan3A_81 = arith.constant 1 : i32
      scf.for %scan3A_181 = %scan3A_78 to %scan3A_80 step %scan3A_81  : i32 {
        %mul3A_182 = arith.constant 4 : i32
        %mul3A_183 = arith.muli %scan3A_181, %mul3A_182 : i32
        %add3A_184 = arith.constant 0 : i32
        %add3A_185 = arith.addi %mul3A_183, %add3A_184 : i32
        %dma_wait3A_186 = arith.constant 0 : i32
        %dma_wait3A_187 = arith.constant 0 : i32
        %dma_wait3A_188 = arith.constant 0 : i32
        %dma_wait3A_189 = tpu.memref_slice %arg5[%dma_wait3A_186, %dma_wait3A_187, %dma_wait3A_188] : memref<32x2x128xi32, #tpu.memory_space<vmem>> -> memref<1x1x128xi32, #tpu.memory_space<vmem>>
        %dma_wait3A_190 = tpu.memref_squeeze %dma_wait3A_189 : memref<1x1x128xi32, #tpu.memory_space<vmem>> -> memref<128xi32, #tpu.memory_space<vmem>>
        %dma_wait3A_191 = arith.constant 0 : i32
        %dma_wait3A_192 = arith.constant 0 : i32
        %dma_wait3A_193 = tpu.memref_slice %arg2[%dma_wait3A_191, %dma_wait3A_192] : memref<10000x64xf32, #tpu.memory_space<hbm>> -> memref<10000x64xf32, #tpu.memory_space<hbm>>
        tpu.wait_indirect_dma semaphore(%arg11 : memref<!tpu.dma_semaphore, #tpu.memory_space<semaphore_mem>>) src(%dma_wait3A_193 : memref<10000x64xf32, #tpu.memory_space<hbm>>) dst(%arg6 : memref<128x64xf32, #tpu.memory_space<vmem>>)
        %run_scoped3A_194 = arith.constant 1 : i32
        "tpu.region"() ({
          %run_scoped3A_256 = tpu.sem_alloc : memref<!tpu.dma_semaphore, #tpu.memory_space<semaphore_mem>>
          %dma_start3A_257 = arith.constant 0 : i32
          %dma_start3A_258 = tpu.memref_slice %arg5[%add3A_185, %run_scoped3A_194, %dma_start3A_257] : memref<32x2x128xi32, #tpu.memory_space<vmem>> -> memref<1x1x128xi32, #tpu.memory_space<vmem>>
          %dma_start3A_259 = tpu.memref_squeeze %dma_start3A_258 : memref<1x1x128xi32, #tpu.memory_space<vmem>> -> memref<128xi32, #tpu.memory_space<vmem>>
          %dma_start3A_260 = arith.constant 0 : i32
          %dma_start3A_261 = arith.constant 0 : i32
          %dma_start3A_262 = tpu.memref_slice %arg10[%dma_start3A_260, %dma_start3A_261] : memref<10240x64xf32, #tpu.memory_space<vmem_shared>> -> memref<10240x64xf32, #tpu.memory_space<vmem_shared>>
          tpu.enqueue_indirect_dma source(%arg6 : memref<128x64xf32, #tpu.memory_space<vmem>>) target(%dma_start3A_262 : memref<10240x64xf32, #tpu.memory_space<vmem_shared>>) offsets(%dma_start3A_259 : memref<128xi32, #tpu.memory_space<vmem>>) semaphore(%run_scoped3A_256 : memref<!tpu.dma_semaphore, #tpu.memory_space<semaphore_mem>>) {add = true}
          %dma_wait3A_263 = arith.constant 0 : i32
          %dma_wait3A_264 = tpu.memref_slice %arg5[%add3A_185, %run_scoped3A_194, %dma_wait3A_263] : memref<32x2x128xi32, #tpu.memory_space<vmem>> -> memref<1x1x128xi32, #tpu.memory_space<vmem>>
          %dma_wait3A_265 = tpu.memref_squeeze %dma_wait3A_264 : memref<1x1x128xi32, #tpu.memory_space<vmem>> -> memref<128xi32, #tpu.memory_space<vmem>>
          %dma_wait3A_266 = arith.constant 0 : i32
          %dma_wait3A_267 = arith.constant 0 : i32
          %dma_wait3A_268 = tpu.memref_slice %arg10[%dma_wait3A_266, %dma_wait3A_267] : memref<10240x64xf32, #tpu.memory_space<vmem_shared>> -> memref<10240x64xf32, #tpu.memory_space<vmem_shared>>
          tpu.wait_indirect_dma semaphore(%run_scoped3A_256 : memref<!tpu.dma_semaphore, #tpu.memory_space<semaphore_mem>>) src(%arg6 : memref<128x64xf32, #tpu.memory_space<vmem>>) dst(%dma_wait3A_268 : memref<10240x64xf32, #tpu.memory_space<vmem_shared>>)
          tpu.yield
        }) : () -> ()
        %add3A_195 = arith.constant 4 : i32
        %add3A_196 = arith.addi %add3A_185, %add3A_195 : i32
        %lt3A_197 = arith.constant 32 : i32
        %lt3A_198 = arith.cmpi slt, %add3A_196, %lt3A_197 : i32
        %convert_element_type3A_199 = arith.extui %lt3A_198 : i1 to i32
        %cond3A_200 = arith.constant 0 : i32
        %cond3A_201 = arith.cmpi ne, %convert_element_type3A_199, %cond3A_200 : i32
        scf.if %cond3A_201 {
          %add3A_256 = arith.constant 4 : i32
          %add3A_257 = arith.addi %add3A_185, %add3A_256 : i32
          %dma_start3A_258 = arith.constant 0 : i32
          %dma_start3A_259 = arith.constant 0 : i32
          %dma_start3A_260 = tpu.memref_slice %arg5[%add3A_257, %dma_start3A_258, %dma_start3A_259] : memref<32x2x128xi32, #tpu.memory_space<vmem>> -> memref<1x1x128xi32, #tpu.memory_space<vmem>>
          %dma_start3A_261 = tpu.memref_squeeze %dma_start3A_260 : memref<1x1x128xi32, #tpu.memory_space<vmem>> -> memref<128xi32, #tpu.memory_space<vmem>>
          %dma_start3A_262 = arith.constant 0 : i32
          %dma_start3A_263 = arith.constant 0 : i32
          %dma_start3A_264 = tpu.memref_slice %arg2[%dma_start3A_262, %dma_start3A_263] : memref<10000x64xf32, #tpu.memory_space<hbm>> -> memref<10000x64xf32, #tpu.memory_space<hbm>>
          tpu.enqueue_indirect_dma source(%dma_start3A_264 : memref<10000x64xf32, #tpu.memory_space<hbm>>) target(%arg6 : memref<128x64xf32, #tpu.memory_space<vmem>>) offsets(%dma_start3A_261 : memref<128xi32, #tpu.memory_space<vmem>>) semaphore(%arg11 : memref<!tpu.dma_semaphore, #tpu.memory_space<semaphore_mem>>)
        } else {
        }
        %add3A_202 = arith.constant 1 : i32
        %add3A_203 = arith.addi %mul3A_183, %add3A_202 : i32
        %dma_wait3A_204 = arith.constant 0 : i32
        %dma_wait3A_205 = arith.constant 0 : i32
        %dma_wait3A_206 = arith.constant 0 : i32
        %dma_wait3A_207 = tpu.memref_slice %arg5[%dma_wait3A_204, %dma_wait3A_205, %dma_wait3A_206] : memref<32x2x128xi32, #tpu.memory_space<vmem>> -> memref<1x1x128xi32, #tpu.memory_space<vmem>>
        %dma_wait3A_208 = tpu.memref_squeeze %dma_wait3A_207 : memref<1x1x128xi32, #tpu.memory_space<vmem>> -> memref<128xi32, #tpu.memory_space<vmem>>
        %dma_wait3A_209 = arith.constant 0 : i32
        %dma_wait3A_210 = arith.constant 0 : i32
        %dma_wait3A_211 = tpu.memref_slice %arg2[%dma_wait3A_209, %dma_wait3A_210] : memref<10000x64xf32, #tpu.memory_space<hbm>> -> memref<10000x64xf32, #tpu.memory_space<hbm>>
        tpu.wait_indirect_dma semaphore(%arg12 : memref<!tpu.dma_semaphore, #tpu.memory_space<semaphore_mem>>) src(%dma_wait3A_211 : memref<10000x64xf32, #tpu.memory_space<hbm>>) dst(%arg7 : memref<128x64xf32, #tpu.memory_space<vmem>>)
        %run_scoped3A_212 = arith.constant 1 : i32
        "tpu.region"() ({
          %run_scoped3A_256 = tpu.sem_alloc : memref<!tpu.dma_semaphore, #tpu.memory_space<semaphore_mem>>
          %dma_start3A_257 = arith.constant 0 : i32
          %dma_start3A_258 = tpu.memref_slice %arg5[%add3A_203, %run_scoped3A_212, %dma_start3A_257] : memref<32x2x128xi32, #tpu.memory_space<vmem>> -> memref<1x1x128xi32, #tpu.memory_space<vmem>>
          %dma_start3A_259 = tpu.memref_squeeze %dma_start3A_258 : memref<1x1x128xi32, #tpu.memory_space<vmem>> -> memref<128xi32, #tpu.memory_space<vmem>>
          %dma_start3A_260 = arith.constant 0 : i32
          %dma_start3A_261 = arith.constant 0 : i32
          %dma_start3A_262 = tpu.memref_slice %arg10[%dma_start3A_260, %dma_start3A_261] : memref<10240x64xf32, #tpu.memory_space<vmem_shared>> -> memref<10240x64xf32, #tpu.memory_space<vmem_shared>>
          tpu.enqueue_indirect_dma source(%arg7 : memref<128x64xf32, #tpu.memory_space<vmem>>) target(%dma_start3A_262 : memref<10240x64xf32, #tpu.memory_space<vmem_shared>>) offsets(%dma_start3A_259 : memref<128xi32, #tpu.memory_space<vmem>>) semaphore(%run_scoped3A_256 : memref<!tpu.dma_semaphore, #tpu.memory_space<semaphore_mem>>) {add = true}
          %dma_wait3A_263 = arith.constant 0 : i32
          %dma_wait3A_264 = tpu.memref_slice %arg5[%add3A_203, %run_scoped3A_212, %dma_wait3A_263] : memref<32x2x128xi32, #tpu.memory_space<vmem>> -> memref<1x1x128xi32, #tpu.memory_space<vmem>>
          %dma_wait3A_265 = tpu.memref_squeeze %dma_wait3A_264 : memref<1x1x128xi32, #tpu.memory_space<vmem>> -> memref<128xi32, #tpu.memory_space<vmem>>
          %dma_wait3A_266 = arith.constant 0 : i32
          %dma_wait3A_267 = arith.constant 0 : i32
          %dma_wait3A_268 = tpu.memref_slice %arg10[%dma_wait3A_266, %dma_wait3A_267] : memref<10240x64xf32, #tpu.memory_space<vmem_shared>> -> memref<10240x64xf32, #tpu.memory_space<vmem_shared>>
          tpu.wait_indirect_dma semaphore(%run_scoped3A_256 : memref<!tpu.dma_semaphore, #tpu.memory_space<semaphore_mem>>) src(%arg7 : memref<128x64xf32, #tpu.memory_space<vmem>>) dst(%dma_wait3A_268 : memref<10240x64xf32, #tpu.memory_space<vmem_shared>>)
          tpu.yield
        }) : () -> ()
        %add3A_213 = arith.constant 4 : i32
        %add3A_214 = arith.addi %add3A_203, %add3A_213 : i32
        %lt3A_215 = arith.constant 32 : i32
        %lt3A_216 = arith.cmpi slt, %add3A_214, %lt3A_215 : i32
        %convert_element_type3A_217 = arith.extui %lt3A_216 : i1 to i32
        %cond3A_218 = arith.constant 0 : i32
        %cond3A_219 = arith.cmpi ne, %convert_element_type3A_217, %cond3A_218 : i32
        scf.if %cond3A_219 {
          %add3A_256 = arith.constant 4 : i32
          %add3A_257 = arith.addi %add3A_203, %add3A_256 : i32
          %dma_start3A_258 = arith.constant 0 : i32
          %dma_start3A_259 = arith.constant 0 : i32
          %dma_start3A_260 = tpu.memref_slice %arg5[%add3A_257, %dma_start3A_258, %dma_start3A_259] : memref<32x2x128xi32, #tpu.memory_space<vmem>> -> memref<1x1x128xi32, #tpu.memory_space<vmem>>
          %dma_start3A_261 = tpu.memref_squeeze %dma_start3A_260 : memref<1x1x128xi32, #tpu.memory_space<vmem>> -> memref<128xi32, #tpu.memory_space<vmem>>
          %dma_start3A_262 = arith.constant 0 : i32
          %dma_start3A_263 = arith.constant 0 : i32
          %dma_start3A_264 = tpu.memref_slice %arg2[%dma_start3A_262, %dma_start3A_263] : memref<10000x64xf32, #tpu.memory_space<hbm>> -> memref<10000x64xf32, #tpu.memory_space<hbm>>
          tpu.enqueue_indirect_dma source(%dma_start3A_264 : memref<10000x64xf32, #tpu.memory_space<hbm>>) target(%arg7 : memref<128x64xf32, #tpu.memory_space<vmem>>) offsets(%dma_start3A_261 : memref<128xi32, #tpu.memory_space<vmem>>) semaphore(%arg12 : memref<!tpu.dma_semaphore, #tpu.memory_space<semaphore_mem>>)
        } else {
        }
        %add3A_220 = arith.constant 2 : i32
        %add3A_221 = arith.addi %mul3A_183, %add3A_220 : i32
        %dma_wait3A_222 = arith.constant 0 : i32
        %dma_wait3A_223 = arith.constant 0 : i32
        %dma_wait3A_224 = arith.constant 0 : i32
        %dma_wait3A_225 = tpu.memref_slice %arg5[%dma_wait3A_222, %dma_wait3A_223, %dma_wait3A_224] : memref<32x2x128xi32, #tpu.memory_space<vmem>> -> memref<1x1x128xi32, #tpu.memory_space<vmem>>
        %dma_wait3A_226 = tpu.memref_squeeze %dma_wait3A_225 : memref<1x1x128xi32, #tpu.memory_space<vmem>> -> memref<128xi32, #tpu.memory_space<vmem>>
        %dma_wait3A_227 = arith.constant 0 : i32
        %dma_wait3A_228 = arith.constant 0 : i32
        %dma_wait3A_229 = tpu.memref_slice %arg2[%dma_wait3A_227, %dma_wait3A_228] : memref<10000x64xf32, #tpu.memory_space<hbm>> -> memref<10000x64xf32, #tpu.memory_space<hbm>>
        tpu.wait_indirect_dma semaphore(%arg13 : memref<!tpu.dma_semaphore, #tpu.memory_space<semaphore_mem>>) src(%dma_wait3A_229 : memref<10000x64xf32, #tpu.memory_space<hbm>>) dst(%arg8 : memref<128x64xf32, #tpu.memory_space<vmem>>)
        %run_scoped3A_230 = arith.constant 1 : i32
        "tpu.region"() ({
          %run_scoped3A_256 = tpu.sem_alloc : memref<!tpu.dma_semaphore, #tpu.memory_space<semaphore_mem>>
          %dma_start3A_257 = arith.constant 0 : i32
          %dma_start3A_258 = tpu.memref_slice %arg5[%add3A_221, %run_scoped3A_230, %dma_start3A_257] : memref<32x2x128xi32, #tpu.memory_space<vmem>> -> memref<1x1x128xi32, #tpu.memory_space<vmem>>
          %dma_start3A_259 = tpu.memref_squeeze %dma_start3A_258 : memref<1x1x128xi32, #tpu.memory_space<vmem>> -> memref<128xi32, #tpu.memory_space<vmem>>
          %dma_start3A_260 = arith.constant 0 : i32
          %dma_start3A_261 = arith.constant 0 : i32
          %dma_start3A_262 = tpu.memref_slice %arg10[%dma_start3A_260, %dma_start3A_261] : memref<10240x64xf32, #tpu.memory_space<vmem_shared>> -> memref<10240x64xf32, #tpu.memory_space<vmem_shared>>
          tpu.enqueue_indirect_dma source(%arg8 : memref<128x64xf32, #tpu.memory_space<vmem>>) target(%dma_start3A_262 : memref<10240x64xf32, #tpu.memory_space<vmem_shared>>) offsets(%dma_start3A_259 : memref<128xi32, #tpu.memory_space<vmem>>) semaphore(%run_scoped3A_256 : memref<!tpu.dma_semaphore, #tpu.memory_space<semaphore_mem>>) {add = true}
          %dma_wait3A_263 = arith.constant 0 : i32
          %dma_wait3A_264 = tpu.memref_slice %arg5[%add3A_221, %run_scoped3A_230, %dma_wait3A_263] : memref<32x2x128xi32, #tpu.memory_space<vmem>> -> memref<1x1x128xi32, #tpu.memory_space<vmem>>
          %dma_wait3A_265 = tpu.memref_squeeze %dma_wait3A_264 : memref<1x1x128xi32, #tpu.memory_space<vmem>> -> memref<128xi32, #tpu.memory_space<vmem>>
          %dma_wait3A_266 = arith.constant 0 : i32
          %dma_wait3A_267 = arith.constant 0 : i32
          %dma_wait3A_268 = tpu.memref_slice %arg10[%dma_wait3A_266, %dma_wait3A_267] : memref<10240x64xf32, #tpu.memory_space<vmem_shared>> -> memref<10240x64xf32, #tpu.memory_space<vmem_shared>>
          tpu.wait_indirect_dma semaphore(%run_scoped3A_256 : memref<!tpu.dma_semaphore, #tpu.memory_space<semaphore_mem>>) src(%arg8 : memref<128x64xf32, #tpu.memory_space<vmem>>) dst(%dma_wait3A_268 : memref<10240x64xf32, #tpu.memory_space<vmem_shared>>)
          tpu.yield
        }) : () -> ()
        %add3A_231 = arith.constant 4 : i32
        %add3A_232 = arith.addi %add3A_221, %add3A_231 : i32
        %lt3A_233 = arith.constant 32 : i32
        %lt3A_234 = arith.cmpi slt, %add3A_232, %lt3A_233 : i32
        %convert_element_type3A_235 = arith.extui %lt3A_234 : i1 to i32
        %cond3A_236 = arith.constant 0 : i32
        %cond3A_237 = arith.cmpi ne, %convert_element_type3A_235, %cond3A_236 : i32
        scf.if %cond3A_237 {
          %add3A_256 = arith.constant 4 : i32
          %add3A_257 = arith.addi %add3A_221, %add3A_256 : i32
          %dma_start3A_258 = arith.constant 0 : i32
          %dma_start3A_259 = arith.constant 0 : i32
          %dma_start3A_260 = tpu.memref_slice %arg5[%add3A_257, %dma_start3A_258, %dma_start3A_259] : memref<32x2x128xi32, #tpu.memory_space<vmem>> -> memref<1x1x128xi32, #tpu.memory_space<vmem>>
          %dma_start3A_261 = tpu.memref_squeeze %dma_start3A_260 : memref<1x1x128xi32, #tpu.memory_space<vmem>> -> memref<128xi32, #tpu.memory_space<vmem>>
          %dma_start3A_262 = arith.constant 0 : i32
          %dma_start3A_263 = arith.constant 0 : i32
          %dma_start3A_264 = tpu.memref_slice %arg2[%dma_start3A_262, %dma_start3A_263] : memref<10000x64xf32, #tpu.memory_space<hbm>> -> memref<10000x64xf32, #tpu.memory_space<hbm>>
          tpu.enqueue_indirect_dma source(%dma_start3A_264 : memref<10000x64xf32, #tpu.memory_space<hbm>>) target(%arg8 : memref<128x64xf32, #tpu.memory_space<vmem>>) offsets(%dma_start3A_261 : memref<128xi32, #tpu.memory_space<vmem>>) semaphore(%arg13 : memref<!tpu.dma_semaphore, #tpu.memory_space<semaphore_mem>>)
        } else {
        }
        %add3A_238 = arith.constant 3 : i32
        %add3A_239 = arith.addi %mul3A_183, %add3A_238 : i32
        %dma_wait3A_240 = arith.constant 0 : i32
        %dma_wait3A_241 = arith.constant 0 : i32
        %dma_wait3A_242 = arith.constant 0 : i32
        %dma_wait3A_243 = tpu.memref_slice %arg5[%dma_wait3A_240, %dma_wait3A_241, %dma_wait3A_242] : memref<32x2x128xi32, #tpu.memory_space<vmem>> -> memref<1x1x128xi32, #tpu.memory_space<vmem>>
        %dma_wait3A_244 = tpu.memref_squeeze %dma_wait3A_243 : memref<1x1x128xi32, #tpu.memory_space<vmem>> -> memref<128xi32, #tpu.memory_space<vmem>>
        %dma_wait3A_245 = arith.constant 0 : i32
        %dma_wait3A_246 = arith.constant 0 : i32
        %dma_wait3A_247 = tpu.memref_slice %arg2[%dma_wait3A_245, %dma_wait3A_246] : memref<10000x64xf32, #tpu.memory_space<hbm>> -> memref<10000x64xf32, #tpu.memory_space<hbm>>
        tpu.wait_indirect_dma semaphore(%arg14 : memref<!tpu.dma_semaphore, #tpu.memory_space<semaphore_mem>>) src(%dma_wait3A_247 : memref<10000x64xf32, #tpu.memory_space<hbm>>) dst(%arg9 : memref<128x64xf32, #tpu.memory_space<vmem>>)
        %run_scoped3A_248 = arith.constant 1 : i32
        "tpu.region"() ({
          %run_scoped3A_256 = tpu.sem_alloc : memref<!tpu.dma_semaphore, #tpu.memory_space<semaphore_mem>>
          %dma_start3A_257 = arith.constant 0 : i32
          %dma_start3A_258 = tpu.memref_slice %arg5[%add3A_239, %run_scoped3A_248, %dma_start3A_257] : memref<32x2x128xi32, #tpu.memory_space<vmem>> -> memref<1x1x128xi32, #tpu.memory_space<vmem>>
          %dma_start3A_259 = tpu.memref_squeeze %dma_start3A_258 : memref<1x1x128xi32, #tpu.memory_space<vmem>> -> memref<128xi32, #tpu.memory_space<vmem>>
          %dma_start3A_260 = arith.constant 0 : i32
          %dma_start3A_261 = arith.constant 0 : i32
          %dma_start3A_262 = tpu.memref_slice %arg10[%dma_start3A_260, %dma_start3A_261] : memref<10240x64xf32, #tpu.memory_space<vmem_shared>> -> memref<10240x64xf32, #tpu.memory_space<vmem_shared>>
          tpu.enqueue_indirect_dma source(%arg9 : memref<128x64xf32, #tpu.memory_space<vmem>>) target(%dma_start3A_262 : memref<10240x64xf32, #tpu.memory_space<vmem_shared>>) offsets(%dma_start3A_259 : memref<128xi32, #tpu.memory_space<vmem>>) semaphore(%run_scoped3A_256 : memref<!tpu.dma_semaphore, #tpu.memory_space<semaphore_mem>>) {add = true}
          %dma_wait3A_263 = arith.constant 0 : i32
          %dma_wait3A_264 = tpu.memref_slice %arg5[%add3A_239, %run_scoped3A_248, %dma_wait3A_263] : memref<32x2x128xi32, #tpu.memory_space<vmem>> -> memref<1x1x128xi32, #tpu.memory_space<vmem>>
          %dma_wait3A_265 = tpu.memref_squeeze %dma_wait3A_264 : memref<1x1x128xi32, #tpu.memory_space<vmem>> -> memref<128xi32, #tpu.memory_space<vmem>>
          %dma_wait3A_266 = arith.constant 0 : i32
          %dma_wait3A_267 = arith.constant 0 : i32
          %dma_wait3A_268 = tpu.memref_slice %arg10[%dma_wait3A_266, %dma_wait3A_267] : memref<10240x64xf32, #tpu.memory_space<vmem_shared>> -> memref<10240x64xf32, #tpu.memory_space<vmem_shared>>
          tpu.wait_indirect_dma semaphore(%run_scoped3A_256 : memref<!tpu.dma_semaphore, #tpu.memory_space<semaphore_mem>>) src(%arg9 : memref<128x64xf32, #tpu.memory_space<vmem>>) dst(%dma_wait3A_268 : memref<10240x64xf32, #tpu.memory_space<vmem_shared>>)
          tpu.yield
        }) : () -> ()
        %add3A_249 = arith.constant 4 : i32
        %add3A_250 = arith.addi %add3A_239, %add3A_249 : i32
        %lt3A_251 = arith.constant 32 : i32
        %lt3A_252 = arith.cmpi slt, %add3A_250, %lt3A_251 : i32
        %convert_element_type3A_253 = arith.extui %lt3A_252 : i1 to i32
        %cond3A_254 = arith.constant 0 : i32
        %cond3A_255 = arith.cmpi ne, %convert_element_type3A_253, %cond3A_254 : i32
        scf.if %cond3A_255 {
          %add3A_256 = arith.constant 4 : i32
          %add3A_257 = arith.addi %add3A_239, %add3A_256 : i32
          %dma_start3A_258 = arith.constant 0 : i32
          %dma_start3A_259 = arith.constant 0 : i32
          %dma_start3A_260 = tpu.memref_slice %arg5[%add3A_257, %dma_start3A_258, %dma_start3A_259] : memref<32x2x128xi32, #tpu.memory_space<vmem>> -> memref<1x1x128xi32, #tpu.memory_space<vmem>>
          %dma_start3A_261 = tpu.memref_squeeze %dma_start3A_260 : memref<1x1x128xi32, #tpu.memory_space<vmem>> -> memref<128xi32, #tpu.memory_space<vmem>>
          %dma_start3A_262 = arith.constant 0 : i32
          %dma_start3A_263 = arith.constant 0 : i32
          %dma_start3A_264 = tpu.memref_slice %arg2[%dma_start3A_262, %dma_start3A_263] : memref<10000x64xf32, #tpu.memory_space<hbm>> -> memref<10000x64xf32, #tpu.memory_space<hbm>>
          tpu.enqueue_indirect_dma source(%dma_start3A_264 : memref<10000x64xf32, #tpu.memory_space<hbm>>) target(%arg9 : memref<128x64xf32, #tpu.memory_space<vmem>>) offsets(%dma_start3A_261 : memref<128xi32, #tpu.memory_space<vmem>>) semaphore(%arg14 : memref<!tpu.dma_semaphore, #tpu.memory_space<semaphore_mem>>)
        } else {
        }
      }
      %scan3A_82 = arith.constant 8 : i32
      %add3A_83 = arith.constant 32 : i32
      %add3A_84 = arith.addi %add3A_29, %add3A_83 : i32
      "tpu.region"() ({
        %run_scoped3A_181 = tpu.sem_alloc : memref<!tpu.dma_semaphore, #tpu.memory_space<semaphore_mem>>
        %dma_start3A_182 = arith.constant 0 : i32
        %dma_start3A_183 = arith.constant 0 : i32
        %dma_start3A_184 = arith.constant 0 : i32
        %dma_start3A_185 = tpu.memref_slice %arg5[%dma_start3A_182, %dma_start3A_183, %dma_start3A_184] : memref<32x2x128xi32, #tpu.memory_space<vmem>> -> memref<32x2x128xi32, #tpu.memory_space<vmem>>
        %dma_start3A_186 = arith.constant 0 : i32
        %dma_start3A_187 = arith.constant 0 : i32
        %dma_start3A_188 = tpu.memref_slice %arg3[%add3A_84, %dma_start3A_186, %dma_start3A_187] : memref<2500x2x128xi32, #tpu.memory_space<hbm>> -> memref<32x2x128xi32, #tpu.memory_space<hbm>>
        %dma_start3A_189 = arith.constant 0 : i32
        %dma_start3A_190 = arith.constant 0 : i32
        %dma_start3A_191 = arith.constant 0 : i32
        %dma_start3A_192 = tpu.memref_slice %arg5[%dma_start3A_189, %dma_start3A_190, %dma_start3A_191] : memref<32x2x128xi32, #tpu.memory_space<vmem>> -> memref<32x2x128xi32, #tpu.memory_space<vmem>>
        %dma_start3A_193 = arith.constant 0 : i32
        %dma_start3A_194 = arith.constant 0 : i32
        %dma_start3A_195 = tpu.memref_slice %arg3[%add3A_84, %dma_start3A_193, %dma_start3A_194] : memref<2500x2x128xi32, #tpu.memory_space<hbm>> -> memref<32x2x128xi32, #tpu.memory_space<hbm>>
        tpu.enqueue_dma source(%dma_start3A_195 : memref<32x2x128xi32, #tpu.memory_space<hbm>>) target(%dma_start3A_192 : memref<32x2x128xi32, #tpu.memory_space<vmem>>) target_semaphore(%run_scoped3A_181 : memref<!tpu.dma_semaphore, #tpu.memory_space<semaphore_mem>>)
        %dma_wait3A_196 = arith.constant 0 : i32
        %dma_wait3A_197 = arith.constant 0 : i32
        %dma_wait3A_198 = arith.constant 0 : i32
        %dma_wait3A_199 = tpu.memref_slice %arg5[%dma_wait3A_196, %dma_wait3A_197, %dma_wait3A_198] : memref<32x2x128xi32, #tpu.memory_space<vmem>> -> memref<32x2x128xi32, #tpu.memory_space<vmem>>
        %dma_wait3A_200 = arith.constant 0 : i32
        %dma_wait3A_201 = arith.constant 0 : i32
        %dma_wait3A_202 = tpu.memref_slice %arg3[%add3A_84, %dma_wait3A_200, %dma_wait3A_201] : memref<2500x2x128xi32, #tpu.memory_space<hbm>> -> memref<32x2x128xi32, #tpu.memory_space<hbm>>
        %dma_wait3A_203 = arith.constant 0 : i32
        %dma_wait3A_204 = arith.constant 0 : i32
        %dma_wait3A_205 = arith.constant 0 : i32
        %dma_wait3A_206 = tpu.memref_slice %arg5[%dma_wait3A_203, %dma_wait3A_204, %dma_wait3A_205] : memref<32x2x128xi32, #tpu.memory_space<vmem>> -> memref<32x2x128xi32, #tpu.memory_space<vmem>>
        %dma_wait3A_207 = arith.constant 0 : i32
        %dma_wait3A_208 = arith.constant 0 : i32
        %dma_wait3A_209 = tpu.memref_slice %arg3[%add3A_84, %dma_wait3A_207, %dma_wait3A_208] : memref<2500x2x128xi32, #tpu.memory_space<hbm>> -> memref<32x2x128xi32, #tpu.memory_space<hbm>>
        tpu.wait_dma2 semaphore(%run_scoped3A_181 : memref<!tpu.dma_semaphore, #tpu.memory_space<semaphore_mem>>) src(%dma_wait3A_209 : memref<32x2x128xi32, #tpu.memory_space<hbm>>) dst(%dma_wait3A_206 : memref<32x2x128xi32, #tpu.memory_space<vmem>>)
        tpu.yield
      }) : () -> ()
      %dma_start3A_85 = arith.constant 0 : i32
      %dma_start3A_86 = arith.constant 0 : i32
      %dma_start3A_87 = arith.constant 0 : i32
      %dma_start3A_88 = tpu.memref_slice %arg5[%dma_start3A_85, %dma_start3A_86, %dma_start3A_87] : memref<32x2x128xi32, #tpu.memory_space<vmem>> -> memref<1x1x128xi32, #tpu.memory_space<vmem>>
      %dma_start3A_89 = tpu.memref_squeeze %dma_start3A_88 : memref<1x1x128xi32, #tpu.memory_space<vmem>> -> memref<128xi32, #tpu.memory_space<vmem>>
      %dma_start3A_90 = arith.constant 0 : i32
      %dma_start3A_91 = arith.constant 0 : i32
      %dma_start3A_92 = tpu.memref_slice %arg2[%dma_start3A_90, %dma_start3A_91] : memref<10000x64xf32, #tpu.memory_space<hbm>> -> memref<10000x64xf32, #tpu.memory_space<hbm>>
      tpu.enqueue_indirect_dma source(%dma_start3A_92 : memref<10000x64xf32, #tpu.memory_space<hbm>>) target(%arg6 : memref<128x64xf32, #tpu.memory_space<vmem>>) offsets(%dma_start3A_89 : memref<128xi32, #tpu.memory_space<vmem>>) semaphore(%arg11 : memref<!tpu.dma_semaphore, #tpu.memory_space<semaphore_mem>>)
      %dma_start3A_93 = arith.constant 1 : i32
      %dma_start3A_94 = arith.constant 0 : i32
      %dma_start3A_95 = arith.constant 0 : i32
      %dma_start3A_96 = tpu.memref_slice %arg5[%dma_start3A_93, %dma_start3A_94, %dma_start3A_95] : memref<32x2x128xi32, #tpu.memory_space<vmem>> -> memref<1x1x128xi32, #tpu.memory_space<vmem>>
      %dma_start3A_97 = tpu.memref_squeeze %dma_start3A_96 : memref<1x1x128xi32, #tpu.memory_space<vmem>> -> memref<128xi32, #tpu.memory_space<vmem>>
      %dma_start3A_98 = arith.constant 0 : i32
      %dma_start3A_99 = arith.constant 0 : i32
      %dma_start3A_100 = tpu.memref_slice %arg2[%dma_start3A_98, %dma_start3A_99] : memref<10000x64xf32, #tpu.memory_space<hbm>> -> memref<10000x64xf32, #tpu.memory_space<hbm>>
      tpu.enqueue_indirect_dma source(%dma_start3A_100 : memref<10000x64xf32, #tpu.memory_space<hbm>>) target(%arg7 : memref<128x64xf32, #tpu.memory_space<vmem>>) offsets(%dma_start3A_97 : memref<128xi32, #tpu.memory_space<vmem>>) semaphore(%arg12 : memref<!tpu.dma_semaphore, #tpu.memory_space<semaphore_mem>>)
      %dma_start3A_101 = arith.constant 2 : i32
      %dma_start3A_102 = arith.constant 0 : i32
      %dma_start3A_103 = arith.constant 0 : i32
      %dma_start3A_104 = tpu.memref_slice %arg5[%dma_start3A_101, %dma_start3A_102, %dma_start3A_103] : memref<32x2x128xi32, #tpu.memory_space<vmem>> -> memref<1x1x128xi32, #tpu.memory_space<vmem>>
      %dma_start3A_105 = tpu.memref_squeeze %dma_start3A_104 : memref<1x1x128xi32, #tpu.memory_space<vmem>> -> memref<128xi32, #tpu.memory_space<vmem>>
      %dma_start3A_106 = arith.constant 0 : i32
      %dma_start3A_107 = arith.constant 0 : i32
      %dma_start3A_108 = tpu.memref_slice %arg2[%dma_start3A_106, %dma_start3A_107] : memref<10000x64xf32, #tpu.memory_space<hbm>> -> memref<10000x64xf32, #tpu.memory_space<hbm>>
      tpu.enqueue_indirect_dma source(%dma_start3A_108 : memref<10000x64xf32, #tpu.memory_space<hbm>>) target(%arg8 : memref<128x64xf32, #tpu.memory_space<vmem>>) offsets(%dma_start3A_105 : memref<128xi32, #tpu.memory_space<vmem>>) semaphore(%arg13 : memref<!tpu.dma_semaphore, #tpu.memory_space<semaphore_mem>>)
      %dma_start3A_109 = arith.constant 3 : i32
      %dma_start3A_110 = arith.constant 0 : i32
      %dma_start3A_111 = arith.constant 0 : i32
      %dma_start3A_112 = tpu.memref_slice %arg5[%dma_start3A_109, %dma_start3A_110, %dma_start3A_111] : memref<32x2x128xi32, #tpu.memory_space<vmem>> -> memref<1x1x128xi32, #tpu.memory_space<vmem>>
      %dma_start3A_113 = tpu.memref_squeeze %dma_start3A_112 : memref<1x1x128xi32, #tpu.memory_space<vmem>> -> memref<128xi32, #tpu.memory_space<vmem>>
      %dma_start3A_114 = arith.constant 0 : i32
      %dma_start3A_115 = arith.constant 0 : i32
      %dma_start3A_116 = tpu.memref_slice %arg2[%dma_start3A_114, %dma_start3A_115] : memref<10000x64xf32, #tpu.memory_space<hbm>> -> memref<10000x64xf32, #tpu.memory_space<hbm>>
      tpu.enqueue_indirect_dma source(%dma_start3A_116 : memref<10000x64xf32, #tpu.memory_space<hbm>>) target(%arg9 : memref<128x64xf32, #tpu.memory_space<vmem>>) offsets(%dma_start3A_113 : memref<128xi32, #tpu.memory_space<vmem>>) semaphore(%arg14 : memref<!tpu.dma_semaphore, #tpu.memory_space<semaphore_mem>>)
      %scan3A_117 = arith.constant 0 : i32
      %scan3A_118 = arith.constant 0 : i32
      %scan3A_119 = arith.constant 8 : i32
      %scan3A_120 = arith.addi %scan3A_118, %scan3A_119 : i32
      %scan3A_121 = arith.constant 1 : i32
      scf.for %scan3A_181 = %scan3A_118 to %scan3A_120 step %scan3A_121  : i32 {
        %mul3A_182 = arith.constant 4 : i32
        %mul3A_183 = arith.muli %scan3A_181, %mul3A_182 : i32
        %add3A_184 = arith.constant 0 : i32
        %add3A_185 = arith.addi %mul3A_183, %add3A_184 : i32
        %dma_wait3A_186 = arith.constant 0 : i32
        %dma_wait3A_187 = arith.constant 0 : i32
        %dma_wait3A_188 = arith.constant 0 : i32
        %dma_wait3A_189 = tpu.memref_slice %arg5[%dma_wait3A_186, %dma_wait3A_187, %dma_wait3A_188] : memref<32x2x128xi32, #tpu.memory_space<vmem>> -> memref<1x1x128xi32, #tpu.memory_space<vmem>>
        %dma_wait3A_190 = tpu.memref_squeeze %dma_wait3A_189 : memref<1x1x128xi32, #tpu.memory_space<vmem>> -> memref<128xi32, #tpu.memory_space<vmem>>
        %dma_wait3A_191 = arith.constant 0 : i32
        %dma_wait3A_192 = arith.constant 0 : i32
        %dma_wait3A_193 = tpu.memref_slice %arg2[%dma_wait3A_191, %dma_wait3A_192] : memref<10000x64xf32, #tpu.memory_space<hbm>> -> memref<10000x64xf32, #tpu.memory_space<hbm>>
        tpu.wait_indirect_dma semaphore(%arg11 : memref<!tpu.dma_semaphore, #tpu.memory_space<semaphore_mem>>) src(%dma_wait3A_193 : memref<10000x64xf32, #tpu.memory_space<hbm>>) dst(%arg6 : memref<128x64xf32, #tpu.memory_space<vmem>>)
        %run_scoped3A_194 = arith.constant 1 : i32
        "tpu.region"() ({
          %run_scoped3A_256 = tpu.sem_alloc : memref<!tpu.dma_semaphore, #tpu.memory_space<semaphore_mem>>
          %dma_start3A_257 = arith.constant 0 : i32
          %dma_start3A_258 = tpu.memref_slice %arg5[%add3A_185, %run_scoped3A_194, %dma_start3A_257] : memref<32x2x128xi32, #tpu.memory_space<vmem>> -> memref<1x1x128xi32, #tpu.memory_space<vmem>>
          %dma_start3A_259 = tpu.memref_squeeze %dma_start3A_258 : memref<1x1x128xi32, #tpu.memory_space<vmem>> -> memref<128xi32, #tpu.memory_space<vmem>>
          %dma_start3A_260 = arith.constant 0 : i32
          %dma_start3A_261 = arith.constant 0 : i32
          %dma_start3A_262 = tpu.memref_slice %arg10[%dma_start3A_260, %dma_start3A_261] : memref<10240x64xf32, #tpu.memory_space<vmem_shared>> -> memref<10240x64xf32, #tpu.memory_space<vmem_shared>>
          tpu.enqueue_indirect_dma source(%arg6 : memref<128x64xf32, #tpu.memory_space<vmem>>) target(%dma_start3A_262 : memref<10240x64xf32, #tpu.memory_space<vmem_shared>>) offsets(%dma_start3A_259 : memref<128xi32, #tpu.memory_space<vmem>>) semaphore(%run_scoped3A_256 : memref<!tpu.dma_semaphore, #tpu.memory_space<semaphore_mem>>) {add = true}
          %dma_wait3A_263 = arith.constant 0 : i32
          %dma_wait3A_264 = tpu.memref_slice %arg5[%add3A_185, %run_scoped3A_194, %dma_wait3A_263] : memref<32x2x128xi32, #tpu.memory_space<vmem>> -> memref<1x1x128xi32, #tpu.memory_space<vmem>>
          %dma_wait3A_265 = tpu.memref_squeeze %dma_wait3A_264 : memref<1x1x128xi32, #tpu.memory_space<vmem>> -> memref<128xi32, #tpu.memory_space<vmem>>
          %dma_wait3A_266 = arith.constant 0 : i32
          %dma_wait3A_267 = arith.constant 0 : i32
          %dma_wait3A_268 = tpu.memref_slice %arg10[%dma_wait3A_266, %dma_wait3A_267] : memref<10240x64xf32, #tpu.memory_space<vmem_shared>> -> memref<10240x64xf32, #tpu.memory_space<vmem_shared>>
          tpu.wait_indirect_dma semaphore(%run_scoped3A_256 : memref<!tpu.dma_semaphore, #tpu.memory_space<semaphore_mem>>) src(%arg6 : memref<128x64xf32, #tpu.memory_space<vmem>>) dst(%dma_wait3A_268 : memref<10240x64xf32, #tpu.memory_space<vmem_shared>>)
          tpu.yield
        }) : () -> ()
        %add3A_195 = arith.constant 4 : i32
        %add3A_196 = arith.addi %add3A_185, %add3A_195 : i32
        %lt3A_197 = arith.constant 32 : i32
        %lt3A_198 = arith.cmpi slt, %add3A_196, %lt3A_197 : i32
        %convert_element_type3A_199 = arith.extui %lt3A_198 : i1 to i32
        %cond3A_200 = arith.constant 0 : i32
        %cond3A_201 = arith.cmpi ne, %convert_element_type3A_199, %cond3A_200 : i32
        scf.if %cond3A_201 {
          %add3A_256 = arith.constant 4 : i32
          %add3A_257 = arith.addi %add3A_185, %add3A_256 : i32
          %dma_start3A_258 = arith.constant 0 : i32
          %dma_start3A_259 = arith.constant 0 : i32
          %dma_start3A_260 = tpu.memref_slice %arg5[%add3A_257, %dma_start3A_258, %dma_start3A_259] : memref<32x2x128xi32, #tpu.memory_space<vmem>> -> memref<1x1x128xi32, #tpu.memory_space<vmem>>
          %dma_start3A_261 = tpu.memref_squeeze %dma_start3A_260 : memref<1x1x128xi32, #tpu.memory_space<vmem>> -> memref<128xi32, #tpu.memory_space<vmem>>
          %dma_start3A_262 = arith.constant 0 : i32
          %dma_start3A_263 = arith.constant 0 : i32
          %dma_start3A_264 = tpu.memref_slice %arg2[%dma_start3A_262, %dma_start3A_263] : memref<10000x64xf32, #tpu.memory_space<hbm>> -> memref<10000x64xf32, #tpu.memory_space<hbm>>
          tpu.enqueue_indirect_dma source(%dma_start3A_264 : memref<10000x64xf32, #tpu.memory_space<hbm>>) target(%arg6 : memref<128x64xf32, #tpu.memory_space<vmem>>) offsets(%dma_start3A_261 : memref<128xi32, #tpu.memory_space<vmem>>) semaphore(%arg11 : memref<!tpu.dma_semaphore, #tpu.memory_space<semaphore_mem>>)
        } else {
        }
        %add3A_202 = arith.constant 1 : i32
        %add3A_203 = arith.addi %mul3A_183, %add3A_202 : i32
        %dma_wait3A_204 = arith.constant 0 : i32
        %dma_wait3A_205 = arith.constant 0 : i32
        %dma_wait3A_206 = arith.constant 0 : i32
        %dma_wait3A_207 = tpu.memref_slice %arg5[%dma_wait3A_204, %dma_wait3A_205, %dma_wait3A_206] : memref<32x2x128xi32, #tpu.memory_space<vmem>> -> memref<1x1x128xi32, #tpu.memory_space<vmem>>
        %dma_wait3A_208 = tpu.memref_squeeze %dma_wait3A_207 : memref<1x1x128xi32, #tpu.memory_space<vmem>> -> memref<128xi32, #tpu.memory_space<vmem>>
        %dma_wait3A_209 = arith.constant 0 : i32
        %dma_wait3A_210 = arith.constant 0 : i32
        %dma_wait3A_211 = tpu.memref_slice %arg2[%dma_wait3A_209, %dma_wait3A_210] : memref<10000x64xf32, #tpu.memory_space<hbm>> -> memref<10000x64xf32, #tpu.memory_space<hbm>>
        tpu.wait_indirect_dma semaphore(%arg12 : memref<!tpu.dma_semaphore, #tpu.memory_space<semaphore_mem>>) src(%dma_wait3A_211 : memref<10000x64xf32, #tpu.memory_space<hbm>>) dst(%arg7 : memref<128x64xf32, #tpu.memory_space<vmem>>)
        %run_scoped3A_212 = arith.constant 1 : i32
        "tpu.region"() ({
          %run_scoped3A_256 = tpu.sem_alloc : memref<!tpu.dma_semaphore, #tpu.memory_space<semaphore_mem>>
          %dma_start3A_257 = arith.constant 0 : i32
          %dma_start3A_258 = tpu.memref_slice %arg5[%add3A_203, %run_scoped3A_212, %dma_start3A_257] : memref<32x2x128xi32, #tpu.memory_space<vmem>> -> memref<1x1x128xi32, #tpu.memory_space<vmem>>
          %dma_start3A_259 = tpu.memref_squeeze %dma_start3A_258 : memref<1x1x128xi32, #tpu.memory_space<vmem>> -> memref<128xi32, #tpu.memory_space<vmem>>
          %dma_start3A_260 = arith.constant 0 : i32
          %dma_start3A_261 = arith.constant 0 : i32
          %dma_start3A_262 = tpu.memref_slice %arg10[%dma_start3A_260, %dma_start3A_261] : memref<10240x64xf32, #tpu.memory_space<vmem_shared>> -> memref<10240x64xf32, #tpu.memory_space<vmem_shared>>
          tpu.enqueue_indirect_dma source(%arg7 : memref<128x64xf32, #tpu.memory_space<vmem>>) target(%dma_start3A_262 : memref<10240x64xf32, #tpu.memory_space<vmem_shared>>) offsets(%dma_start3A_259 : memref<128xi32, #tpu.memory_space<vmem>>) semaphore(%run_scoped3A_256 : memref<!tpu.dma_semaphore, #tpu.memory_space<semaphore_mem>>) {add = true}
          %dma_wait3A_263 = arith.constant 0 : i32
          %dma_wait3A_264 = tpu.memref_slice %arg5[%add3A_203, %run_scoped3A_212, %dma_wait3A_263] : memref<32x2x128xi32, #tpu.memory_space<vmem>> -> memref<1x1x128xi32, #tpu.memory_space<vmem>>
          %dma_wait3A_265 = tpu.memref_squeeze %dma_wait3A_264 : memref<1x1x128xi32, #tpu.memory_space<vmem>> -> memref<128xi32, #tpu.memory_space<vmem>>
          %dma_wait3A_266 = arith.constant 0 : i32
          %dma_wait3A_267 = arith.constant 0 : i32
          %dma_wait3A_268 = tpu.memref_slice %arg10[%dma_wait3A_266, %dma_wait3A_267] : memref<10240x64xf32, #tpu.memory_space<vmem_shared>> -> memref<10240x64xf32, #tpu.memory_space<vmem_shared>>
          tpu.wait_indirect_dma semaphore(%run_scoped3A_256 : memref<!tpu.dma_semaphore, #tpu.memory_space<semaphore_mem>>) src(%arg7 : memref<128x64xf32, #tpu.memory_space<vmem>>) dst(%dma_wait3A_268 : memref<10240x64xf32, #tpu.memory_space<vmem_shared>>)
          tpu.yield
        }) : () -> ()
        %add3A_213 = arith.constant 4 : i32
        %add3A_214 = arith.addi %add3A_203, %add3A_213 : i32
        %lt3A_215 = arith.constant 32 : i32
        %lt3A_216 = arith.cmpi slt, %add3A_214, %lt3A_215 : i32
        %convert_element_type3A_217 = arith.extui %lt3A_216 : i1 to i32
        %cond3A_218 = arith.constant 0 : i32
        %cond3A_219 = arith.cmpi ne, %convert_element_type3A_217, %cond3A_218 : i32
        scf.if %cond3A_219 {
          %add3A_256 = arith.constant 4 : i32
          %add3A_257 = arith.addi %add3A_203, %add3A_256 : i32
          %dma_start3A_258 = arith.constant 0 : i32
          %dma_start3A_259 = arith.constant 0 : i32
          %dma_start3A_260 = tpu.memref_slice %arg5[%add3A_257, %dma_start3A_258, %dma_start3A_259] : memref<32x2x128xi32, #tpu.memory_space<vmem>> -> memref<1x1x128xi32, #tpu.memory_space<vmem>>
          %dma_start3A_261 = tpu.memref_squeeze %dma_start3A_260 : memref<1x1x128xi32, #tpu.memory_space<vmem>> -> memref<128xi32, #tpu.memory_space<vmem>>
          %dma_start3A_262 = arith.constant 0 : i32
          %dma_start3A_263 = arith.constant 0 : i32
          %dma_start3A_264 = tpu.memref_slice %arg2[%dma_start3A_262, %dma_start3A_263] : memref<10000x64xf32, #tpu.memory_space<hbm>> -> memref<10000x64xf32, #tpu.memory_space<hbm>>
          tpu.enqueue_indirect_dma source(%dma_start3A_264 : memref<10000x64xf32, #tpu.memory_space<hbm>>) target(%arg7 : memref<128x64xf32, #tpu.memory_space<vmem>>) offsets(%dma_start3A_261 : memref<128xi32, #tpu.memory_space<vmem>>) semaphore(%arg12 : memref<!tpu.dma_semaphore, #tpu.memory_space<semaphore_mem>>)
        } else {
        }
        %add3A_220 = arith.constant 2 : i32
        %add3A_221 = arith.addi %mul3A_183, %add3A_220 : i32
        %dma_wait3A_222 = arith.constant 0 : i32
        %dma_wait3A_223 = arith.constant 0 : i32
        %dma_wait3A_224 = arith.constant 0 : i32
        %dma_wait3A_225 = tpu.memref_slice %arg5[%dma_wait3A_222, %dma_wait3A_223, %dma_wait3A_224] : memref<32x2x128xi32, #tpu.memory_space<vmem>> -> memref<1x1x128xi32, #tpu.memory_space<vmem>>
        %dma_wait3A_226 = tpu.memref_squeeze %dma_wait3A_225 : memref<1x1x128xi32, #tpu.memory_space<vmem>> -> memref<128xi32, #tpu.memory_space<vmem>>
        %dma_wait3A_227 = arith.constant 0 : i32
        %dma_wait3A_228 = arith.constant 0 : i32
        %dma_wait3A_229 = tpu.memref_slice %arg2[%dma_wait3A_227, %dma_wait3A_228] : memref<10000x64xf32, #tpu.memory_space<hbm>> -> memref<10000x64xf32, #tpu.memory_space<hbm>>
        tpu.wait_indirect_dma semaphore(%arg13 : memref<!tpu.dma_semaphore, #tpu.memory_space<semaphore_mem>>) src(%dma_wait3A_229 : memref<10000x64xf32, #tpu.memory_space<hbm>>) dst(%arg8 : memref<128x64xf32, #tpu.memory_space<vmem>>)
        %run_scoped3A_230 = arith.constant 1 : i32
        "tpu.region"() ({
          %run_scoped3A_256 = tpu.sem_alloc : memref<!tpu.dma_semaphore, #tpu.memory_space<semaphore_mem>>
          %dma_start3A_257 = arith.constant 0 : i32
          %dma_start3A_258 = tpu.memref_slice %arg5[%add3A_221, %run_scoped3A_230, %dma_start3A_257] : memref<32x2x128xi32, #tpu.memory_space<vmem>> -> memref<1x1x128xi32, #tpu.memory_space<vmem>>
          %dma_start3A_259 = tpu.memref_squeeze %dma_start3A_258 : memref<1x1x128xi32, #tpu.memory_space<vmem>> -> memref<128xi32, #tpu.memory_space<vmem>>
          %dma_start3A_260 = arith.constant 0 : i32
          %dma_start3A_261 = arith.constant 0 : i32
          %dma_start3A_262 = tpu.memref_slice %arg10[%dma_start3A_260, %dma_start3A_261] : memref<10240x64xf32, #tpu.memory_space<vmem_shared>> -> memref<10240x64xf32, #tpu.memory_space<vmem_shared>>
          tpu.enqueue_indirect_dma source(%arg8 : memref<128x64xf32, #tpu.memory_space<vmem>>) target(%dma_start3A_262 : memref<10240x64xf32, #tpu.memory_space<vmem_shared>>) offsets(%dma_start3A_259 : memref<128xi32, #tpu.memory_space<vmem>>) semaphore(%run_scoped3A_256 : memref<!tpu.dma_semaphore, #tpu.memory_space<semaphore_mem>>) {add = true}
          %dma_wait3A_263 = arith.constant 0 : i32
          %dma_wait3A_264 = tpu.memref_slice %arg5[%add3A_221, %run_scoped3A_230, %dma_wait3A_263] : memref<32x2x128xi32, #tpu.memory_space<vmem>> -> memref<1x1x128xi32, #tpu.memory_space<vmem>>
          %dma_wait3A_265 = tpu.memref_squeeze %dma_wait3A_264 : memref<1x1x128xi32, #tpu.memory_space<vmem>> -> memref<128xi32, #tpu.memory_space<vmem>>
          %dma_wait3A_266 = arith.constant 0 : i32
          %dma_wait3A_267 = arith.constant 0 : i32
          %dma_wait3A_268 = tpu.memref_slice %arg10[%dma_wait3A_266, %dma_wait3A_267] : memref<10240x64xf32, #tpu.memory_space<vmem_shared>> -> memref<10240x64xf32, #tpu.memory_space<vmem_shared>>
          tpu.wait_indirect_dma semaphore(%run_scoped3A_256 : memref<!tpu.dma_semaphore, #tpu.memory_space<semaphore_mem>>) src(%arg8 : memref<128x64xf32, #tpu.memory_space<vmem>>) dst(%dma_wait3A_268 : memref<10240x64xf32, #tpu.memory_space<vmem_shared>>)
          tpu.yield
        }) : () -> ()
        %add3A_231 = arith.constant 4 : i32
        %add3A_232 = arith.addi %add3A_221, %add3A_231 : i32
        %lt3A_233 = arith.constant 32 : i32
        %lt3A_234 = arith.cmpi slt, %add3A_232, %lt3A_233 : i32
        %convert_element_type3A_235 = arith.extui %lt3A_234 : i1 to i32
        %cond3A_236 = arith.constant 0 : i32
        %cond3A_237 = arith.cmpi ne, %convert_element_type3A_235, %cond3A_236 : i32
        scf.if %cond3A_237 {
          %add3A_256 = arith.constant 4 : i32
          %add3A_257 = arith.addi %add3A_221, %add3A_256 : i32
          %dma_start3A_258 = arith.constant 0 : i32
          %dma_start3A_259 = arith.constant 0 : i32
          %dma_start3A_260 = tpu.memref_slice %arg5[%add3A_257, %dma_start3A_258, %dma_start3A_259] : memref<32x2x128xi32, #tpu.memory_space<vmem>> -> memref<1x1x128xi32, #tpu.memory_space<vmem>>
          %dma_start3A_261 = tpu.memref_squeeze %dma_start3A_260 : memref<1x1x128xi32, #tpu.memory_space<vmem>> -> memref<128xi32, #tpu.memory_space<vmem>>
          %dma_start3A_262 = arith.constant 0 : i32
          %dma_start3A_263 = arith.constant 0 : i32
          %dma_start3A_264 = tpu.memref_slice %arg2[%dma_start3A_262, %dma_start3A_263] : memref<10000x64xf32, #tpu.memory_space<hbm>> -> memref<10000x64xf32, #tpu.memory_space<hbm>>
          tpu.enqueue_indirect_dma source(%dma_start3A_264 : memref<10000x64xf32, #tpu.memory_space<hbm>>) target(%arg8 : memref<128x64xf32, #tpu.memory_space<vmem>>) offsets(%dma_start3A_261 : memref<128xi32, #tpu.memory_space<vmem>>) semaphore(%arg13 : memref<!tpu.dma_semaphore, #tpu.memory_space<semaphore_mem>>)
        } else {
        }
        %add3A_238 = arith.constant 3 : i32
        %add3A_239 = arith.addi %mul3A_183, %add3A_238 : i32
        %dma_wait3A_240 = arith.constant 0 : i32
        %dma_wait3A_241 = arith.constant 0 : i32
        %dma_wait3A_242 = arith.constant 0 : i32
        %dma_wait3A_243 = tpu.memref_slice %arg5[%dma_wait3A_240, %dma_wait3A_241, %dma_wait3A_242] : memref<32x2x128xi32, #tpu.memory_space<vmem>> -> memref<1x1x128xi32, #tpu.memory_space<vmem>>
        %dma_wait3A_244 = tpu.memref_squeeze %dma_wait3A_243 : memref<1x1x128xi32, #tpu.memory_space<vmem>> -> memref<128xi32, #tpu.memory_space<vmem>>
        %dma_wait3A_245 = arith.constant 0 : i32
        %dma_wait3A_246 = arith.constant 0 : i32
        %dma_wait3A_247 = tpu.memref_slice %arg2[%dma_wait3A_245, %dma_wait3A_246] : memref<10000x64xf32, #tpu.memory_space<hbm>> -> memref<10000x64xf32, #tpu.memory_space<hbm>>
        tpu.wait_indirect_dma semaphore(%arg14 : memref<!tpu.dma_semaphore, #tpu.memory_space<semaphore_mem>>) src(%dma_wait3A_247 : memref<10000x64xf32, #tpu.memory_space<hbm>>) dst(%arg9 : memref<128x64xf32, #tpu.memory_space<vmem>>)
        %run_scoped3A_248 = arith.constant 1 : i32
        "tpu.region"() ({
          %run_scoped3A_256 = tpu.sem_alloc : memref<!tpu.dma_semaphore, #tpu.memory_space<semaphore_mem>>
          %dma_start3A_257 = arith.constant 0 : i32
          %dma_start3A_258 = tpu.memref_slice %arg5[%add3A_239, %run_scoped3A_248, %dma_start3A_257] : memref<32x2x128xi32, #tpu.memory_space<vmem>> -> memref<1x1x128xi32, #tpu.memory_space<vmem>>
          %dma_start3A_259 = tpu.memref_squeeze %dma_start3A_258 : memref<1x1x128xi32, #tpu.memory_space<vmem>> -> memref<128xi32, #tpu.memory_space<vmem>>
          %dma_start3A_260 = arith.constant 0 : i32
          %dma_start3A_261 = arith.constant 0 : i32
          %dma_start3A_262 = tpu.memref_slice %arg10[%dma_start3A_260, %dma_start3A_261] : memref<10240x64xf32, #tpu.memory_space<vmem_shared>> -> memref<10240x64xf32, #tpu.memory_space<vmem_shared>>
          tpu.enqueue_indirect_dma source(%arg9 : memref<128x64xf32, #tpu.memory_space<vmem>>) target(%dma_start3A_262 : memref<10240x64xf32, #tpu.memory_space<vmem_shared>>) offsets(%dma_start3A_259 : memref<128xi32, #tpu.memory_space<vmem>>) semaphore(%run_scoped3A_256 : memref<!tpu.dma_semaphore, #tpu.memory_space<semaphore_mem>>) {add = true}
          %dma_wait3A_263 = arith.constant 0 : i32
          %dma_wait3A_264 = tpu.memref_slice %arg5[%add3A_239, %run_scoped3A_248, %dma_wait3A_263] : memref<32x2x128xi32, #tpu.memory_space<vmem>> -> memref<1x1x128xi32, #tpu.memory_space<vmem>>
          %dma_wait3A_265 = tpu.memref_squeeze %dma_wait3A_264 : memref<1x1x128xi32, #tpu.memory_space<vmem>> -> memref<128xi32, #tpu.memory_space<vmem>>
          %dma_wait3A_266 = arith.constant 0 : i32
          %dma_wait3A_267 = arith.constant 0 : i32
          %dma_wait3A_268 = tpu.memref_slice %arg10[%dma_wait3A_266, %dma_wait3A_267] : memref<10240x64xf32, #tpu.memory_space<vmem_shared>> -> memref<10240x64xf32, #tpu.memory_space<vmem_shared>>
          tpu.wait_indirect_dma semaphore(%run_scoped3A_256 : memref<!tpu.dma_semaphore, #tpu.memory_space<semaphore_mem>>) src(%arg9 : memref<128x64xf32, #tpu.memory_space<vmem>>) dst(%dma_wait3A_268 : memref<10240x64xf32, #tpu.memory_space<vmem_shared>>)
          tpu.yield
        }) : () -> ()
        %add3A_249 = arith.constant 4 : i32
        %add3A_250 = arith.addi %add3A_239, %add3A_249 : i32
        %lt3A_251 = arith.constant 32 : i32
        %lt3A_252 = arith.cmpi slt, %add3A_250, %lt3A_251 : i32
        %convert_element_type3A_253 = arith.extui %lt3A_252 : i1 to i32
        %cond3A_254 = arith.constant 0 : i32
        %cond3A_255 = arith.cmpi ne, %convert_element_type3A_253, %cond3A_254 : i32
        scf.if %cond3A_255 {
          %add3A_256 = arith.constant 4 : i32
          %add3A_257 = arith.addi %add3A_239, %add3A_256 : i32
          %dma_start3A_258 = arith.constant 0 : i32
          %dma_start3A_259 = arith.constant 0 : i32
          %dma_start3A_260 = tpu.memref_slice %arg5[%add3A_257, %dma_start3A_258, %dma_start3A_259] : memref<32x2x128xi32, #tpu.memory_space<vmem>> -> memref<1x1x128xi32, #tpu.memory_space<vmem>>
          %dma_start3A_261 = tpu.memref_squeeze %dma_start3A_260 : memref<1x1x128xi32, #tpu.memory_space<vmem>> -> memref<128xi32, #tpu.memory_space<vmem>>
          %dma_start3A_262 = arith.constant 0 : i32
          %dma_start3A_263 = arith.constant 0 : i32
          %dma_start3A_264 = tpu.memref_slice %arg2[%dma_start3A_262, %dma_start3A_263] : memref<10000x64xf32, #tpu.memory_space<hbm>> -> memref<10000x64xf32, #tpu.memory_space<hbm>>
          tpu.enqueue_indirect_dma source(%dma_start3A_264 : memref<10000x64xf32, #tpu.memory_space<hbm>>) target(%arg9 : memref<128x64xf32, #tpu.memory_space<vmem>>) offsets(%dma_start3A_261 : memref<128xi32, #tpu.memory_space<vmem>>) semaphore(%arg14 : memref<!tpu.dma_semaphore, #tpu.memory_space<semaphore_mem>>)
        } else {
        }
      }
      %scan3A_122 = arith.constant 8 : i32
      %add3A_123 = arith.constant 64 : i32
      %add3A_124 = arith.addi %add3A_29, %add3A_123 : i32
      "tpu.region"() ({
        %run_scoped3A_181 = tpu.sem_alloc : memref<!tpu.dma_semaphore, #tpu.memory_space<semaphore_mem>>
        %dma_start3A_182 = arith.constant 0 : i32
        %dma_start3A_183 = arith.constant 0 : i32
        %dma_start3A_184 = arith.constant 0 : i32
        %dma_start3A_185 = tpu.memref_slice %arg5[%dma_start3A_182, %dma_start3A_183, %dma_start3A_184] : memref<32x2x128xi32, #tpu.memory_space<vmem>> -> memref<14x2x128xi32, #tpu.memory_space<vmem>>
        %dma_start3A_186 = arith.constant 0 : i32
        %dma_start3A_187 = arith.constant 0 : i32
        %dma_start3A_188 = tpu.memref_slice %arg3[%add3A_124, %dma_start3A_186, %dma_start3A_187] : memref<2500x2x128xi32, #tpu.memory_space<hbm>> -> memref<14x2x128xi32, #tpu.memory_space<hbm>>
        %dma_start3A_189 = arith.constant 0 : i32
        %dma_start3A_190 = arith.constant 0 : i32
        %dma_start3A_191 = arith.constant 0 : i32
        %dma_start3A_192 = tpu.memref_slice %arg5[%dma_start3A_189, %dma_start3A_190, %dma_start3A_191] : memref<32x2x128xi32, #tpu.memory_space<vmem>> -> memref<14x2x128xi32, #tpu.memory_space<vmem>>
        %dma_start3A_193 = arith.constant 0 : i32
        %dma_start3A_194 = arith.constant 0 : i32
        %dma_start3A_195 = tpu.memref_slice %arg3[%add3A_124, %dma_start3A_193, %dma_start3A_194] : memref<2500x2x128xi32, #tpu.memory_space<hbm>> -> memref<14x2x128xi32, #tpu.memory_space<hbm>>
        tpu.enqueue_dma source(%dma_start3A_195 : memref<14x2x128xi32, #tpu.memory_space<hbm>>) target(%dma_start3A_192 : memref<14x2x128xi32, #tpu.memory_space<vmem>>) target_semaphore(%run_scoped3A_181 : memref<!tpu.dma_semaphore, #tpu.memory_space<semaphore_mem>>)
        %dma_wait3A_196 = arith.constant 0 : i32
        %dma_wait3A_197 = arith.constant 0 : i32
        %dma_wait3A_198 = arith.constant 0 : i32
        %dma_wait3A_199 = tpu.memref_slice %arg5[%dma_wait3A_196, %dma_wait3A_197, %dma_wait3A_198] : memref<32x2x128xi32, #tpu.memory_space<vmem>> -> memref<14x2x128xi32, #tpu.memory_space<vmem>>
        %dma_wait3A_200 = arith.constant 0 : i32
        %dma_wait3A_201 = arith.constant 0 : i32
        %dma_wait3A_202 = tpu.memref_slice %arg3[%add3A_124, %dma_wait3A_200, %dma_wait3A_201] : memref<2500x2x128xi32, #tpu.memory_space<hbm>> -> memref<14x2x128xi32, #tpu.memory_space<hbm>>
        %dma_wait3A_203 = arith.constant 0 : i32
        %dma_wait3A_204 = arith.constant 0 : i32
        %dma_wait3A_205 = arith.constant 0 : i32
        %dma_wait3A_206 = tpu.memref_slice %arg5[%dma_wait3A_203, %dma_wait3A_204, %dma_wait3A_205] : memref<32x2x128xi32, #tpu.memory_space<vmem>> -> memref<14x2x128xi32, #tpu.memory_space<vmem>>
        %dma_wait3A_207 = arith.constant 0 : i32
        %dma_wait3A_208 = arith.constant 0 : i32
        %dma_wait3A_209 = tpu.memref_slice %arg3[%add3A_124, %dma_wait3A_207, %dma_wait3A_208] : memref<2500x2x128xi32, #tpu.memory_space<hbm>> -> memref<14x2x128xi32, #tpu.memory_space<hbm>>
        tpu.wait_dma2 semaphore(%run_scoped3A_181 : memref<!tpu.dma_semaphore, #tpu.memory_space<semaphore_mem>>) src(%dma_wait3A_209 : memref<14x2x128xi32, #tpu.memory_space<hbm>>) dst(%dma_wait3A_206 : memref<14x2x128xi32, #tpu.memory_space<vmem>>)
        tpu.yield
      }) : () -> ()
      %dma_start3A_125 = arith.constant 0 : i32
      %dma_start3A_126 = arith.constant 0 : i32
      %dma_start3A_127 = arith.constant 0 : i32
      %dma_start3A_128 = tpu.memref_slice %arg5[%dma_start3A_125, %dma_start3A_126, %dma_start3A_127] : memref<32x2x128xi32, #tpu.memory_space<vmem>> -> memref<1x1x128xi32, #tpu.memory_space<vmem>>
      %dma_start3A_129 = tpu.memref_squeeze %dma_start3A_128 : memref<1x1x128xi32, #tpu.memory_space<vmem>> -> memref<128xi32, #tpu.memory_space<vmem>>
      %dma_start3A_130 = arith.constant 0 : i32
      %dma_start3A_131 = arith.constant 0 : i32
      %dma_start3A_132 = tpu.memref_slice %arg2[%dma_start3A_130, %dma_start3A_131] : memref<10000x64xf32, #tpu.memory_space<hbm>> -> memref<10000x64xf32, #tpu.memory_space<hbm>>
      tpu.enqueue_indirect_dma source(%dma_start3A_132 : memref<10000x64xf32, #tpu.memory_space<hbm>>) target(%arg6 : memref<128x64xf32, #tpu.memory_space<vmem>>) offsets(%dma_start3A_129 : memref<128xi32, #tpu.memory_space<vmem>>) semaphore(%arg11 : memref<!tpu.dma_semaphore, #tpu.memory_space<semaphore_mem>>)
      %dma_start3A_133 = arith.constant 1 : i32
      %dma_start3A_134 = arith.constant 0 : i32
      %dma_start3A_135 = arith.constant 0 : i32
      %dma_start3A_136 = tpu.memref_slice %arg5[%dma_start3A_133, %dma_start3A_134, %dma_start3A_135] : memref<32x2x128xi32, #tpu.memory_space<vmem>> -> memref<1x1x128xi32, #tpu.memory_space<vmem>>
      %dma_start3A_137 = tpu.memref_squeeze %dma_start3A_136 : memref<1x1x128xi32, #tpu.memory_space<vmem>> -> memref<128xi32, #tpu.memory_space<vmem>>
      %dma_start3A_138 = arith.constant 0 : i32
      %dma_start3A_139 = arith.constant 0 : i32
      %dma_start3A_140 = tpu.memref_slice %arg2[%dma_start3A_138, %dma_start3A_139] : memref<10000x64xf32, #tpu.memory_space<hbm>> -> memref<10000x64xf32, #tpu.memory_space<hbm>>
      tpu.enqueue_indirect_dma source(%dma_start3A_140 : memref<10000x64xf32, #tpu.memory_space<hbm>>) target(%arg7 : memref<128x64xf32, #tpu.memory_space<vmem>>) offsets(%dma_start3A_137 : memref<128xi32, #tpu.memory_space<vmem>>) semaphore(%arg12 : memref<!tpu.dma_semaphore, #tpu.memory_space<semaphore_mem>>)
      %dma_start3A_141 = arith.constant 2 : i32
      %dma_start3A_142 = arith.constant 0 : i32
      %dma_start3A_143 = arith.constant 0 : i32
      %dma_start3A_144 = tpu.memref_slice %arg5[%dma_start3A_141, %dma_start3A_142, %dma_start3A_143] : memref<32x2x128xi32, #tpu.memory_space<vmem>> -> memref<1x1x128xi32, #tpu.memory_space<vmem>>
      %dma_start3A_145 = tpu.memref_squeeze %dma_start3A_144 : memref<1x1x128xi32, #tpu.memory_space<vmem>> -> memref<128xi32, #tpu.memory_space<vmem>>
      %dma_start3A_146 = arith.constant 0 : i32
      %dma_start3A_147 = arith.constant 0 : i32
      %dma_start3A_148 = tpu.memref_slice %arg2[%dma_start3A_146, %dma_start3A_147] : memref<10000x64xf32, #tpu.memory_space<hbm>> -> memref<10000x64xf32, #tpu.memory_space<hbm>>
      tpu.enqueue_indirect_dma source(%dma_start3A_148 : memref<10000x64xf32, #tpu.memory_space<hbm>>) target(%arg8 : memref<128x64xf32, #tpu.memory_space<vmem>>) offsets(%dma_start3A_145 : memref<128xi32, #tpu.memory_space<vmem>>) semaphore(%arg13 : memref<!tpu.dma_semaphore, #tpu.memory_space<semaphore_mem>>)
      %dma_start3A_149 = arith.constant 3 : i32
      %dma_start3A_150 = arith.constant 0 : i32
      %dma_start3A_151 = arith.constant 0 : i32
      %dma_start3A_152 = tpu.memref_slice %arg5[%dma_start3A_149, %dma_start3A_150, %dma_start3A_151] : memref<32x2x128xi32, #tpu.memory_space<vmem>> -> memref<1x1x128xi32, #tpu.memory_space<vmem>>
      %dma_start3A_153 = tpu.memref_squeeze %dma_start3A_152 : memref<1x1x128xi32, #tpu.memory_space<vmem>> -> memref<128xi32, #tpu.memory_space<vmem>>
      %dma_start3A_154 = arith.constant 0 : i32
      %dma_start3A_155 = arith.constant 0 : i32
      %dma_start3A_156 = tpu.memref_slice %arg2[%dma_start3A_154, %dma_start3A_155] : memref<10000x64xf32, #tpu.memory_space<hbm>> -> memref<10000x64xf32, #tpu.memory_space<hbm>>
      tpu.enqueue_indirect_dma source(%dma_start3A_156 : memref<10000x64xf32, #tpu.memory_space<hbm>>) target(%arg9 : memref<128x64xf32, #tpu.memory_space<vmem>>) offsets(%dma_start3A_153 : memref<128xi32, #tpu.memory_space<vmem>>) semaphore(%arg14 : memref<!tpu.dma_semaphore, #tpu.memory_space<semaphore_mem>>)
      %scan3A_157 = arith.constant 0 : i32
      %scan3A_158 = arith.constant 0 : i32
      %scan3A_159 = arith.constant 3 : i32
      %scan3A_160 = arith.addi %scan3A_158, %scan3A_159 : i32
      %scan3A_161 = arith.constant 1 : i32
      scf.for %scan3A_181 = %scan3A_158 to %scan3A_160 step %scan3A_161  : i32 {
        %mul3A_182 = arith.constant 4 : i32
        %mul3A_183 = arith.muli %scan3A_181, %mul3A_182 : i32
        %add3A_184 = arith.constant 0 : i32
        %add3A_185 = arith.addi %mul3A_183, %add3A_184 : i32
        %dma_wait3A_186 = arith.constant 0 : i32
        %dma_wait3A_187 = arith.constant 0 : i32
        %dma_wait3A_188 = arith.constant 0 : i32
        %dma_wait3A_189 = tpu.memref_slice %arg5[%dma_wait3A_186, %dma_wait3A_187, %dma_wait3A_188] : memref<32x2x128xi32, #tpu.memory_space<vmem>> -> memref<1x1x128xi32, #tpu.memory_space<vmem>>
        %dma_wait3A_190 = tpu.memref_squeeze %dma_wait3A_189 : memref<1x1x128xi32, #tpu.memory_space<vmem>> -> memref<128xi32, #tpu.memory_space<vmem>>
        %dma_wait3A_191 = arith.constant 0 : i32
        %dma_wait3A_192 = arith.constant 0 : i32
        %dma_wait3A_193 = tpu.memref_slice %arg2[%dma_wait3A_191, %dma_wait3A_192] : memref<10000x64xf32, #tpu.memory_space<hbm>> -> memref<10000x64xf32, #tpu.memory_space<hbm>>
        tpu.wait_indirect_dma semaphore(%arg11 : memref<!tpu.dma_semaphore, #tpu.memory_space<semaphore_mem>>) src(%dma_wait3A_193 : memref<10000x64xf32, #tpu.memory_space<hbm>>) dst(%arg6 : memref<128x64xf32, #tpu.memory_space<vmem>>)
        %run_scoped3A_194 = arith.constant 1 : i32
        "tpu.region"() ({
          %run_scoped3A_256 = tpu.sem_alloc : memref<!tpu.dma_semaphore, #tpu.memory_space<semaphore_mem>>
          %dma_start3A_257 = arith.constant 0 : i32
          %dma_start3A_258 = tpu.memref_slice %arg5[%add3A_185, %run_scoped3A_194, %dma_start3A_257] : memref<32x2x128xi32, #tpu.memory_space<vmem>> -> memref<1x1x128xi32, #tpu.memory_space<vmem>>
          %dma_start3A_259 = tpu.memref_squeeze %dma_start3A_258 : memref<1x1x128xi32, #tpu.memory_space<vmem>> -> memref<128xi32, #tpu.memory_space<vmem>>
          %dma_start3A_260 = arith.constant 0 : i32
          %dma_start3A_261 = arith.constant 0 : i32
          %dma_start3A_262 = tpu.memref_slice %arg10[%dma_start3A_260, %dma_start3A_261] : memref<10240x64xf32, #tpu.memory_space<vmem_shared>> -> memref<10240x64xf32, #tpu.memory_space<vmem_shared>>
          tpu.enqueue_indirect_dma source(%arg6 : memref<128x64xf32, #tpu.memory_space<vmem>>) target(%dma_start3A_262 : memref<10240x64xf32, #tpu.memory_space<vmem_shared>>) offsets(%dma_start3A_259 : memref<128xi32, #tpu.memory_space<vmem>>) semaphore(%run_scoped3A_256 : memref<!tpu.dma_semaphore, #tpu.memory_space<semaphore_mem>>) {add = true}
          %dma_wait3A_263 = arith.constant 0 : i32
          %dma_wait3A_264 = tpu.memref_slice %arg5[%add3A_185, %run_scoped3A_194, %dma_wait3A_263] : memref<32x2x128xi32, #tpu.memory_space<vmem>> -> memref<1x1x128xi32, #tpu.memory_space<vmem>>
          %dma_wait3A_265 = tpu.memref_squeeze %dma_wait3A_264 : memref<1x1x128xi32, #tpu.memory_space<vmem>> -> memref<128xi32, #tpu.memory_space<vmem>>
          %dma_wait3A_266 = arith.constant 0 : i32
          %dma_wait3A_267 = arith.constant 0 : i32
          %dma_wait3A_268 = tpu.memref_slice %arg10[%dma_wait3A_266, %dma_wait3A_267] : memref<10240x64xf32, #tpu.memory_space<vmem_shared>> -> memref<10240x64xf32, #tpu.memory_space<vmem_shared>>
          tpu.wait_indirect_dma semaphore(%run_scoped3A_256 : memref<!tpu.dma_semaphore, #tpu.memory_space<semaphore_mem>>) src(%arg6 : memref<128x64xf32, #tpu.memory_space<vmem>>) dst(%dma_wait3A_268 : memref<10240x64xf32, #tpu.memory_space<vmem_shared>>)
          tpu.yield
        }) : () -> ()
        %add3A_195 = arith.constant 4 : i32
        %add3A_196 = arith.addi %add3A_185, %add3A_195 : i32
        %lt3A_197 = arith.constant 14 : i32
        %lt3A_198 = arith.cmpi slt, %add3A_196, %lt3A_197 : i32
        %convert_element_type3A_199 = arith.extui %lt3A_198 : i1 to i32
        %cond3A_200 = arith.constant 0 : i32
        %cond3A_201 = arith.cmpi ne, %convert_element_type3A_199, %cond3A_200 : i32
        scf.if %cond3A_201 {
          %add3A_256 = arith.constant 4 : i32
          %add3A_257 = arith.addi %add3A_185, %add3A_256 : i32
          %dma_start3A_258 = arith.constant 0 : i32
          %dma_start3A_259 = arith.constant 0 : i32
          %dma_start3A_260 = tpu.memref_slice %arg5[%add3A_257, %dma_start3A_258, %dma_start3A_259] : memref<32x2x128xi32, #tpu.memory_space<vmem>> -> memref<1x1x128xi32, #tpu.memory_space<vmem>>
          %dma_start3A_261 = tpu.memref_squeeze %dma_start3A_260 : memref<1x1x128xi32, #tpu.memory_space<vmem>> -> memref<128xi32, #tpu.memory_space<vmem>>
          %dma_start3A_262 = arith.constant 0 : i32
          %dma_start3A_263 = arith.constant 0 : i32
          %dma_start3A_264 = tpu.memref_slice %arg2[%dma_start3A_262, %dma_start3A_263] : memref<10000x64xf32, #tpu.memory_space<hbm>> -> memref<10000x64xf32, #tpu.memory_space<hbm>>
          tpu.enqueue_indirect_dma source(%dma_start3A_264 : memref<10000x64xf32, #tpu.memory_space<hbm>>) target(%arg6 : memref<128x64xf32, #tpu.memory_space<vmem>>) offsets(%dma_start3A_261 : memref<128xi32, #tpu.memory_space<vmem>>) semaphore(%arg11 : memref<!tpu.dma_semaphore, #tpu.memory_space<semaphore_mem>>)
        } else {
        }
        %add3A_202 = arith.constant 1 : i32
        %add3A_203 = arith.addi %mul3A_183, %add3A_202 : i32
        %dma_wait3A_204 = arith.constant 0 : i32
        %dma_wait3A_205 = arith.constant 0 : i32
        %dma_wait3A_206 = arith.constant 0 : i32
        %dma_wait3A_207 = tpu.memref_slice %arg5[%dma_wait3A_204, %dma_wait3A_205, %dma_wait3A_206] : memref<32x2x128xi32, #tpu.memory_space<vmem>> -> memref<1x1x128xi32, #tpu.memory_space<vmem>>
        %dma_wait3A_208 = tpu.memref_squeeze %dma_wait3A_207 : memref<1x1x128xi32, #tpu.memory_space<vmem>> -> memref<128xi32, #tpu.memory_space<vmem>>
        %dma_wait3A_209 = arith.constant 0 : i32
        %dma_wait3A_210 = arith.constant 0 : i32
        %dma_wait3A_211 = tpu.memref_slice %arg2[%dma_wait3A_209, %dma_wait3A_210] : memref<10000x64xf32, #tpu.memory_space<hbm>> -> memref<10000x64xf32, #tpu.memory_space<hbm>>
        tpu.wait_indirect_dma semaphore(%arg12 : memref<!tpu.dma_semaphore, #tpu.memory_space<semaphore_mem>>) src(%dma_wait3A_211 : memref<10000x64xf32, #tpu.memory_space<hbm>>) dst(%arg7 : memref<128x64xf32, #tpu.memory_space<vmem>>)
        %run_scoped3A_212 = arith.constant 1 : i32
        "tpu.region"() ({
          %run_scoped3A_256 = tpu.sem_alloc : memref<!tpu.dma_semaphore, #tpu.memory_space<semaphore_mem>>
          %dma_start3A_257 = arith.constant 0 : i32
          %dma_start3A_258 = tpu.memref_slice %arg5[%add3A_203, %run_scoped3A_212, %dma_start3A_257] : memref<32x2x128xi32, #tpu.memory_space<vmem>> -> memref<1x1x128xi32, #tpu.memory_space<vmem>>
          %dma_start3A_259 = tpu.memref_squeeze %dma_start3A_258 : memref<1x1x128xi32, #tpu.memory_space<vmem>> -> memref<128xi32, #tpu.memory_space<vmem>>
          %dma_start3A_260 = arith.constant 0 : i32
          %dma_start3A_261 = arith.constant 0 : i32
          %dma_start3A_262 = tpu.memref_slice %arg10[%dma_start3A_260, %dma_start3A_261] : memref<10240x64xf32, #tpu.memory_space<vmem_shared>> -> memref<10240x64xf32, #tpu.memory_space<vmem_shared>>
          tpu.enqueue_indirect_dma source(%arg7 : memref<128x64xf32, #tpu.memory_space<vmem>>) target(%dma_start3A_262 : memref<10240x64xf32, #tpu.memory_space<vmem_shared>>) offsets(%dma_start3A_259 : memref<128xi32, #tpu.memory_space<vmem>>) semaphore(%run_scoped3A_256 : memref<!tpu.dma_semaphore, #tpu.memory_space<semaphore_mem>>) {add = true}
          %dma_wait3A_263 = arith.constant 0 : i32
          %dma_wait3A_264 = tpu.memref_slice %arg5[%add3A_203, %run_scoped3A_212, %dma_wait3A_263] : memref<32x2x128xi32, #tpu.memory_space<vmem>> -> memref<1x1x128xi32, #tpu.memory_space<vmem>>
          %dma_wait3A_265 = tpu.memref_squeeze %dma_wait3A_264 : memref<1x1x128xi32, #tpu.memory_space<vmem>> -> memref<128xi32, #tpu.memory_space<vmem>>
          %dma_wait3A_266 = arith.constant 0 : i32
          %dma_wait3A_267 = arith.constant 0 : i32
          %dma_wait3A_268 = tpu.memref_slice %arg10[%dma_wait3A_266, %dma_wait3A_267] : memref<10240x64xf32, #tpu.memory_space<vmem_shared>> -> memref<10240x64xf32, #tpu.memory_space<vmem_shared>>
          tpu.wait_indirect_dma semaphore(%run_scoped3A_256 : memref<!tpu.dma_semaphore, #tpu.memory_space<semaphore_mem>>) src(%arg7 : memref<128x64xf32, #tpu.memory_space<vmem>>) dst(%dma_wait3A_268 : memref<10240x64xf32, #tpu.memory_space<vmem_shared>>)
          tpu.yield
        }) : () -> ()
        %add3A_213 = arith.constant 4 : i32
        %add3A_214 = arith.addi %add3A_203, %add3A_213 : i32
        %lt3A_215 = arith.constant 14 : i32
        %lt3A_216 = arith.cmpi slt, %add3A_214, %lt3A_215 : i32
        %convert_element_type3A_217 = arith.extui %lt3A_216 : i1 to i32
        %cond3A_218 = arith.constant 0 : i32
        %cond3A_219 = arith.cmpi ne, %convert_element_type3A_217, %cond3A_218 : i32
        scf.if %cond3A_219 {
          %add3A_256 = arith.constant 4 : i32
          %add3A_257 = arith.addi %add3A_203, %add3A_256 : i32
          %dma_start3A_258 = arith.constant 0 : i32
          %dma_start3A_259 = arith.constant 0 : i32
          %dma_start3A_260 = tpu.memref_slice %arg5[%add3A_257, %dma_start3A_258, %dma_start3A_259] : memref<32x2x128xi32, #tpu.memory_space<vmem>> -> memref<1x1x128xi32, #tpu.memory_space<vmem>>
          %dma_start3A_261 = tpu.memref_squeeze %dma_start3A_260 : memref<1x1x128xi32, #tpu.memory_space<vmem>> -> memref<128xi32, #tpu.memory_space<vmem>>
          %dma_start3A_262 = arith.constant 0 : i32
          %dma_start3A_263 = arith.constant 0 : i32
          %dma_start3A_264 = tpu.memref_slice %arg2[%dma_start3A_262, %dma_start3A_263] : memref<10000x64xf32, #tpu.memory_space<hbm>> -> memref<10000x64xf32, #tpu.memory_space<hbm>>
          tpu.enqueue_indirect_dma source(%dma_start3A_264 : memref<10000x64xf32, #tpu.memory_space<hbm>>) target(%arg7 : memref<128x64xf32, #tpu.memory_space<vmem>>) offsets(%dma_start3A_261 : memref<128xi32, #tpu.memory_space<vmem>>) semaphore(%arg12 : memref<!tpu.dma_semaphore, #tpu.memory_space<semaphore_mem>>)
        } else {
        }
        %add3A_220 = arith.constant 2 : i32
        %add3A_221 = arith.addi %mul3A_183, %add3A_220 : i32
        %dma_wait3A_222 = arith.constant 0 : i32
        %dma_wait3A_223 = arith.constant 0 : i32
        %dma_wait3A_224 = arith.constant 0 : i32
        %dma_wait3A_225 = tpu.memref_slice %arg5[%dma_wait3A_222, %dma_wait3A_223, %dma_wait3A_224] : memref<32x2x128xi32, #tpu.memory_space<vmem>> -> memref<1x1x128xi32, #tpu.memory_space<vmem>>
        %dma_wait3A_226 = tpu.memref_squeeze %dma_wait3A_225 : memref<1x1x128xi32, #tpu.memory_space<vmem>> -> memref<128xi32, #tpu.memory_space<vmem>>
        %dma_wait3A_227 = arith.constant 0 : i32
        %dma_wait3A_228 = arith.constant 0 : i32
        %dma_wait3A_229 = tpu.memref_slice %arg2[%dma_wait3A_227, %dma_wait3A_228] : memref<10000x64xf32, #tpu.memory_space<hbm>> -> memref<10000x64xf32, #tpu.memory_space<hbm>>
        tpu.wait_indirect_dma semaphore(%arg13 : memref<!tpu.dma_semaphore, #tpu.memory_space<semaphore_mem>>) src(%dma_wait3A_229 : memref<10000x64xf32, #tpu.memory_space<hbm>>) dst(%arg8 : memref<128x64xf32, #tpu.memory_space<vmem>>)
        %run_scoped3A_230 = arith.constant 1 : i32
        "tpu.region"() ({
          %run_scoped3A_256 = tpu.sem_alloc : memref<!tpu.dma_semaphore, #tpu.memory_space<semaphore_mem>>
          %dma_start3A_257 = arith.constant 0 : i32
          %dma_start3A_258 = tpu.memref_slice %arg5[%add3A_221, %run_scoped3A_230, %dma_start3A_257] : memref<32x2x128xi32, #tpu.memory_space<vmem>> -> memref<1x1x128xi32, #tpu.memory_space<vmem>>
          %dma_start3A_259 = tpu.memref_squeeze %dma_start3A_258 : memref<1x1x128xi32, #tpu.memory_space<vmem>> -> memref<128xi32, #tpu.memory_space<vmem>>
          %dma_start3A_260 = arith.constant 0 : i32
          %dma_start3A_261 = arith.constant 0 : i32
          %dma_start3A_262 = tpu.memref_slice %arg10[%dma_start3A_260, %dma_start3A_261] : memref<10240x64xf32, #tpu.memory_space<vmem_shared>> -> memref<10240x64xf32, #tpu.memory_space<vmem_shared>>
          tpu.enqueue_indirect_dma source(%arg8 : memref<128x64xf32, #tpu.memory_space<vmem>>) target(%dma_start3A_262 : memref<10240x64xf32, #tpu.memory_space<vmem_shared>>) offsets(%dma_start3A_259 : memref<128xi32, #tpu.memory_space<vmem>>) semaphore(%run_scoped3A_256 : memref<!tpu.dma_semaphore, #tpu.memory_space<semaphore_mem>>) {add = true}
          %dma_wait3A_263 = arith.constant 0 : i32
          %dma_wait3A_264 = tpu.memref_slice %arg5[%add3A_221, %run_scoped3A_230, %dma_wait3A_263] : memref<32x2x128xi32, #tpu.memory_space<vmem>> -> memref<1x1x128xi32, #tpu.memory_space<vmem>>
          %dma_wait3A_265 = tpu.memref_squeeze %dma_wait3A_264 : memref<1x1x128xi32, #tpu.memory_space<vmem>> -> memref<128xi32, #tpu.memory_space<vmem>>
          %dma_wait3A_266 = arith.constant 0 : i32
          %dma_wait3A_267 = arith.constant 0 : i32
          %dma_wait3A_268 = tpu.memref_slice %arg10[%dma_wait3A_266, %dma_wait3A_267] : memref<10240x64xf32, #tpu.memory_space<vmem_shared>> -> memref<10240x64xf32, #tpu.memory_space<vmem_shared>>
          tpu.wait_indirect_dma semaphore(%run_scoped3A_256 : memref<!tpu.dma_semaphore, #tpu.memory_space<semaphore_mem>>) src(%arg8 : memref<128x64xf32, #tpu.memory_space<vmem>>) dst(%dma_wait3A_268 : memref<10240x64xf32, #tpu.memory_space<vmem_shared>>)
          tpu.yield
        }) : () -> ()
        %add3A_231 = arith.constant 4 : i32
        %add3A_232 = arith.addi %add3A_221, %add3A_231 : i32
        %lt3A_233 = arith.constant 14 : i32
        %lt3A_234 = arith.cmpi slt, %add3A_232, %lt3A_233 : i32
        %convert_element_type3A_235 = arith.extui %lt3A_234 : i1 to i32
        %cond3A_236 = arith.constant 0 : i32
        %cond3A_237 = arith.cmpi ne, %convert_element_type3A_235, %cond3A_236 : i32
        scf.if %cond3A_237 {
          %add3A_256 = arith.constant 4 : i32
          %add3A_257 = arith.addi %add3A_221, %add3A_256 : i32
          %dma_start3A_258 = arith.constant 0 : i32
          %dma_start3A_259 = arith.constant 0 : i32
          %dma_start3A_260 = tpu.memref_slice %arg5[%add3A_257, %dma_start3A_258, %dma_start3A_259] : memref<32x2x128xi32, #tpu.memory_space<vmem>> -> memref<1x1x128xi32, #tpu.memory_space<vmem>>
          %dma_start3A_261 = tpu.memref_squeeze %dma_start3A_260 : memref<1x1x128xi32, #tpu.memory_space<vmem>> -> memref<128xi32, #tpu.memory_space<vmem>>
          %dma_start3A_262 = arith.constant 0 : i32
          %dma_start3A_263 = arith.constant 0 : i32
          %dma_start3A_264 = tpu.memref_slice %arg2[%dma_start3A_262, %dma_start3A_263] : memref<10000x64xf32, #tpu.memory_space<hbm>> -> memref<10000x64xf32, #tpu.memory_space<hbm>>
          tpu.enqueue_indirect_dma source(%dma_start3A_264 : memref<10000x64xf32, #tpu.memory_space<hbm>>) target(%arg8 : memref<128x64xf32, #tpu.memory_space<vmem>>) offsets(%dma_start3A_261 : memref<128xi32, #tpu.memory_space<vmem>>) semaphore(%arg13 : memref<!tpu.dma_semaphore, #tpu.memory_space<semaphore_mem>>)
        } else {
        }
        %add3A_238 = arith.constant 3 : i32
        %add3A_239 = arith.addi %mul3A_183, %add3A_238 : i32
        %dma_wait3A_240 = arith.constant 0 : i32
        %dma_wait3A_241 = arith.constant 0 : i32
        %dma_wait3A_242 = arith.constant 0 : i32
        %dma_wait3A_243 = tpu.memref_slice %arg5[%dma_wait3A_240, %dma_wait3A_241, %dma_wait3A_242] : memref<32x2x128xi32, #tpu.memory_space<vmem>> -> memref<1x1x128xi32, #tpu.memory_space<vmem>>
        %dma_wait3A_244 = tpu.memref_squeeze %dma_wait3A_243 : memref<1x1x128xi32, #tpu.memory_space<vmem>> -> memref<128xi32, #tpu.memory_space<vmem>>
        %dma_wait3A_245 = arith.constant 0 : i32
        %dma_wait3A_246 = arith.constant 0 : i32
        %dma_wait3A_247 = tpu.memref_slice %arg2[%dma_wait3A_245, %dma_wait3A_246] : memref<10000x64xf32, #tpu.memory_space<hbm>> -> memref<10000x64xf32, #tpu.memory_space<hbm>>
        tpu.wait_indirect_dma semaphore(%arg14 : memref<!tpu.dma_semaphore, #tpu.memory_space<semaphore_mem>>) src(%dma_wait3A_247 : memref<10000x64xf32, #tpu.memory_space<hbm>>) dst(%arg9 : memref<128x64xf32, #tpu.memory_space<vmem>>)
        %run_scoped3A_248 = arith.constant 1 : i32
        "tpu.region"() ({
          %run_scoped3A_256 = tpu.sem_alloc : memref<!tpu.dma_semaphore, #tpu.memory_space<semaphore_mem>>
          %dma_start3A_257 = arith.constant 0 : i32
          %dma_start3A_258 = tpu.memref_slice %arg5[%add3A_239, %run_scoped3A_248, %dma_start3A_257] : memref<32x2x128xi32, #tpu.memory_space<vmem>> -> memref<1x1x128xi32, #tpu.memory_space<vmem>>
          %dma_start3A_259 = tpu.memref_squeeze %dma_start3A_258 : memref<1x1x128xi32, #tpu.memory_space<vmem>> -> memref<128xi32, #tpu.memory_space<vmem>>
          %dma_start3A_260 = arith.constant 0 : i32
          %dma_start3A_261 = arith.constant 0 : i32
          %dma_start3A_262 = tpu.memref_slice %arg10[%dma_start3A_260, %dma_start3A_261] : memref<10240x64xf32, #tpu.memory_space<vmem_shared>> -> memref<10240x64xf32, #tpu.memory_space<vmem_shared>>
          tpu.enqueue_indirect_dma source(%arg9 : memref<128x64xf32, #tpu.memory_space<vmem>>) target(%dma_start3A_262 : memref<10240x64xf32, #tpu.memory_space<vmem_shared>>) offsets(%dma_start3A_259 : memref<128xi32, #tpu.memory_space<vmem>>) semaphore(%run_scoped3A_256 : memref<!tpu.dma_semaphore, #tpu.memory_space<semaphore_mem>>) {add = true}
          %dma_wait3A_263 = arith.constant 0 : i32
          %dma_wait3A_264 = tpu.memref_slice %arg5[%add3A_239, %run_scoped3A_248, %dma_wait3A_263] : memref<32x2x128xi32, #tpu.memory_space<vmem>> -> memref<1x1x128xi32, #tpu.memory_space<vmem>>
          %dma_wait3A_265 = tpu.memref_squeeze %dma_wait3A_264 : memref<1x1x128xi32, #tpu.memory_space<vmem>> -> memref<128xi32, #tpu.memory_space<vmem>>
          %dma_wait3A_266 = arith.constant 0 : i32
          %dma_wait3A_267 = arith.constant 0 : i32
          %dma_wait3A_268 = tpu.memref_slice %arg10[%dma_wait3A_266, %dma_wait3A_267] : memref<10240x64xf32, #tpu.memory_space<vmem_shared>> -> memref<10240x64xf32, #tpu.memory_space<vmem_shared>>
          tpu.wait_indirect_dma semaphore(%run_scoped3A_256 : memref<!tpu.dma_semaphore, #tpu.memory_space<semaphore_mem>>) src(%arg9 : memref<128x64xf32, #tpu.memory_space<vmem>>) dst(%dma_wait3A_268 : memref<10240x64xf32, #tpu.memory_space<vmem_shared>>)
          tpu.yield
        }) : () -> ()
        %add3A_249 = arith.constant 4 : i32
        %add3A_250 = arith.addi %add3A_239, %add3A_249 : i32
        %lt3A_251 = arith.constant 14 : i32
        %lt3A_252 = arith.cmpi slt, %add3A_250, %lt3A_251 : i32
        %convert_element_type3A_253 = arith.extui %lt3A_252 : i1 to i32
        %cond3A_254 = arith.constant 0 : i32
        %cond3A_255 = arith.cmpi ne, %convert_element_type3A_253, %cond3A_254 : i32
        scf.if %cond3A_255 {
          %add3A_256 = arith.constant 4 : i32
          %add3A_257 = arith.addi %add3A_239, %add3A_256 : i32
          %dma_start3A_258 = arith.constant 0 : i32
          %dma_start3A_259 = arith.constant 0 : i32
          %dma_start3A_260 = tpu.memref_slice %arg5[%add3A_257, %dma_start3A_258, %dma_start3A_259] : memref<32x2x128xi32, #tpu.memory_space<vmem>> -> memref<1x1x128xi32, #tpu.memory_space<vmem>>
          %dma_start3A_261 = tpu.memref_squeeze %dma_start3A_260 : memref<1x1x128xi32, #tpu.memory_space<vmem>> -> memref<128xi32, #tpu.memory_space<vmem>>
          %dma_start3A_262 = arith.constant 0 : i32
          %dma_start3A_263 = arith.constant 0 : i32
          %dma_start3A_264 = tpu.memref_slice %arg2[%dma_start3A_262, %dma_start3A_263] : memref<10000x64xf32, #tpu.memory_space<hbm>> -> memref<10000x64xf32, #tpu.memory_space<hbm>>
          tpu.enqueue_indirect_dma source(%dma_start3A_264 : memref<10000x64xf32, #tpu.memory_space<hbm>>) target(%arg9 : memref<128x64xf32, #tpu.memory_space<vmem>>) offsets(%dma_start3A_261 : memref<128xi32, #tpu.memory_space<vmem>>) semaphore(%arg14 : memref<!tpu.dma_semaphore, #tpu.memory_space<semaphore_mem>>)
        } else {
        }
      }
      %scan3A_162 = arith.constant 3 : i32
      %dma_wait3A = arith.constant 0 : i32
      %dma_wait3A_163 = arith.constant 0 : i32
      %dma_wait3A_164 = arith.constant 0 : i32
      %dma_wait3A_165 = tpu.memref_slice %arg5[%dma_wait3A, %dma_wait3A_163, %dma_wait3A_164] : memref<32x2x128xi32, #tpu.memory_space<vmem>> -> memref<1x1x128xi32, #tpu.memory_space<vmem>>
      %dma_wait3A_166 = tpu.memref_squeeze %dma_wait3A_165 : memref<1x1x128xi32, #tpu.memory_space<vmem>> -> memref<128xi32, #tpu.memory_space<vmem>>
      %dma_wait3A_167 = arith.constant 0 : i32
      %dma_wait3A_168 = arith.constant 0 : i32
      %dma_wait3A_169 = tpu.memref_slice %arg2[%dma_wait3A_167, %dma_wait3A_168] : memref<10000x64xf32, #tpu.memory_space<hbm>> -> memref<10000x64xf32, #tpu.memory_space<hbm>>
      tpu.wait_indirect_dma semaphore(%arg11 : memref<!tpu.dma_semaphore, #tpu.memory_space<semaphore_mem>>) src(%dma_wait3A_169 : memref<10000x64xf32, #tpu.memory_space<hbm>>) dst(%arg6 : memref<128x64xf32, #tpu.memory_space<vmem>>)
      %run_scoped3A = arith.constant 12 : i32
      %run_scoped3A_170 = arith.constant 1 : i32
      "tpu.region"() ({
        %run_scoped3A_181 = tpu.sem_alloc : memref<!tpu.dma_semaphore, #tpu.memory_space<semaphore_mem>>
        %dma_start3A_182 = arith.constant 0 : i32
        %dma_start3A_183 = tpu.memref_slice %arg5[%run_scoped3A, %run_scoped3A_170, %dma_start3A_182] : memref<32x2x128xi32, #tpu.memory_space<vmem>> -> memref<1x1x128xi32, #tpu.memory_space<vmem>>
        %dma_start3A_184 = tpu.memref_squeeze %dma_start3A_183 : memref<1x1x128xi32, #tpu.memory_space<vmem>> -> memref<128xi32, #tpu.memory_space<vmem>>
        %dma_start3A_185 = arith.constant 0 : i32
        %dma_start3A_186 = arith.constant 0 : i32
        %dma_start3A_187 = tpu.memref_slice %arg10[%dma_start3A_185, %dma_start3A_186] : memref<10240x64xf32, #tpu.memory_space<vmem_shared>> -> memref<10240x64xf32, #tpu.memory_space<vmem_shared>>
        tpu.enqueue_indirect_dma source(%arg6 : memref<128x64xf32, #tpu.memory_space<vmem>>) target(%dma_start3A_187 : memref<10240x64xf32, #tpu.memory_space<vmem_shared>>) offsets(%dma_start3A_184 : memref<128xi32, #tpu.memory_space<vmem>>) semaphore(%run_scoped3A_181 : memref<!tpu.dma_semaphore, #tpu.memory_space<semaphore_mem>>) {add = true}
        %dma_wait3A_188 = arith.constant 0 : i32
        %dma_wait3A_189 = tpu.memref_slice %arg5[%run_scoped3A, %run_scoped3A_170, %dma_wait3A_188] : memref<32x2x128xi32, #tpu.memory_space<vmem>> -> memref<1x1x128xi32, #tpu.memory_space<vmem>>
        %dma_wait3A_190 = tpu.memref_squeeze %dma_wait3A_189 : memref<1x1x128xi32, #tpu.memory_space<vmem>> -> memref<128xi32, #tpu.memory_space<vmem>>
        %dma_wait3A_191 = arith.constant 0 : i32
        %dma_wait3A_192 = arith.constant 0 : i32
        %dma_wait3A_193 = tpu.memref_slice %arg10[%dma_wait3A_191, %dma_wait3A_192] : memref<10240x64xf32, #tpu.memory_space<vmem_shared>> -> memref<10240x64xf32, #tpu.memory_space<vmem_shared>>
        tpu.wait_indirect_dma semaphore(%run_scoped3A_181 : memref<!tpu.dma_semaphore, #tpu.memory_space<semaphore_mem>>) src(%arg6 : memref<128x64xf32, #tpu.memory_space<vmem>>) dst(%dma_wait3A_193 : memref<10240x64xf32, #tpu.memory_space<vmem_shared>>)
        tpu.yield
      }) : () -> ()
      %dma_wait3A_171 = arith.constant 0 : i32
      %dma_wait3A_172 = arith.constant 0 : i32
      %dma_wait3A_173 = arith.constant 0 : i32
      %dma_wait3A_174 = tpu.memref_slice %arg5[%dma_wait3A_171, %dma_wait3A_172, %dma_wait3A_173] : memref<32x2x128xi32, #tpu.memory_space<vmem>> -> memref<1x1x128xi32, #tpu.memory_space<vmem>>
      %dma_wait3A_175 = tpu.memref_squeeze %dma_wait3A_174 : memref<1x1x128xi32, #tpu.memory_space<vmem>> -> memref<128xi32, #tpu.memory_space<vmem>>
      %dma_wait3A_176 = arith.constant 0 : i32
      %dma_wait3A_177 = arith.constant 0 : i32
      %dma_wait3A_178 = tpu.memref_slice %arg2[%dma_wait3A_176, %dma_wait3A_177] : memref<10000x64xf32, #tpu.memory_space<hbm>> -> memref<10000x64xf32, #tpu.memory_space<hbm>>
      tpu.wait_indirect_dma semaphore(%arg12 : memref<!tpu.dma_semaphore, #tpu.memory_space<semaphore_mem>>) src(%dma_wait3A_178 : memref<10000x64xf32, #tpu.memory_space<hbm>>) dst(%arg7 : memref<128x64xf32, #tpu.memory_space<vmem>>)
      %run_scoped3A_179 = arith.constant 13 : i32
      %run_scoped3A_180 = arith.constant 1 : i32
      "tpu.region"() ({
        %run_scoped3A_181 = tpu.sem_alloc : memref<!tpu.dma_semaphore, #tpu.memory_space<semaphore_mem>>
        %dma_start3A_182 = arith.constant 0 : i32
        %dma_start3A_183 = tpu.memref_slice %arg5[%run_scoped3A_179, %run_scoped3A_180, %dma_start3A_182] : memref<32x2x128xi32, #tpu.memory_space<vmem>> -> memref<1x1x128xi32, #tpu.memory_space<vmem>>
        %dma_start3A_184 = tpu.memref_squeeze %dma_start3A_183 : memref<1x1x128xi32, #tpu.memory_space<vmem>> -> memref<128xi32, #tpu.memory_space<vmem>>
        %dma_start3A_185 = arith.constant 0 : i32
        %dma_start3A_186 = arith.constant 0 : i32
        %dma_start3A_187 = tpu.memref_slice %arg10[%dma_start3A_185, %dma_start3A_186] : memref<10240x64xf32, #tpu.memory_space<vmem_shared>> -> memref<10240x64xf32, #tpu.memory_space<vmem_shared>>
        tpu.enqueue_indirect_dma source(%arg7 : memref<128x64xf32, #tpu.memory_space<vmem>>) target(%dma_start3A_187 : memref<10240x64xf32, #tpu.memory_space<vmem_shared>>) offsets(%dma_start3A_184 : memref<128xi32, #tpu.memory_space<vmem>>) semaphore(%run_scoped3A_181 : memref<!tpu.dma_semaphore, #tpu.memory_space<semaphore_mem>>) {add = true}
        %dma_wait3A_188 = arith.constant 0 : i32
        %dma_wait3A_189 = tpu.memref_slice %arg5[%run_scoped3A_179, %run_scoped3A_180, %dma_wait3A_188] : memref<32x2x128xi32, #tpu.memory_space<vmem>> -> memref<1x1x128xi32, #tpu.memory_space<vmem>>
        %dma_wait3A_190 = tpu.memref_squeeze %dma_wait3A_189 : memref<1x1x128xi32, #tpu.memory_space<vmem>> -> memref<128xi32, #tpu.memory_space<vmem>>
        %dma_wait3A_191 = arith.constant 0 : i32
        %dma_wait3A_192 = arith.constant 0 : i32
        %dma_wait3A_193 = tpu.memref_slice %arg10[%dma_wait3A_191, %dma_wait3A_192] : memref<10240x64xf32, #tpu.memory_space<vmem_shared>> -> memref<10240x64xf32, #tpu.memory_space<vmem_shared>>
        tpu.wait_indirect_dma semaphore(%run_scoped3A_181 : memref<!tpu.dma_semaphore, #tpu.memory_space<semaphore_mem>>) src(%arg7 : memref<128x64xf32, #tpu.memory_space<vmem>>) dst(%dma_wait3A_193 : memref<10240x64xf32, #tpu.memory_space<vmem_shared>>)
        tpu.yield
      }) : () -> ()
    } else {
    }
    %barrier3A_36 = arith.constant 0 : index
    tpu.barrier barrier_id(%barrier3A_36)
    %mul3A_37 = arith.constant 640 : i32
    %mul3A_38 = arith.muli %arg1, %mul3A_37 : i32
    "tpu.region"() ({
      %run_scoped3A = tpu.sem_alloc : memref<!tpu.dma_semaphore, #tpu.memory_space<semaphore_mem>>
      %dma_start3A = arith.constant 0 : i32
      %dma_start3A_44 = arith.constant 0 : i32
      %dma_start3A_45 = tpu.memref_slice %arg4[%arg0, %dma_start3A, %dma_start3A_44] : memref<2x10000x64xf32, #tpu.memory_space<hbm>> -> memref<1x10000x64xf32, #tpu.memory_space<hbm>>
      %dma_start3A_46 = tpu.memref_squeeze %dma_start3A_45 : memref<1x10000x64xf32, #tpu.memory_space<hbm>> -> memref<10000x64xf32, #tpu.memory_space<hbm>>
      %dma_start3A_47 = arith.constant 0 : i32
      %dma_start3A_48 = tpu.memref_slice %dma_start3A_46[%mul3A_38, %dma_start3A_47] : memref<10000x64xf32, #tpu.memory_space<hbm>> -> memref<400x64xf32, #tpu.memory_space<hbm>>
      %dma_start3A_49 = arith.constant 0 : i32
      %dma_start3A_50 = tpu.memref_slice %arg10[%mul3A_38, %dma_start3A_49] : memref<10240x64xf32, #tpu.memory_space<vmem_shared>> -> memref<400x64xf32, #tpu.memory_space<vmem_shared>>
      tpu.enqueue_dma source(%dma_start3A_50 : memref<400x64xf32, #tpu.memory_space<vmem_shared>>) target(%dma_start3A_48 : memref<400x64xf32, #tpu.memory_space<hbm>>) target_semaphore(%run_scoped3A : memref<!tpu.dma_semaphore, #tpu.memory_space<semaphore_mem>>)
      %dma_wait3A = arith.constant 0 : i32
      %dma_wait3A_51 = arith.constant 0 : i32
      %dma_wait3A_52 = tpu.memref_slice %arg4[%arg0, %dma_wait3A, %dma_wait3A_51] : memref<2x10000x64xf32, #tpu.memory_space<hbm>> -> memref<1x10000x64xf32, #tpu.memory_space<hbm>>
      %dma_wait3A_53 = tpu.memref_squeeze %dma_wait3A_52 : memref<1x10000x64xf32, #tpu.memory_space<hbm>> -> memref<10000x64xf32, #tpu.memory_space<hbm>>
      %dma_wait3A_54 = arith.constant 0 : i32
      %dma_wait3A_55 = tpu.memref_slice %dma_wait3A_53[%mul3A_38, %dma_wait3A_54] : memref<10000x64xf32, #tpu.memory_space<hbm>> -> memref<400x64xf32, #tpu.memory_space<hbm>>
      %dma_wait3A_56 = arith.constant 0 : i32
      %dma_wait3A_57 = tpu.memref_slice %arg10[%mul3A_38, %dma_wait3A_56] : memref<10240x64xf32, #tpu.memory_space<vmem_shared>> -> memref<400x64xf32, #tpu.memory_space<vmem_shared>>
      tpu.wait_dma2 semaphore(%run_scoped3A : memref<!tpu.dma_semaphore, #tpu.memory_space<semaphore_mem>>) src(%dma_wait3A_57 : memref<400x64xf32, #tpu.memory_space<vmem_shared>>) dst(%dma_wait3A_55 : memref<400x64xf32, #tpu.memory_space<hbm>>)
      tpu.yield
    }) : () -> ()
    %lt3A_39 = arith.constant 15 : i32
    %lt3A_40 = arith.cmpi slt, %arg1, %lt3A_39 : i32
    %convert_element_type3A_41 = arith.extui %lt3A_40 : i1 to i32
    %cond3A_42 = arith.constant 0 : i32
    %cond3A_43 = arith.cmpi ne, %convert_element_type3A_41, %cond3A_42 : i32
    scf.if %cond3A_43 {
      %add3A_44 = arith.constant 400 : i32
      %add3A_45 = arith.addi %mul3A_38, %add3A_44 : i32
      %add3A_46 = arith.constant 400 : i32
      %add3A_47 = arith.addi %mul3A_38, %add3A_46 : i32
      "tpu.region"() ({
        %run_scoped3A = tpu.sem_alloc : memref<!tpu.dma_semaphore, #tpu.memory_space<semaphore_mem>>
        %dma_start3A = arith.constant 0 : i32
        %dma_start3A_48 = arith.constant 0 : i32
        %dma_start3A_49 = tpu.memref_slice %arg4[%arg0, %dma_start3A, %dma_start3A_48] : memref<2x10000x64xf32, #tpu.memory_space<hbm>> -> memref<1x10000x64xf32, #tpu.memory_space<hbm>>
        %dma_start3A_50 = tpu.memref_squeeze %dma_start3A_49 : memref<1x10000x64xf32, #tpu.memory_space<hbm>> -> memref<10000x64xf32, #tpu.memory_space<hbm>>
        %dma_start3A_51 = arith.constant 0 : i32
        %dma_start3A_52 = tpu.memref_slice %dma_start3A_50[%add3A_47, %dma_start3A_51] : memref<10000x64xf32, #tpu.memory_space<hbm>> -> memref<240x64xf32, #tpu.memory_space<hbm>>
        %dma_start3A_53 = arith.constant 0 : i32
        %dma_start3A_54 = tpu.memref_slice %arg10[%add3A_45, %dma_start3A_53] : memref<10240x64xf32, #tpu.memory_space<vmem_shared>> -> memref<240x64xf32, #tpu.memory_space<vmem_shared>>
        tpu.enqueue_dma source(%dma_start3A_54 : memref<240x64xf32, #tpu.memory_space<vmem_shared>>) target(%dma_start3A_52 : memref<240x64xf32, #tpu.memory_space<hbm>>) target_semaphore(%run_scoped3A : memref<!tpu.dma_semaphore, #tpu.memory_space<semaphore_mem>>)
        %dma_wait3A = arith.constant 0 : i32
        %dma_wait3A_55 = arith.constant 0 : i32
        %dma_wait3A_56 = tpu.memref_slice %arg4[%arg0, %dma_wait3A, %dma_wait3A_55] : memref<2x10000x64xf32, #tpu.memory_space<hbm>> -> memref<1x10000x64xf32, #tpu.memory_space<hbm>>
        %dma_wait3A_57 = tpu.memref_squeeze %dma_wait3A_56 : memref<1x10000x64xf32, #tpu.memory_space<hbm>> -> memref<10000x64xf32, #tpu.memory_space<hbm>>
        %dma_wait3A_58 = arith.constant 0 : i32
        %dma_wait3A_59 = tpu.memref_slice %dma_wait3A_57[%add3A_47, %dma_wait3A_58] : memref<10000x64xf32, #tpu.memory_space<hbm>> -> memref<240x64xf32, #tpu.memory_space<hbm>>
        %dma_wait3A_60 = arith.constant 0 : i32
        %dma_wait3A_61 = tpu.memref_slice %arg10[%add3A_45, %dma_wait3A_60] : memref<10240x64xf32, #tpu.memory_space<vmem_shared>> -> memref<240x64xf32, #tpu.memory_space<vmem_shared>>
        tpu.wait_dma2 semaphore(%run_scoped3A : memref<!tpu.dma_semaphore, #tpu.memory_space<semaphore_mem>>) src(%dma_wait3A_61 : memref<240x64xf32, #tpu.memory_space<vmem_shared>>) dst(%dma_wait3A_59 : memref<240x64xf32, #tpu.memory_space<hbm>>)
        tpu.yield
      }) : () -> ()
    } else {
    }
    return
  }
}

module attributes {stable_mosaic.version = 14 : i64} {
  func.func @_tcs_body(%arg0: memref<1x128xf32, #tpu.memory_space<vmem>>, %arg1: memref<128x128xf32, #tpu.memory_space<vmem>>, %arg2: memref<128x256xf32, #tpu.memory_space<vmem>>, %arg3: memref<1x256xf32, #tpu.memory_space<vmem>>, %arg4: memref<1x256xf32, #tpu.memory_space<vmem>>, %arg5: memref<1x256xf32, #tpu.memory_space<vmem>>, %arg6: memref<1x256xf32, #tpu.memory_space<vmem>>) attributes {dimension_semantics = [], scalar_prefetch = 0 : i64, scratch_operands = 0 : i64, tpu.core_type = #tpu.core_type<tc>} {
    %get3A = arith.constant 0 : index
    %get3A_0 = arith.constant 0 : index
    %get3A_1 = vector.load %arg2[%get3A, %get3A_0] : memref<128x256xf32, #tpu.memory_space<vmem>>, vector<128x256xf32>
    %get3A_2 = arith.constant 0 : index
    %get3A_3 = arith.constant 0 : index
    %get3A_4 = vector.load %arg0[%get3A_2, %get3A_3] : memref<1x128xf32, #tpu.memory_space<vmem>>, vector<1x128xf32>
    %dot_general3A = arith.constant dense<0.000000e+00> : vector<1x256xf32>
    %dot_general3A_5 = tpu.matmul %get3A_4, %get3A_1, %dot_general3A {dimension_numbers = #tpu.dot_dimension_numbers<[1], [0], [0], [1], [0, 0, 1, 1], [], []>, transpose_lhs_hint = false} : vector<1x128xf32>, vector<128x256xf32>, vector<1x256xf32> -> vector<1x256xf32>
    %mul3A = arith.constant 9.99999974E-5 : f32
    %mul3A_6 = vector.broadcast %mul3A : f32 to vector<1x256xf32>
    %mul3A_7 = arith.mulf %dot_general3A_5, %mul3A_6 : vector<1x256xf32>
    %get3A_8 = arith.constant 0 : index
    %get3A_9 = arith.constant 0 : index
    %get3A_10 = vector.load %arg1[%get3A_8, %get3A_9] : memref<128x128xf32, #tpu.memory_space<vmem>>, vector<128x128xf32>
    %dot_general3A_11 = arith.constant dense<0.000000e+00> : vector<128x256xf32>
    %dot_general3A_12 = tpu.matmul %get3A_10, %get3A_1, %dot_general3A_11 {dimension_numbers = #tpu.dot_dimension_numbers<[1], [0], [0], [1], [0, 0, 1, 1], [], []>, transpose_lhs_hint = false} : vector<128x128xf32>, vector<128x256xf32>, vector<128x256xf32> -> vector<128x256xf32>
    %mul3A_13 = arith.mulf %get3A_1, %dot_general3A_12 : vector<128x256xf32>
    %reduce_sum3A = arith.constant dense<0.000000e+00> : vector<256xf32>
    %reduce_sum3A_14 = vector.multi_reduction <add>, %mul3A_13, %reduce_sum3A [0] : vector<128x256xf32> to vector<256xf32>
    %broadcast_in_dim3A = vector.shape_cast %reduce_sum3A_14 : vector<256xf32> to vector<1x256xf32>
    %mul3A_15 = arith.constant 9.99999974E-5 : f32
    %mul3A_16 = vector.broadcast %mul3A_15 : f32 to vector<1x256xf32>
    %mul3A_17 = arith.mulf %broadcast_in_dim3A, %mul3A_16 : vector<1x256xf32>
    %mul3A_18 = arith.mulf %mul3A_7, %mul3A_7 : vector<1x256xf32>
    %sub3A = arith.subf %mul3A_17, %mul3A_18 : vector<1x256xf32>
    %get3A_19 = arith.constant 0 : index
    %get3A_20 = arith.constant 0 : index
    %get3A_21 = vector.load %arg3[%get3A_19, %get3A_20] : memref<1x256xf32, #tpu.memory_space<vmem>>, vector<1x256xf32>
    %add3A = arith.constant 9.99999974E-6 : f32
    %add3A_22 = vector.broadcast %add3A : f32 to vector<1x256xf32>
    %add3A_23 = arith.addf %sub3A, %add3A_22 : vector<1x256xf32>
    %rsqrt3A = math.rsqrt %add3A_23 : vector<1x256xf32>
    %mul3A_24 = arith.mulf %get3A_21, %rsqrt3A : vector<1x256xf32>
    %swap3A = arith.constant 0 : index
    %swap3A_25 = arith.constant 0 : index
    %swap3A_26 = vector.load %arg5[%swap3A, %swap3A_25] : memref<1x256xf32, #tpu.memory_space<vmem>>, vector<1x256xf32>
    tpu.vector_store %arg5[%swap3A, %swap3A_25], %mul3A_24 {strides = array<i32>} : memref<1x256xf32, #tpu.memory_space<vmem>>, vector<1x256xf32>,
    %get3A_27 = arith.constant 0 : index
    %get3A_28 = arith.constant 0 : index
    %get3A_29 = vector.load %arg4[%get3A_27, %get3A_28] : memref<1x256xf32, #tpu.memory_space<vmem>>, vector<1x256xf32>
    %mul3A_30 = arith.mulf %mul3A_7, %mul3A_24 : vector<1x256xf32>
    %sub3A_31 = arith.subf %get3A_29, %mul3A_30 : vector<1x256xf32>
    %swap3A_32 = arith.constant 0 : index
    %swap3A_33 = arith.constant 0 : index
    %swap3A_34 = vector.load %arg6[%swap3A_32, %swap3A_33] : memref<1x256xf32, #tpu.memory_space<vmem>>, vector<1x256xf32>
    tpu.vector_store %arg6[%swap3A_32, %swap3A_33], %sub3A_31 {strides = array<i32>} : memref<1x256xf32, #tpu.memory_space<vmem>>, vector<1x256xf32>,
    return
  }
}

module attributes {stable_mosaic.version = 14 : i64} {
  func.func @_tca_body(%arg0: i32, %arg1: memref<2x2000x128xf32, #tpu.memory_space<vmem>>, %arg2: memref<1x128xf32, #tpu.memory_space<vmem>>, %arg3: memref<128x128xf32, #tpu.memory_space<vmem>>) attributes {dimension_semantics = [#tpu.dimension_semantics<arbitrary>], iteration_bounds = array<i64: 5>, scalar_prefetch = 0 : i64, scratch_operands = 0 : i64, tpu.core_type = #tpu.core_type<tc>, window_params = [{transform_indices = @transform_0, window_bounds = array<i64: 2, 2000, 128>}, {pipeline_mode = #tpu.pipeline_mode<synchronous>, transform_indices = @transform_1, window_bounds = array<i64: 1, 128>}, {pipeline_mode = #tpu.pipeline_mode<synchronous>, transform_indices = @transform_2, window_bounds = array<i64: 128, 128>}]} {
    %get3A = arith.constant 0 : index
    %get3A_0 = arith.constant 0 : index
    %get3A_1 = arith.constant 0 : index
    %get3A_2 = vector.load %arg1[%get3A, %get3A_0, %get3A_1] : memref<2x2000x128xf32, #tpu.memory_space<vmem>>, vector<1x2000x128xf32>
    %get3A_3 = vector.shape_cast %get3A_2 : vector<1x2000x128xf32> to vector<2000x128xf32>
    %get3A_4 = arith.constant 1 : index
    %get3A_5 = arith.constant 0 : index
    %get3A_6 = arith.constant 0 : index
    %get3A_7 = vector.load %arg1[%get3A_4, %get3A_5, %get3A_6] : memref<2x2000x128xf32, #tpu.memory_space<vmem>>, vector<1x2000x128xf32>
    %get3A_8 = vector.shape_cast %get3A_7 : vector<1x2000x128xf32> to vector<2000x128xf32>
    %add3A = arith.addf %get3A_3, %get3A_8 : vector<2000x128xf32>
    %eq3A = arith.constant 0 : i32
    %eq3A_9 = arith.cmpi eq, %arg0, %eq3A : i32
    %convert_element_type3A = arith.extui %eq3A_9 : i1 to i32
    %cond3A = arith.constant 0 : i32
    %cond3A_10 = arith.cmpi ne, %convert_element_type3A, %cond3A : i32
    scf.if %cond3A_10 {
      %broadcast_in_dim3A_26 = arith.constant 0.000000e+00 : f32
      %broadcast_in_dim3A_27 = vector.broadcast %broadcast_in_dim3A_26 : f32 to vector<1x128xf32>
      %swap3A_28 = arith.constant 0 : index
      %swap3A_29 = arith.constant 0 : index
      %swap3A_30 = vector.load %arg2[%swap3A_28, %swap3A_29] : memref<1x128xf32, #tpu.memory_space<vmem>>, vector<1x128xf32>
      tpu.vector_store %arg2[%swap3A_28, %swap3A_29], %broadcast_in_dim3A_27 {strides = array<i32>} : memref<1x128xf32, #tpu.memory_space<vmem>>, vector<1x128xf32>,
      %broadcast_in_dim3A_31 = arith.constant 0.000000e+00 : f32
      %broadcast_in_dim3A_32 = vector.broadcast %broadcast_in_dim3A_31 : f32 to vector<128x128xf32>
      %swap3A_33 = arith.constant 0 : index
      %swap3A_34 = arith.constant 0 : index
      %swap3A_35 = vector.load %arg3[%swap3A_33, %swap3A_34] : memref<128x128xf32, #tpu.memory_space<vmem>>, vector<128x128xf32>
      tpu.vector_store %arg3[%swap3A_33, %swap3A_34], %broadcast_in_dim3A_32 {strides = array<i32>} : memref<128x128xf32, #tpu.memory_space<vmem>>, vector<128x128xf32>,
    } else {
    }
    %get3A_11 = arith.constant 0 : index
    %get3A_12 = arith.constant 0 : index
    %get3A_13 = vector.load %arg2[%get3A_11, %get3A_12] : memref<1x128xf32, #tpu.memory_space<vmem>>, vector<1x128xf32>
    %reduce_sum3A = arith.constant dense<0.000000e+00> : vector<128xf32>
    %reduce_sum3A_14 = vector.multi_reduction <add>, %add3A, %reduce_sum3A [0] : vector<2000x128xf32> to vector<128xf32>
    %broadcast_in_dim3A = vector.shape_cast %reduce_sum3A_14 : vector<128xf32> to vector<1x128xf32>
    %add3A_15 = arith.addf %get3A_13, %broadcast_in_dim3A : vector<1x128xf32>
    %swap3A = arith.constant 0 : index
    %swap3A_16 = arith.constant 0 : index
    %swap3A_17 = vector.load %arg2[%swap3A, %swap3A_16] : memref<1x128xf32, #tpu.memory_space<vmem>>, vector<1x128xf32>
    tpu.vector_store %arg2[%swap3A, %swap3A_16], %add3A_15 {strides = array<i32>} : memref<1x128xf32, #tpu.memory_space<vmem>>, vector<1x128xf32>,
    %get3A_18 = arith.constant 0 : index
    %get3A_19 = arith.constant 0 : index
    %get3A_20 = vector.load %arg3[%get3A_18, %get3A_19] : memref<128x128xf32, #tpu.memory_space<vmem>>, vector<128x128xf32>
    %dot_general3A = arith.constant dense<0.000000e+00> : vector<128x128xf32>
    %dot_general3A_21 = tpu.matmul %add3A, %add3A, %dot_general3A {dimension_numbers = #tpu.dot_dimension_numbers<[0], [0], [1], [1], [0, 1, 1, 1], [], []>, transpose_lhs_hint = false} : vector<2000x128xf32>, vector<2000x128xf32>, vector<128x128xf32> -> vector<128x128xf32>
    %add3A_22 = arith.addf %get3A_20, %dot_general3A_21 : vector<128x128xf32>
    %swap3A_23 = arith.constant 0 : index
    %swap3A_24 = arith.constant 0 : index
    %swap3A_25 = vector.load %arg3[%swap3A_23, %swap3A_24] : memref<128x128xf32, #tpu.memory_space<vmem>>, vector<128x128xf32>
    tpu.vector_store %arg3[%swap3A_23, %swap3A_24], %add3A_22 {strides = array<i32>} : memref<128x128xf32, #tpu.memory_space<vmem>>, vector<128x128xf32>,
    return
  }
  func.func @transform_0(%arg0: i32) -> (i32, i32, i32) {
    %c0_i32 = arith.constant 0 : i32
    %c0_i32_0 = arith.constant 0 : i32
    %c0_i32_1 = arith.constant 0 : i32
    return %c0_i32, %arg0, %c0_i32_0 : i32, i32, i32
  }
  func.func @transform_1(%arg0: i32) -> (i32, i32) {
    %c0_i32 = arith.constant 0 : i32
    %c0_i32_0 = arith.constant 0 : i32
    %c0_i32_1 = arith.constant 0 : i32
    return %c0_i32, %c0_i32_0 : i32, i32
  }
  func.func @transform_2(%arg0: i32) -> (i32, i32) {
    %c0_i32 = arith.constant 0 : i32
    %c0_i32_0 = arith.constant 0 : i32
    %c0_i32_1 = arith.constant 0 : i32
    return %c0_i32, %c0_i32_0 : i32, i32
  }
}

module attributes {stable_mosaic.version = 14 : i64} {
  func.func @_tcc_body(%arg0: i32, %arg1: memref<2x2000x128xf32, #tpu.memory_space<vmem>>, %arg2: memref<128x256xf32, #tpu.memory_space<vmem>>, %arg3: memref<1x256xf32, #tpu.memory_space<vmem>>, %arg4: memref<1x256xf32, #tpu.memory_space<vmem>>, %arg5: memref<256x64xf32, #tpu.memory_space<vmem>>, %arg6: memref<2000x64xf32, #tpu.memory_space<vmem>>) attributes {dimension_semantics = [#tpu.dimension_semantics<arbitrary>], iteration_bounds = array<i64: 5>, scalar_prefetch = 0 : i64, scratch_operands = 0 : i64, tpu.core_type = #tpu.core_type<tc>, window_params = [{transform_indices = @transform_0, window_bounds = array<i64: 2, 2000, 128>}, {pipeline_mode = #tpu.pipeline_mode<synchronous>, transform_indices = @transform_1, window_bounds = array<i64: 128, 256>}, {pipeline_mode = #tpu.pipeline_mode<synchronous>, transform_indices = @transform_2, window_bounds = array<i64: 1, 256>}, {pipeline_mode = #tpu.pipeline_mode<synchronous>, transform_indices = @transform_3, window_bounds = array<i64: 1, 256>}, {pipeline_mode = #tpu.pipeline_mode<synchronous>, transform_indices = @transform_4, window_bounds = array<i64: 256, 64>}, {transform_indices = @transform_5, window_bounds = array<i64: 2000, 64>}]} {
    %get3A = arith.constant 0 : index
    %get3A_0 = arith.constant 0 : index
    %get3A_1 = arith.constant 0 : index
    %get3A_2 = vector.load %arg1[%get3A, %get3A_0, %get3A_1] : memref<2x2000x128xf32, #tpu.memory_space<vmem>>, vector<1x2000x128xf32>
    %get3A_3 = vector.shape_cast %get3A_2 : vector<1x2000x128xf32> to vector<2000x128xf32>
    %get3A_4 = arith.constant 1 : index
    %get3A_5 = arith.constant 0 : index
    %get3A_6 = arith.constant 0 : index
    %get3A_7 = vector.load %arg1[%get3A_4, %get3A_5, %get3A_6] : memref<2x2000x128xf32, #tpu.memory_space<vmem>>, vector<1x2000x128xf32>
    %get3A_8 = vector.shape_cast %get3A_7 : vector<1x2000x128xf32> to vector<2000x128xf32>
    %add3A = arith.addf %get3A_3, %get3A_8 : vector<2000x128xf32>
    %get3A_9 = arith.constant 0 : index
    %get3A_10 = arith.constant 0 : index
    %get3A_11 = vector.load %arg2[%get3A_9, %get3A_10] : memref<128x256xf32, #tpu.memory_space<vmem>>, vector<128x256xf32>
    %dot_general3A = arith.constant dense<0.000000e+00> : vector<2000x256xf32>
    %dot_general3A_12 = tpu.matmul %add3A, %get3A_11, %dot_general3A {dimension_numbers = #tpu.dot_dimension_numbers<[1], [0], [0], [1], [0, 0, 1, 1], [], []>, transpose_lhs_hint = false} : vector<2000x128xf32>, vector<128x256xf32>, vector<2000x256xf32> -> vector<2000x256xf32>
    %get3A_13 = arith.constant 0 : index
    %get3A_14 = arith.constant 0 : index
    %get3A_15 = vector.load %arg3[%get3A_13, %get3A_14] : memref<1x256xf32, #tpu.memory_space<vmem>>, vector<1x256xf32>
    %mul3A = vector.broadcast %get3A_15 : vector<1x256xf32> to vector<2000x256xf32>
    %mul3A_16 = arith.mulf %dot_general3A_12, %mul3A : vector<2000x256xf32>
    %get3A_17 = arith.constant 0 : index
    %get3A_18 = arith.constant 0 : index
    %get3A_19 = vector.load %arg4[%get3A_17, %get3A_18] : memref<1x256xf32, #tpu.memory_space<vmem>>, vector<1x256xf32>
    %add3A_20 = vector.broadcast %get3A_19 : vector<1x256xf32> to vector<2000x256xf32>
    %add3A_21 = arith.addf %mul3A_16, %add3A_20 : vector<2000x256xf32>
    %max3A = arith.constant 0.000000e+00 : f32
    %max3A_22 = vector.broadcast %max3A : f32 to vector<2000x256xf32>
    %max3A_23 = arith.maximumf %add3A_21, %max3A_22 : vector<2000x256xf32>
    %get3A_24 = arith.constant 0 : index
    %get3A_25 = arith.constant 0 : index
    %get3A_26 = vector.load %arg5[%get3A_24, %get3A_25] : memref<256x64xf32, #tpu.memory_space<vmem>>, vector<256x64xf32>
    %dot_general3A_27 = arith.constant dense<0.000000e+00> : vector<2000x64xf32>
    %dot_general3A_28 = tpu.matmul %max3A_23, %get3A_26, %dot_general3A_27 {dimension_numbers = #tpu.dot_dimension_numbers<[1], [0], [0], [1], [0, 0, 1, 1], [], []>, transpose_lhs_hint = false} : vector<2000x256xf32>, vector<256x64xf32>, vector<2000x64xf32> -> vector<2000x64xf32>
    %swap3A = arith.constant 0 : index
    %swap3A_29 = arith.constant 0 : index
    %swap3A_30 = vector.load %arg6[%swap3A, %swap3A_29] : memref<2000x64xf32, #tpu.memory_space<vmem>>, vector<2000x64xf32>
    tpu.vector_store %arg6[%swap3A, %swap3A_29], %dot_general3A_28 {strides = array<i32>} : memref<2000x64xf32, #tpu.memory_space<vmem>>, vector<2000x64xf32>,
    return
  }
  func.func @transform_0(%arg0: i32) -> (i32, i32, i32) {
    %c0_i32 = arith.constant 0 : i32
    %c0_i32_0 = arith.constant 0 : i32
    %c0_i32_1 = arith.constant 0 : i32
    return %c0_i32, %arg0, %c0_i32_0 : i32, i32, i32
  }
  func.func @transform_1(%arg0: i32) -> (i32, i32) {
    %c0_i32 = arith.constant 0 : i32
    %c0_i32_0 = arith.constant 0 : i32
    %c0_i32_1 = arith.constant 0 : i32
    return %c0_i32, %c0_i32_0 : i32, i32
  }
  func.func @transform_2(%arg0: i32) -> (i32, i32) {
    %c0_i32 = arith.constant 0 : i32
    %c0_i32_0 = arith.constant 0 : i32
    %c0_i32_1 = arith.constant 0 : i32
    return %c0_i32, %c0_i32_0 : i32, i32
  }
  func.func @transform_3(%arg0: i32) -> (i32, i32) {
    %c0_i32 = arith.constant 0 : i32
    %c0_i32_0 = arith.constant 0 : i32
    %c0_i32_1 = arith.constant 0 : i32
    return %c0_i32, %c0_i32_0 : i32, i32
  }
  func.func @transform_4(%arg0: i32) -> (i32, i32) {
    %c0_i32 = arith.constant 0 : i32
    %c0_i32_0 = arith.constant 0 : i32
    %c0_i32_1 = arith.constant 0 : i32
    return %c0_i32, %c0_i32_0 : i32, i32
  }
  func.func @transform_5(%arg0: i32) -> (i32, i32) {
    %c0_i32 = arith.constant 0 : i32
    %c0_i32_0 = arith.constant 0 : i32
    return %arg0, %c0_i32 : i32, i32
  }
}

</mosaic_0001>

<sc_bundles>
// kernel: kernel.11.cloned.1.call-start
scs
__scs_entry_jumppad:
0x0: {  	(pc) =	sbr.rel $0x88, $3  }
0x1: {  	(tag) =	ssettag $0x0;
	lr =	simm.s32 $0x1  }
0x2: {  	[smem:$0x3F9A] =	sst lr;
	_ =	strace $0xD0000000  }
0x3: {  	_ = 	snop  }
0x4: {  	_ = 	snop  }
0x5: {  	_ = 	snop  }
0x6: {  	_ = 	snop  }
0x7: {  	_ = 	snop  }
__scs_overlays_trampoline_lowered:
0x8: {  	[smem:$0x3FA9] =	sst s0  }
0x9: {  	[smem:$0x3FAA] =	sst s1  }
0xa: {  	[smem:$0x3FAB] =	sst s2  }
0xb: {  	[smem:$0x3FAC] =	sst s3  }
0xc: {  	[smem:$0x3FAD] =	sst s4  }
0xd: {  	[smem:$0x3FAE] =	sst s5  }
0xe: {  	[smem:$0x3FAF] =	sst s6  }
0xf: {  	[smem:$0x3FB0] =	sst s7  }
0x10: {  	[smem:$0x3FB1] =	sst s8  }
0x11: {  	[smem:$0x3FB2] =	sst s9;
	s0 =	simm.s32 @!p0 $0x0  }
0x12: {  	s1 =	sld [smem:$0x3F98];
	s0 =	simm.s32 @p0 $0x1  }
0x13: {  	[smem:$0x3FB3] =	sst s0;
	s0 =	simm.s32 @!p1 $0x0  }
0x14: {  	s2 =	sld [smem:$0x3F97];
	s0 =	simm.s32 @p1 $0x1  }
0x15: {  	[smem:$0x3FB4] =	sst s0;
	s0 =	simm.s32 @!p2 $0x0  }
0x16: {  	s3 =	sld [smem:$0x3FDB];
	s0 =	simm.s32 @p2 $0x1  }
0x17: {  	s4 =	simm.s32 $0x1BF5;
	[smem:$0x3FB6] =	sst s0  }
0x18: {  	s0 =	sld [smem:$0x3F99];
	_ =	swait.ge [sflag:s4], $0x0  }
0x19: {  	s7 =	sld [smem:$0x3F9A]  }
0x1a: {  	s8 =	sadd.s32 $0xFFFFE003, lr  }
0x1b: {  	s9 =	sadd.s32 $0xFFFFFEF7, lr;
	s5 =	simm.s32 $0xFFFFFFFF;
	p2 =	slt.u32 s8, $0xFFFFF086  }
0x1c: {  	p1 =	slt.u32 s9, $0xF7A;
	s5 =	simm.s32 @!p2 $0x0  }
0x1d: {  	s5 =	simm.s32 @p1 $0x1;
	p0 =	seq.s32 s7, s2  }
0x1e: {  	s7 =	smul.u32 @!p0 $0xF7A, s2;
	p2 =	seq.s32 @!p0 s5, $0x0  }
0x1f: {  	s9 =	smul.u32 $0xF7A, s1;
	s8 =	simm.s32 @!p0 $0x1BF5;
	p2 =	por !p2, p0  }
0x20: {  	[sflag:s8] =	ssyncset.s32 @!p0 $0xFFFFF086;
	s6 =	sadd.s32 @!p0 s3, s7;
	s7 =	simm.s32 @!p0 $0x108  }
0x21: {  	s3 =	sadd.s32 s3, s9;
	s6 =	sadd.s32 @!p0 $0x88, s6;
	s7 =	simm.s32 @p2 $0x1082  }
0x22: {  	[simem:s7], [sflag:s8] =	dma.local @!p0 [hbm:s6], $0xF7A  }
0x23: {  	s9 =	sor.u32 $0xD0000000, s2;
	s6 =	simm.s32 $0x108;
	_ =	swait.ge @!p0 [sflag:s8], $0x0  }
0x24: {  	s3 =	sadd.s32 $0x88, s3;
	s6 =	simm.s32 @!p1 $0x1082;
	[sflag:s4] =	ssyncset.s32 $0xFFFFF086  }
0x25: {  	[simem:s6], [sflag:s4] =	dma.local [hbm:s3], $0xF7A  }
0x26: {  	[smem:$0x3F9A] =	sst s1;
	(tag) =	ssettag s2;
	_ =	strace s9  }
0x27: {  	s1 =	sld [smem:$0x3FAA]  }
0x28: {  	s2 =	sld [smem:$0x3FAB]  }
0x29: {  	s4 =	sld [smem:$0x3FAD]  }
0x2a: {  	p0 =	seq.s32 s5, $0x0;
	s5 =	sld [smem:$0x3FAE]  }
0x2b: {  	s6 =	sld [smem:$0x3FAF]  }
0x2c: {  	s7 =	sld [smem:$0x3FB0]  }
0x2d: {  	s3 =	simm.s32 $0x108;
	s8 =	sld [smem:$0x3FB1]  }
0x2e: {  	s3 =	simm.s32 @!p0 $0x1082;
	s9 =	sld [smem:$0x3FB2]  }
0x2f: {  	lr =	sadd.s32 s0, s3;
	s0 =	sld [smem:$0x3FA9]  }
0x30: {  	s3 =	sld [smem:$0x3FAC]  }
0x31: {  	[smem:$0x3FB5] =	sst s10  }
0x32: {  	s10 =	sld [smem:$0x3FB3];
	_ =	sdelay $0x3  }
0x33: {  	p0 =	seq.s32 s10, $0x1;
	s10 =	sld [smem:$0x3FB5];
	_ =	sdelay $0x3  }
0x34: {  	[smem:$0x3FB5] =	sst s10  }
0x35: {  	s10 =	sld [smem:$0x3FB4];
	_ =	sdelay $0x3  }
0x36: {  	p1 =	seq.s32 s10, $0x1;
	s10 =	sld [smem:$0x3FB5];
	_ =	sdelay $0x3  }
0x37: {  	[smem:$0x3FB5] =	sst s10  }
0x38: {  	s10 =	sld [smem:$0x3FB6]  }
0x39: {  	_ = 	snop;
	(pc) =	sbr.ind lr, $3  }
0x3a: {  	_ = 	snop  }
0x3b: {  	_ = 	snop  }
0x3c: {  	p2 =	seq.s32 s10, $0x1;
	s10 =	sld [smem:$0x3FB5]  }
0x3d: {  	_ =	shalt  }
0x3e: {  	_ =	shalt  }
0x3f: {  	_ =	shalt  }
0x40: {  	_ =	shalt  }
0x41: {  	_ =	shalt  }
0x42: {  	_ =	shalt  }
0x43: {  	_ =	shalt  }
0x44: {  	_ =	shalt  }
0x45: {  	_ =	shalt  }
0x46: {  	_ =	shalt  }
0x47: {  	_ =	shalt  }
0x48: {  	_ =	shalt  }
0x49: {  	_ =	shalt  }
0x4a: {  	_ =	shalt  }
0x4b: {  	_ =	shalt  }
0x4c: {  	_ =	shalt  }
0x4d: {  	_ =	shalt  }
0x4e: {  	_ =	shalt  }
0x4f: {  	_ =	shalt  }
0x50: {  	_ =	shalt  }
0x51: {  	_ =	shalt  }
0x52: {  	_ =	shalt  }
0x53: {  	_ =	shalt  }
0x54: {  	_ =	shalt  }
0x55: {  	_ =	shalt  }
0x56: {  	_ =	shalt  }
0x57: {  	_ =	shalt  }
0x58: {  	_ =	shalt  }
0x59: {  	_ =	shalt  }
0x5a: {  	_ =	shalt  }
0x5b: {  	_ =	shalt  }
0x5c: {  	_ =	shalt  }
0x5d: {  	_ =	shalt  }
0x5e: {  	_ =	shalt  }
0x5f: {  	_ =	shalt  }
0x60: {  	_ =	shalt  }
0x61: {  	_ =	shalt  }
0x62: {  	_ =	shalt  }
0x63: {  	_ =	shalt  }
0x64: {  	_ =	shalt  }
0x65: {  	_ =	shalt  }
0x66: {  	_ =	shalt  }
0x67: {  	_ =	shalt  }
0x68: {  	_ =	shalt  }
0x69: {  	_ =	shalt  }
0x6a: {  	_ =	shalt  }
0x6b: {  	_ =	shalt  }
0x6c: {  	_ =	shalt  }
0x6d: {  	_ =	shalt  }
0x6e: {  	_ =	shalt  }
0x6f: {  	_ =	shalt  }
0x70: {  	_ =	shalt  }
0x71: {  	_ =	shalt  }
0x72: {  	_ =	shalt  }
0x73: {  	_ =	shalt  }
0x74: {  	_ =	shalt  }
0x75: {  	_ =	shalt  }
0x76: {  	_ =	shalt  }
0x77: {  	_ =	shalt  }
0x78: {  	_ =	shalt  }
0x79: {  	_ =	shalt  }
0x7a: {  	_ =	shalt  }
0x7b: {  	_ =	shalt  }
0x7c: {  	_ =	shalt  }
0x7d: {  	_ =	shalt  }
0x7e: {  	_ =	shalt  }
0x7f: {  	_ =	shalt  }
0x80: {  	_ =	shalt  }
0x81: {  	_ =	shalt  }
0x82: {  	_ =	shalt  }
0x83: {  	_ =	shalt  }
0x84: {  	_ =	shalt  }
0x85: {  	_ =	shalt  }
0x86: {  	_ =	shalt  }
0x87: {  	_ =	shalt  }
.Lfunc_end0:
.L_simem_size_0:
called_computation.1_lowered:
.L_overlay_start_0:
0x88: {  	s2 =	sld [smem:$0x3FD9]  }
0x89: {  	s3 =	sld [smem:$0x3FFE];
	_ =	sdelay $0x1  }
0x8a: {  	s1 =	srdreg.scid  }
0x8b: {  	s0 =	sand.u32 $0x1, s1  }
0x8c: {  	s16 =	sshll.u32 s0, $0xA;
	s2 =	sadd.s32 s3, s2  }
0x8d: {  	s2 =	sadd.s32 s2, s16  }
0x8e: {  	[smem:$0x3FC1] =	sst s2  }
0x8f: {  	_ = 	snop  }
0x90: {  	(tm) =	ssettm $0x1  }
0x91: {  	s17 =	sld [smem:$0x3FFB];
	_ =	sdelay $0x3  }
0x92: {  	_ =	strace s17  }
0x93: {  	s2 =	sld [smem:$0x3FFC];
	_ =	sdelay $0x3  }
0x94: {  	_ =	strace s2  }
0x95: {  	s2 =	sld [smem:$0x3FFD];
	_ =	sdelay $0x3  }
0x96: {  	_ =	strace s2  }
0x97: {  	_ =	strace $0x8FFFFFFF  }
0x98: {  	s18 =	sld [smem:$0x3FDB];
	_ =	sdelay $0x1  }
0x99: {  	s19 =	simm.s32 $_scs_section_size  }
0x9a: {  	s4 =	simm.s32 $_size__tile_overlayer_lowered;
	s5 =	simm.s32 $_tile_overlayer_lowered  }
0x9b: {  	s22 =	simm.s32 $0x1BFF;
	s21 =	sshll.u32 s5, $0x1;
	s2 =	sadd.s32 s19, s18  }
0x9c: {  	s6 =	simm.s32 $0x0;
	s20 =	sshll.u32 s4, $0x1;
	s4 =	sadd.s32 s21, s2  }
0x9d: {  	[timem:s6], [sflag:s22] =	dma.local [hbm:s4], s20  }
0x9e: {  	_ =	swait.ge [sflag:s22], s20  }
0x9f: {  	s3 =	ssub.s32 $0x0, s20;
	[sflag:s22] =	ssyncset.done $0x0  }
0xa0: {  	[sflag:s22] =	ssyncadd.s32 s3;
	_ =	sdelay $0x1  }
0xa1: {  	s23 =	simm.s32 $0x1B8B  }
0xa2: {  	_ =	swait.ge [sflag:s23], $0x1  }
0xa3: {  	[sflag:s23] =	ssyncset.done $0x0  }
0xa4: {  	s25 =	simm.s32 $0x1B8E;
	s24 =	sld [smem:$0x3FFE];
	[sflag:s23] =	ssyncadd.s32 $0xFFFFFFFF  }
0xa5: {  	s26 =	simm.s32 $execute0_lowered;
	[smem:$0x3FD2] =	sst s25  }
0xa6: {  	s4 =	sshll.u32 s26, $0x1;
	_ =	strace $0x80000049;
	[dreg:$0x1] =	wrdreg $0xFFFFFFFF  }
0xa7: {  	s28 =	simm.s32 $_size_execute0_lowered;
	s2 =	sadd.s32 s2, s4;
	[dreg:$0x0] =	wrdreg $0x0  }
0xa8: {  	s4 =	sshll.u32 s28, $0x1;
	[dreg:$0x2] =	wrdreg s2  }
0xa9: {  	[dreg:$0x3] =	wrdreg s4  }
0xaa: {  	[dreg:$0x4] =	wrdreg $0xC0  }
0xab: {  	_ =	task [dreg:s6], $0x5FFFF  }
0xac: {  	[dreg:$0x1] =	wrdreg $0xFFFFFFFF  }
0xad: {  	[dreg:$0x0] =	wrdreg $0x60  }
0xae: {  	[dreg:$0x2] =	wrdreg s24  }
0xaf: {  	[dreg:$0x3] =	wrdreg $0xA0000  }
0xb0: {  	[dreg:$0x4] =	wrdreg $0x9  }
0xb1: {  	_ =	task.clear_ibuf [dreg:s6], $0x5FFFF;
	_ =	strace $0x90000049  }
0xb2: {  	s29 =	simm.s32 $0x9;
	_ =	strace $0x8000004B  }
0xb3: {  	_ =	swait.ge [sflag:s29], $0x1  }
0xb4: {  	[sflag:s29] =	ssyncadd.s32 $0xFFFFFFFF  }
0xb5: {  	_ =	strace $0x9000004B  }
0xb6: {  	_ =	sfence  }
0xb7: {  	s30 =	sld [smem:$0x0];
	_ =	sdelay $0x2  }
0xb8: {  	s31 =	sshll.u32 s1, $0xD;
	s1 =	sshrl.u32 s1, $0x2  }
0xb9: {  	s3 =	sand.u32 $0x4000, s31;
	s1 =	sadd.s32 s1, s30  }
0xba: {  	s0 =	sor.u32 s3, s0;
	s1 =	sshll.u32 s1, $0x11  }
0xbb: {  	s0 =	sor.u32 s1, s0  }
0xbc: {  	s0 =	sadd.s32 $0x8F2B, s0  }
0xbd: {  	[sflag:s0] =	ssyncadd.remote.s32 $0x1  }
0xbe: {  	_ =	sfence.sel $0xFFFF  }
0xbf: {  	[dreg:$0x0] =	wrdreg $0xFFFFFFFF;
	(pc) =	sbr.abs _section_cstart, $3  }
0xc0: {  	[dreg:$0x1] =	wrdreg $0xFFFFFFFF  }
0xc1: {  	_ =	task.clear_ibuf [dreg:s6], $0x2FFFF;
	_ =	strace $0x9FFFFFFF  }
0xc2: {  	(tm) =	ssettm $0x7FFFFFFF  }
0xc3: {  	_ =	shalt  }
tec
execute0_lowered:
.L_overlay_start_1:
0x0: {  	(tag) =	ssettag $0x1  }
0x1: {  	s0 =	srdreg.scid;
	s3 =	rddreg [dreg:$0x0]  }
0x2: {  	s9 =	stileid.u32;
	s2 =	rddreg [dreg:$0x1]  }
0x3: {  	s5 =	simm.s32 $0x0;
	s14 =	simm.s32 $0x2000;
	s15 =	simm.s32 $0x5  }
0x4: {  	s16 =	simm.s32 $0x80;
	s17 =	simm.s32 $0x100;
	s18 =	simm.s32 $0x4000  }
0x5: {  	s28 =	simm.s32 $0x2;
	s29 =	simm.s32 $0x3;
	s30 =	simm.s32 $0x4  }
0x6: {  	s31 =	simm.s32 $0x1C80;
	s0 =	sand.u32 $0x1, s0;
	s19 =	smul.u32 $0x28000, s9  }
0x7: {  	s1 =	sshll.u32 s9, $0x1;
	[smem:$0x7FF] =	sst s5;
	s7 =	smul.u32 $0xA000, s9  }
0x8: {  	p0 =	sgt.u32 s9, $0x1;
	p1 =	seq.s32 s9, $0xF;
	s1 =	sor.u32 s0, s1  }
0x9: {  	_ =	strace $0x8000004A;
	s6 =	smul.u32 $0x13880, s0;
	s0 =	ssub.s32 $0x2, s0  }
0xa: {  	s4 =	smul.u32 $0x4E, s1;
	s1 =	smin.u32 s1, $0x4;
	s5 =	sshrl.u32 s19, $0x2  }
0xb: {  	s20 =	sshrl.u32 s0, $0x1;
	s25 =	sshrl.u32 s7, $0x3;
	s26 =	sadd.s32 $0x6400, s7  }
0xc: {  	s19 =	simm.s32 $0x200;
	s8 =	sadd.s32 s5, s2;
	s0 =	ssub.s32 s0, s20  }
0xd: {  	s5 =	sadd.s32 s7, s2;
	s7 =	sshrl.u32 s26, $0x3;
	s20 =	simm.s32 $0x6000  }
0xe: {  	s1 =	sadd.s32 s1, s4;
	s4 =	sadd.s32 $0x15A00, s3;
	s21 =	sadd.s32 $0x2000, s8  }
0xf: {  	s22 =	sadd.s32 $0x4000, s8;
	s23 =	sadd.s32 $0x6000, s8;
	[dreg:$0x3] =	wrdreg s21  }
0x10: {  	s24 =	sadd.s32 $0x8000, s8;
	s13 =	smax.u32 s0, $0x1;
	[dreg:$0x4] =	wrdreg s22  }
0x11: {  	s0 =	simm.s32 $0x1E80;
	s1 =	sshll.u32 s1, $0x5;
	[dreg:$0x5] =	wrdreg s23  }
0x12: {  	[dreg:$0x6] =	wrdreg s24;
	s21 =	simm.s32 $0x300;
	s24 =	simm.s32 $0x8000  }
.Ltmp0:
0x13: {  	s1 =	sadd.s32 s1, s3;
	s3 =	sadd.s32 s6, s3;
	(pc) =	sbr.rel .LBB2_1-.Ltmp0, $4  }
0x14: {  	s6 =	sadd.s32 s26, s2;
	s26 =	simm.s32 $0x1;
	s10 =	sadd.s32 $0x2000, s1  }
0x15: {  	s11 =	sadd.s32 $0x2400, s1;
	s12 =	sadd.s32 $0x2800, s1;
	s1 =	sadd.s32 $0x29400, s3  }
0x16: {  	s3 =	simm.s32 $0x1F80;
	s22 =	sadd.s32 s25, s1;
	s23 =	sadd.s32 @!p1 s7, s1  }
0x17: {  	v0 =	vimm.f32 $0.0e+00;
	s25 =	sshrl.u32 @!p1 s6, $0x3;
	s1 =	simm.s32 $0x1D80;
	s6 =	simm.s32 $0x0  }
.LBB2_13:
0x18: {  	[tilespmem:s24], [sflag:$0x4] =	stream.indirect.gather [hbm4b:s4+s16], $0x40, s8, s16, $0xb8;
	[tilespmem:$0x14000] =	vst v63  }
0x19: {  	_ =	swait.ge [sflag:s26], $0x2000  }
0x1a: {  	[sflag:s26] =	ssyncset.done $0x0  }
0x1b: {  	[sflag:s26] =	ssyncadd.s32 $0xFFFFE000  }
0x1c: {  	[spmem:s2] =	stream.indirect.scatter.add.f32 [tilespmem:s14], [sflag:$0x5], $0x40, s31, s16, $0xb8;
	[tilespmem:$0x14000] =	vst v63  }
0x1d: {  	_ =	swait.ge [sflag:s15], $0x2000  }
0x1e: {  	[sflag:s15] =	ssyncset.done $0x0  }
0x1f: {  	[sflag:s15] =	ssyncadd.s32 $0xFFFFE000  }
0x20: {  	_ =	swait.ge [sflag:s28], $0x2000  }
0x21: {  	[sflag:s28] =	ssyncset.done $0x0  }
0x22: {  	[sflag:s28] =	ssyncadd.s32 $0xFFFFE000  }
0x23: {  	[spmem:s2] =	stream.indirect.scatter.add.f32 [tilespmem:s18], [sflag:$0x5], $0x40, s1, s16, $0xb8;
	[tilespmem:$0x14000] =	vst v63  }
0x24: {  	_ =	swait.ge [sflag:s15], $0x2000  }
0x25: {  	[sflag:s15] =	ssyncset.done $0x0  }
0x26: {  	[sflag:s15] =	ssyncadd.s32 $0xFFFFE000  }
0x27: {  	_ =	swait.ge [sflag:s29], $0x2000  }
0x28: {  	[sflag:s29] =	ssyncset.done $0x0  }
0x29: {  	[sflag:s29] =	ssyncadd.s32 $0xFFFFE000  }
0x2a: {  	[spmem:s2] =	stream.indirect.scatter.add.f32 [tilespmem:s20], [sflag:$0x5], $0x40, s0, s16, $0xb8;
	[tilespmem:$0x14000] =	vst v63  }
0x2b: {  	_ =	swait.ge [sflag:s15], $0x2000  }
0x2c: {  	[sflag:s15] =	ssyncset.done $0x0  }
0x2d: {  	[sflag:s15] =	ssyncadd.s32 $0xFFFFE000  }
0x2e: {  	_ =	swait.ge [sflag:s30], $0x2000  }
0x2f: {  	[sflag:s30] =	ssyncset.done $0x0  }
0x30: {  	[sflag:s30] =	ssyncadd.s32 $0xFFFFE000  }
0x31: {  	[spmem:s2] =	stream.indirect.scatter.add.f32 [tilespmem:s24], [sflag:$0x5], $0x40, s3, s16, $0xb8;
	[tilespmem:$0x14000] =	vst v63  }
0x32: {  	_ =	swait.ge [sflag:s15], $0x2000  }
0x33: {  	[sflag:s15] =	ssyncset.done $0x0  }
0x34: {  	s7 =	simm.s32 $0x0;
	[sflag:s15] =	ssyncadd.s32 $0xFFFFE000  }
0x35: {  	[tilespmem:s7], [sflag:$0x5] =	stream.linear.gather [hbm4b:s12+s7], $0xE00, $0x38;
	[tilespmem:$0x14000] =	vst v63  }
0x36: {  	_ =	swait.ge [sflag:s15], $0xE00  }
0x37: {  	[sflag:s15] =	ssyncset.done $0x0  }
0x38: {  	[sflag:s15] =	ssyncadd.s32 $0xFFFFF200  }
0x39: {  	[tilespmem:s14], [sflag:$0x1] =	stream.indirect.gather [hbm4b:s4+s16], $0x40, s7, s16, $0xb8;
	[tilespmem:$0x14000] =	vst v63  }
0x3a: {  	_ = 	snop  }
0x3b: {  	[tilespmem:s18], [sflag:$0x2] =	stream.indirect.gather [hbm4b:s4+s16], $0x40, s17, s16, $0xb8;
	[tilespmem:$0x14000] =	vst v63  }
0x3c: {  	_ = 	snop  }
0x3d: {  	[tilespmem:s20], [sflag:$0x3] =	stream.indirect.gather [hbm4b:s4+s16], $0x40, s19, s16, $0xb8;
	[tilespmem:$0x14000] =	vst v63  }
0x3e: {  	_ = 	snop  }
0x3f: {  	[tilespmem:s24], [sflag:$0x4] =	stream.indirect.gather [hbm4b:s4+s16], $0x40, s21, s16, $0xb8;
	[tilespmem:$0x14000] =	vst v63  }
0x40: {  	_ =	swait.ge [sflag:s26], $0x2000  }
0x41: {  	[sflag:s26] =	ssyncset.done $0x0  }
0x42: {  	[sflag:s26] =	ssyncadd.s32 $0xFFFFE000  }
0x43: {  	[spmem:s2] =	stream.indirect.scatter.add.f32 [tilespmem:s14], [sflag:$0x5], $0x40, s16, s16, $0xb8;
	[tilespmem:$0x14000] =	vst v63  }
0x44: {  	_ =	swait.ge [sflag:s15], $0x2000  }
0x45: {  	[sflag:s15] =	ssyncset.done $0x0  }
0x46: {  	s9 =	simm.s32 $0x400;
	[sflag:s15] =	ssyncadd.s32 $0xFFFFE000  }
0x47: {  	[tilespmem:s14], [sflag:$0x1] =	stream.indirect.gather [hbm4b:s4+s16], $0x40, s9, s16, $0xb8;
	[tilespmem:$0x14000] =	vst v63  }
0x48: {  	_ =	swait.ge [sflag:s28], $0x2000  }
0x49: {  	[sflag:s28] =	ssyncset.done $0x0  }
0x4a: {  	s8 =	simm.s32 $0x180;
	[sflag:s28] =	ssyncadd.s32 $0xFFFFE000  }
0x4b: {  	[spmem:s2] =	stream.indirect.scatter.add.f32 [tilespmem:s18], [sflag:$0x5], $0x40, s8, s16, $0xb8;
	[tilespmem:$0x14000] =	vst v63  }
0x4c: {  	_ =	swait.ge [sflag:s15], $0x2000  }
0x4d: {  	[sflag:s15] =	ssyncset.done $0x0  }
0x4e: {  	s9 =	simm.s32 $0x500;
	[sflag:s15] =	ssyncadd.s32 $0xFFFFE000  }
0x4f: {  	[tilespmem:s18], [sflag:$0x2] =	stream.indirect.gather [hbm4b:s4+s16], $0x40, s9, s16, $0xb8;
	[tilespmem:$0x14000] =	vst v63  }
0x50: {  	_ =	swait.ge [sflag:s29], $0x2000  }
0x51: {  	[sflag:s29] =	ssyncset.done $0x0  }
0x52: {  	s8 =	simm.s32 $0x280;
	[sflag:s29] =	ssyncadd.s32 $0xFFFFE000  }
0x53: {  	[spmem:s2] =	stream.indirect.scatter.add.f32 [tilespmem:s20], [sflag:$0x5], $0x40, s8, s16, $0xb8;
	[tilespmem:$0x14000] =	vst v63  }
0x54: {  	_ =	swait.ge [sflag:s15], $0x2000  }
0x55: {  	[sflag:s15] =	ssyncset.done $0x0  }
0x56: {  	s9 =	simm.s32 $0x600;
	[sflag:s15] =	ssyncadd.s32 $0xFFFFE000  }
0x57: {  	[tilespmem:s20], [sflag:$0x3] =	stream.indirect.gather [hbm4b:s4+s16], $0x40, s9, s16, $0xb8;
	[tilespmem:$0x14000] =	vst v63  }
0x58: {  	_ =	swait.ge [sflag:s30], $0x2000  }
0x59: {  	[sflag:s30] =	ssyncset.done $0x0  }
0x5a: {  	s8 =	simm.s32 $0x380;
	[sflag:s30] =	ssyncadd.s32 $0xFFFFE000  }
0x5b: {  	[spmem:s2] =	stream.indirect.scatter.add.f32 [tilespmem:s24], [sflag:$0x5], $0x40, s8, s16, $0xb8;
	[tilespmem:$0x14000] =	vst v63  }
0x5c: {  	_ =	swait.ge [sflag:s15], $0x2000  }
0x5d: {  	[sflag:s15] =	ssyncset.done $0x0  }
0x5e: {  	s9 =	simm.s32 $0x700;
	[sflag:s15] =	ssyncadd.s32 $0xFFFFE000  }
0x5f: {  	[tilespmem:s24], [sflag:$0x4] =	stream.indirect.gather [hbm4b:s4+s16], $0x40, s9, s16, $0xb8;
	[tilespmem:$0x14000] =	vst v63  }
0x60: {  	_ =	swait.ge [sflag:s26], $0x2000  }
0x61: {  	[sflag:s26] =	ssyncset.done $0x0  }
0x62: {  	s8 =	simm.s32 $0x480;
	[sflag:s26] =	ssyncadd.s32 $0xFFFFE000  }
0x63: {  	[spmem:s2] =	stream.indirect.scatter.add.f32 [tilespmem:s14], [sflag:$0x5], $0x40, s8, s16, $0xb8;
	[tilespmem:$0x14000] =	vst v63  }
0x64: {  	_ =	swait.ge [sflag:s15], $0x2000  }
0x65: {  	[sflag:s15] =	ssyncset.done $0x0  }
0x66: {  	s9 =	simm.s32 $0x800;
	[sflag:s15] =	ssyncadd.s32 $0xFFFFE000  }
0x67: {  	[tilespmem:s14], [sflag:$0x1] =	stream.indirect.gather [hbm4b:s4+s16], $0x40, s9, s16, $0xb8;
	[tilespmem:$0x14000] =	vst v63  }
0x68: {  	_ =	swait.ge [sflag:s28], $0x2000  }
0x69: {  	[sflag:s28] =	ssyncset.done $0x0  }
0x6a: {  	s8 =	simm.s32 $0x580;
	[sflag:s28] =	ssyncadd.s32 $0xFFFFE000  }
0x6b: {  	[spmem:s2] =	stream.indirect.scatter.add.f32 [tilespmem:s18], [sflag:$0x5], $0x40, s8, s16, $0xb8;
	[tilespmem:$0x14000] =	vst v63  }
0x6c: {  	_ =	swait.ge [sflag:s15], $0x2000  }
0x6d: {  	[sflag:s15] =	ssyncset.done $0x0  }
0x6e: {  	s9 =	simm.s32 $0x900;
	[sflag:s15] =	ssyncadd.s32 $0xFFFFE000  }
0x6f: {  	[tilespmem:s18], [sflag:$0x2] =	stream.indirect.gather [hbm4b:s4+s16], $0x40, s9, s16, $0xb8;
	[tilespmem:$0x14000] =	vst v63  }
0x70: {  	_ =	swait.ge [sflag:s29], $0x2000  }
0x71: {  	[sflag:s29] =	ssyncset.done $0x0  }
0x72: {  	s8 =	simm.s32 $0x680;
	[sflag:s29] =	ssyncadd.s32 $0xFFFFE000  }
0x73: {  	[spmem:s2] =	stream.indirect.scatter.add.f32 [tilespmem:s20], [sflag:$0x5], $0x40, s8, s16, $0xb8;
	[tilespmem:$0x14000] =	vst v63  }
0x74: {  	_ =	swait.ge [sflag:s15], $0x2000  }
0x75: {  	[sflag:s15] =	ssyncset.done $0x0  }
0x76: {  	s9 =	simm.s32 $0xA00;
	[sflag:s15] =	ssyncadd.s32 $0xFFFFE000  }
0x77: {  	[tilespmem:s20], [sflag:$0x3] =	stream.indirect.gather [hbm4b:s4+s16], $0x40, s9, s16, $0xb8;
	[tilespmem:$0x14000] =	vst v63  }
0x78: {  	_ =	swait.ge [sflag:s30], $0x2000  }
0x79: {  	[sflag:s30] =	ssyncset.done $0x0  }
0x7a: {  	s8 =	simm.s32 $0x780;
	[sflag:s30] =	ssyncadd.s32 $0xFFFFE000  }
0x7b: {  	[spmem:s2] =	stream.indirect.scatter.add.f32 [tilespmem:s24], [sflag:$0x5], $0x40, s8, s16, $0xb8;
	[tilespmem:$0x14000] =	vst v63  }
0x7c: {  	_ =	swait.ge [sflag:s15], $0x2000  }
0x7d: {  	[sflag:s15] =	ssyncset.done $0x0  }
0x7e: {  	s9 =	simm.s32 $0xB00;
	[sflag:s15] =	ssyncadd.s32 $0xFFFFE000  }
0x7f: {  	[tilespmem:s24], [sflag:$0x4] =	stream.indirect.gather [hbm4b:s4+s16], $0x40, s9, s16, $0xb8;
	[tilespmem:$0x14000] =	vst v63  }
0x80: {  	_ =	swait.ge [sflag:s26], $0x2000  }
0x81: {  	[sflag:s26] =	ssyncset.done $0x0  }
0x82: {  	s8 =	simm.s32 $0x880;
	[sflag:s26] =	ssyncadd.s32 $0xFFFFE000  }
0x83: {  	[spmem:s2] =	stream.indirect.scatter.add.f32 [tilespmem:s14], [sflag:$0x5], $0x40, s8, s16, $0xb8;
	[tilespmem:$0x14000] =	vst v63  }
0x84: {  	_ =	swait.ge [sflag:s15], $0x2000  }
0x85: {  	[sflag:s15] =	ssyncset.done $0x0  }
0x86: {  	s9 =	simm.s32 $0xC00;
	[sflag:s15] =	ssyncadd.s32 $0xFFFFE000  }
0x87: {  	[tilespmem:s14], [sflag:$0x1] =	stream.indirect.gather [hbm4b:s4+s16], $0x40, s9, s16, $0xb8;
	[tilespmem:$0x14000] =	vst v63  }
0x88: {  	_ =	swait.ge [sflag:s28], $0x2000  }
0x89: {  	[sflag:s28] =	ssyncset.done $0x0  }
0x8a: {  	s8 =	simm.s32 $0x980;
	[sflag:s28] =	ssyncadd.s32 $0xFFFFE000  }
0x8b: {  	[spmem:s2] =	stream.indirect.scatter.add.f32 [tilespmem:s18], [sflag:$0x5], $0x40, s8, s16, $0xb8;
	[tilespmem:$0x14000] =	vst v63  }
0x8c: {  	_ =	swait.ge [sflag:s15], $0x2000  }
0x8d: {  	[sflag:s15] =	ssyncset.done $0x0  }
0x8e: {  	s9 =	simm.s32 $0xD00;
	[sflag:s15] =	ssyncadd.s32 $0xFFFFE000  }
0x8f: {  	[tilespmem:s18], [sflag:$0x2] =	stream.indirect.gather [hbm4b:s4+s16], $0x40, s9, s16, $0xb8;
	[tilespmem:$0x14000] =	vst v63  }
0x90: {  	_ =	swait.ge [sflag:s29], $0x2000  }
0x91: {  	[sflag:s29] =	ssyncset.done $0x0  }
0x92: {  	s8 =	simm.s32 $0xA80;
	[sflag:s29] =	ssyncadd.s32 $0xFFFFE000  }
0x93: {  	[spmem:s2] =	stream.indirect.scatter.add.f32 [tilespmem:s20], [sflag:$0x5], $0x40, s8, s16, $0xb8;
	[tilespmem:$0x14000] =	vst v63  }
0x94: {  	_ =	swait.ge [sflag:s15], $0x2000  }
0x95: {  	[sflag:s15] =	ssyncset.done $0x0  }
0x96: {  	[sflag:s15] =	ssyncadd.s32 $0xFFFFE000  }
0x97: {  	_ =	swait.ge [sflag:s30], $0x2000  }
0x98: {  	[sflag:s30] =	ssyncset.done $0x0  }
0x99: {  	s9 =	simm.s32 $0xB80;
	[sflag:s30] =	ssyncadd.s32 $0xFFFFE000  }
0x9a: {  	[spmem:s2] =	stream.indirect.scatter.add.f32 [tilespmem:s24], [sflag:$0x5], $0x40, s9, s16, $0xb8;
	[tilespmem:$0x14000] =	vst v63  }
0x9b: {  	_ =	swait.ge [sflag:s15], $0x2000  }
0x9c: {  	[sflag:s15] =	ssyncset.done $0x0  }
0x9d: {  	[sflag:s15] =	ssyncadd.s32 $0xFFFFE000  }
0x9e: {  	_ =	swait.ge [sflag:s26], $0x2000  }
0x9f: {  	[sflag:s26] =	ssyncset.done $0x0  }
0xa0: {  	s8 =	simm.s32 $0xC80;
	[sflag:s26] =	ssyncadd.s32 $0xFFFFE000  }
0xa1: {  	[spmem:s2] =	stream.indirect.scatter.add.f32 [tilespmem:s14], [sflag:$0x5], $0x40, s8, s16, $0xb8;
	[tilespmem:$0x14000] =	vst v63  }
0xa2: {  	_ =	swait.ge [sflag:s15], $0x2000  }
0xa3: {  	[sflag:s15] =	ssyncset.done $0x0  }
0xa4: {  	[sflag:s15] =	ssyncadd.s32 $0xFFFFE000  }
0xa5: {  	_ =	swait.ge [sflag:s28], $0x2000  }
0xa6: {  	[sflag:s28] =	ssyncset.done $0x0  }
0xa7: {  	s9 =	simm.s32 $0xD80;
	[sflag:s28] =	ssyncadd.s32 $0xFFFFE000  }
0xa8: {  	[spmem:s2] =	stream.indirect.scatter.add.f32 [tilespmem:s18], [sflag:$0x5], $0x40, s9, s16, $0xb8;
	[tilespmem:$0x14000] =	vst v63  }
.LBB2_14:
0xa9: {  	_ =	swait.ge [sflag:s15], $0x2000  }
0xaa: {  	s7 =	stileid.u32;
	[sflag:s15] =	ssyncset.done $0x0  }
0xab: {  	s7 =	sshll.u32 s7, $0x6;
	[sflag:s15] =	ssyncadd.s32 $0xFFFFE000  }
0xac: {  	s8 =	sshrl.u32 s5, $0x3;
	s7 =	sor.u32 $0x1C05, s7;
	[bflag:$0x0] =	sbarrier.arrive $0xFFFF  }
0xad: {  	[hbm:s22], [sflag:s7] =	dma.local [spmem:s8], $0xC80  }
0xae: {  	_ =	swait.ge [sflag:s15], $0xC80  }
0xaf: {  	s6 =	sadd.s32 $0x1, s6;
	[sflag:s15] =	ssyncset.done $0x0  }
0xb0: {  	p2 =	sne.s32 s6, s13;
	[sflag:s15] =	ssyncadd.s32 $0xFFFFF380  }
0xb1: {  	[hbm:s23], [sflag:s7] =	dma.local @!p1 [spmem:s25], $0x780  }
.Ltmp1:
0xb2: {  	_ = 	snop;
	(pc) =	sbr.rel @!p2 .LBB2_15-.Ltmp1, $4  }
0xb3: {  	s7 =	simm.s32 @!p1 $0x5  }
0xb4: {  	_ =	swait.ge @!p1 [sflag:s7], $0x780  }
0xb5: {  	[sflag:s7] =	ssyncset.done @!p1 $0x0  }
0xb6: {  	[sflag:s7] =	ssyncadd.s32 @!p1 $0xFFFFF880  }
.LBB2_1:
0xb7: {  	s8 =	simm.s32 $0x100;
	s7 =	simm.s32 $0x0  }
.LBB2_2:
0xb8: {  	p2 =	sne.s32 s8, $0x7F00;
	[tilespmem:s7+$0x2030] =	vst v0;
	s9 =	smov.u32 s8;
	s8 =	sadd.s32 $0x100, s8  }
.Ltmp2:
0xb9: {  	[tilespmem:s7+$0x2020] =	vst v0;
	(pc) =	sbr.rel @p2 .LBB2_2-.Ltmp2, $3  }
0xba: {  	[tilespmem:s7+$0x2000] =	vst v0  }
0xbb: {  	[tilespmem:s7+$0x2010] =	vst v0;
	_ =	sdelay $0x1  }
0xbc: {  	s7 =	sshra.s32 s9, $0x2  }
0xbd: {  	[tilespmem:s7+$0x2030] =	vst v0  }
0xbe: {  	[tilespmem:s7+$0x2020] =	vst v0  }
0xbf: {  	[tilespmem:s7+$0x2000] =	vst v0  }
0xc0: {  	[tilespmem:s7+$0x2010] =	vst v0  }
0xc1: {  	[spmem:s5] =	stream.linear.scatter [tilespmem:s14], [sflag:$0x5], $0x2000, $0x38;
	[tilespmem:$0x14000] =	vst v63  }
0xc2: {  	_ =	swait.ge [sflag:s15], $0x2000  }
0xc3: {  	[sflag:s15] =	ssyncset.done $0x0  }
0xc4: {  	s9 =	rddreg [dreg:$0x3];
	[sflag:s15] =	ssyncadd.s32 $0xFFFFE000  }
0xc5: {  	[spmem:s9] =	stream.linear.scatter [tilespmem:s14], [sflag:$0x5], $0x2000, $0x38;
	[tilespmem:$0x14000] =	vst v63  }
0xc6: {  	_ =	swait.ge [sflag:s15], $0x2000  }
0xc7: {  	[sflag:s15] =	ssyncset.done $0x0  }
0xc8: {  	s8 =	rddreg [dreg:$0x4];
	[sflag:s15] =	ssyncadd.s32 $0xFFFFE000  }
0xc9: {  	[spmem:s8] =	stream.linear.scatter [tilespmem:s14], [sflag:$0x5], $0x2000, $0x38;
	[tilespmem:$0x14000] =	vst v63  }
0xca: {  	_ =	swait.ge [sflag:s15], $0x2000  }
0xcb: {  	[sflag:s15] =	ssyncset.done $0x0  }
0xcc: {  	s9 =	rddreg [dreg:$0x5];
	[sflag:s15] =	ssyncadd.s32 $0xFFFFE000  }
0xcd: {  	[spmem:s9] =	stream.linear.scatter [tilespmem:s14], [sflag:$0x5], $0x2000, $0x38;
	[tilespmem:$0x14000] =	vst v63  }
0xce: {  	_ =	swait.ge [sflag:s15], $0x2000  }
0xcf: {  	[sflag:s15] =	ssyncset.done $0x0  }
0xd0: {  	s8 =	rddreg [dreg:$0x6];
	[sflag:s15] =	ssyncadd.s32 $0xFFFFE000  }
0xd1: {  	[spmem:s8] =	stream.linear.scatter [tilespmem:s14], [sflag:$0x5], $0x2000, $0x38;
	[tilespmem:$0x14000] =	vst v63  }
0xd2: {  	_ =	swait.ge [sflag:s15], $0x2000  }
0xd3: {  	[sflag:s15] =	ssyncset.done $0x0  }
0xd4: {  	[sflag:s15] =	ssyncadd.s32 $0xFFFFE000  }
0xd5: {  	s9 =	simm.s32 $0x0;
	[bflag:$0x0] =	sbarrier.arrive $0xFFFF  }
0xd6: {  	[tilespmem:s9], [sflag:$0x5] =	stream.linear.gather [hbm4b:s10+s9], $0x2000, $0x38;
	[tilespmem:$0x14000] =	vst v63  }
0xd7: {  	_ =	swait.ge [sflag:s15], $0x2000  }
0xd8: {  	[sflag:s15] =	ssyncset.done $0x0  }
0xd9: {  	[sflag:s15] =	ssyncadd.s32 $0xFFFFE000  }
0xda: {  	[tilespmem:s14], [sflag:$0x1] =	stream.indirect.gather [hbm4b:s4+s16], $0x40, s9, s16, $0xb8;
	[tilespmem:$0x14000] =	vst v63  }
0xdb: {  	_ = 	snop  }
0xdc: {  	[tilespmem:s18], [sflag:$0x2] =	stream.indirect.gather [hbm4b:s4+s16], $0x40, s17, s16, $0xb8;
	[tilespmem:$0x14000] =	vst v63  }
.Ltmp3:
0xdd: {  	_ = 	snop;
	(pc) =	sbr.rel @p0 .LBB2_9-.Ltmp3, $4  }
0xde: {  	_ = 	snop  }
0xdf: {  	[tilespmem:s20], [sflag:$0x3] =	stream.indirect.gather [hbm4b:s4+s16], $0x40, s19, s16, $0xb8;
	[tilespmem:$0x14000] =	vst v63  }
0xe0: {  	_ = 	snop  }
0xe1: {  	[tilespmem:s24], [sflag:$0x4] =	stream.indirect.gather [hbm4b:s4+s16], $0x40, s21, s16, $0xb8;
	[tilespmem:$0x14000] =	vst v63  }
0xe2: {  	_ =	swait.ge [sflag:s26], $0x2000  }
0xe3: {  	[sflag:s26] =	ssyncset.done $0x0  }
0xe4: {  	s7 =	simm.s32 $0x80;
	[sflag:s26] =	ssyncadd.s32 $0xFFFFE000  }
0xe5: {  	[spmem:s2] =	stream.indirect.scatter.add.f32 [tilespmem:s14], [sflag:$0x5], $0x40, s7, s16, $0xb8;
	[tilespmem:$0x14000] =	vst v63  }
0xe6: {  	_ =	swait.ge [sflag:s15], $0x2000  }
0xe7: {  	[sflag:s15] =	ssyncset.done $0x0  }
0xe8: {  	s8 =	simm.s32 $0x400;
	[sflag:s15] =	ssyncadd.s32 $0xFFFFE000  }
0xe9: {  	[tilespmem:s14], [sflag:$0x1] =	stream.indirect.gather [hbm4b:s4+s16], $0x40, s8, s16, $0xb8;
	[tilespmem:$0x14000] =	vst v63  }
0xea: {  	_ =	swait.ge [sflag:s28], $0x2000  }
0xeb: {  	[sflag:s28] =	ssyncset.done $0x0  }
0xec: {  	s9 =	simm.s32 $0x180;
	[sflag:s28] =	ssyncadd.s32 $0xFFFFE000  }
0xed: {  	[spmem:s2] =	stream.indirect.scatter.add.f32 [tilespmem:s18], [sflag:$0x5], $0x40, s9, s16, $0xb8;
	[tilespmem:$0x14000] =	vst v63  }
0xee: {  	_ =	swait.ge [sflag:s15], $0x2000  }
0xef: {  	[sflag:s15] =	ssyncset.done $0x0  }
0xf0: {  	s8 =	simm.s32 $0x500;
	[sflag:s15] =	ssyncadd.s32 $0xFFFFE000  }
0xf1: {  	[tilespmem:s18], [sflag:$0x2] =	stream.indirect.gather [hbm4b:s4+s16], $0x40, s8, s16, $0xb8;
	[tilespmem:$0x14000] =	vst v63  }
0xf2: {  	_ =	swait.ge [sflag:s29], $0x2000  }
0xf3: {  	[sflag:s29] =	ssyncset.done $0x0  }
0xf4: {  	s9 =	simm.s32 $0x280;
	[sflag:s29] =	ssyncadd.s32 $0xFFFFE000  }
0xf5: {  	[spmem:s2] =	stream.indirect.scatter.add.f32 [tilespmem:s20], [sflag:$0x5], $0x40, s9, s16, $0xb8;
	[tilespmem:$0x14000] =	vst v63  }
0xf6: {  	_ =	swait.ge [sflag:s15], $0x2000  }
0xf7: {  	[sflag:s15] =	ssyncset.done $0x0  }
0xf8: {  	s8 =	simm.s32 $0x600;
	[sflag:s15] =	ssyncadd.s32 $0xFFFFE000  }
0xf9: {  	[tilespmem:s20], [sflag:$0x3] =	stream.indirect.gather [hbm4b:s4+s16], $0x40, s8, s16, $0xb8;
	[tilespmem:$0x14000] =	vst v63  }
0xfa: {  	_ =	swait.ge [sflag:s30], $0x2000  }
0xfb: {  	[sflag:s30] =	ssyncset.done $0x0  }
0xfc: {  	s9 =	simm.s32 $0x380;
	[sflag:s30] =	ssyncadd.s32 $0xFFFFE000  }
0xfd: {  	[spmem:s2] =	stream.indirect.scatter.add.f32 [tilespmem:s24], [sflag:$0x5], $0x40, s9, s16, $0xb8;
	[tilespmem:$0x14000] =	vst v63  }
0xfe: {  	_ =	swait.ge [sflag:s15], $0x2000  }
0xff: {  	[sflag:s15] =	ssyncset.done $0x0  }
0x100: {  	s7 =	simm.s32 $0x1000;
	s8 =	simm.s32 $0x700;
	[sflag:s15] =	ssyncadd.s32 $0xFFFFE000  }
.LBB2_5:
0x101: {  	[tilespmem:s24], [sflag:$0x4] =	stream.indirect.gather [hbm4b:s4+s16], $0x40, s8, s16, $0xb8;
	[tilespmem:$0x14000] =	vst v63  }
0x102: {  	s8 =	smov.u32 s7  }
0x103: {  	p2 =	sne.s32 s7, $0x6000;
	s7 =	sadd.s32 $0x1000, s7;
	_ =	swait.ge [sflag:s26], $0x2000  }
0x104: {  	s8 =	sshra.s32 s8, $0x2;
	[sflag:s26] =	ssyncset.done $0x0  }
0x105: {  	s9 =	sadd.s32 $0x80, s8;
	[sflag:s26] =	ssyncadd.s32 $0xFFFFE000  }
0x106: {  	[spmem:s2] =	stream.indirect.scatter.add.f32 [tilespmem:s14], [sflag:$0x5], $0x40, s9, s16, $0xb8;
	[tilespmem:$0x14000] =	vst v63  }
0x107: {  	_ =	swait.ge [sflag:s15], $0x2000  }
0x108: {  	[sflag:s15] =	ssyncset.done $0x0  }
0x109: {  	s9 =	sadd.s32 $0x400, s8;
	[sflag:s15] =	ssyncadd.s32 $0xFFFFE000  }
0x10a: {  	[tilespmem:s14], [sflag:$0x1] =	stream.indirect.gather [hbm4b:s4+s16], $0x40, s9, s16, $0xb8;
	[tilespmem:$0x14000] =	vst v63  }
0x10b: {  	_ =	swait.ge [sflag:s28], $0x2000  }
0x10c: {  	[sflag:s28] =	ssyncset.done $0x0  }
0x10d: {  	s9 =	sadd.s32 $0x180, s8;
	[sflag:s28] =	ssyncadd.s32 $0xFFFFE000  }
0x10e: {  	[spmem:s2] =	stream.indirect.scatter.add.f32 [tilespmem:s18], [sflag:$0x5], $0x40, s9, s16, $0xb8;
	[tilespmem:$0x14000] =	vst v63  }
0x10f: {  	_ =	swait.ge [sflag:s15], $0x2000  }
0x110: {  	[sflag:s15] =	ssyncset.done $0x0  }
0x111: {  	s9 =	sadd.s32 $0x500, s8;
	[sflag:s15] =	ssyncadd.s32 $0xFFFFE000  }
0x112: {  	[tilespmem:s18], [sflag:$0x2] =	stream.indirect.gather [hbm4b:s4+s16], $0x40, s9, s16, $0xb8;
	[tilespmem:$0x14000] =	vst v63  }
0x113: {  	_ =	swait.ge [sflag:s29], $0x2000  }
0x114: {  	[sflag:s29] =	ssyncset.done $0x0  }
0x115: {  	s9 =	sadd.s32 $0x280, s8;
	[sflag:s29] =	ssyncadd.s32 $0xFFFFE000  }
0x116: {  	[spmem:s2] =	stream.indirect.scatter.add.f32 [tilespmem:s20], [sflag:$0x5], $0x40, s9, s16, $0xb8;
	[tilespmem:$0x14000] =	vst v63  }
0x117: {  	_ =	swait.ge [sflag:s15], $0x2000  }
0x118: {  	[sflag:s15] =	ssyncset.done $0x0  }
0x119: {  	s9 =	sadd.s32 $0x600, s8;
	[sflag:s15] =	ssyncadd.s32 $0xFFFFE000  }
0x11a: {  	[tilespmem:s20], [sflag:$0x3] =	stream.indirect.gather [hbm4b:s4+s16], $0x40, s9, s16, $0xb8;
	[tilespmem:$0x14000] =	vst v63  }
0x11b: {  	_ =	swait.ge [sflag:s30], $0x2000  }
0x11c: {  	[sflag:s30] =	ssyncset.done $0x0  }
.Ltmp4:
0x11d: {  	s9 =	sadd.s32 $0x380, s8;
	[sflag:s30] =	ssyncadd.s32 $0xFFFFE000;
	(pc) =	sbr.rel @p2 .LBB2_5-.Ltmp4, $4  }
0x11e: {  	[spmem:s2] =	stream.indirect.scatter.add.f32 [tilespmem:s24], [sflag:$0x5], $0x40, s9, s16, $0xb8;
	[tilespmem:$0x14000] =	vst v63  }
0x11f: {  	_ =	swait.ge [sflag:s15], $0x2000  }
0x120: {  	[sflag:s15] =	ssyncset.done $0x0  }
0x121: {  	s8 =	sadd.s32 $0x700, s8;
	[sflag:s15] =	ssyncadd.s32 $0xFFFFE000  }
0x122: {  	[tilespmem:s24], [sflag:$0x4] =	stream.indirect.gather [hbm4b:s4+s16], $0x40, s8, s16, $0xb8;
	[tilespmem:$0x14000] =	vst v63  }
0x123: {  	_ =	swait.ge [sflag:s26], $0x2000  }
0x124: {  	[sflag:s26] =	ssyncset.done $0x0  }
0x125: {  	[sflag:s26] =	ssyncadd.s32 $0xFFFFE000  }
0x126: {  	[spmem:s2] =	stream.indirect.scatter.add.f32 [tilespmem:s14], [sflag:$0x5], $0x40, s31, s16, $0xb8;
	[tilespmem:$0x14000] =	vst v63  }
0x127: {  	_ =	swait.ge [sflag:s15], $0x2000  }
0x128: {  	[sflag:s15] =	ssyncset.done $0x0  }
0x129: {  	[sflag:s15] =	ssyncadd.s32 $0xFFFFE000  }
0x12a: {  	_ =	swait.ge [sflag:s28], $0x2000  }
0x12b: {  	[sflag:s28] =	ssyncset.done $0x0  }
0x12c: {  	[sflag:s28] =	ssyncadd.s32 $0xFFFFE000  }
0x12d: {  	[spmem:s2] =	stream.indirect.scatter.add.f32 [tilespmem:s18], [sflag:$0x5], $0x40, s1, s16, $0xb8;
	[tilespmem:$0x14000] =	vst v63  }
0x12e: {  	_ =	swait.ge [sflag:s15], $0x2000  }
0x12f: {  	[sflag:s15] =	ssyncset.done $0x0  }
0x130: {  	[sflag:s15] =	ssyncadd.s32 $0xFFFFE000  }
0x131: {  	_ =	swait.ge [sflag:s29], $0x2000  }
0x132: {  	[sflag:s29] =	ssyncset.done $0x0  }
0x133: {  	[sflag:s29] =	ssyncadd.s32 $0xFFFFE000  }
0x134: {  	[spmem:s2] =	stream.indirect.scatter.add.f32 [tilespmem:s20], [sflag:$0x5], $0x40, s0, s16, $0xb8;
	[tilespmem:$0x14000] =	vst v63  }
0x135: {  	_ =	swait.ge [sflag:s15], $0x2000  }
0x136: {  	[sflag:s15] =	ssyncset.done $0x0  }
0x137: {  	[sflag:s15] =	ssyncadd.s32 $0xFFFFE000  }
0x138: {  	_ =	swait.ge [sflag:s30], $0x2000  }
0x139: {  	[sflag:s30] =	ssyncset.done $0x0  }
0x13a: {  	[sflag:s30] =	ssyncadd.s32 $0xFFFFE000  }
0x13b: {  	[spmem:s2] =	stream.indirect.scatter.add.f32 [tilespmem:s24], [sflag:$0x5], $0x40, s3, s16, $0xb8;
	[tilespmem:$0x14000] =	vst v63  }
0x13c: {  	_ =	swait.ge [sflag:s15], $0x2000  }
0x13d: {  	[sflag:s15] =	ssyncset.done $0x0  }
0x13e: {  	s7 =	simm.s32 $0x0;
	[sflag:s15] =	ssyncadd.s32 $0xFFFFE000  }
0x13f: {  	[tilespmem:s7], [sflag:$0x5] =	stream.linear.gather [hbm4b:s11+s7], $0x2000, $0x38;
	[tilespmem:$0x14000] =	vst v63  }
0x140: {  	_ =	swait.ge [sflag:s15], $0x2000  }
0x141: {  	[sflag:s15] =	ssyncset.done $0x0  }
0x142: {  	[sflag:s15] =	ssyncadd.s32 $0xFFFFE000  }
0x143: {  	[tilespmem:s14], [sflag:$0x1] =	stream.indirect.gather [hbm4b:s4+s16], $0x40, s7, s16, $0xb8;
	[tilespmem:$0x14000] =	vst v63  }
0x144: {  	_ = 	snop  }
0x145: {  	[tilespmem:s18], [sflag:$0x2] =	stream.indirect.gather [hbm4b:s4+s16], $0x40, s17, s16, $0xb8;
	[tilespmem:$0x14000] =	vst v63  }
0x146: {  	_ = 	snop  }
0x147: {  	[tilespmem:s20], [sflag:$0x3] =	stream.indirect.gather [hbm4b:s4+s16], $0x40, s19, s16, $0xb8;
	[tilespmem:$0x14000] =	vst v63  }
0x148: {  	_ = 	snop  }
0x149: {  	[tilespmem:s24], [sflag:$0x4] =	stream.indirect.gather [hbm4b:s4+s16], $0x40, s21, s16, $0xb8;
	[tilespmem:$0x14000] =	vst v63  }
0x14a: {  	_ =	swait.ge [sflag:s26], $0x2000  }
0x14b: {  	[sflag:s26] =	ssyncset.done $0x0  }
0x14c: {  	s9 =	simm.s32 $0x80;
	[sflag:s26] =	ssyncadd.s32 $0xFFFFE000  }
0x14d: {  	[spmem:s2] =	stream.indirect.scatter.add.f32 [tilespmem:s14], [sflag:$0x5], $0x40, s9, s16, $0xb8;
	[tilespmem:$0x14000] =	vst v63  }
0x14e: {  	_ =	swait.ge [sflag:s15], $0x2000  }
0x14f: {  	[sflag:s15] =	ssyncset.done $0x0  }
0x150: {  	s8 =	simm.s32 $0x400;
	[sflag:s15] =	ssyncadd.s32 $0xFFFFE000  }
0x151: {  	[tilespmem:s14], [sflag:$0x1] =	stream.indirect.gather [hbm4b:s4+s16], $0x40, s8, s16, $0xb8;
	[tilespmem:$0x14000] =	vst v63  }
0x152: {  	_ =	swait.ge [sflag:s28], $0x2000  }
0x153: {  	[sflag:s28] =	ssyncset.done $0x0  }
0x154: {  	s9 =	simm.s32 $0x180;
	[sflag:s28] =	ssyncadd.s32 $0xFFFFE000  }
0x155: {  	[spmem:s2] =	stream.indirect.scatter.add.f32 [tilespmem:s18], [sflag:$0x5], $0x40, s9, s16, $0xb8;
	[tilespmem:$0x14000] =	vst v63  }
0x156: {  	_ =	swait.ge [sflag:s15], $0x2000  }
0x157: {  	[sflag:s15] =	ssyncset.done $0x0  }
0x158: {  	s8 =	simm.s32 $0x500;
	[sflag:s15] =	ssyncadd.s32 $0xFFFFE000  }
0x159: {  	[tilespmem:s18], [sflag:$0x2] =	stream.indirect.gather [hbm4b:s4+s16], $0x40, s8, s16, $0xb8;
	[tilespmem:$0x14000] =	vst v63  }
0x15a: {  	_ =	swait.ge [sflag:s29], $0x2000  }
0x15b: {  	[sflag:s29] =	ssyncset.done $0x0  }
0x15c: {  	s9 =	simm.s32 $0x280;
	[sflag:s29] =	ssyncadd.s32 $0xFFFFE000  }
0x15d: {  	[spmem:s2] =	stream.indirect.scatter.add.f32 [tilespmem:s20], [sflag:$0x5], $0x40, s9, s16, $0xb8;
	[tilespmem:$0x14000] =	vst v63  }
0x15e: {  	_ =	swait.ge [sflag:s15], $0x2000  }
0x15f: {  	[sflag:s15] =	ssyncset.done $0x0  }
0x160: {  	s8 =	simm.s32 $0x600;
	[sflag:s15] =	ssyncadd.s32 $0xFFFFE000  }
0x161: {  	[tilespmem:s20], [sflag:$0x3] =	stream.indirect.gather [hbm4b:s4+s16], $0x40, s8, s16, $0xb8;
	[tilespmem:$0x14000] =	vst v63  }
0x162: {  	_ =	swait.ge [sflag:s30], $0x2000  }
0x163: {  	[sflag:s30] =	ssyncset.done $0x0  }
0x164: {  	s9 =	simm.s32 $0x380;
	[sflag:s30] =	ssyncadd.s32 $0xFFFFE000  }
0x165: {  	[spmem:s2] =	stream.indirect.scatter.add.f32 [tilespmem:s24], [sflag:$0x5], $0x40, s9, s16, $0xb8;
	[tilespmem:$0x14000] =	vst v63  }
0x166: {  	_ =	swait.ge [sflag:s15], $0x2000  }
0x167: {  	[sflag:s15] =	ssyncset.done $0x0  }
0x168: {  	s7 =	simm.s32 $0x1000;
	s8 =	simm.s32 $0x700;
	[sflag:s15] =	ssyncadd.s32 $0xFFFFE000  }
.LBB2_7:
0x169: {  	[tilespmem:s24], [sflag:$0x4] =	stream.indirect.gather [hbm4b:s4+s16], $0x40, s8, s16, $0xb8;
	[tilespmem:$0x14000] =	vst v63  }
0x16a: {  	s8 =	smov.u32 s7  }
0x16b: {  	p2 =	sne.s32 s7, $0x6000;
	s7 =	sadd.s32 $0x1000, s7;
	_ =	swait.ge [sflag:s26], $0x2000  }
0x16c: {  	s8 =	sshra.s32 s8, $0x2;
	[sflag:s26] =	ssyncset.done $0x0  }
0x16d: {  	s9 =	sadd.s32 $0x80, s8;
	[sflag:s26] =	ssyncadd.s32 $0xFFFFE000  }
0x16e: {  	[spmem:s2] =	stream.indirect.scatter.add.f32 [tilespmem:s14], [sflag:$0x5], $0x40, s9, s16, $0xb8;
	[tilespmem:$0x14000] =	vst v63  }
0x16f: {  	_ =	swait.ge [sflag:s15], $0x2000  }
0x170: {  	[sflag:s15] =	ssyncset.done $0x0  }
0x171: {  	s9 =	sadd.s32 $0x400, s8;
	[sflag:s15] =	ssyncadd.s32 $0xFFFFE000  }
0x172: {  	[tilespmem:s14], [sflag:$0x1] =	stream.indirect.gather [hbm4b:s4+s16], $0x40, s9, s16, $0xb8;
	[tilespmem:$0x14000] =	vst v63  }
0x173: {  	_ =	swait.ge [sflag:s28], $0x2000  }
0x174: {  	[sflag:s28] =	ssyncset.done $0x0  }
0x175: {  	s9 =	sadd.s32 $0x180, s8;
	[sflag:s28] =	ssyncadd.s32 $0xFFFFE000  }
0x176: {  	[spmem:s2] =	stream.indirect.scatter.add.f32 [tilespmem:s18], [sflag:$0x5], $0x40, s9, s16, $0xb8;
	[tilespmem:$0x14000] =	vst v63  }
0x177: {  	_ =	swait.ge [sflag:s15], $0x2000  }
0x178: {  	[sflag:s15] =	ssyncset.done $0x0  }
0x179: {  	s9 =	sadd.s32 $0x500, s8;
	[sflag:s15] =	ssyncadd.s32 $0xFFFFE000  }
0x17a: {  	[tilespmem:s18], [sflag:$0x2] =	stream.indirect.gather [hbm4b:s4+s16], $0x40, s9, s16, $0xb8;
	[tilespmem:$0x14000] =	vst v63  }
0x17b: {  	_ =	swait.ge [sflag:s29], $0x2000  }
0x17c: {  	[sflag:s29] =	ssyncset.done $0x0  }
0x17d: {  	s9 =	sadd.s32 $0x280, s8;
	[sflag:s29] =	ssyncadd.s32 $0xFFFFE000  }
0x17e: {  	[spmem:s2] =	stream.indirect.scatter.add.f32 [tilespmem:s20], [sflag:$0x5], $0x40, s9, s16, $0xb8;
	[tilespmem:$0x14000] =	vst v63  }
0x17f: {  	_ =	swait.ge [sflag:s15], $0x2000  }
0x180: {  	[sflag:s15] =	ssyncset.done $0x0  }
0x181: {  	s9 =	sadd.s32 $0x600, s8;
	[sflag:s15] =	ssyncadd.s32 $0xFFFFE000  }
0x182: {  	[tilespmem:s20], [sflag:$0x3] =	stream.indirect.gather [hbm4b:s4+s16], $0x40, s9, s16, $0xb8;
	[tilespmem:$0x14000] =	vst v63  }
0x183: {  	_ =	swait.ge [sflag:s30], $0x2000  }
0x184: {  	[sflag:s30] =	ssyncset.done $0x0  }
.Ltmp5:
0x185: {  	s9 =	sadd.s32 $0x380, s8;
	[sflag:s30] =	ssyncadd.s32 $0xFFFFE000;
	(pc) =	sbr.rel @p2 .LBB2_7-.Ltmp5, $4  }
0x186: {  	[spmem:s2] =	stream.indirect.scatter.add.f32 [tilespmem:s24], [sflag:$0x5], $0x40, s9, s16, $0xb8;
	[tilespmem:$0x14000] =	vst v63  }
0x187: {  	_ =	swait.ge [sflag:s15], $0x2000  }
0x188: {  	[sflag:s15] =	ssyncset.done $0x0  }
0x189: {  	s8 =	sadd.s32 $0x700, s8;
	[sflag:s15] =	ssyncadd.s32 $0xFFFFE000  }
0x18a: {  	[tilespmem:s24], [sflag:$0x4] =	stream.indirect.gather [hbm4b:s4+s16], $0x40, s8, s16, $0xb8;
	[tilespmem:$0x14000] =	vst v63  }
0x18b: {  	_ =	swait.ge [sflag:s26], $0x2000  }
0x18c: {  	[sflag:s26] =	ssyncset.done $0x0  }
0x18d: {  	[sflag:s26] =	ssyncadd.s32 $0xFFFFE000  }
0x18e: {  	[spmem:s2] =	stream.indirect.scatter.add.f32 [tilespmem:s14], [sflag:$0x5], $0x40, s31, s16, $0xb8;
	[tilespmem:$0x14000] =	vst v63  }
0x18f: {  	_ =	swait.ge [sflag:s15], $0x2000  }
0x190: {  	[sflag:s15] =	ssyncset.done $0x0  }
0x191: {  	[sflag:s15] =	ssyncadd.s32 $0xFFFFE000  }
0x192: {  	_ =	swait.ge [sflag:s28], $0x2000  }
0x193: {  	[sflag:s28] =	ssyncset.done $0x0  }
0x194: {  	[sflag:s28] =	ssyncadd.s32 $0xFFFFE000  }
0x195: {  	[spmem:s2] =	stream.indirect.scatter.add.f32 [tilespmem:s18], [sflag:$0x5], $0x40, s1, s16, $0xb8;
	[tilespmem:$0x14000] =	vst v63  }
0x196: {  	_ =	swait.ge [sflag:s15], $0x2000  }
0x197: {  	[sflag:s15] =	ssyncset.done $0x0  }
0x198: {  	[sflag:s15] =	ssyncadd.s32 $0xFFFFE000  }
0x199: {  	_ =	swait.ge [sflag:s29], $0x2000  }
0x19a: {  	[sflag:s29] =	ssyncset.done $0x0  }
0x19b: {  	[sflag:s29] =	ssyncadd.s32 $0xFFFFE000  }
0x19c: {  	[spmem:s2] =	stream.indirect.scatter.add.f32 [tilespmem:s20], [sflag:$0x5], $0x40, s0, s16, $0xb8;
	[tilespmem:$0x14000] =	vst v63  }
0x19d: {  	_ =	swait.ge [sflag:s15], $0x2000  }
0x19e: {  	[sflag:s15] =	ssyncset.done $0x0  }
0x19f: {  	[sflag:s15] =	ssyncadd.s32 $0xFFFFE000  }
0x1a0: {  	_ =	swait.ge [sflag:s30], $0x2000  }
0x1a1: {  	[sflag:s30] =	ssyncset.done $0x0  }
0x1a2: {  	[sflag:s30] =	ssyncadd.s32 $0xFFFFE000  }
0x1a3: {  	[spmem:s2] =	stream.indirect.scatter.add.f32 [tilespmem:s24], [sflag:$0x5], $0x40, s3, s16, $0xb8;
	[tilespmem:$0x14000] =	vst v63  }
0x1a4: {  	_ =	swait.ge [sflag:s15], $0x2000  }
0x1a5: {  	[sflag:s15] =	ssyncset.done $0x0  }
0x1a6: {  	s7 =	simm.s32 $0x0;
	[sflag:s15] =	ssyncadd.s32 $0xFFFFE000  }
0x1a7: {  	[tilespmem:s7], [sflag:$0x5] =	stream.linear.gather [hbm4b:s12+s7], $0xF00, $0x38;
	[tilespmem:$0x14000] =	vst v63  }
0x1a8: {  	_ =	swait.ge [sflag:s15], $0xF00  }
0x1a9: {  	[sflag:s15] =	ssyncset.done $0x0  }
0x1aa: {  	[sflag:s15] =	ssyncadd.s32 $0xFFFFF100  }
0x1ab: {  	[tilespmem:s14], [sflag:$0x1] =	stream.indirect.gather [hbm4b:s4+s16], $0x40, s7, s16, $0xb8;
	[tilespmem:$0x14000] =	vst v63  }
0x1ac: {  	_ = 	snop  }
0x1ad: {  	[tilespmem:s18], [sflag:$0x2] =	stream.indirect.gather [hbm4b:s4+s16], $0x40, s17, s16, $0xb8;
	[tilespmem:$0x14000] =	vst v63  }
0x1ae: {  	_ = 	snop  }
0x1af: {  	[tilespmem:s20], [sflag:$0x3] =	stream.indirect.gather [hbm4b:s4+s16], $0x40, s19, s16, $0xb8;
	[tilespmem:$0x14000] =	vst v63  }
0x1b0: {  	_ = 	snop  }
0x1b1: {  	[tilespmem:s24], [sflag:$0x4] =	stream.indirect.gather [hbm4b:s4+s16], $0x40, s21, s16, $0xb8;
	[tilespmem:$0x14000] =	vst v63  }
0x1b2: {  	_ =	swait.ge [sflag:s26], $0x2000  }
0x1b3: {  	[sflag:s26] =	ssyncset.done $0x0  }
0x1b4: {  	[sflag:s26] =	ssyncadd.s32 $0xFFFFE000  }
0x1b5: {  	[spmem:s2] =	stream.indirect.scatter.add.f32 [tilespmem:s14], [sflag:$0x5], $0x40, s16, s16, $0xb8;
	[tilespmem:$0x14000] =	vst v63  }
0x1b6: {  	_ =	swait.ge [sflag:s15], $0x2000  }
0x1b7: {  	[sflag:s15] =	ssyncset.done $0x0  }
0x1b8: {  	s9 =	simm.s32 $0x400;
	[sflag:s15] =	ssyncadd.s32 $0xFFFFE000  }
0x1b9: {  	[tilespmem:s14], [sflag:$0x1] =	stream.indirect.gather [hbm4b:s4+s16], $0x40, s9, s16, $0xb8;
	[tilespmem:$0x14000] =	vst v63  }
0x1ba: {  	_ =	swait.ge [sflag:s28], $0x2000  }
0x1bb: {  	[sflag:s28] =	ssyncset.done $0x0  }
0x1bc: {  	s8 =	simm.s32 $0x180;
	[sflag:s28] =	ssyncadd.s32 $0xFFFFE000  }
0x1bd: {  	[spmem:s2] =	stream.indirect.scatter.add.f32 [tilespmem:s18], [sflag:$0x5], $0x40, s8, s16, $0xb8;
	[tilespmem:$0x14000] =	vst v63  }
0x1be: {  	_ =	swait.ge [sflag:s15], $0x2000  }
0x1bf: {  	[sflag:s15] =	ssyncset.done $0x0  }
0x1c0: {  	s9 =	simm.s32 $0x500;
	[sflag:s15] =	ssyncadd.s32 $0xFFFFE000  }
0x1c1: {  	[tilespmem:s18], [sflag:$0x2] =	stream.indirect.gather [hbm4b:s4+s16], $0x40, s9, s16, $0xb8;
	[tilespmem:$0x14000] =	vst v63  }
0x1c2: {  	_ =	swait.ge [sflag:s29], $0x2000  }
0x1c3: {  	[sflag:s29] =	ssyncset.done $0x0  }
0x1c4: {  	s8 =	simm.s32 $0x280;
	[sflag:s29] =	ssyncadd.s32 $0xFFFFE000  }
0x1c5: {  	[spmem:s2] =	stream.indirect.scatter.add.f32 [tilespmem:s20], [sflag:$0x5], $0x40, s8, s16, $0xb8;
	[tilespmem:$0x14000] =	vst v63  }
0x1c6: {  	_ =	swait.ge [sflag:s15], $0x2000  }
0x1c7: {  	[sflag:s15] =	ssyncset.done $0x0  }
0x1c8: {  	s9 =	simm.s32 $0x600;
	[sflag:s15] =	ssyncadd.s32 $0xFFFFE000  }
0x1c9: {  	[tilespmem:s20], [sflag:$0x3] =	stream.indirect.gather [hbm4b:s4+s16], $0x40, s9, s16, $0xb8;
	[tilespmem:$0x14000] =	vst v63  }
0x1ca: {  	_ =	swait.ge [sflag:s30], $0x2000  }
0x1cb: {  	[sflag:s30] =	ssyncset.done $0x0  }
0x1cc: {  	s8 =	simm.s32 $0x380;
	[sflag:s30] =	ssyncadd.s32 $0xFFFFE000  }
0x1cd: {  	[spmem:s2] =	stream.indirect.scatter.add.f32 [tilespmem:s24], [sflag:$0x5], $0x40, s8, s16, $0xb8;
	[tilespmem:$0x14000] =	vst v63  }
0x1ce: {  	_ =	swait.ge [sflag:s15], $0x2000  }
0x1cf: {  	[sflag:s15] =	ssyncset.done $0x0  }
0x1d0: {  	s9 =	simm.s32 $0x700;
	[sflag:s15] =	ssyncadd.s32 $0xFFFFE000  }
0x1d1: {  	[tilespmem:s24], [sflag:$0x4] =	stream.indirect.gather [hbm4b:s4+s16], $0x40, s9, s16, $0xb8;
	[tilespmem:$0x14000] =	vst v63  }
0x1d2: {  	_ =	swait.ge [sflag:s26], $0x2000  }
0x1d3: {  	[sflag:s26] =	ssyncset.done $0x0  }
0x1d4: {  	s8 =	simm.s32 $0x480;
	[sflag:s26] =	ssyncadd.s32 $0xFFFFE000  }
0x1d5: {  	[spmem:s2] =	stream.indirect.scatter.add.f32 [tilespmem:s14], [sflag:$0x5], $0x40, s8, s16, $0xb8;
	[tilespmem:$0x14000] =	vst v63  }
0x1d6: {  	_ =	swait.ge [sflag:s15], $0x2000  }
0x1d7: {  	[sflag:s15] =	ssyncset.done $0x0  }
0x1d8: {  	s9 =	simm.s32 $0x800;
	[sflag:s15] =	ssyncadd.s32 $0xFFFFE000  }
0x1d9: {  	[tilespmem:s14], [sflag:$0x1] =	stream.indirect.gather [hbm4b:s4+s16], $0x40, s9, s16, $0xb8;
	[tilespmem:$0x14000] =	vst v63  }
0x1da: {  	_ =	swait.ge [sflag:s28], $0x2000  }
0x1db: {  	[sflag:s28] =	ssyncset.done $0x0  }
0x1dc: {  	s8 =	simm.s32 $0x580;
	[sflag:s28] =	ssyncadd.s32 $0xFFFFE000  }
0x1dd: {  	[spmem:s2] =	stream.indirect.scatter.add.f32 [tilespmem:s18], [sflag:$0x5], $0x40, s8, s16, $0xb8;
	[tilespmem:$0x14000] =	vst v63  }
0x1de: {  	_ =	swait.ge [sflag:s15], $0x2000  }
0x1df: {  	[sflag:s15] =	ssyncset.done $0x0  }
0x1e0: {  	s9 =	simm.s32 $0x900;
	[sflag:s15] =	ssyncadd.s32 $0xFFFFE000  }
0x1e1: {  	[tilespmem:s18], [sflag:$0x2] =	stream.indirect.gather [hbm4b:s4+s16], $0x40, s9, s16, $0xb8;
	[tilespmem:$0x14000] =	vst v63  }
0x1e2: {  	_ =	swait.ge [sflag:s29], $0x2000  }
0x1e3: {  	[sflag:s29] =	ssyncset.done $0x0  }
0x1e4: {  	s8 =	simm.s32 $0x680;
	[sflag:s29] =	ssyncadd.s32 $0xFFFFE000  }
0x1e5: {  	[spmem:s2] =	stream.indirect.scatter.add.f32 [tilespmem:s20], [sflag:$0x5], $0x40, s8, s16, $0xb8;
	[tilespmem:$0x14000] =	vst v63  }
0x1e6: {  	_ =	swait.ge [sflag:s15], $0x2000  }
0x1e7: {  	[sflag:s15] =	ssyncset.done $0x0  }
0x1e8: {  	s9 =	simm.s32 $0xA00;
	[sflag:s15] =	ssyncadd.s32 $0xFFFFE000  }
0x1e9: {  	[tilespmem:s20], [sflag:$0x3] =	stream.indirect.gather [hbm4b:s4+s16], $0x40, s9, s16, $0xb8;
	[tilespmem:$0x14000] =	vst v63  }
0x1ea: {  	_ =	swait.ge [sflag:s30], $0x2000  }
0x1eb: {  	[sflag:s30] =	ssyncset.done $0x0  }
0x1ec: {  	s8 =	simm.s32 $0x780;
	[sflag:s30] =	ssyncadd.s32 $0xFFFFE000  }
0x1ed: {  	[spmem:s2] =	stream.indirect.scatter.add.f32 [tilespmem:s24], [sflag:$0x5], $0x40, s8, s16, $0xb8;
	[tilespmem:$0x14000] =	vst v63  }
0x1ee: {  	_ =	swait.ge [sflag:s15], $0x2000  }
0x1ef: {  	[sflag:s15] =	ssyncset.done $0x0  }
0x1f0: {  	s9 =	simm.s32 $0xB00;
	[sflag:s15] =	ssyncadd.s32 $0xFFFFE000  }
0x1f1: {  	[tilespmem:s24], [sflag:$0x4] =	stream.indirect.gather [hbm4b:s4+s16], $0x40, s9, s16, $0xb8;
	[tilespmem:$0x14000] =	vst v63  }
0x1f2: {  	_ =	swait.ge [sflag:s26], $0x2000  }
0x1f3: {  	[sflag:s26] =	ssyncset.done $0x0  }
0x1f4: {  	s8 =	simm.s32 $0x880;
	[sflag:s26] =	ssyncadd.s32 $0xFFFFE000  }
0x1f5: {  	[spmem:s2] =	stream.indirect.scatter.add.f32 [tilespmem:s14], [sflag:$0x5], $0x40, s8, s16, $0xb8;
	[tilespmem:$0x14000] =	vst v63  }
0x1f6: {  	_ =	swait.ge [sflag:s15], $0x2000  }
0x1f7: {  	[sflag:s15] =	ssyncset.done $0x0  }
0x1f8: {  	s9 =	simm.s32 $0xC00;
	[sflag:s15] =	ssyncadd.s32 $0xFFFFE000  }
0x1f9: {  	[tilespmem:s14], [sflag:$0x1] =	stream.indirect.gather [hbm4b:s4+s16], $0x40, s9, s16, $0xb8;
	[tilespmem:$0x14000] =	vst v63  }
0x1fa: {  	_ =	swait.ge [sflag:s28], $0x2000  }
0x1fb: {  	[sflag:s28] =	ssyncset.done $0x0  }
0x1fc: {  	s8 =	simm.s32 $0x980;
	[sflag:s28] =	ssyncadd.s32 $0xFFFFE000  }
0x1fd: {  	[spmem:s2] =	stream.indirect.scatter.add.f32 [tilespmem:s18], [sflag:$0x5], $0x40, s8, s16, $0xb8;
	[tilespmem:$0x14000] =	vst v63  }
0x1fe: {  	_ =	swait.ge [sflag:s15], $0x2000  }
0x1ff: {  	[sflag:s15] =	ssyncset.done $0x0  }
0x200: {  	s9 =	simm.s32 $0xD00;
	[sflag:s15] =	ssyncadd.s32 $0xFFFFE000  }
0x201: {  	[tilespmem:s18], [sflag:$0x2] =	stream.indirect.gather [hbm4b:s4+s16], $0x40, s9, s16, $0xb8;
	[tilespmem:$0x14000] =	vst v63  }
0x202: {  	_ =	swait.ge [sflag:s29], $0x2000  }
0x203: {  	[sflag:s29] =	ssyncset.done $0x0  }
0x204: {  	s8 =	simm.s32 $0xA80;
	[sflag:s29] =	ssyncadd.s32 $0xFFFFE000  }
0x205: {  	[spmem:s2] =	stream.indirect.scatter.add.f32 [tilespmem:s20], [sflag:$0x5], $0x40, s8, s16, $0xb8;
	[tilespmem:$0x14000] =	vst v63  }
0x206: {  	_ =	swait.ge [sflag:s15], $0x2000  }
0x207: {  	[sflag:s15] =	ssyncset.done $0x0  }
0x208: {  	s9 =	simm.s32 $0xE00;
	[sflag:s15] =	ssyncadd.s32 $0xFFFFE000  }
0x209: {  	[tilespmem:s20], [sflag:$0x3] =	stream.indirect.gather [hbm4b:s4+s16], $0x40, s9, s16, $0xb8;
	[tilespmem:$0x14000] =	vst v63  }
0x20a: {  	_ =	swait.ge [sflag:s30], $0x2000  }
0x20b: {  	[sflag:s30] =	ssyncset.done $0x0  }
0x20c: {  	s8 =	simm.s32 $0xB80;
	[sflag:s30] =	ssyncadd.s32 $0xFFFFE000  }
0x20d: {  	[spmem:s2] =	stream.indirect.scatter.add.f32 [tilespmem:s24], [sflag:$0x5], $0x40, s8, s16, $0xb8;
	[tilespmem:$0x14000] =	vst v63  }
0x20e: {  	_ =	swait.ge [sflag:s15], $0x2000  }
0x20f: {  	[sflag:s15] =	ssyncset.done $0x0  }
0x210: {  	[sflag:s15] =	ssyncadd.s32 $0xFFFFE000  }
0x211: {  	_ =	swait.ge [sflag:s26], $0x2000  }
0x212: {  	[sflag:s26] =	ssyncset.done $0x0  }
0x213: {  	s9 =	simm.s32 $0xC80;
	[sflag:s26] =	ssyncadd.s32 $0xFFFFE000  }
0x214: {  	[spmem:s2] =	stream.indirect.scatter.add.f32 [tilespmem:s14], [sflag:$0x5], $0x40, s9, s16, $0xb8;
	[tilespmem:$0x14000] =	vst v63  }
0x215: {  	_ =	swait.ge [sflag:s15], $0x2000  }
0x216: {  	[sflag:s15] =	ssyncset.done $0x0  }
0x217: {  	[sflag:s15] =	ssyncadd.s32 $0xFFFFE000  }
0x218: {  	_ =	swait.ge [sflag:s28], $0x2000  }
0x219: {  	[sflag:s28] =	ssyncset.done $0x0  }
0x21a: {  	s8 =	simm.s32 $0xD80;
	[sflag:s28] =	ssyncadd.s32 $0xFFFFE000  }
0x21b: {  	[spmem:s2] =	stream.indirect.scatter.add.f32 [tilespmem:s18], [sflag:$0x5], $0x40, s8, s16, $0xb8;
	[tilespmem:$0x14000] =	vst v63  }
0x21c: {  	_ =	swait.ge [sflag:s15], $0x2000  }
0x21d: {  	[sflag:s15] =	ssyncset.done $0x0  }
.Ltmp6:
0x21e: {  	[sflag:s15] =	ssyncadd.s32 $0xFFFFE000;
	(pc) =	sbr.rel .LBB2_14-.Ltmp6, $4  }
0x21f: {  	_ =	swait.ge [sflag:s29], $0x2000  }
0x220: {  	[sflag:s29] =	ssyncset.done $0x0  }
0x221: {  	s9 =	simm.s32 $0xE80;
	[sflag:s29] =	ssyncadd.s32 $0xFFFFE000  }
0x222: {  	[spmem:s2] =	stream.indirect.scatter.add.f32 [tilespmem:s20], [sflag:$0x5], $0x40, s9, s16, $0xb8;
	[tilespmem:$0x14000] =	vst v63  }
.LBB2_9:
0x223: {  	_ =	swait.ge [sflag:s26], $0x2000  }
0x224: {  	[sflag:s26] =	ssyncset.done $0x0  }
0x225: {  	s7 =	simm.s32 $0x80;
	[sflag:s26] =	ssyncadd.s32 $0xFFFFE000  }
0x226: {  	[spmem:s2] =	stream.indirect.scatter.add.f32 [tilespmem:s14], [sflag:$0x5], $0x40, s7, s16, $0xb8;
	[tilespmem:$0x14000] =	vst v63  }
0x227: {  	_ =	swait.ge [sflag:s15], $0x2000  }
0x228: {  	[sflag:s15] =	ssyncset.done $0x0  }
0x229: {  	s8 =	simm.s32 $0x400;
	[sflag:s15] =	ssyncadd.s32 $0xFFFFE000  }
0x22a: {  	[tilespmem:s14], [sflag:$0x1] =	stream.indirect.gather [hbm4b:s4+s16], $0x40, s8, s16, $0xb8;
	[tilespmem:$0x14000] =	vst v63  }
0x22b: {  	_ =	swait.ge [sflag:s28], $0x2000  }
0x22c: {  	[sflag:s28] =	ssyncset.done $0x0  }
0x22d: {  	s9 =	simm.s32 $0x180;
	[sflag:s28] =	ssyncadd.s32 $0xFFFFE000  }
0x22e: {  	[spmem:s2] =	stream.indirect.scatter.add.f32 [tilespmem:s18], [sflag:$0x5], $0x40, s9, s16, $0xb8;
	[tilespmem:$0x14000] =	vst v63  }
0x22f: {  	_ =	swait.ge [sflag:s15], $0x2000  }
0x230: {  	[sflag:s15] =	ssyncset.done $0x0  }
0x231: {  	s8 =	simm.s32 $0x500;
	[sflag:s15] =	ssyncadd.s32 $0xFFFFE000  }
0x232: {  	[tilespmem:s18], [sflag:$0x2] =	stream.indirect.gather [hbm4b:s4+s16], $0x40, s8, s16, $0xb8;
	[tilespmem:$0x14000] =	vst v63  }
0x233: {  	_ =	swait.ge [sflag:s29], $0x2000  }
0x234: {  	[sflag:s29] =	ssyncset.done $0x0  }
0x235: {  	s9 =	simm.s32 $0x280;
	[sflag:s29] =	ssyncadd.s32 $0xFFFFE000  }
0x236: {  	[spmem:s2] =	stream.indirect.scatter.add.f32 [tilespmem:s20], [sflag:$0x5], $0x40, s9, s16, $0xb8;
	[tilespmem:$0x14000] =	vst v63  }
0x237: {  	_ =	swait.ge [sflag:s15], $0x2000  }
0x238: {  	[sflag:s15] =	ssyncset.done $0x0  }
0x239: {  	s8 =	simm.s32 $0x600;
	[sflag:s15] =	ssyncadd.s32 $0xFFFFE000  }
0x23a: {  	[tilespmem:s20], [sflag:$0x3] =	stream.indirect.gather [hbm4b:s4+s16], $0x40, s8, s16, $0xb8;
	[tilespmem:$0x14000] =	vst v63  }
0x23b: {  	_ =	swait.ge [sflag:s30], $0x2000  }
0x23c: {  	[sflag:s30] =	ssyncset.done $0x0  }
0x23d: {  	s9 =	simm.s32 $0x380;
	[sflag:s30] =	ssyncadd.s32 $0xFFFFE000  }
0x23e: {  	[spmem:s2] =	stream.indirect.scatter.add.f32 [tilespmem:s24], [sflag:$0x5], $0x40, s9, s16, $0xb8;
	[tilespmem:$0x14000] =	vst v63  }
0x23f: {  	_ =	swait.ge [sflag:s15], $0x2000  }
0x240: {  	[sflag:s15] =	ssyncset.done $0x0  }
0x241: {  	s7 =	simm.s32 $0x1000;
	s8 =	simm.s32 $0x700;
	[sflag:s15] =	ssyncadd.s32 $0xFFFFE000  }
.LBB2_10:
0x242: {  	[tilespmem:s24], [sflag:$0x4] =	stream.indirect.gather [hbm4b:s4+s16], $0x40, s8, s16, $0xb8;
	[tilespmem:$0x14000] =	vst v63  }
0x243: {  	s8 =	smov.u32 s7  }
0x244: {  	p2 =	sne.s32 s7, $0x6000;
	s7 =	sadd.s32 $0x1000, s7;
	_ =	swait.ge [sflag:s26], $0x2000  }
0x245: {  	s8 =	sshra.s32 s8, $0x2;
	[sflag:s26] =	ssyncset.done $0x0  }
0x246: {  	s9 =	sadd.s32 $0x80, s8;
	[sflag:s26] =	ssyncadd.s32 $0xFFFFE000  }
0x247: {  	[spmem:s2] =	stream.indirect.scatter.add.f32 [tilespmem:s14], [sflag:$0x5], $0x40, s9, s16, $0xb8;
	[tilespmem:$0x14000] =	vst v63  }
0x248: {  	_ =	swait.ge [sflag:s15], $0x2000  }
0x249: {  	[sflag:s15] =	ssyncset.done $0x0  }
0x24a: {  	s9 =	sadd.s32 $0x400, s8;
	[sflag:s15] =	ssyncadd.s32 $0xFFFFE000  }
0x24b: {  	[tilespmem:s14], [sflag:$0x1] =	stream.indirect.gather [hbm4b:s4+s16], $0x40, s9, s16, $0xb8;
	[tilespmem:$0x14000] =	vst v63  }
0x24c: {  	_ =	swait.ge [sflag:s28], $0x2000  }
0x24d: {  	[sflag:s28] =	ssyncset.done $0x0  }
0x24e: {  	s9 =	sadd.s32 $0x180, s8;
	[sflag:s28] =	ssyncadd.s32 $0xFFFFE000  }
0x24f: {  	[spmem:s2] =	stream.indirect.scatter.add.f32 [tilespmem:s18], [sflag:$0x5], $0x40, s9, s16, $0xb8;
	[tilespmem:$0x14000] =	vst v63  }
0x250: {  	_ =	swait.ge [sflag:s15], $0x2000  }
0x251: {  	[sflag:s15] =	ssyncset.done $0x0  }
0x252: {  	s9 =	sadd.s32 $0x500, s8;
	[sflag:s15] =	ssyncadd.s32 $0xFFFFE000  }
0x253: {  	[tilespmem:s18], [sflag:$0x2] =	stream.indirect.gather [hbm4b:s4+s16], $0x40, s9, s16, $0xb8;
	[tilespmem:$0x14000] =	vst v63  }
0x254: {  	_ =	swait.ge [sflag:s29], $0x2000  }
0x255: {  	[sflag:s29] =	ssyncset.done $0x0  }
0x256: {  	s9 =	sadd.s32 $0x280, s8;
	[sflag:s29] =	ssyncadd.s32 $0xFFFFE000  }
0x257: {  	[spmem:s2] =	stream.indirect.scatter.add.f32 [tilespmem:s20], [sflag:$0x5], $0x40, s9, s16, $0xb8;
	[tilespmem:$0x14000] =	vst v63  }
0x258: {  	_ =	swait.ge [sflag:s15], $0x2000  }
0x259: {  	[sflag:s15] =	ssyncset.done $0x0  }
0x25a: {  	s9 =	sadd.s32 $0x600, s8;
	[sflag:s15] =	ssyncadd.s32 $0xFFFFE000  }
0x25b: {  	[tilespmem:s20], [sflag:$0x3] =	stream.indirect.gather [hbm4b:s4+s16], $0x40, s9, s16, $0xb8;
	[tilespmem:$0x14000] =	vst v63  }
0x25c: {  	_ =	swait.ge [sflag:s30], $0x2000  }
0x25d: {  	[sflag:s30] =	ssyncset.done $0x0  }
.Ltmp7:
0x25e: {  	s9 =	sadd.s32 $0x380, s8;
	[sflag:s30] =	ssyncadd.s32 $0xFFFFE000;
	(pc) =	sbr.rel @p2 .LBB2_10-.Ltmp7, $4  }
0x25f: {  	[spmem:s2] =	stream.indirect.scatter.add.f32 [tilespmem:s24], [sflag:$0x5], $0x40, s9, s16, $0xb8;
	[tilespmem:$0x14000] =	vst v63  }
0x260: {  	_ =	swait.ge [sflag:s15], $0x2000  }
0x261: {  	[sflag:s15] =	ssyncset.done $0x0  }
0x262: {  	s8 =	sadd.s32 $0x700, s8;
	[sflag:s15] =	ssyncadd.s32 $0xFFFFE000  }
0x263: {  	[tilespmem:s24], [sflag:$0x4] =	stream.indirect.gather [hbm4b:s4+s16], $0x40, s8, s16, $0xb8;
	[tilespmem:$0x14000] =	vst v63  }
0x264: {  	_ =	swait.ge [sflag:s26], $0x2000  }
0x265: {  	[sflag:s26] =	ssyncset.done $0x0  }
0x266: {  	[sflag:s26] =	ssyncadd.s32 $0xFFFFE000  }
0x267: {  	[spmem:s2] =	stream.indirect.scatter.add.f32 [tilespmem:s14], [sflag:$0x5], $0x40, s31, s16, $0xb8;
	[tilespmem:$0x14000] =	vst v63  }
0x268: {  	_ =	swait.ge [sflag:s15], $0x2000  }
0x269: {  	[sflag:s15] =	ssyncset.done $0x0  }
0x26a: {  	[sflag:s15] =	ssyncadd.s32 $0xFFFFE000  }
0x26b: {  	_ =	swait.ge [sflag:s28], $0x2000  }
0x26c: {  	[sflag:s28] =	ssyncset.done $0x0  }
0x26d: {  	[sflag:s28] =	ssyncadd.s32 $0xFFFFE000  }
0x26e: {  	[spmem:s2] =	stream.indirect.scatter.add.f32 [tilespmem:s18], [sflag:$0x5], $0x40, s1, s16, $0xb8;
	[tilespmem:$0x14000] =	vst v63  }
0x26f: {  	_ =	swait.ge [sflag:s15], $0x2000  }
0x270: {  	[sflag:s15] =	ssyncset.done $0x0  }
0x271: {  	[sflag:s15] =	ssyncadd.s32 $0xFFFFE000  }
0x272: {  	_ =	swait.ge [sflag:s29], $0x2000  }
0x273: {  	[sflag:s29] =	ssyncset.done $0x0  }
0x274: {  	[sflag:s29] =	ssyncadd.s32 $0xFFFFE000  }
0x275: {  	[spmem:s2] =	stream.indirect.scatter.add.f32 [tilespmem:s20], [sflag:$0x5], $0x40, s0, s16, $0xb8;
	[tilespmem:$0x14000] =	vst v63  }
0x276: {  	_ =	swait.ge [sflag:s15], $0x2000  }
0x277: {  	[sflag:s15] =	ssyncset.done $0x0  }
0x278: {  	[sflag:s15] =	ssyncadd.s32 $0xFFFFE000  }
0x279: {  	_ =	swait.ge [sflag:s30], $0x2000  }
0x27a: {  	[sflag:s30] =	ssyncset.done $0x0  }
0x27b: {  	[sflag:s30] =	ssyncadd.s32 $0xFFFFE000  }
0x27c: {  	[spmem:s2] =	stream.indirect.scatter.add.f32 [tilespmem:s24], [sflag:$0x5], $0x40, s3, s16, $0xb8;
	[tilespmem:$0x14000] =	vst v63  }
0x27d: {  	_ =	swait.ge [sflag:s15], $0x2000  }
0x27e: {  	[sflag:s15] =	ssyncset.done $0x0  }
0x27f: {  	s7 =	simm.s32 $0x0;
	[sflag:s15] =	ssyncadd.s32 $0xFFFFE000  }
0x280: {  	[tilespmem:s7], [sflag:$0x5] =	stream.linear.gather [hbm4b:s11+s7], $0x2000, $0x38;
	[tilespmem:$0x14000] =	vst v63  }
0x281: {  	_ =	swait.ge [sflag:s15], $0x2000  }
0x282: {  	[sflag:s15] =	ssyncset.done $0x0  }
0x283: {  	[sflag:s15] =	ssyncadd.s32 $0xFFFFE000  }
0x284: {  	[tilespmem:s14], [sflag:$0x1] =	stream.indirect.gather [hbm4b:s4+s16], $0x40, s7, s16, $0xb8;
	[tilespmem:$0x14000] =	vst v63  }
0x285: {  	_ = 	snop  }
0x286: {  	[tilespmem:s18], [sflag:$0x2] =	stream.indirect.gather [hbm4b:s4+s16], $0x40, s17, s16, $0xb8;
	[tilespmem:$0x14000] =	vst v63  }
0x287: {  	_ = 	snop  }
0x288: {  	[tilespmem:s20], [sflag:$0x3] =	stream.indirect.gather [hbm4b:s4+s16], $0x40, s19, s16, $0xb8;
	[tilespmem:$0x14000] =	vst v63  }
0x289: {  	_ = 	snop  }
0x28a: {  	[tilespmem:s24], [sflag:$0x4] =	stream.indirect.gather [hbm4b:s4+s16], $0x40, s21, s16, $0xb8;
	[tilespmem:$0x14000] =	vst v63  }
0x28b: {  	_ =	swait.ge [sflag:s26], $0x2000  }
0x28c: {  	[sflag:s26] =	ssyncset.done $0x0  }
0x28d: {  	s9 =	simm.s32 $0x80;
	[sflag:s26] =	ssyncadd.s32 $0xFFFFE000  }
0x28e: {  	[spmem:s2] =	stream.indirect.scatter.add.f32 [tilespmem:s14], [sflag:$0x5], $0x40, s9, s16, $0xb8;
	[tilespmem:$0x14000] =	vst v63  }
0x28f: {  	_ =	swait.ge [sflag:s15], $0x2000  }
0x290: {  	[sflag:s15] =	ssyncset.done $0x0  }
0x291: {  	s8 =	simm.s32 $0x400;
	[sflag:s15] =	ssyncadd.s32 $0xFFFFE000  }
0x292: {  	[tilespmem:s14], [sflag:$0x1] =	stream.indirect.gather [hbm4b:s4+s16], $0x40, s8, s16, $0xb8;
	[tilespmem:$0x14000] =	vst v63  }
0x293: {  	_ =	swait.ge [sflag:s28], $0x2000  }
0x294: {  	[sflag:s28] =	ssyncset.done $0x0  }
0x295: {  	s9 =	simm.s32 $0x180;
	[sflag:s28] =	ssyncadd.s32 $0xFFFFE000  }
0x296: {  	[spmem:s2] =	stream.indirect.scatter.add.f32 [tilespmem:s18], [sflag:$0x5], $0x40, s9, s16, $0xb8;
	[tilespmem:$0x14000] =	vst v63  }
0x297: {  	_ =	swait.ge [sflag:s15], $0x2000  }
0x298: {  	[sflag:s15] =	ssyncset.done $0x0  }
0x299: {  	s8 =	simm.s32 $0x500;
	[sflag:s15] =	ssyncadd.s32 $0xFFFFE000  }
0x29a: {  	[tilespmem:s18], [sflag:$0x2] =	stream.indirect.gather [hbm4b:s4+s16], $0x40, s8, s16, $0xb8;
	[tilespmem:$0x14000] =	vst v63  }
0x29b: {  	_ =	swait.ge [sflag:s29], $0x2000  }
0x29c: {  	[sflag:s29] =	ssyncset.done $0x0  }
0x29d: {  	s9 =	simm.s32 $0x280;
	[sflag:s29] =	ssyncadd.s32 $0xFFFFE000  }
0x29e: {  	[spmem:s2] =	stream.indirect.scatter.add.f32 [tilespmem:s20], [sflag:$0x5], $0x40, s9, s16, $0xb8;
	[tilespmem:$0x14000] =	vst v63  }
0x29f: {  	_ =	swait.ge [sflag:s15], $0x2000  }
0x2a0: {  	[sflag:s15] =	ssyncset.done $0x0  }
0x2a1: {  	s8 =	simm.s32 $0x600;
	[sflag:s15] =	ssyncadd.s32 $0xFFFFE000  }
0x2a2: {  	[tilespmem:s20], [sflag:$0x3] =	stream.indirect.gather [hbm4b:s4+s16], $0x40, s8, s16, $0xb8;
	[tilespmem:$0x14000] =	vst v63  }
0x2a3: {  	_ =	swait.ge [sflag:s30], $0x2000  }
0x2a4: {  	[sflag:s30] =	ssyncset.done $0x0  }
0x2a5: {  	s9 =	simm.s32 $0x380;
	[sflag:s30] =	ssyncadd.s32 $0xFFFFE000  }
0x2a6: {  	[spmem:s2] =	stream.indirect.scatter.add.f32 [tilespmem:s24], [sflag:$0x5], $0x40, s9, s16, $0xb8;
	[tilespmem:$0x14000] =	vst v63  }
0x2a7: {  	_ =	swait.ge [sflag:s15], $0x2000  }
0x2a8: {  	[sflag:s15] =	ssyncset.done $0x0  }
0x2a9: {  	s7 =	simm.s32 $0x1000;
	s8 =	simm.s32 $0x700;
	[sflag:s15] =	ssyncadd.s32 $0xFFFFE000  }
.LBB2_12:
0x2aa: {  	[tilespmem:s24], [sflag:$0x4] =	stream.indirect.gather [hbm4b:s4+s16], $0x40, s8, s16, $0xb8;
	[tilespmem:$0x14000] =	vst v63  }
0x2ab: {  	s8 =	smov.u32 s7  }
0x2ac: {  	p2 =	sne.s32 s7, $0x6000;
	s7 =	sadd.s32 $0x1000, s7;
	_ =	swait.ge [sflag:s26], $0x2000  }
0x2ad: {  	s8 =	sshra.s32 s8, $0x2;
	[sflag:s26] =	ssyncset.done $0x0  }
0x2ae: {  	s9 =	sadd.s32 $0x80, s8;
	[sflag:s26] =	ssyncadd.s32 $0xFFFFE000  }
0x2af: {  	[spmem:s2] =	stream.indirect.scatter.add.f32 [tilespmem:s14], [sflag:$0x5], $0x40, s9, s16, $0xb8;
	[tilespmem:$0x14000] =	vst v63  }
0x2b0: {  	_ =	swait.ge [sflag:s15], $0x2000  }
0x2b1: {  	[sflag:s15] =	ssyncset.done $0x0  }
0x2b2: {  	s9 =	sadd.s32 $0x400, s8;
	[sflag:s15] =	ssyncadd.s32 $0xFFFFE000  }
0x2b3: {  	[tilespmem:s14], [sflag:$0x1] =	stream.indirect.gather [hbm4b:s4+s16], $0x40, s9, s16, $0xb8;
	[tilespmem:$0x14000] =	vst v63  }
0x2b4: {  	_ =	swait.ge [sflag:s28], $0x2000  }
0x2b5: {  	[sflag:s28] =	ssyncset.done $0x0  }
0x2b6: {  	s9 =	sadd.s32 $0x180, s8;
	[sflag:s28] =	ssyncadd.s32 $0xFFFFE000  }
0x2b7: {  	[spmem:s2] =	stream.indirect.scatter.add.f32 [tilespmem:s18], [sflag:$0x5], $0x40, s9, s16, $0xb8;
	[tilespmem:$0x14000] =	vst v63  }
0x2b8: {  	_ =	swait.ge [sflag:s15], $0x2000  }
0x2b9: {  	[sflag:s15] =	ssyncset.done $0x0  }
0x2ba: {  	s9 =	sadd.s32 $0x500, s8;
	[sflag:s15] =	ssyncadd.s32 $0xFFFFE000  }
0x2bb: {  	[tilespmem:s18], [sflag:$0x2] =	stream.indirect.gather [hbm4b:s4+s16], $0x40, s9, s16, $0xb8;
	[tilespmem:$0x14000] =	vst v63  }
0x2bc: {  	_ =	swait.ge [sflag:s29], $0x2000  }
0x2bd: {  	[sflag:s29] =	ssyncset.done $0x0  }
0x2be: {  	s9 =	sadd.s32 $0x280, s8;
	[sflag:s29] =	ssyncadd.s32 $0xFFFFE000  }
0x2bf: {  	[spmem:s2] =	stream.indirect.scatter.add.f32 [tilespmem:s20], [sflag:$0x5], $0x40, s9, s16, $0xb8;
	[tilespmem:$0x14000] =	vst v63  }
0x2c0: {  	_ =	swait.ge [sflag:s15], $0x2000  }
0x2c1: {  	[sflag:s15] =	ssyncset.done $0x0  }
0x2c2: {  	s9 =	sadd.s32 $0x600, s8;
	[sflag:s15] =	ssyncadd.s32 $0xFFFFE000  }
0x2c3: {  	[tilespmem:s20], [sflag:$0x3] =	stream.indirect.gather [hbm4b:s4+s16], $0x40, s9, s16, $0xb8;
	[tilespmem:$0x14000] =	vst v63  }
0x2c4: {  	_ =	swait.ge [sflag:s30], $0x2000  }
0x2c5: {  	[sflag:s30] =	ssyncset.done $0x0  }
.Ltmp8:
0x2c6: {  	s9 =	sadd.s32 $0x380, s8;
	[sflag:s30] =	ssyncadd.s32 $0xFFFFE000;
	(pc) =	sbr.rel @p2 .LBB2_12-.Ltmp8, $4  }
0x2c7: {  	[spmem:s2] =	stream.indirect.scatter.add.f32 [tilespmem:s24], [sflag:$0x5], $0x40, s9, s16, $0xb8;
	[tilespmem:$0x14000] =	vst v63  }
0x2c8: {  	_ =	swait.ge [sflag:s15], $0x2000  }
0x2c9: {  	[sflag:s15] =	ssyncset.done $0x0  }
0x2ca: {  	s8 =	sadd.s32 $0x700, s8;
	[sflag:s15] =	ssyncadd.s32 $0xFFFFE000  }
.Ltmp9:
0x2cb: {  	_ = 	snop;
	(pc) =	sbr.rel .LBB2_13-.Ltmp9, $1  }
0x2cc: {  	_ =	sdelay $0x3  }
.LBB2_15:
0x2cd: {  	_ =	sfence.sel $0x180000  }
0x2ce: {  	[bflag:$0x0] =	sbarrier.arrive $0xFFFF  }
0x2cf: {  	_ =	strace $0x9000004A  }
0x2d0: {  	s0 =	stileid.u32;
	[bflag:$0x2] =	sbarrier.arrive $0xFFFF  }
0x2d1: {  	p0 =	sne.s32 s0, $0x0;
	s0 =	rddreg [dreg:$0x2]  }
0x2d2: {  	s0 =	sadd.s32 @!p0 $0x100000, s0  }
0x2d3: {  	[sflag:s0] =	ssyncadd.tile.s32 @!p0 $0x1;
	_ =	shalt  }
.Lfunc_end2:
_tile_overlayer_lowered:
.L_overlay_start_2:
0x2d4: {  	(tag) =	ssettag $0x2  }
0x2d5: {  	s0 =	rddreg [dreg:$0x0];
	s2 =	stileid.u32  }
0x2d6: {  	s1 =	rddreg [dreg:$0x1];
	p0 =	sne.s32 s2, $0x0  }
0x2d7: {  	s3 =	rddreg [dreg:$0x2];
	[bflag:$0x3] =	sbarrier.arrive $0xFFFF;
	s2 =	simm.s32 @!p0 $0x1C05  }
0x2d8: {  	[timem:s3], [sflag:s2] =	dma.local @!p0 [hbm:s0], s1  }
0x2d9: {  	s0 =	simm.s32 @!p0 $0x5  }
0x2da: {  	_ =	swait.ge @!p0 [sflag:s0], s1  }
0x2db: {  	s1 =	ssub.s32 @!p0 $0x0, s1;
	[sflag:s0] =	ssyncset.done @!p0 $0x0  }
0x2dc: {  	[sflag:s0] =	ssyncadd.s32 @!p0 s1  }
0x2dd: {  	[bflag:$0x3] =	sbarrier.arrive $0xFFFF  }
0x2de: {  	_ =	shalt  }

// kernel: kernel.14.cloned.1.call-start
scs
__scs_entry_jumppad:
0x0: {  	(pc) =	sbr.rel $0x88, $3  }
0x1: {  	(tag) =	ssettag $0x0;
	lr =	simm.s32 $0x1  }
0x2: {  	[smem:$0x3F9A] =	sst lr;
	_ =	strace $0xD0000000  }
0x3: {  	_ = 	snop  }
0x4: {  	_ = 	snop  }
0x5: {  	_ = 	snop  }
0x6: {  	_ = 	snop  }
0x7: {  	_ = 	snop  }
__scs_overlays_trampoline_lowered:
0x8: {  	[smem:$0x3FA9] =	sst s0  }
0x9: {  	[smem:$0x3FAA] =	sst s1  }
0xa: {  	[smem:$0x3FAB] =	sst s2  }
0xb: {  	[smem:$0x3FAC] =	sst s3  }
0xc: {  	[smem:$0x3FAD] =	sst s4  }
0xd: {  	[smem:$0x3FAE] =	sst s5  }
0xe: {  	[smem:$0x3FAF] =	sst s6  }
0xf: {  	[smem:$0x3FB0] =	sst s7  }
0x10: {  	[smem:$0x3FB1] =	sst s8  }
0x11: {  	[smem:$0x3FB2] =	sst s9;
	s0 =	simm.s32 @!p0 $0x0  }
0x12: {  	s1 =	sld [smem:$0x3F98];
	s0 =	simm.s32 @p0 $0x1  }
0x13: {  	[smem:$0x3FB3] =	sst s0;
	s0 =	simm.s32 @!p1 $0x0  }
0x14: {  	s2 =	sld [smem:$0x3F97];
	s0 =	simm.s32 @p1 $0x1  }
0x15: {  	[smem:$0x3FB4] =	sst s0;
	s0 =	simm.s32 @!p2 $0x0  }
0x16: {  	s3 =	sld [smem:$0x3FDB];
	s0 =	simm.s32 @p2 $0x1  }
0x17: {  	s4 =	simm.s32 $0x1BF5;
	[smem:$0x3FB6] =	sst s0  }
0x18: {  	s0 =	sld [smem:$0x3F99];
	_ =	swait.ge [sflag:s4], $0x0  }
0x19: {  	s7 =	sld [smem:$0x3F9A]  }
0x1a: {  	s8 =	sadd.s32 $0xFFFFE003, lr  }
0x1b: {  	s9 =	sadd.s32 $0xFFFFFEF7, lr;
	s5 =	simm.s32 $0xFFFFFFFF;
	p2 =	slt.u32 s8, $0xFFFFF086  }
0x1c: {  	p1 =	slt.u32 s9, $0xF7A;
	s5 =	simm.s32 @!p2 $0x0  }
0x1d: {  	s5 =	simm.s32 @p1 $0x1;
	p0 =	seq.s32 s7, s2  }
0x1e: {  	s7 =	smul.u32 @!p0 $0xF7A, s2;
	p2 =	seq.s32 @!p0 s5, $0x0  }
0x1f: {  	s9 =	smul.u32 $0xF7A, s1;
	s8 =	simm.s32 @!p0 $0x1BF5;
	p2 =	por !p2, p0  }
0x20: {  	[sflag:s8] =	ssyncset.s32 @!p0 $0xFFFFF086;
	s6 =	sadd.s32 @!p0 s3, s7;
	s7 =	simm.s32 @!p0 $0x108  }
0x21: {  	s3 =	sadd.s32 s3, s9;
	s6 =	sadd.s32 @!p0 $0x88, s6;
	s7 =	simm.s32 @p2 $0x1082  }
0x22: {  	[simem:s7], [sflag:s8] =	dma.local @!p0 [hbm:s6], $0xF7A  }
0x23: {  	s9 =	sor.u32 $0xD0000000, s2;
	s6 =	simm.s32 $0x108;
	_ =	swait.ge @!p0 [sflag:s8], $0x0  }
0x24: {  	s3 =	sadd.s32 $0x88, s3;
	s6 =	simm.s32 @!p1 $0x1082;
	[sflag:s4] =	ssyncset.s32 $0xFFFFF086  }
0x25: {  	[simem:s6], [sflag:s4] =	dma.local [hbm:s3], $0xF7A  }
0x26: {  	[smem:$0x3F9A] =	sst s1;
	(tag) =	ssettag s2;
	_ =	strace s9  }
0x27: {  	s1 =	sld [smem:$0x3FAA]  }
0x28: {  	s2 =	sld [smem:$0x3FAB]  }
0x29: {  	s4 =	sld [smem:$0x3FAD]  }
0x2a: {  	p0 =	seq.s32 s5, $0x0;
	s5 =	sld [smem:$0x3FAE]  }
0x2b: {  	s6 =	sld [smem:$0x3FAF]  }
0x2c: {  	s7 =	sld [smem:$0x3FB0]  }
0x2d: {  	s3 =	simm.s32 $0x108;
	s8 =	sld [smem:$0x3FB1]  }
0x2e: {  	s3 =	simm.s32 @!p0 $0x1082;
	s9 =	sld [smem:$0x3FB2]  }
0x2f: {  	lr =	sadd.s32 s0, s3;
	s0 =	sld [smem:$0x3FA9]  }
0x30: {  	s3 =	sld [smem:$0x3FAC]  }
0x31: {  	[smem:$0x3FB5] =	sst s10  }
0x32: {  	s10 =	sld [smem:$0x3FB3];
	_ =	sdelay $0x3  }
0x33: {  	p0 =	seq.s32 s10, $0x1;
	s10 =	sld [smem:$0x3FB5];
	_ =	sdelay $0x3  }
0x34: {  	[smem:$0x3FB5] =	sst s10  }
0x35: {  	s10 =	sld [smem:$0x3FB4];
	_ =	sdelay $0x3  }
0x36: {  	p1 =	seq.s32 s10, $0x1;
	s10 =	sld [smem:$0x3FB5];
	_ =	sdelay $0x3  }
0x37: {  	[smem:$0x3FB5] =	sst s10  }
0x38: {  	s10 =	sld [smem:$0x3FB6]  }
0x39: {  	_ = 	snop;
	(pc) =	sbr.ind lr, $3  }
0x3a: {  	_ = 	snop  }
0x3b: {  	_ = 	snop  }
0x3c: {  	p2 =	seq.s32 s10, $0x1;
	s10 =	sld [smem:$0x3FB5]  }
0x3d: {  	_ =	shalt  }
0x3e: {  	_ =	shalt  }
0x3f: {  	_ =	shalt  }
0x40: {  	_ =	shalt  }
0x41: {  	_ =	shalt  }
0x42: {  	_ =	shalt  }
0x43: {  	_ =	shalt  }
0x44: {  	_ =	shalt  }
0x45: {  	_ =	shalt  }
0x46: {  	_ =	shalt  }
0x47: {  	_ =	shalt  }
0x48: {  	_ =	shalt  }
0x49: {  	_ =	shalt  }
0x4a: {  	_ =	shalt  }
0x4b: {  	_ =	shalt  }
0x4c: {  	_ =	shalt  }
0x4d: {  	_ =	shalt  }
0x4e: {  	_ =	shalt  }
0x4f: {  	_ =	shalt  }
0x50: {  	_ =	shalt  }
0x51: {  	_ =	shalt  }
0x52: {  	_ =	shalt  }
0x53: {  	_ =	shalt  }
0x54: {  	_ =	shalt  }
0x55: {  	_ =	shalt  }
0x56: {  	_ =	shalt  }
0x57: {  	_ =	shalt  }
0x58: {  	_ =	shalt  }
0x59: {  	_ =	shalt  }
0x5a: {  	_ =	shalt  }
0x5b: {  	_ =	shalt  }
0x5c: {  	_ =	shalt  }
0x5d: {  	_ =	shalt  }
0x5e: {  	_ =	shalt  }
0x5f: {  	_ =	shalt  }
0x60: {  	_ =	shalt  }
0x61: {  	_ =	shalt  }
0x62: {  	_ =	shalt  }
0x63: {  	_ =	shalt  }
0x64: {  	_ =	shalt  }
0x65: {  	_ =	shalt  }
0x66: {  	_ =	shalt  }
0x67: {  	_ =	shalt  }
0x68: {  	_ =	shalt  }
0x69: {  	_ =	shalt  }
0x6a: {  	_ =	shalt  }
0x6b: {  	_ =	shalt  }
0x6c: {  	_ =	shalt  }
0x6d: {  	_ =	shalt  }
0x6e: {  	_ =	shalt  }
0x6f: {  	_ =	shalt  }
0x70: {  	_ =	shalt  }
0x71: {  	_ =	shalt  }
0x72: {  	_ =	shalt  }
0x73: {  	_ =	shalt  }
0x74: {  	_ =	shalt  }
0x75: {  	_ =	shalt  }
0x76: {  	_ =	shalt  }
0x77: {  	_ =	shalt  }
0x78: {  	_ =	shalt  }
0x79: {  	_ =	shalt  }
0x7a: {  	_ =	shalt  }
0x7b: {  	_ =	shalt  }
0x7c: {  	_ =	shalt  }
0x7d: {  	_ =	shalt  }
0x7e: {  	_ =	shalt  }
0x7f: {  	_ =	shalt  }
0x80: {  	_ =	shalt  }
0x81: {  	_ =	shalt  }
0x82: {  	_ =	shalt  }
0x83: {  	_ =	shalt  }
0x84: {  	_ =	shalt  }
0x85: {  	_ =	shalt  }
0x86: {  	_ =	shalt  }
0x87: {  	_ =	shalt  }
.Lfunc_end0:
.L_simem_size_0:
called_computation.2_lowered:
.L_overlay_start_0:
0x88: {  	s2 =	sld [smem:$0x3FD9]  }
0x89: {  	s3 =	sld [smem:$0x3FFE];
	_ =	sdelay $0x1  }
0x8a: {  	s1 =	srdreg.scid  }
0x8b: {  	s0 =	sand.u32 $0x1, s1  }
0x8c: {  	s17 =	sshll.u32 s0, $0xA;
	s2 =	sadd.s32 s3, s2  }
0x8d: {  	s2 =	sadd.s32 s2, s17  }
0x8e: {  	[smem:$0x3FC1] =	sst s2  }
0x8f: {  	_ = 	snop  }
0x90: {  	s2 =	sld [smem:$0x3FD0];
	(tm) =	ssettm $0x1  }
0x91: {  	s18 =	sld [smem:$0x3FFB];
	_ =	sdelay $0x3  }
0x92: {  	_ =	strace s18  }
0x93: {  	s3 =	sld [smem:$0x3FFC];
	_ =	sdelay $0x3  }
0x94: {  	_ =	strace s3  }
0x95: {  	s3 =	sld [smem:$0x3FFD];
	_ =	sdelay $0x3  }
0x96: {  	_ =	strace s3  }
0x97: {  	_ =	strace $0x8FFFFFFF  }
0x98: {  	s19 =	sld [smem:$0x3FDB];
	_ =	sdelay $0x1  }
0x99: {  	s4 =	simm.s32 $_scs_section_size  }
0x9a: {  	s5 =	simm.s32 $_size__tile_overlayer_lowered;
	s6 =	simm.s32 $_tile_overlayer_lowered  }
0x9b: {  	s22 =	simm.s32 $0x1BFF;
	s21 =	sshll.u32 s6, $0x1;
	s3 =	sadd.s32 s4, s19  }
0x9c: {  	s7 =	simm.s32 $0x0;
	s20 =	sshll.u32 s5, $0x1;
	s5 =	sadd.s32 s21, s3  }
0x9d: {  	[timem:s7], [sflag:s22] =	dma.local [hbm:s5], s20  }
0x9e: {  	_ =	swait.ge [sflag:s22], s20  }
0x9f: {  	s4 =	ssub.s32 $0x0, s20;
	[sflag:s22] =	ssyncset.done $0x0  }
0xa0: {  	[sflag:s22] =	ssyncadd.s32 s4;
	_ =	sdelay $0x1  }
0xa1: {  	s23 =	simm.s32 $0x1B8B  }
0xa2: {  	_ =	swait.ge [sflag:s23], $0x1  }
0xa3: {  	[sflag:s23] =	ssyncset.done $0x0  }
0xa4: {  	s25 =	simm.s32 $0x1B8E;
	s24 =	sld [smem:$0x3FFE];
	[sflag:s23] =	ssyncadd.s32 $0xFFFFFFFF  }
0xa5: {  	s26 =	simm.s32 $execute0_lowered;
	[smem:$0x3FD2] =	sst s25  }
0xa6: {  	s5 =	sshll.u32 s26, $0x1;
	_ =	strace $0x8000004C;
	[dreg:$0x1] =	wrdreg $0xFFFFFFFF  }
0xa7: {  	s28 =	simm.s32 $_size_execute0_lowered;
	s3 =	sadd.s32 s3, s5;
	[dreg:$0x0] =	wrdreg $0x0  }
0xa8: {  	s5 =	sshll.u32 s28, $0x1;
	[dreg:$0x2] =	wrdreg s3  }
0xa9: {  	[dreg:$0x3] =	wrdreg s5  }
0xaa: {  	[dreg:$0x4] =	wrdreg $0xC0  }
0xab: {  	_ =	task [dreg:s7], $0x5FFFF  }
0xac: {  	[dreg:$0x1] =	wrdreg $0xFFFFFFFF  }
0xad: {  	[dreg:$0x0] =	wrdreg $0x60  }
0xae: {  	[dreg:$0x2] =	wrdreg s24  }
0xaf: {  	[dreg:$0x3] =	wrdreg s2  }
0xb0: {  	[dreg:$0x4] =	wrdreg $0x9  }
0xb1: {  	_ =	task.clear_ibuf [dreg:s7], $0x5FFFF;
	_ =	strace $0x9000004C  }
0xb2: {  	s29 =	simm.s32 $0x9;
	_ =	strace $0x8000004E  }
0xb3: {  	_ =	swait.ge [sflag:s29], $0x1  }
0xb4: {  	[sflag:s29] =	ssyncadd.s32 $0xFFFFFFFF  }
0xb5: {  	_ =	strace $0x9000004E  }
0xb6: {  	_ =	sfence  }
0xb7: {  	s30 =	sld [smem:$0x0];
	_ =	sdelay $0x2  }
0xb8: {  	s31 =	sshll.u32 s1, $0xD;
	s1 =	sshrl.u32 s1, $0x2  }
0xb9: {  	s3 =	sand.u32 $0x4000, s31;
	s1 =	sadd.s32 s1, s30  }
0xba: {  	s0 =	sor.u32 s3, s0;
	s1 =	sshll.u32 s1, $0x11  }
0xbb: {  	s0 =	sor.u32 s1, s0  }
0xbc: {  	s0 =	sadd.s32 $0x8F2B, s0  }
0xbd: {  	[sflag:s0] =	ssyncadd.remote.s32 $0x1  }
0xbe: {  	_ =	sfence.sel $0xFFFF  }
0xbf: {  	[dreg:$0x0] =	wrdreg $0xFFFFFFFF;
	(pc) =	sbr.abs _section_cstart, $3  }
0xc0: {  	[dreg:$0x1] =	wrdreg $0xFFFFFFFF  }
0xc1: {  	_ =	task.clear_ibuf [dreg:s7], $0x2FFFF;
	_ =	strace $0x9FFFFFFF  }
0xc2: {  	(tm) =	ssettm $0x7FFFFFFF  }
0xc3: {  	_ =	shalt  }
tec
execute0_lowered:
.L_overlay_start_1:
0x0: {  	(tag) =	ssettag $0x1  }
0x1: {  	s1 =	srdreg.scid  }
0x2: {  	s0 =	stileid.u32;
	s7 =	rddreg [dreg:$0x0]  }
0x3: {  	s2 =	rddreg [dreg:$0x1];
	s3 =	simm.s32 $0x0;
	s10 =	simm.s32 $0x1  }
0x4: {  	s4 =	sand.u32 $0x1, s1;
	s31 =	sshll.u32 s0, $0x1;
	s1 =	rddreg [dreg:$0x2]  }
0x5: {  	s12 =	simm.s32 $0x4E40;
	[smem:$0x7FF] =	sst s3;
	s9 =	sor.u32 s4, s31  }
0x6: {  	s14 =	sadd.s32 $0x3CC80, s7;
	s4 =	ssub.s32 $0x2, s4;
	s13 =	smul.u32 $0x9C8, s9  }
.Ltmp0:
0x7: {  	_ =	strace $0x8000004D;
	s11 =	sadd.s32 $0x12F38, s14;
	(pc) =	sbr.rel .LBB2_1-.Ltmp0, $4  }
0x8: {  	s6 =	sshrl.u32 s4, $0x1;
	p0 =	seq.s32 s9, $0x1F;
	s9 =	simm.s32 $0x9C80  }
0x9: {  	s8 =	ssub.s32 s4, s6;
	s6 =	sadd.s32 $0x3C338, s7;
	s5 =	sadd.s32 s13, s7  }
0xa: {  	s7 =	sadd.s32 $0x14F38, s7;
	s8 =	smax.u32 s8, $0x1;
	s13 =	sadd.s32 s13, s14  }
0xb: {  	s14 =	simm.s32 $0x0;
	s4 =	sadd.s32 $0x29400, s5;
	s5 =	sadd.s32 $0x2000, s5  }
.LBB2_7:
0xc: {  	v11 =	vld [tilespmem:s15+$0x30];
	_ =	sdelay $0x1  }
0xd: {  	v6 =	vadd.f32 v6, v9  }
0xe: {  	v7 =	vadd.f32 v7, v10  }
0xf: {  	v5 =	vadd.f32 v5, v8;
	v3 =	vadd.f32 v6, v3  }
0x10: {  	v2 =	vadd.f32 v7, v2;
	v4 =	vadd.f32 v4, v11  }
0x11: {  	v1 =	vadd.f32 v5, v1;
	[tilespmem:s15+$0x0] =	vst v3  }
0x12: {  	[tilespmem:s15+$0x10] =	vst v2;
	v0 =	vadd.f32 v4, v0  }
0x13: {  	[tilespmem:s15+$0x20] =	vst v1  }
0x14: {  	[tilespmem:s15+$0x30] =	vst v0  }
0x15: {  	[hbm4b:s7+s3] =	stream.linear.scatter [tilespmem:s3], [sflag:$0x1], $0x4A40, $0x38;
	[tilespmem:$0x9CC0] =	vst v63  }
0x16: {  	_ =	swait.ge [sflag:s10], $0x4A40  }
0x17: {  	[sflag:s10] =	ssyncset.done $0x0  }
0x18: {  	[sflag:s10] =	ssyncadd.s32 $0xFFFFB5C0  }
.LBB2_8:
0x19: {  	s14 =	sadd.s32 $0x1, s14  }
0x1a: {  	p1 =	sne.s32 s14, s8  }
.Ltmp1:
0x1b: {  	_ = 	snop;
	(pc) =	sbr.rel @!p1 .LBB2_9-.Ltmp1, $1  }
0x1c: {  	_ =	sdelay $0x3  }
.LBB2_1:
.Ltmp2:
0x1d: {  	(pc) =	sbr.rel @!p0 .LBB2_2-.Ltmp2, $4  }
0x1e: {  	[tilespmem:s9], [sflag:$0x1] =	stream.linear.gather [hbm4b:s2+s3], $0x40, $0x38;
	[tilespmem:$0x9CC0] =	vst v63  }
0x1f: {  	_ =	swait.ge [sflag:s10], $0x40  }
0x20: {  	[sflag:s10] =	ssyncset.done $0x0  }
0x21: {  	s15 =	simm.s32 $0x0;
	[sflag:s10] =	ssyncadd.s32 $0xFFFFFFC0  }
0x22: {  	[tilespmem:s15], [sflag:$0x1] =	stream.linear.gather [hbm4b:s6+s15], $0x4A40, $0x38;
	[tilespmem:$0x9CC0] =	vst v63  }
0x23: {  	_ =	swait.ge [sflag:s10], $0x4A40  }
0x24: {  	[sflag:s10] =	ssyncset.done $0x0  }
0x25: {  	[sflag:s10] =	ssyncadd.s32 $0xFFFFB5C0  }
0x26: {  	[tilespmem:s12], [sflag:$0x1] =	stream.linear.gather [hbm4b:s11+s15], $0x4A40, $0x38;
	[tilespmem:$0x9CC0] =	vst v63  }
0x27: {  	_ =	swait.ge [sflag:s10], $0x4A40  }
0x28: {  	[sflag:s10] =	ssyncset.done $0x0  }
0x29: {  	[sflag:s10] =	ssyncadd.s32 $0xFFFFB5C0  }
0x2a: {  	v3 =	vld [tilespmem:$0x9C80]  }
0x2b: {  	v2 =	vld [tilespmem:$0x9C90]  }
0x2c: {  	v1 =	vld [tilespmem:$0x9CA0]  }
0x2d: {  	s15 =	simm.s32 $0x0;
	v0 =	vld [tilespmem:$0x9CB0]  }
0x2e: {  	v6 =	vld [tilespmem:s15+$0x4E40]  }
0x2f: {  	v7 =	vld [tilespmem:s15+$0x4E50]  }
0x30: {  	v5 =	vld [tilespmem:s15+$0x4E60]  }
0x31: {  	v4 =	vld [tilespmem:s15+$0x4E70]  }
0x32: {  	v9 =	vld [tilespmem:s15+$0x0]  }
0x33: {  	v10 =	vld [tilespmem:s15+$0x10]  }
0x34: {  	s16 =	simm.s32 $0x100;
	v8 =	vld [tilespmem:s15+$0x20]  }
.LBB2_6:
0x35: {  	p1 =	sne.s32 s16, $0x12800;
	v11 =	vld [tilespmem:s15+$0x30];
	_ =	sdelay $0x1  }
0x36: {  	s17 =	sshra.s32 s16, $0x2;
	v9 =	vadd.f32 v6, v9  }
0x37: {  	v10 =	vadd.f32 v7, v10;
	v6 =	vld [tilespmem:s17+$0x4E40]  }
0x38: {  	v8 =	vadd.f32 v5, v8;
	v9 =	vadd.f32 v9, v3;
	v7 =	vld [tilespmem:s17+$0x4E50]  }
.Ltmp3:
0x39: {  	v10 =	vadd.f32 v10, v2;
	v5 =	vld [tilespmem:s17+$0x4E60];
	v11 =	vadd.f32 v4, v11;
	(pc) =	sbr.rel @p1 .LBB2_6-.Ltmp3, $4  }
0x3a: {  	v8 =	vadd.f32 v8, v1;
	v4 =	vld [tilespmem:s17+$0x4E70];
	[tilespmem:s15+$0x0] =	vst v9  }
0x3b: {  	v9 =	vld [tilespmem:s17+$0x0];
	[tilespmem:s15+$0x10] =	vst v10;
	v11 =	vadd.f32 v11, v0  }
0x3c: {  	v10 =	vld [tilespmem:s17+$0x10];
	[tilespmem:s15+$0x20] =	vst v8  }
0x3d: {  	s16 =	sadd.s32 $0x100, s16;
	v8 =	vld [tilespmem:s17+$0x20];
	[tilespmem:s15+$0x30] =	vst v11;
	s15 =	smov.u32 s17  }
.Ltmp4:
0x3e: {  	_ = 	snop;
	(pc) =	sbr.rel .LBB2_7-.Ltmp4, $1  }
0x3f: {  	_ =	sdelay $0x3  }
.LBB2_2:
0x40: {  	[tilespmem:s15], [sflag:$0x1] =	stream.linear.gather [hbm4b:s4+s15], $0x4E40, $0x38;
	[tilespmem:$0x9CC0] =	vst v63  }
0x41: {  	_ =	swait.ge [sflag:s10], $0x4E40  }
0x42: {  	[sflag:s10] =	ssyncset.done $0x0  }
0x43: {  	[sflag:s10] =	ssyncadd.s32 $0xFFFFB1C0  }
0x44: {  	[tilespmem:s12], [sflag:$0x1] =	stream.linear.gather [hbm4b:s13+s15], $0x4E40, $0x38;
	[tilespmem:$0x9CC0] =	vst v63  }
0x45: {  	_ =	swait.ge [sflag:s10], $0x4E40  }
0x46: {  	[sflag:s10] =	ssyncset.done $0x0  }
0x47: {  	[sflag:s10] =	ssyncadd.s32 $0xFFFFB1C0  }
0x48: {  	v3 =	vld [tilespmem:$0x9C80]  }
0x49: {  	v2 =	vld [tilespmem:$0x9C90]  }
0x4a: {  	v1 =	vld [tilespmem:$0x9CA0]  }
0x4b: {  	s15 =	simm.s32 $0x0;
	v0 =	vld [tilespmem:$0x9CB0]  }
0x4c: {  	v6 =	vld [tilespmem:s15+$0x4E40]  }
0x4d: {  	v7 =	vld [tilespmem:s15+$0x4E50]  }
0x4e: {  	v5 =	vld [tilespmem:s15+$0x4E60]  }
0x4f: {  	v4 =	vld [tilespmem:s15+$0x4E70]  }
0x50: {  	v9 =	vld [tilespmem:s15+$0x0]  }
0x51: {  	v10 =	vld [tilespmem:s15+$0x10]  }
0x52: {  	s16 =	simm.s32 $0x100;
	v8 =	vld [tilespmem:s15+$0x20]  }
.LBB2_3:
0x53: {  	p1 =	sne.s32 s16, $0x13800;
	v11 =	vld [tilespmem:s15+$0x30];
	_ =	sdelay $0x1  }
0x54: {  	s17 =	sshra.s32 s16, $0x2;
	v9 =	vadd.f32 v6, v9  }
0x55: {  	v6 =	vld [tilespmem:s17+$0x4E40];
	v10 =	vadd.f32 v7, v10  }
0x56: {  	v7 =	vld [tilespmem:s17+$0x4E50];
	v9 =	vadd.f32 v9, v3;
	v8 =	vadd.f32 v5, v8  }
.Ltmp5:
0x57: {  	v5 =	vld [tilespmem:s17+$0x4E60];
	v10 =	vadd.f32 v10, v2;
	v11 =	vadd.f32 v4, v11;
	(pc) =	sbr.rel @p1 .LBB2_3-.Ltmp5, $4  }
0x58: {  	v4 =	vld [tilespmem:s17+$0x4E70];
	[tilespmem:s15+$0x0] =	vst v9;
	v8 =	vadd.f32 v8, v1  }
0x59: {  	v9 =	vld [tilespmem:s17+$0x0];
	[tilespmem:s15+$0x10] =	vst v10;
	v11 =	vadd.f32 v11, v0  }
0x5a: {  	v10 =	vld [tilespmem:s17+$0x10];
	[tilespmem:s15+$0x20] =	vst v8  }
0x5b: {  	s16 =	sadd.s32 $0x100, s16;
	v8 =	vld [tilespmem:s17+$0x20];
	[tilespmem:s15+$0x30] =	vst v11;
	s15 =	smov.u32 s17  }
0x5c: {  	v11 =	vld [tilespmem:s15+$0x30];
	_ =	sdelay $0x1  }
0x5d: {  	v6 =	vadd.f32 v6, v9  }
0x5e: {  	v7 =	vadd.f32 v7, v10  }
0x5f: {  	v3 =	vadd.f32 v6, v3;
	v5 =	vadd.f32 v5, v8  }
0x60: {  	v2 =	vadd.f32 v7, v2;
	v4 =	vadd.f32 v4, v11  }
0x61: {  	[tilespmem:s15+$0x0] =	vst v3;
	v1 =	vadd.f32 v5, v1  }
0x62: {  	[tilespmem:s15+$0x10] =	vst v2;
	v0 =	vadd.f32 v4, v0  }
0x63: {  	[tilespmem:s15+$0x20] =	vst v1  }
.Ltmp6:
0x64: {  	[tilespmem:s15+$0x30] =	vst v0;
	(pc) =	sbr.rel .LBB2_8-.Ltmp6, $4  }
0x65: {  	[hbm4b:s5+s3] =	stream.linear.scatter [tilespmem:s3], [sflag:$0x1], $0x4E40, $0x38;
	[tilespmem:$0x9CC0] =	vst v63  }
0x66: {  	_ =	swait.ge [sflag:s10], $0x4E40  }
0x67: {  	[sflag:s10] =	ssyncset.done $0x0  }
0x68: {  	[sflag:s10] =	ssyncadd.s32 $0xFFFFB1C0  }
.LBB2_9:
0x69: {  	_ =	sfence.sel $0x180000  }
0x6a: {  	[bflag:$0x0] =	sbarrier.arrive $0xFFFF  }
0x6b: {  	p0 =	sne.s32 s0, $0x0;
	_ =	strace $0x9000004D  }
0x6c: {  	s0 =	sadd.s32 @!p0 $0x100000, s1;
	[bflag:$0x2] =	sbarrier.arrive $0xFFFF  }
0x6d: {  	[sflag:s0] =	ssyncadd.tile.s32 @!p0 $0x1;
	_ =	shalt  }
.Lfunc_end2:
_tile_overlayer_lowered:
.L_overlay_start_2:
0x6e: {  	(tag) =	ssettag $0x2  }
0x6f: {  	s0 =	rddreg [dreg:$0x0];
	s2 =	stileid.u32  }
0x70: {  	s1 =	rddreg [dreg:$0x1];
	p0 =	sne.s32 s2, $0x0  }
0x71: {  	s3 =	rddreg [dreg:$0x2];
	[bflag:$0x3] =	sbarrier.arrive $0xFFFF;
	s2 =	simm.s32 @!p0 $0x1C01  }
0x72: {  	[timem:s3], [sflag:s2] =	dma.local @!p0 [hbm:s0], s1  }
0x73: {  	s0 =	simm.s32 @!p0 $0x1  }
0x74: {  	_ =	swait.ge @!p0 [sflag:s0], s1  }
0x75: {  	s1 =	ssub.s32 @!p0 $0x0, s1;
	[sflag:s0] =	ssyncset.done @!p0 $0x0  }
0x76: {  	[sflag:s0] =	ssyncadd.s32 @!p0 s1  }
0x77: {  	[bflag:$0x3] =	sbarrier.arrive $0xFFFF  }
0x78: {  	_ =	shalt  }

// kernel: kernel.8.cloned.1.call-start
scs
__scs_entry_jumppad:
0x0: {  	(pc) =	sbr.rel $0x88, $3  }
0x1: {  	(tag) =	ssettag $0x0;
	lr =	simm.s32 $0x1  }
0x2: {  	[smem:$0x3F9A] =	sst lr;
	_ =	strace $0xD0000000  }
0x3: {  	_ = 	snop  }
0x4: {  	_ = 	snop  }
0x5: {  	_ = 	snop  }
0x6: {  	_ = 	snop  }
0x7: {  	_ = 	snop  }
__scs_overlays_trampoline_lowered:
0x8: {  	[smem:$0x3FA9] =	sst s0  }
0x9: {  	[smem:$0x3FAA] =	sst s1  }
0xa: {  	[smem:$0x3FAB] =	sst s2  }
0xb: {  	[smem:$0x3FAC] =	sst s3  }
0xc: {  	[smem:$0x3FAD] =	sst s4  }
0xd: {  	[smem:$0x3FAE] =	sst s5  }
0xe: {  	[smem:$0x3FAF] =	sst s6  }
0xf: {  	[smem:$0x3FB0] =	sst s7  }
0x10: {  	[smem:$0x3FB1] =	sst s8  }
0x11: {  	[smem:$0x3FB2] =	sst s9;
	s0 =	simm.s32 @!p0 $0x0  }
0x12: {  	s1 =	sld [smem:$0x3F98];
	s0 =	simm.s32 @p0 $0x1  }
0x13: {  	[smem:$0x3FB3] =	sst s0;
	s0 =	simm.s32 @!p1 $0x0  }
0x14: {  	s2 =	sld [smem:$0x3F97];
	s0 =	simm.s32 @p1 $0x1  }
0x15: {  	[smem:$0x3FB4] =	sst s0;
	s0 =	simm.s32 @!p2 $0x0  }
0x16: {  	s3 =	sld [smem:$0x3FDB];
	s0 =	simm.s32 @p2 $0x1  }
0x17: {  	s4 =	simm.s32 $0x1BF5;
	[smem:$0x3FB6] =	sst s0  }
0x18: {  	s0 =	sld [smem:$0x3F99];
	_ =	swait.ge [sflag:s4], $0x0  }
0x19: {  	s7 =	sld [smem:$0x3F9A]  }
0x1a: {  	s8 =	sadd.s32 $0xFFFFE003, lr  }
0x1b: {  	s9 =	sadd.s32 $0xFFFFFEF7, lr;
	s5 =	simm.s32 $0xFFFFFFFF;
	p2 =	slt.u32 s8, $0xFFFFF086  }
0x1c: {  	p1 =	slt.u32 s9, $0xF7A;
	s5 =	simm.s32 @!p2 $0x0  }
0x1d: {  	s5 =	simm.s32 @p1 $0x1;
	p0 =	seq.s32 s7, s2  }
0x1e: {  	s7 =	smul.u32 @!p0 $0xF7A, s2;
	p2 =	seq.s32 @!p0 s5, $0x0  }
0x1f: {  	s9 =	smul.u32 $0xF7A, s1;
	s8 =	simm.s32 @!p0 $0x1BF5;
	p2 =	por !p2, p0  }
0x20: {  	[sflag:s8] =	ssyncset.s32 @!p0 $0xFFFFF086;
	s6 =	sadd.s32 @!p0 s3, s7;
	s7 =	simm.s32 @!p0 $0x108  }
0x21: {  	s3 =	sadd.s32 s3, s9;
	s6 =	sadd.s32 @!p0 $0x88, s6;
	s7 =	simm.s32 @p2 $0x1082  }
0x22: {  	[simem:s7], [sflag:s8] =	dma.local @!p0 [hbm:s6], $0xF7A  }
0x23: {  	s9 =	sor.u32 $0xD0000000, s2;
	s6 =	simm.s32 $0x108;
	_ =	swait.ge @!p0 [sflag:s8], $0x0  }
0x24: {  	s3 =	sadd.s32 $0x88, s3;
	s6 =	simm.s32 @!p1 $0x1082;
	[sflag:s4] =	ssyncset.s32 $0xFFFFF086  }
0x25: {  	[simem:s6], [sflag:s4] =	dma.local [hbm:s3], $0xF7A  }
0x26: {  	[smem:$0x3F9A] =	sst s1;
	(tag) =	ssettag s2;
	_ =	strace s9  }
0x27: {  	s1 =	sld [smem:$0x3FAA]  }
0x28: {  	s2 =	sld [smem:$0x3FAB]  }
0x29: {  	s4 =	sld [smem:$0x3FAD]  }
0x2a: {  	p0 =	seq.s32 s5, $0x0;
	s5 =	sld [smem:$0x3FAE]  }
0x2b: {  	s6 =	sld [smem:$0x3FAF]  }
0x2c: {  	s7 =	sld [smem:$0x3FB0]  }
0x2d: {  	s3 =	simm.s32 $0x108;
	s8 =	sld [smem:$0x3FB1]  }
0x2e: {  	s3 =	simm.s32 @!p0 $0x1082;
	s9 =	sld [smem:$0x3FB2]  }
0x2f: {  	lr =	sadd.s32 s0, s3;
	s0 =	sld [smem:$0x3FA9]  }
0x30: {  	s3 =	sld [smem:$0x3FAC]  }
0x31: {  	[smem:$0x3FB5] =	sst s10  }
0x32: {  	s10 =	sld [smem:$0x3FB3];
	_ =	sdelay $0x3  }
0x33: {  	p0 =	seq.s32 s10, $0x1;
	s10 =	sld [smem:$0x3FB5];
	_ =	sdelay $0x3  }
0x34: {  	[smem:$0x3FB5] =	sst s10  }
0x35: {  	s10 =	sld [smem:$0x3FB4];
	_ =	sdelay $0x3  }
0x36: {  	p1 =	seq.s32 s10, $0x1;
	s10 =	sld [smem:$0x3FB5];
	_ =	sdelay $0x3  }
0x37: {  	[smem:$0x3FB5] =	sst s10  }
0x38: {  	s10 =	sld [smem:$0x3FB6]  }
0x39: {  	_ = 	snop;
	(pc) =	sbr.ind lr, $3  }
0x3a: {  	_ = 	snop  }
0x3b: {  	_ = 	snop  }
0x3c: {  	p2 =	seq.s32 s10, $0x1;
	s10 =	sld [smem:$0x3FB5]  }
0x3d: {  	_ =	shalt  }
0x3e: {  	_ =	shalt  }
0x3f: {  	_ =	shalt  }
0x40: {  	_ =	shalt  }
0x41: {  	_ =	shalt  }
0x42: {  	_ =	shalt  }
0x43: {  	_ =	shalt  }
0x44: {  	_ =	shalt  }
0x45: {  	_ =	shalt  }
0x46: {  	_ =	shalt  }
0x47: {  	_ =	shalt  }
0x48: {  	_ =	shalt  }
0x49: {  	_ =	shalt  }
0x4a: {  	_ =	shalt  }
0x4b: {  	_ =	shalt  }
0x4c: {  	_ =	shalt  }
0x4d: {  	_ =	shalt  }
0x4e: {  	_ =	shalt  }
0x4f: {  	_ =	shalt  }
0x50: {  	_ =	shalt  }
0x51: {  	_ =	shalt  }
0x52: {  	_ =	shalt  }
0x53: {  	_ =	shalt  }
0x54: {  	_ =	shalt  }
0x55: {  	_ =	shalt  }
0x56: {  	_ =	shalt  }
0x57: {  	_ =	shalt  }
0x58: {  	_ =	shalt  }
0x59: {  	_ =	shalt  }
0x5a: {  	_ =	shalt  }
0x5b: {  	_ =	shalt  }
0x5c: {  	_ =	shalt  }
0x5d: {  	_ =	shalt  }
0x5e: {  	_ =	shalt  }
0x5f: {  	_ =	shalt  }
0x60: {  	_ =	shalt  }
0x61: {  	_ =	shalt  }
0x62: {  	_ =	shalt  }
0x63: {  	_ =	shalt  }
0x64: {  	_ =	shalt  }
0x65: {  	_ =	shalt  }
0x66: {  	_ =	shalt  }
0x67: {  	_ =	shalt  }
0x68: {  	_ =	shalt  }
0x69: {  	_ =	shalt  }
0x6a: {  	_ =	shalt  }
0x6b: {  	_ =	shalt  }
0x6c: {  	_ =	shalt  }
0x6d: {  	_ =	shalt  }
0x6e: {  	_ =	shalt  }
0x6f: {  	_ =	shalt  }
0x70: {  	_ =	shalt  }
0x71: {  	_ =	shalt  }
0x72: {  	_ =	shalt  }
0x73: {  	_ =	shalt  }
0x74: {  	_ =	shalt  }
0x75: {  	_ =	shalt  }
0x76: {  	_ =	shalt  }
0x77: {  	_ =	shalt  }
0x78: {  	_ =	shalt  }
0x79: {  	_ =	shalt  }
0x7a: {  	_ =	shalt  }
0x7b: {  	_ =	shalt  }
0x7c: {  	_ =	shalt  }
0x7d: {  	_ =	shalt  }
0x7e: {  	_ =	shalt  }
0x7f: {  	_ =	shalt  }
0x80: {  	_ =	shalt  }
0x81: {  	_ =	shalt  }
0x82: {  	_ =	shalt  }
0x83: {  	_ =	shalt  }
0x84: {  	_ =	shalt  }
0x85: {  	_ =	shalt  }
0x86: {  	_ =	shalt  }
0x87: {  	_ =	shalt  }
.Lfunc_end0:
.L_simem_size_0:
called_computation_lowered:
.L_overlay_start_0:
0x88: {  	s2 =	sld [smem:$0x3FD9]  }
0x89: {  	s3 =	sld [smem:$0x3FFE];
	_ =	sdelay $0x1  }
0x8a: {  	s1 =	srdreg.scid  }
0x8b: {  	s0 =	sand.u32 $0x1, s1  }
0x8c: {  	s17 =	sshll.u32 s0, $0xA;
	s2 =	sadd.s32 s3, s2  }
0x8d: {  	s2 =	sadd.s32 s2, s17  }
0x8e: {  	[smem:$0x3FC1] =	sst s2  }
0x8f: {  	_ = 	snop  }
0x90: {  	s2 =	sld [smem:$0x3FC9];
	(tm) =	ssettm $0x1  }
0x91: {  	s18 =	sld [smem:$0x3FFB];
	_ =	sdelay $0x3  }
0x92: {  	_ =	strace s18  }
0x93: {  	s3 =	sld [smem:$0x3FFC];
	_ =	sdelay $0x3  }
0x94: {  	_ =	strace s3  }
0x95: {  	s3 =	sld [smem:$0x3FFD];
	_ =	sdelay $0x3  }
0x96: {  	_ =	strace s3  }
0x97: {  	_ =	strace $0x8FFFFFFF  }
0x98: {  	s19 =	sld [smem:$0x3FDB];
	_ =	sdelay $0x1  }
0x99: {  	s4 =	simm.s32 $_scs_section_size  }
0x9a: {  	s5 =	simm.s32 $_size__tile_overlayer_lowered;
	s6 =	simm.s32 $_tile_overlayer_lowered  }
0x9b: {  	s22 =	simm.s32 $0x1BFF;
	s21 =	sshll.u32 s6, $0x1;
	s3 =	sadd.s32 s4, s19  }
0x9c: {  	s7 =	simm.s32 $0x0;
	s20 =	sshll.u32 s5, $0x1;
	s5 =	sadd.s32 s21, s3  }
0x9d: {  	[timem:s7], [sflag:s22] =	dma.local [hbm:s5], s20  }
0x9e: {  	_ =	swait.ge [sflag:s22], s20  }
0x9f: {  	s4 =	ssub.s32 $0x0, s20;
	[sflag:s22] =	ssyncset.done $0x0  }
0xa0: {  	[sflag:s22] =	ssyncadd.s32 s4;
	_ =	sdelay $0x1  }
0xa1: {  	s23 =	simm.s32 $0x1B8B  }
0xa2: {  	_ =	swait.ge [sflag:s23], $0x1  }
0xa3: {  	[sflag:s23] =	ssyncset.done $0x0  }
0xa4: {  	s25 =	simm.s32 $0x1B8E;
	s24 =	sld [smem:$0x3FFE];
	[sflag:s23] =	ssyncadd.s32 $0xFFFFFFFF  }
0xa5: {  	s26 =	simm.s32 $execute0_lowered;
	[smem:$0x3FD2] =	sst s25  }
0xa6: {  	s5 =	sshll.u32 s26, $0x1;
	_ =	strace $0x80000046;
	[dreg:$0x1] =	wrdreg $0xFFFFFFFF  }
0xa7: {  	s28 =	simm.s32 $_size_execute0_lowered;
	s3 =	sadd.s32 s3, s5;
	[dreg:$0x0] =	wrdreg $0x0  }
0xa8: {  	s5 =	sshll.u32 s28, $0x1;
	[dreg:$0x2] =	wrdreg s3  }
0xa9: {  	[dreg:$0x3] =	wrdreg s5  }
0xaa: {  	[dreg:$0x4] =	wrdreg $0xC0  }
0xab: {  	_ =	task [dreg:s7], $0x5FFFF  }
0xac: {  	[dreg:$0x1] =	wrdreg $0xFFFFFFFF  }
0xad: {  	[dreg:$0x0] =	wrdreg $0x60  }
0xae: {  	[dreg:$0x2] =	wrdreg s2  }
0xaf: {  	[dreg:$0x3] =	wrdreg s24  }
0xb0: {  	[dreg:$0x4] =	wrdreg $0xA0000  }
0xb1: {  	[dreg:$0x5] =	wrdreg $0x9  }
0xb2: {  	_ =	task.clear_ibuf [dreg:s7], $0x6FFFF;
	_ =	strace $0x90000046  }
0xb3: {  	s29 =	simm.s32 $0x9;
	_ =	strace $0x80000048  }
0xb4: {  	_ =	swait.ge [sflag:s29], $0x1  }
0xb5: {  	[sflag:s29] =	ssyncadd.s32 $0xFFFFFFFF  }
0xb6: {  	_ =	strace $0x90000048  }
0xb7: {  	_ =	sfence  }
0xb8: {  	s30 =	sld [smem:$0x0];
	_ =	sdelay $0x2  }
0xb9: {  	s31 =	sshll.u32 s1, $0xD;
	s1 =	sshrl.u32 s1, $0x2  }
0xba: {  	s3 =	sand.u32 $0x4000, s31;
	s1 =	sadd.s32 s1, s30  }
0xbb: {  	s0 =	sor.u32 s3, s0;
	s1 =	sshll.u32 s1, $0x11  }
0xbc: {  	s0 =	sor.u32 s1, s0  }
0xbd: {  	s0 =	sadd.s32 $0x8F2B, s0  }
0xbe: {  	[sflag:s0] =	ssyncadd.remote.s32 $0x1  }
0xbf: {  	_ =	sfence.sel $0xFFFF  }
0xc0: {  	[dreg:$0x0] =	wrdreg $0xFFFFFFFF;
	(pc) =	sbr.abs _section_cstart, $3  }
0xc1: {  	[dreg:$0x1] =	wrdreg $0xFFFFFFFF  }
0xc2: {  	_ =	task.clear_ibuf [dreg:s7], $0x2FFFF;
	_ =	strace $0x9FFFFFFF  }
0xc3: {  	(tm) =	ssettm $0x7FFFFFFF  }
tec
execute0_lowered:
.L_overlay_start_1:
0x0: {  	(tag) =	ssettag $0x1  }
0x1: {  	s1 =	srdreg.scid  }
0x2: {  	s0 =	stileid.u32;
	s2 =	rddreg [dreg:$0x0]  }
0x3: {  	s5 =	rddreg [dreg:$0x1];
	s15 =	simm.s32 $0x3;
	s16 =	simm.s32 $0x80  }
0x4: {  	s17 =	simm.s32 $0x100;
	s18 =	simm.s32 $0x6000;
	s19 =	simm.s32 $0x1  }
0x5: {  	s20 =	simm.s32 $0x2;
	s21 =	simm.s32 $0x1E80;
	s26 =	simm.s32 $0xD80  }
0x6: {  	s28 =	simm.s32 $0x0;
	s1 =	sand.u32 $0x1, s1;
	s29 =	smul.u32 $0x50000, s0  }
0x7: {  	s3 =	sshll.u32 s0, $0x1;
	s13 =	smul.u32 $0x14000, s0;
	p0 =	sgt.u32 s0, $0x1  }
0x8: {  	p1 =	seq.s32 s0, $0xF;
	s4 =	sor.u32 s1, s3;
	s30 =	smul.u32 $0x27100, s1  }
0x9: {  	s3 =	rddreg [dreg:$0x2];
	s1 =	ssub.s32 $0x2, s1;
	s6 =	smul.u32 $0x4E, s4  }
0xa: {  	s7 =	smin.u32 s4, $0x4;
	s4 =	simm.s32 $0x0;
	s31 =	sshrl.u32 s1, $0x1  }
0xb: {  	s22 =	sshrl.u32 s13, $0x3;
	[smem:$0x7FF] =	sst s4;
	s14 =	sadd.s32 s30, s5  }
0xc: {  	s1 =	ssub.s32 s1, s31;
	s6 =	sadd.s32 s7, s6;
	_ =	strace $0x80000047  }
0xd: {  	s7 =	sshrl.u32 s29, $0x2;
	s23 =	sadd.s32 $0x15A00, s14;
	s14 =	simm.s32 $0x2000  }
0xe: {  	s6 =	sshll.u32 s6, $0x5;
	s9 =	sadd.s32 s7, s3;
	s22 =	sadd.s32 s22, s23  }
0xf: {  	s12 =	sadd.s32 s6, s5;
	s5 =	sadd.s32 s13, s3;
	s6 =	sadd.s32 $0x4000, s9  }
.Ltmp0:
0x10: {  	s7 =	sadd.s32 $0x8000, s9;
	s8 =	sadd.s32 $0xC000, s9;
	(pc) =	sbr.rel .LBB2_1-.Ltmp0, $4  }
0x11: {  	s9 =	sadd.s32 $0x10000, s9;
	s13 =	sadd.s32 $0xC800, s13;
	s10 =	sadd.s32 $0x2000, s12  }
0x12: {  	s11 =	sadd.s32 $0x2400, s12;
	s12 =	sadd.s32 $0x2800, s12;
	s24 =	sshrl.u32 s13, $0x3  }
0x13: {  	s25 =	sadd.s32 s13, s3;
	s13 =	smax.u32 s1, $0x1;
	s1 =	simm.s32 $0xC80  }
0x14: {  	v0 =	vimm.f32 $0.0e+00;
	s23 =	sadd.s32 @!p1 s24, s23;
	s24 =	simm.s32 $0x1F80;
	s25 =	sshrl.u32 @!p1 s25, $0x3  }
.LBB2_13:
0x15: {  	[tilespmem:s18], [sflag:$0x2] =	stream.indirect.gather [hbm4b:s2+s16], $0x80, s30, s16, $0xb8;
	[tilespmem:$0x1E000] =	vst v63  }
0x16: {  	_ =	swait.ge [sflag:s19], $0x4000  }
0x17: {  	[sflag:s19] =	ssyncset.done $0x0  }
0x18: {  	[sflag:s19] =	ssyncadd.s32 $0xFFFFC000  }
0x19: {  	[spmem:s3] =	stream.indirect.scatter.add.f32 [tilespmem:s14], [sflag:$0x3], $0x80, s21, s16, $0xb8;
	[tilespmem:$0x1E000] =	vst v63  }
0x1a: {  	_ =	swait.ge [sflag:s15], $0x4000  }
0x1b: {  	[sflag:s15] =	ssyncset.done $0x0  }
0x1c: {  	[sflag:s15] =	ssyncadd.s32 $0xFFFFC000  }
0x1d: {  	_ =	swait.ge [sflag:s20], $0x4000  }
0x1e: {  	[sflag:s20] =	ssyncset.done $0x0  }
0x1f: {  	[sflag:s20] =	ssyncadd.s32 $0xFFFFC000  }
0x20: {  	[spmem:s3] =	stream.indirect.scatter.add.f32 [tilespmem:s18], [sflag:$0x3], $0x80, s24, s16, $0xb8;
	[tilespmem:$0x1E000] =	vst v63  }
0x21: {  	_ =	swait.ge [sflag:s15], $0x4000  }
0x22: {  	[sflag:s15] =	ssyncset.done $0x0  }
0x23: {  	[sflag:s15] =	ssyncadd.s32 $0xFFFFC000  }
0x24: {  	[tilespmem:s4], [sflag:$0x3] =	stream.linear.gather [hbm4b:s12+s4], $0xE00, $0x38;
	[tilespmem:$0x1E000] =	vst v63  }
0x25: {  	_ =	swait.ge [sflag:s15], $0xE00  }
0x26: {  	[sflag:s15] =	ssyncset.done $0x0  }
0x27: {  	[sflag:s15] =	ssyncadd.s32 $0xFFFFF200  }
0x28: {  	[tilespmem:s14], [sflag:$0x1] =	stream.indirect.gather [hbm4b:s2+s16], $0x80, s4, s16, $0xb8;
	[tilespmem:$0x1E000] =	vst v63  }
0x29: {  	_ = 	snop  }
0x2a: {  	[tilespmem:s18], [sflag:$0x2] =	stream.indirect.gather [hbm4b:s2+s16], $0x80, s17, s16, $0xb8;
	[tilespmem:$0x1E000] =	vst v63  }
0x2b: {  	_ =	swait.ge [sflag:s19], $0x4000  }
0x2c: {  	[sflag:s19] =	ssyncset.done $0x0  }
0x2d: {  	[sflag:s19] =	ssyncadd.s32 $0xFFFFC000  }
0x2e: {  	[spmem:s3] =	stream.indirect.scatter.add.f32 [tilespmem:s14], [sflag:$0x3], $0x80, s16, s16, $0xb8;
	[tilespmem:$0x1E000] =	vst v63  }
0x2f: {  	_ =	swait.ge [sflag:s15], $0x4000  }
0x30: {  	[sflag:s15] =	ssyncset.done $0x0  }
0x31: {  	s29 =	simm.s32 $0x200;
	[sflag:s15] =	ssyncadd.s32 $0xFFFFC000  }
0x32: {  	[tilespmem:s14], [sflag:$0x1] =	stream.indirect.gather [hbm4b:s2+s16], $0x80, s29, s16, $0xb8;
	[tilespmem:$0x1E000] =	vst v63  }
0x33: {  	_ =	swait.ge [sflag:s20], $0x4000  }
0x34: {  	[sflag:s20] =	ssyncset.done $0x0  }
0x35: {  	s30 =	simm.s32 $0x180;
	[sflag:s20] =	ssyncadd.s32 $0xFFFFC000  }
0x36: {  	[spmem:s3] =	stream.indirect.scatter.add.f32 [tilespmem:s18], [sflag:$0x3], $0x80, s30, s16, $0xb8;
	[tilespmem:$0x1E000] =	vst v63  }
0x37: {  	_ =	swait.ge [sflag:s15], $0x4000  }
0x38: {  	[sflag:s15] =	ssyncset.done $0x0  }
0x39: {  	s31 =	simm.s32 $0x300;
	[sflag:s15] =	ssyncadd.s32 $0xFFFFC000  }
0x3a: {  	[tilespmem:s18], [sflag:$0x2] =	stream.indirect.gather [hbm4b:s2+s16], $0x80, s31, s16, $0xb8;
	[tilespmem:$0x1E000] =	vst v63  }
0x3b: {  	_ =	swait.ge [sflag:s19], $0x4000  }
0x3c: {  	[sflag:s19] =	ssyncset.done $0x0  }
0x3d: {  	s30 =	simm.s32 $0x280;
	[sflag:s19] =	ssyncadd.s32 $0xFFFFC000  }
0x3e: {  	[spmem:s3] =	stream.indirect.scatter.add.f32 [tilespmem:s14], [sflag:$0x3], $0x80, s30, s16, $0xb8;
	[tilespmem:$0x1E000] =	vst v63  }
0x3f: {  	_ =	swait.ge [sflag:s15], $0x4000  }
0x40: {  	[sflag:s15] =	ssyncset.done $0x0  }
0x41: {  	s31 =	simm.s32 $0x400;
	[sflag:s15] =	ssyncadd.s32 $0xFFFFC000  }
0x42: {  	[tilespmem:s14], [sflag:$0x1] =	stream.indirect.gather [hbm4b:s2+s16], $0x80, s31, s16, $0xb8;
	[tilespmem:$0x1E000] =	vst v63  }
0x43: {  	_ =	swait.ge [sflag:s20], $0x4000  }
0x44: {  	[sflag:s20] =	ssyncset.done $0x0  }
0x45: {  	s30 =	simm.s32 $0x380;
	[sflag:s20] =	ssyncadd.s32 $0xFFFFC000  }
0x46: {  	[spmem:s3] =	stream.indirect.scatter.add.f32 [tilespmem:s18], [sflag:$0x3], $0x80, s30, s16, $0xb8;
	[tilespmem:$0x1E000] =	vst v63  }
0x47: {  	_ =	swait.ge [sflag:s15], $0x4000  }
0x48: {  	[sflag:s15] =	ssyncset.done $0x0  }
0x49: {  	s31 =	simm.s32 $0x500;
	[sflag:s15] =	ssyncadd.s32 $0xFFFFC000  }
0x4a: {  	[tilespmem:s18], [sflag:$0x2] =	stream.indirect.gather [hbm4b:s2+s16], $0x80, s31, s16, $0xb8;
	[tilespmem:$0x1E000] =	vst v63  }
0x4b: {  	_ =	swait.ge [sflag:s19], $0x4000  }
0x4c: {  	[sflag:s19] =	ssyncset.done $0x0  }
0x4d: {  	s30 =	simm.s32 $0x480;
	[sflag:s19] =	ssyncadd.s32 $0xFFFFC000  }
0x4e: {  	[spmem:s3] =	stream.indirect.scatter.add.f32 [tilespmem:s14], [sflag:$0x3], $0x80, s30, s16, $0xb8;
	[tilespmem:$0x1E000] =	vst v63  }
0x4f: {  	_ =	swait.ge [sflag:s15], $0x4000  }
0x50: {  	[sflag:s15] =	ssyncset.done $0x0  }
0x51: {  	s31 =	simm.s32 $0x600;
	[sflag:s15] =	ssyncadd.s32 $0xFFFFC000  }
0x52: {  	[tilespmem:s14], [sflag:$0x1] =	stream.indirect.gather [hbm4b:s2+s16], $0x80, s31, s16, $0xb8;
	[tilespmem:$0x1E000] =	vst v63  }
0x53: {  	_ =	swait.ge [sflag:s20], $0x4000  }
0x54: {  	[sflag:s20] =	ssyncset.done $0x0  }
0x55: {  	s30 =	simm.s32 $0x580;
	[sflag:s20] =	ssyncadd.s32 $0xFFFFC000  }
0x56: {  	[spmem:s3] =	stream.indirect.scatter.add.f32 [tilespmem:s18], [sflag:$0x3], $0x80, s30, s16, $0xb8;
	[tilespmem:$0x1E000] =	vst v63  }
0x57: {  	_ =	swait.ge [sflag:s15], $0x4000  }
0x58: {  	[sflag:s15] =	ssyncset.done $0x0  }
0x59: {  	s31 =	simm.s32 $0x700;
	[sflag:s15] =	ssyncadd.s32 $0xFFFFC000  }
0x5a: {  	[tilespmem:s18], [sflag:$0x2] =	stream.indirect.gather [hbm4b:s2+s16], $0x80, s31, s16, $0xb8;
	[tilespmem:$0x1E000] =	vst v63  }
0x5b: {  	_ =	swait.ge [sflag:s19], $0x4000  }
0x5c: {  	[sflag:s19] =	ssyncset.done $0x0  }
0x5d: {  	s30 =	simm.s32 $0x680;
	[sflag:s19] =	ssyncadd.s32 $0xFFFFC000  }
0x5e: {  	[spmem:s3] =	stream.indirect.scatter.add.f32 [tilespmem:s14], [sflag:$0x3], $0x80, s30, s16, $0xb8;
	[tilespmem:$0x1E000] =	vst v63  }
0x5f: {  	_ =	swait.ge [sflag:s15], $0x4000  }
0x60: {  	[sflag:s15] =	ssyncset.done $0x0  }
0x61: {  	s31 =	simm.s32 $0x800;
	[sflag:s15] =	ssyncadd.s32 $0xFFFFC000  }
0x62: {  	[tilespmem:s14], [sflag:$0x1] =	stream.indirect.gather [hbm4b:s2+s16], $0x80, s31, s16, $0xb8;
	[tilespmem:$0x1E000] =	vst v63  }
0x63: {  	_ =	swait.ge [sflag:s20], $0x4000  }
0x64: {  	[sflag:s20] =	ssyncset.done $0x0  }
0x65: {  	s30 =	simm.s32 $0x780;
	[sflag:s20] =	ssyncadd.s32 $0xFFFFC000  }
0x66: {  	[spmem:s3] =	stream.indirect.scatter.add.f32 [tilespmem:s18], [sflag:$0x3], $0x80, s30, s16, $0xb8;
	[tilespmem:$0x1E000] =	vst v63  }
0x67: {  	_ =	swait.ge [sflag:s15], $0x4000  }
0x68: {  	[sflag:s15] =	ssyncset.done $0x0  }
0x69: {  	s31 =	simm.s32 $0x900;
	[sflag:s15] =	ssyncadd.s32 $0xFFFFC000  }
0x6a: {  	[tilespmem:s18], [sflag:$0x2] =	stream.indirect.gather [hbm4b:s2+s16], $0x80, s31, s16, $0xb8;
	[tilespmem:$0x1E000] =	vst v63  }
0x6b: {  	_ =	swait.ge [sflag:s19], $0x4000  }
0x6c: {  	[sflag:s19] =	ssyncset.done $0x0  }
0x6d: {  	s30 =	simm.s32 $0x880;
	[sflag:s19] =	ssyncadd.s32 $0xFFFFC000  }
0x6e: {  	[spmem:s3] =	stream.indirect.scatter.add.f32 [tilespmem:s14], [sflag:$0x3], $0x80, s30, s16, $0xb8;
	[tilespmem:$0x1E000] =	vst v63  }
0x6f: {  	_ =	swait.ge [sflag:s15], $0x4000  }
0x70: {  	[sflag:s15] =	ssyncset.done $0x0  }
0x71: {  	s31 =	simm.s32 $0xA00;
	[sflag:s15] =	ssyncadd.s32 $0xFFFFC000  }
0x72: {  	[tilespmem:s14], [sflag:$0x1] =	stream.indirect.gather [hbm4b:s2+s16], $0x80, s31, s16, $0xb8;
	[tilespmem:$0x1E000] =	vst v63  }
0x73: {  	_ =	swait.ge [sflag:s20], $0x4000  }
0x74: {  	[sflag:s20] =	ssyncset.done $0x0  }
0x75: {  	s30 =	simm.s32 $0x980;
	[sflag:s20] =	ssyncadd.s32 $0xFFFFC000  }
0x76: {  	[spmem:s3] =	stream.indirect.scatter.add.f32 [tilespmem:s18], [sflag:$0x3], $0x80, s30, s16, $0xb8;
	[tilespmem:$0x1E000] =	vst v63  }
0x77: {  	_ =	swait.ge [sflag:s15], $0x4000  }
0x78: {  	[sflag:s15] =	ssyncset.done $0x0  }
0x79: {  	s31 =	simm.s32 $0xB00;
	[sflag:s15] =	ssyncadd.s32 $0xFFFFC000  }
0x7a: {  	[tilespmem:s18], [sflag:$0x2] =	stream.indirect.gather [hbm4b:s2+s16], $0x80, s31, s16, $0xb8;
	[tilespmem:$0x1E000] =	vst v63  }
0x7b: {  	_ =	swait.ge [sflag:s19], $0x4000  }
0x7c: {  	[sflag:s19] =	ssyncset.done $0x0  }
0x7d: {  	s30 =	simm.s32 $0xA80;
	[sflag:s19] =	ssyncadd.s32 $0xFFFFC000  }
0x7e: {  	[spmem:s3] =	stream.indirect.scatter.add.f32 [tilespmem:s14], [sflag:$0x3], $0x80, s30, s16, $0xb8;
	[tilespmem:$0x1E000] =	vst v63  }
0x7f: {  	_ =	swait.ge [sflag:s15], $0x4000  }
0x80: {  	[sflag:s15] =	ssyncset.done $0x0  }
0x81: {  	s31 =	simm.s32 $0xC00;
	[sflag:s15] =	ssyncadd.s32 $0xFFFFC000  }
0x82: {  	[tilespmem:s14], [sflag:$0x1] =	stream.indirect.gather [hbm4b:s2+s16], $0x80, s31, s16, $0xb8;
	[tilespmem:$0x1E000] =	vst v63  }
0x83: {  	_ =	swait.ge [sflag:s20], $0x4000  }
0x84: {  	[sflag:s20] =	ssyncset.done $0x0  }
0x85: {  	s30 =	simm.s32 $0xB80;
	[sflag:s20] =	ssyncadd.s32 $0xFFFFC000  }
0x86: {  	[spmem:s3] =	stream.indirect.scatter.add.f32 [tilespmem:s18], [sflag:$0x3], $0x80, s30, s16, $0xb8;
	[tilespmem:$0x1E000] =	vst v63  }
0x87: {  	_ =	swait.ge [sflag:s15], $0x4000  }
0x88: {  	[sflag:s15] =	ssyncset.done $0x0  }
0x89: {  	s31 =	simm.s32 $0xD00;
	[sflag:s15] =	ssyncadd.s32 $0xFFFFC000  }
0x8a: {  	[tilespmem:s18], [sflag:$0x2] =	stream.indirect.gather [hbm4b:s2+s16], $0x80, s31, s16, $0xb8;
	[tilespmem:$0x1E000] =	vst v63  }
0x8b: {  	_ =	swait.ge [sflag:s19], $0x4000  }
0x8c: {  	[sflag:s19] =	ssyncset.done $0x0  }
0x8d: {  	[sflag:s19] =	ssyncadd.s32 $0xFFFFC000  }
0x8e: {  	[spmem:s3] =	stream.indirect.scatter.add.f32 [tilespmem:s14], [sflag:$0x3], $0x80, s1, s16, $0xb8;
	[tilespmem:$0x1E000] =	vst v63  }
0x8f: {  	_ =	swait.ge [sflag:s15], $0x4000  }
0x90: {  	[sflag:s15] =	ssyncset.done $0x0  }
0x91: {  	[sflag:s15] =	ssyncadd.s32 $0xFFFFC000  }
0x92: {  	_ =	swait.ge [sflag:s20], $0x4000  }
0x93: {  	[sflag:s20] =	ssyncset.done $0x0  }
0x94: {  	[sflag:s20] =	ssyncadd.s32 $0xFFFFC000  }
0x95: {  	[spmem:s3] =	stream.indirect.scatter.add.f32 [tilespmem:s18], [sflag:$0x3], $0x80, s26, s16, $0xb8;
	[tilespmem:$0x1E000] =	vst v63  }
.LBB2_14:
0x96: {  	_ =	swait.ge [sflag:s15], $0x4000  }
0x97: {  	[sflag:s15] =	ssyncset.done $0x0  }
0x98: {  	s29 =	sshll.u32 s0, $0x6;
	[sflag:s15] =	ssyncadd.s32 $0xFFFFC000  }
0x99: {  	s30 =	sshrl.u32 s5, $0x3;
	s29 =	sor.u32 $0x1C03, s29;
	[bflag:$0x0] =	sbarrier.arrive $0xFFFF  }
0x9a: {  	[hbm:s22], [sflag:s29] =	dma.local [spmem:s30], $0x1900  }
0x9b: {  	_ =	swait.ge [sflag:s15], $0x1900  }
0x9c: {  	s28 =	sadd.s32 $0x1, s28;
	[sflag:s15] =	ssyncset.done $0x0  }
0x9d: {  	p2 =	sne.s32 s28, s13;
	[sflag:s15] =	ssyncadd.s32 $0xFFFFE700  }
0x9e: {  	[hbm:s23], [sflag:s29] =	dma.local @!p1 [spmem:s25], $0xF00  }
.Ltmp1:
0x9f: {  	_ = 	snop;
	(pc) =	sbr.rel @!p2 .LBB2_15-.Ltmp1, $4  }
0xa0: {  	s29 =	simm.s32 @!p1 $0x3  }
0xa1: {  	_ =	swait.ge @!p1 [sflag:s29], $0xF00  }
0xa2: {  	[sflag:s29] =	ssyncset.done @!p1 $0x0  }
0xa3: {  	[sflag:s29] =	ssyncadd.s32 @!p1 $0xFFFFF100  }
.LBB2_1:
0xa4: {  	s29 =	simm.s32 $0x0;
	s30 =	simm.s32 $0x200  }
.LBB2_2:
0xa5: {  	p2 =	sne.s32 s30, $0xFE00;
	[tilespmem:s29+$0x2070] =	vst v0  }
0xa6: {  	[tilespmem:s29+$0x2000] =	vst v0  }
0xa7: {  	[tilespmem:s29+$0x2010] =	vst v0  }
.Ltmp2:
0xa8: {  	[tilespmem:s29+$0x2020] =	vst v0;
	(pc) =	sbr.rel @p2 .LBB2_2-.Ltmp2, $4  }
0xa9: {  	[tilespmem:s29+$0x2030] =	vst v0  }
0xaa: {  	[tilespmem:s29+$0x2040] =	vst v0  }
0xab: {  	[tilespmem:s29+$0x2050] =	vst v0  }
0xac: {  	[tilespmem:s29+$0x2060] =	vst v0;
	s29 =	sshra.s32 s30, $0x2;
	s30 =	sadd.s32 $0x200, s30  }
0xad: {  	[tilespmem:s29+$0x2070] =	vst v0  }
0xae: {  	[tilespmem:s29+$0x2000] =	vst v0  }
0xaf: {  	[tilespmem:s29+$0x2010] =	vst v0  }
0xb0: {  	[tilespmem:s29+$0x2020] =	vst v0  }
0xb1: {  	[tilespmem:s29+$0x2030] =	vst v0  }
0xb2: {  	[tilespmem:s29+$0x2040] =	vst v0  }
0xb3: {  	[tilespmem:s29+$0x2050] =	vst v0  }
0xb4: {  	[tilespmem:s29+$0x2060] =	vst v0  }
0xb5: {  	[spmem:s5] =	stream.linear.scatter [tilespmem:s14], [sflag:$0x3], $0x4000, $0x38;
	[tilespmem:$0x1E000] =	vst v63  }
0xb6: {  	_ =	swait.ge [sflag:s15], $0x4000  }
0xb7: {  	[sflag:s15] =	ssyncset.done $0x0  }
0xb8: {  	[sflag:s15] =	ssyncadd.s32 $0xFFFFC000  }
0xb9: {  	[spmem:s6] =	stream.linear.scatter [tilespmem:s14], [sflag:$0x3], $0x4000, $0x38;
	[tilespmem:$0x1E000] =	vst v63  }
0xba: {  	_ =	swait.ge [sflag:s15], $0x4000  }
0xbb: {  	[sflag:s15] =	ssyncset.done $0x0  }
0xbc: {  	[sflag:s15] =	ssyncadd.s32 $0xFFFFC000  }
0xbd: {  	[spmem:s7] =	stream.linear.scatter [tilespmem:s14], [sflag:$0x3], $0x4000, $0x38;
	[tilespmem:$0x1E000] =	vst v63  }
0xbe: {  	_ =	swait.ge [sflag:s15], $0x4000  }
0xbf: {  	[sflag:s15] =	ssyncset.done $0x0  }
0xc0: {  	[sflag:s15] =	ssyncadd.s32 $0xFFFFC000  }
0xc1: {  	[spmem:s8] =	stream.linear.scatter [tilespmem:s14], [sflag:$0x3], $0x4000, $0x38;
	[tilespmem:$0x1E000] =	vst v63  }
0xc2: {  	_ =	swait.ge [sflag:s15], $0x4000  }
0xc3: {  	[sflag:s15] =	ssyncset.done $0x0  }
0xc4: {  	[sflag:s15] =	ssyncadd.s32 $0xFFFFC000  }
0xc5: {  	[spmem:s9] =	stream.linear.scatter [tilespmem:s14], [sflag:$0x3], $0x4000, $0x38;
	[tilespmem:$0x1E000] =	vst v63  }
0xc6: {  	_ =	swait.ge [sflag:s15], $0x4000  }
0xc7: {  	[sflag:s15] =	ssyncset.done $0x0  }
0xc8: {  	[sflag:s15] =	ssyncadd.s32 $0xFFFFC000  }
0xc9: {  	[bflag:$0x0] =	sbarrier.arrive $0xFFFF  }
0xca: {  	[tilespmem:s4], [sflag:$0x3] =	stream.linear.gather [hbm4b:s10+s4], $0x2000, $0x38;
	[tilespmem:$0x1E000] =	vst v63  }
0xcb: {  	_ =	swait.ge [sflag:s15], $0x2000  }
.Ltmp3:
0xcc: {  	[sflag:s15] =	ssyncset.done $0x0;
	(pc) =	sbr.rel @p0 .LBB2_9-.Ltmp3, $4  }
0xcd: {  	[sflag:s15] =	ssyncadd.s32 $0xFFFFE000  }
0xce: {  	[tilespmem:s14], [sflag:$0x1] =	stream.indirect.gather [hbm4b:s2+s16], $0x80, s4, s16, $0xb8;
	[tilespmem:$0x1E000] =	vst v63  }
0xcf: {  	_ = 	snop  }
0xd0: {  	[tilespmem:s18], [sflag:$0x2] =	stream.indirect.gather [hbm4b:s2+s16], $0x80, s17, s16, $0xb8;
	[tilespmem:$0x1E000] =	vst v63  }
0xd1: {  	_ =	swait.ge [sflag:s19], $0x4000  }
0xd2: {  	[sflag:s19] =	ssyncset.done $0x0  }
0xd3: {  	s29 =	simm.s32 $0x80;
	[sflag:s19] =	ssyncadd.s32 $0xFFFFC000  }
0xd4: {  	[spmem:s3] =	stream.indirect.scatter.add.f32 [tilespmem:s14], [sflag:$0x3], $0x80, s29, s16, $0xb8;
	[tilespmem:$0x1E000] =	vst v63  }
0xd5: {  	_ =	swait.ge [sflag:s15], $0x4000  }
0xd6: {  	[sflag:s15] =	ssyncset.done $0x0  }
0xd7: {  	s29 =	simm.s32 $0x200;
	[sflag:s15] =	ssyncadd.s32 $0xFFFFC000  }
0xd8: {  	[tilespmem:s14], [sflag:$0x1] =	stream.indirect.gather [hbm4b:s2+s16], $0x80, s29, s16, $0xb8;
	[tilespmem:$0x1E000] =	vst v63  }
0xd9: {  	_ =	swait.ge [sflag:s20], $0x4000  }
0xda: {  	[sflag:s20] =	ssyncset.done $0x0  }
0xdb: {  	s29 =	simm.s32 $0x180;
	[sflag:s20] =	ssyncadd.s32 $0xFFFFC000  }
0xdc: {  	[spmem:s3] =	stream.indirect.scatter.add.f32 [tilespmem:s18], [sflag:$0x3], $0x80, s29, s16, $0xb8;
	[tilespmem:$0x1E000] =	vst v63  }
0xdd: {  	_ =	swait.ge [sflag:s15], $0x4000  }
0xde: {  	[sflag:s15] =	ssyncset.done $0x0  }
0xdf: {  	s30 =	simm.s32 $0x300;
	s29 =	simm.s32 $0xFFFF9000;
	[sflag:s15] =	ssyncadd.s32 $0xFFFFC000  }
.LBB2_5:
0xe0: {  	[tilespmem:s18], [sflag:$0x2] =	stream.indirect.gather [hbm4b:s2+s16], $0x80, s30, s16, $0xb8;
	[tilespmem:$0x1E000] =	vst v63  }
0xe1: {  	s30 =	smov.u32 s29  }
0xe2: {  	p2 =	sne.s32 s29, $0xFFFFF800;
	s29 =	sadd.s32 $0x800, s29;
	_ =	swait.ge [sflag:s19], $0x4000  }
0xe3: {  	s30 =	sshra.s32 s30, $0x2;
	[sflag:s19] =	ssyncset.done $0x0  }
0xe4: {  	s31 =	sadd.s32 $0x1E80, s30;
	[sflag:s19] =	ssyncadd.s32 $0xFFFFC000  }
0xe5: {  	[spmem:s3] =	stream.indirect.scatter.add.f32 [tilespmem:s14], [sflag:$0x3], $0x80, s31, s16, $0xb8;
	[tilespmem:$0x1E000] =	vst v63  }
0xe6: {  	_ =	swait.ge [sflag:s15], $0x4000  }
0xe7: {  	[sflag:s15] =	ssyncset.done $0x0  }
0xe8: {  	s31 =	sadd.s32 $0x2000, s30;
	[sflag:s15] =	ssyncadd.s32 $0xFFFFC000  }
0xe9: {  	[tilespmem:s14], [sflag:$0x1] =	stream.indirect.gather [hbm4b:s2+s16], $0x80, s31, s16, $0xb8;
	[tilespmem:$0x1E000] =	vst v63  }
0xea: {  	_ =	swait.ge [sflag:s20], $0x4000  }
0xeb: {  	[sflag:s20] =	ssyncset.done $0x0  }
.Ltmp4:
0xec: {  	s31 =	sadd.s32 $0x1F80, s30;
	[sflag:s20] =	ssyncadd.s32 $0xFFFFC000;
	(pc) =	sbr.rel @p2 .LBB2_5-.Ltmp4, $4  }
0xed: {  	[spmem:s3] =	stream.indirect.scatter.add.f32 [tilespmem:s18], [sflag:$0x3], $0x80, s31, s16, $0xb8;
	[tilespmem:$0x1E000] =	vst v63  }
0xee: {  	_ =	swait.ge [sflag:s15], $0x4000  }
0xef: {  	[sflag:s15] =	ssyncset.done $0x0  }
0xf0: {  	s30 =	sadd.s32 $0x2100, s30;
	[sflag:s15] =	ssyncadd.s32 $0xFFFFC000  }
0xf1: {  	[tilespmem:s18], [sflag:$0x2] =	stream.indirect.gather [hbm4b:s2+s16], $0x80, s30, s16, $0xb8;
	[tilespmem:$0x1E000] =	vst v63  }
0xf2: {  	_ =	swait.ge [sflag:s19], $0x4000  }
0xf3: {  	[sflag:s19] =	ssyncset.done $0x0  }
0xf4: {  	[sflag:s19] =	ssyncadd.s32 $0xFFFFC000  }
0xf5: {  	[spmem:s3] =	stream.indirect.scatter.add.f32 [tilespmem:s14], [sflag:$0x3], $0x80, s21, s16, $0xb8;
	[tilespmem:$0x1E000] =	vst v63  }
0xf6: {  	_ =	swait.ge [sflag:s15], $0x4000  }
0xf7: {  	[sflag:s15] =	ssyncset.done $0x0  }
0xf8: {  	[sflag:s15] =	ssyncadd.s32 $0xFFFFC000  }
0xf9: {  	_ =	swait.ge [sflag:s20], $0x4000  }
0xfa: {  	[sflag:s20] =	ssyncset.done $0x0  }
0xfb: {  	[sflag:s20] =	ssyncadd.s32 $0xFFFFC000  }
0xfc: {  	[spmem:s3] =	stream.indirect.scatter.add.f32 [tilespmem:s18], [sflag:$0x3], $0x80, s24, s16, $0xb8;
	[tilespmem:$0x1E000] =	vst v63  }
0xfd: {  	_ =	swait.ge [sflag:s15], $0x4000  }
0xfe: {  	[sflag:s15] =	ssyncset.done $0x0  }
0xff: {  	[sflag:s15] =	ssyncadd.s32 $0xFFFFC000  }
0x100: {  	[tilespmem:s4], [sflag:$0x3] =	stream.linear.gather [hbm4b:s11+s4], $0x2000, $0x38;
	[tilespmem:$0x1E000] =	vst v63  }
0x101: {  	_ =	swait.ge [sflag:s15], $0x2000  }
0x102: {  	[sflag:s15] =	ssyncset.done $0x0  }
0x103: {  	[sflag:s15] =	ssyncadd.s32 $0xFFFFE000  }
0x104: {  	[tilespmem:s14], [sflag:$0x1] =	stream.indirect.gather [hbm4b:s2+s16], $0x80, s4, s16, $0xb8;
	[tilespmem:$0x1E000] =	vst v63  }
0x105: {  	_ = 	snop  }
0x106: {  	[tilespmem:s18], [sflag:$0x2] =	stream.indirect.gather [hbm4b:s2+s16], $0x80, s17, s16, $0xb8;
	[tilespmem:$0x1E000] =	vst v63  }
0x107: {  	_ =	swait.ge [sflag:s19], $0x4000  }
0x108: {  	[sflag:s19] =	ssyncset.done $0x0  }
0x109: {  	s29 =	simm.s32 $0x80;
	[sflag:s19] =	ssyncadd.s32 $0xFFFFC000  }
0x10a: {  	[spmem:s3] =	stream.indirect.scatter.add.f32 [tilespmem:s14], [sflag:$0x3], $0x80, s29, s16, $0xb8;
	[tilespmem:$0x1E000] =	vst v63  }
0x10b: {  	_ =	swait.ge [sflag:s15], $0x4000  }
0x10c: {  	[sflag:s15] =	ssyncset.done $0x0  }
0x10d: {  	s29 =	simm.s32 $0x200;
	[sflag:s15] =	ssyncadd.s32 $0xFFFFC000  }
0x10e: {  	[tilespmem:s14], [sflag:$0x1] =	stream.indirect.gather [hbm4b:s2+s16], $0x80, s29, s16, $0xb8;
	[tilespmem:$0x1E000] =	vst v63  }
0x10f: {  	_ =	swait.ge [sflag:s20], $0x4000  }
0x110: {  	[sflag:s20] =	ssyncset.done $0x0  }
0x111: {  	s29 =	simm.s32 $0x180;
	[sflag:s20] =	ssyncadd.s32 $0xFFFFC000  }
0x112: {  	[spmem:s3] =	stream.indirect.scatter.add.f32 [tilespmem:s18], [sflag:$0x3], $0x80, s29, s16, $0xb8;
	[tilespmem:$0x1E000] =	vst v63  }
0x113: {  	_ =	swait.ge [sflag:s15], $0x4000  }
0x114: {  	[sflag:s15] =	ssyncset.done $0x0  }
0x115: {  	s30 =	simm.s32 $0x300;
	s29 =	simm.s32 $0xFFFF9000;
	[sflag:s15] =	ssyncadd.s32 $0xFFFFC000  }
.LBB2_7:
0x116: {  	[tilespmem:s18], [sflag:$0x2] =	stream.indirect.gather [hbm4b:s2+s16], $0x80, s30, s16, $0xb8;
	[tilespmem:$0x1E000] =	vst v63  }
0x117: {  	s30 =	smov.u32 s29  }
0x118: {  	p2 =	sne.s32 s29, $0xFFFFF800;
	s29 =	sadd.s32 $0x800, s29;
	_ =	swait.ge [sflag:s19], $0x4000  }
0x119: {  	s30 =	sshra.s32 s30, $0x2;
	[sflag:s19] =	ssyncset.done $0x0  }
0x11a: {  	s31 =	sadd.s32 $0x1E80, s30;
	[sflag:s19] =	ssyncadd.s32 $0xFFFFC000  }
0x11b: {  	[spmem:s3] =	stream.indirect.scatter.add.f32 [tilespmem:s14], [sflag:$0x3], $0x80, s31, s16, $0xb8;
	[tilespmem:$0x1E000] =	vst v63  }
0x11c: {  	_ =	swait.ge [sflag:s15], $0x4000  }
0x11d: {  	[sflag:s15] =	ssyncset.done $0x0  }
0x11e: {  	s31 =	sadd.s32 $0x2000, s30;
	[sflag:s15] =	ssyncadd.s32 $0xFFFFC000  }
0x11f: {  	[tilespmem:s14], [sflag:$0x1] =	stream.indirect.gather [hbm4b:s2+s16], $0x80, s31, s16, $0xb8;
	[tilespmem:$0x1E000] =	vst v63  }
0x120: {  	_ =	swait.ge [sflag:s20], $0x4000  }
0x121: {  	[sflag:s20] =	ssyncset.done $0x0  }
.Ltmp5:
0x122: {  	s31 =	sadd.s32 $0x1F80, s30;
	[sflag:s20] =	ssyncadd.s32 $0xFFFFC000;
	(pc) =	sbr.rel @p2 .LBB2_7-.Ltmp5, $4  }
0x123: {  	[spmem:s3] =	stream.indirect.scatter.add.f32 [tilespmem:s18], [sflag:$0x3], $0x80, s31, s16, $0xb8;
	[tilespmem:$0x1E000] =	vst v63  }
0x124: {  	_ =	swait.ge [sflag:s15], $0x4000  }
0x125: {  	[sflag:s15] =	ssyncset.done $0x0  }
0x126: {  	s30 =	sadd.s32 $0x2100, s30;
	[sflag:s15] =	ssyncadd.s32 $0xFFFFC000  }
0x127: {  	[tilespmem:s18], [sflag:$0x2] =	stream.indirect.gather [hbm4b:s2+s16], $0x80, s30, s16, $0xb8;
	[tilespmem:$0x1E000] =	vst v63  }
0x128: {  	_ =	swait.ge [sflag:s19], $0x4000  }
0x129: {  	[sflag:s19] =	ssyncset.done $0x0  }
0x12a: {  	[sflag:s19] =	ssyncadd.s32 $0xFFFFC000  }
0x12b: {  	[spmem:s3] =	stream.indirect.scatter.add.f32 [tilespmem:s14], [sflag:$0x3], $0x80, s21, s16, $0xb8;
	[tilespmem:$0x1E000] =	vst v63  }
0x12c: {  	_ =	swait.ge [sflag:s15], $0x4000  }
0x12d: {  	[sflag:s15] =	ssyncset.done $0x0  }
0x12e: {  	[sflag:s15] =	ssyncadd.s32 $0xFFFFC000  }
0x12f: {  	_ =	swait.ge [sflag:s20], $0x4000  }
0x130: {  	[sflag:s20] =	ssyncset.done $0x0  }
0x131: {  	[sflag:s20] =	ssyncadd.s32 $0xFFFFC000  }
0x132: {  	[spmem:s3] =	stream.indirect.scatter.add.f32 [tilespmem:s18], [sflag:$0x3], $0x80, s24, s16, $0xb8;
	[tilespmem:$0x1E000] =	vst v63  }
0x133: {  	_ =	swait.ge [sflag:s15], $0x4000  }
0x134: {  	[sflag:s15] =	ssyncset.done $0x0  }
0x135: {  	[sflag:s15] =	ssyncadd.s32 $0xFFFFC000  }
0x136: {  	[tilespmem:s4], [sflag:$0x3] =	stream.linear.gather [hbm4b:s12+s4], $0xF00, $0x38;
	[tilespmem:$0x1E000] =	vst v63  }
0x137: {  	_ =	swait.ge [sflag:s15], $0xF00  }
0x138: {  	[sflag:s15] =	ssyncset.done $0x0  }
0x139: {  	[sflag:s15] =	ssyncadd.s32 $0xFFFFF100  }
0x13a: {  	[tilespmem:s14], [sflag:$0x1] =	stream.indirect.gather [hbm4b:s2+s16], $0x80, s4, s16, $0xb8;
	[tilespmem:$0x1E000] =	vst v63  }
0x13b: {  	_ = 	snop  }
0x13c: {  	[tilespmem:s18], [sflag:$0x2] =	stream.indirect.gather [hbm4b:s2+s16], $0x80, s17, s16, $0xb8;
	[tilespmem:$0x1E000] =	vst v63  }
0x13d: {  	_ =	swait.ge [sflag:s19], $0x4000  }
0x13e: {  	[sflag:s19] =	ssyncset.done $0x0  }
0x13f: {  	[sflag:s19] =	ssyncadd.s32 $0xFFFFC000  }
0x140: {  	[spmem:s3] =	stream.indirect.scatter.add.f32 [tilespmem:s14], [sflag:$0x3], $0x80, s16, s16, $0xb8;
	[tilespmem:$0x1E000] =	vst v63  }
0x141: {  	_ =	swait.ge [sflag:s15], $0x4000  }
0x142: {  	[sflag:s15] =	ssyncset.done $0x0  }
0x143: {  	s29 =	simm.s32 $0x200;
	[sflag:s15] =	ssyncadd.s32 $0xFFFFC000  }
0x144: {  	[tilespmem:s14], [sflag:$0x1] =	stream.indirect.gather [hbm4b:s2+s16], $0x80, s29, s16, $0xb8;
	[tilespmem:$0x1E000] =	vst v63  }
0x145: {  	_ =	swait.ge [sflag:s20], $0x4000  }
0x146: {  	[sflag:s20] =	ssyncset.done $0x0  }
0x147: {  	s30 =	simm.s32 $0x180;
	[sflag:s20] =	ssyncadd.s32 $0xFFFFC000  }
0x148: {  	[spmem:s3] =	stream.indirect.scatter.add.f32 [tilespmem:s18], [sflag:$0x3], $0x80, s30, s16, $0xb8;
	[tilespmem:$0x1E000] =	vst v63  }
0x149: {  	_ =	swait.ge [sflag:s15], $0x4000  }
0x14a: {  	[sflag:s15] =	ssyncset.done $0x0  }
0x14b: {  	s31 =	simm.s32 $0x300;
	[sflag:s15] =	ssyncadd.s32 $0xFFFFC000  }
0x14c: {  	[tilespmem:s18], [sflag:$0x2] =	stream.indirect.gather [hbm4b:s2+s16], $0x80, s31, s16, $0xb8;
	[tilespmem:$0x1E000] =	vst v63  }
0x14d: {  	_ =	swait.ge [sflag:s19], $0x4000  }
0x14e: {  	[sflag:s19] =	ssyncset.done $0x0  }
0x14f: {  	s30 =	simm.s32 $0x280;
	[sflag:s19] =	ssyncadd.s32 $0xFFFFC000  }
0x150: {  	[spmem:s3] =	stream.indirect.scatter.add.f32 [tilespmem:s14], [sflag:$0x3], $0x80, s30, s16, $0xb8;
	[tilespmem:$0x1E000] =	vst v63  }
0x151: {  	_ =	swait.ge [sflag:s15], $0x4000  }
0x152: {  	[sflag:s15] =	ssyncset.done $0x0  }
0x153: {  	s31 =	simm.s32 $0x400;
	[sflag:s15] =	ssyncadd.s32 $0xFFFFC000  }
0x154: {  	[tilespmem:s14], [sflag:$0x1] =	stream.indirect.gather [hbm4b:s2+s16], $0x80, s31, s16, $0xb8;
	[tilespmem:$0x1E000] =	vst v63  }
0x155: {  	_ =	swait.ge [sflag:s20], $0x4000  }
0x156: {  	[sflag:s20] =	ssyncset.done $0x0  }
0x157: {  	s30 =	simm.s32 $0x380;
	[sflag:s20] =	ssyncadd.s32 $0xFFFFC000  }
0x158: {  	[spmem:s3] =	stream.indirect.scatter.add.f32 [tilespmem:s18], [sflag:$0x3], $0x80, s30, s16, $0xb8;
	[tilespmem:$0x1E000] =	vst v63  }
0x159: {  	_ =	swait.ge [sflag:s15], $0x4000  }
0x15a: {  	[sflag:s15] =	ssyncset.done $0x0  }
0x15b: {  	s31 =	simm.s32 $0x500;
	[sflag:s15] =	ssyncadd.s32 $0xFFFFC000  }
0x15c: {  	[tilespmem:s18], [sflag:$0x2] =	stream.indirect.gather [hbm4b:s2+s16], $0x80, s31, s16, $0xb8;
	[tilespmem:$0x1E000] =	vst v63  }
0x15d: {  	_ =	swait.ge [sflag:s19], $0x4000  }
0x15e: {  	[sflag:s19] =	ssyncset.done $0x0  }
0x15f: {  	s30 =	simm.s32 $0x480;
	[sflag:s19] =	ssyncadd.s32 $0xFFFFC000  }
0x160: {  	[spmem:s3] =	stream.indirect.scatter.add.f32 [tilespmem:s14], [sflag:$0x3], $0x80, s30, s16, $0xb8;
	[tilespmem:$0x1E000] =	vst v63  }
0x161: {  	_ =	swait.ge [sflag:s15], $0x4000  }
0x162: {  	[sflag:s15] =	ssyncset.done $0x0  }
0x163: {  	s31 =	simm.s32 $0x600;
	[sflag:s15] =	ssyncadd.s32 $0xFFFFC000  }
0x164: {  	[tilespmem:s14], [sflag:$0x1] =	stream.indirect.gather [hbm4b:s2+s16], $0x80, s31, s16, $0xb8;
	[tilespmem:$0x1E000] =	vst v63  }
0x165: {  	_ =	swait.ge [sflag:s20], $0x4000  }
0x166: {  	[sflag:s20] =	ssyncset.done $0x0  }
0x167: {  	s30 =	simm.s32 $0x580;
	[sflag:s20] =	ssyncadd.s32 $0xFFFFC000  }
0x168: {  	[spmem:s3] =	stream.indirect.scatter.add.f32 [tilespmem:s18], [sflag:$0x3], $0x80, s30, s16, $0xb8;
	[tilespmem:$0x1E000] =	vst v63  }
0x169: {  	_ =	swait.ge [sflag:s15], $0x4000  }
0x16a: {  	[sflag:s15] =	ssyncset.done $0x0  }
0x16b: {  	s31 =	simm.s32 $0x700;
	[sflag:s15] =	ssyncadd.s32 $0xFFFFC000  }
0x16c: {  	[tilespmem:s18], [sflag:$0x2] =	stream.indirect.gather [hbm4b:s2+s16], $0x80, s31, s16, $0xb8;
	[tilespmem:$0x1E000] =	vst v63  }
0x16d: {  	_ =	swait.ge [sflag:s19], $0x4000  }
0x16e: {  	[sflag:s19] =	ssyncset.done $0x0  }
0x16f: {  	s30 =	simm.s32 $0x680;
	[sflag:s19] =	ssyncadd.s32 $0xFFFFC000  }
0x170: {  	[spmem:s3] =	stream.indirect.scatter.add.f32 [tilespmem:s14], [sflag:$0x3], $0x80, s30, s16, $0xb8;
	[tilespmem:$0x1E000] =	vst v63  }
0x171: {  	_ =	swait.ge [sflag:s15], $0x4000  }
0x172: {  	[sflag:s15] =	ssyncset.done $0x0  }
0x173: {  	s31 =	simm.s32 $0x800;
	[sflag:s15] =	ssyncadd.s32 $0xFFFFC000  }
0x174: {  	[tilespmem:s14], [sflag:$0x1] =	stream.indirect.gather [hbm4b:s2+s16], $0x80, s31, s16, $0xb8;
	[tilespmem:$0x1E000] =	vst v63  }
0x175: {  	_ =	swait.ge [sflag:s20], $0x4000  }
0x176: {  	[sflag:s20] =	ssyncset.done $0x0  }
0x177: {  	s30 =	simm.s32 $0x780;
	[sflag:s20] =	ssyncadd.s32 $0xFFFFC000  }
0x178: {  	[spmem:s3] =	stream.indirect.scatter.add.f32 [tilespmem:s18], [sflag:$0x3], $0x80, s30, s16, $0xb8;
	[tilespmem:$0x1E000] =	vst v63  }
0x179: {  	_ =	swait.ge [sflag:s15], $0x4000  }
0x17a: {  	[sflag:s15] =	ssyncset.done $0x0  }
0x17b: {  	s31 =	simm.s32 $0x900;
	[sflag:s15] =	ssyncadd.s32 $0xFFFFC000  }
0x17c: {  	[tilespmem:s18], [sflag:$0x2] =	stream.indirect.gather [hbm4b:s2+s16], $0x80, s31, s16, $0xb8;
	[tilespmem:$0x1E000] =	vst v63  }
0x17d: {  	_ =	swait.ge [sflag:s19], $0x4000  }
0x17e: {  	[sflag:s19] =	ssyncset.done $0x0  }
0x17f: {  	s30 =	simm.s32 $0x880;
	[sflag:s19] =	ssyncadd.s32 $0xFFFFC000  }
0x180: {  	[spmem:s3] =	stream.indirect.scatter.add.f32 [tilespmem:s14], [sflag:$0x3], $0x80, s30, s16, $0xb8;
	[tilespmem:$0x1E000] =	vst v63  }
0x181: {  	_ =	swait.ge [sflag:s15], $0x4000  }
0x182: {  	[sflag:s15] =	ssyncset.done $0x0  }
0x183: {  	s31 =	simm.s32 $0xA00;
	[sflag:s15] =	ssyncadd.s32 $0xFFFFC000  }
0x184: {  	[tilespmem:s14], [sflag:$0x1] =	stream.indirect.gather [hbm4b:s2+s16], $0x80, s31, s16, $0xb8;
	[tilespmem:$0x1E000] =	vst v63  }
0x185: {  	_ =	swait.ge [sflag:s20], $0x4000  }
0x186: {  	[sflag:s20] =	ssyncset.done $0x0  }
0x187: {  	s30 =	simm.s32 $0x980;
	[sflag:s20] =	ssyncadd.s32 $0xFFFFC000  }
0x188: {  	[spmem:s3] =	stream.indirect.scatter.add.f32 [tilespmem:s18], [sflag:$0x3], $0x80, s30, s16, $0xb8;
	[tilespmem:$0x1E000] =	vst v63  }
0x189: {  	_ =	swait.ge [sflag:s15], $0x4000  }
0x18a: {  	[sflag:s15] =	ssyncset.done $0x0  }
0x18b: {  	s31 =	simm.s32 $0xB00;
	[sflag:s15] =	ssyncadd.s32 $0xFFFFC000  }
0x18c: {  	[tilespmem:s18], [sflag:$0x2] =	stream.indirect.gather [hbm4b:s2+s16], $0x80, s31, s16, $0xb8;
	[tilespmem:$0x1E000] =	vst v63  }
0x18d: {  	_ =	swait.ge [sflag:s19], $0x4000  }
0x18e: {  	[sflag:s19] =	ssyncset.done $0x0  }
0x18f: {  	s30 =	simm.s32 $0xA80;
	[sflag:s19] =	ssyncadd.s32 $0xFFFFC000  }
0x190: {  	[spmem:s3] =	stream.indirect.scatter.add.f32 [tilespmem:s14], [sflag:$0x3], $0x80, s30, s16, $0xb8;
	[tilespmem:$0x1E000] =	vst v63  }
0x191: {  	_ =	swait.ge [sflag:s15], $0x4000  }
0x192: {  	[sflag:s15] =	ssyncset.done $0x0  }
0x193: {  	s31 =	simm.s32 $0xC00;
	[sflag:s15] =	ssyncadd.s32 $0xFFFFC000  }
0x194: {  	[tilespmem:s14], [sflag:$0x1] =	stream.indirect.gather [hbm4b:s2+s16], $0x80, s31, s16, $0xb8;
	[tilespmem:$0x1E000] =	vst v63  }
0x195: {  	_ =	swait.ge [sflag:s20], $0x4000  }
0x196: {  	[sflag:s20] =	ssyncset.done $0x0  }
0x197: {  	s30 =	simm.s32 $0xB80;
	[sflag:s20] =	ssyncadd.s32 $0xFFFFC000  }
0x198: {  	[spmem:s3] =	stream.indirect.scatter.add.f32 [tilespmem:s18], [sflag:$0x3], $0x80, s30, s16, $0xb8;
	[tilespmem:$0x1E000] =	vst v63  }
0x199: {  	_ =	swait.ge [sflag:s15], $0x4000  }
0x19a: {  	[sflag:s15] =	ssyncset.done $0x0  }
0x19b: {  	s31 =	simm.s32 $0xD00;
	[sflag:s15] =	ssyncadd.s32 $0xFFFFC000  }
0x19c: {  	[tilespmem:s18], [sflag:$0x2] =	stream.indirect.gather [hbm4b:s2+s16], $0x80, s31, s16, $0xb8;
	[tilespmem:$0x1E000] =	vst v63  }
0x19d: {  	_ =	swait.ge [sflag:s19], $0x4000  }
0x19e: {  	[sflag:s19] =	ssyncset.done $0x0  }
0x19f: {  	[sflag:s19] =	ssyncadd.s32 $0xFFFFC000  }
0x1a0: {  	[spmem:s3] =	stream.indirect.scatter.add.f32 [tilespmem:s14], [sflag:$0x3], $0x80, s1, s16, $0xb8;
	[tilespmem:$0x1E000] =	vst v63  }
0x1a1: {  	_ =	swait.ge [sflag:s15], $0x4000  }
0x1a2: {  	[sflag:s15] =	ssyncset.done $0x0  }
0x1a3: {  	s30 =	simm.s32 $0xE00;
	[sflag:s15] =	ssyncadd.s32 $0xFFFFC000  }
0x1a4: {  	[tilespmem:s14], [sflag:$0x1] =	stream.indirect.gather [hbm4b:s2+s16], $0x80, s30, s16, $0xb8;
	[tilespmem:$0x1E000] =	vst v63  }
0x1a5: {  	_ =	swait.ge [sflag:s20], $0x4000  }
0x1a6: {  	[sflag:s20] =	ssyncset.done $0x0  }
0x1a7: {  	[sflag:s20] =	ssyncadd.s32 $0xFFFFC000  }
0x1a8: {  	[spmem:s3] =	stream.indirect.scatter.add.f32 [tilespmem:s18], [sflag:$0x3], $0x80, s26, s16, $0xb8;
	[tilespmem:$0x1E000] =	vst v63  }
0x1a9: {  	_ =	swait.ge [sflag:s15], $0x4000  }
0x1aa: {  	[sflag:s15] =	ssyncset.done $0x0  }
.Ltmp6:
0x1ab: {  	[sflag:s15] =	ssyncadd.s32 $0xFFFFC000;
	(pc) =	sbr.rel .LBB2_14-.Ltmp6, $4  }
0x1ac: {  	_ =	swait.ge [sflag:s19], $0x4000  }
0x1ad: {  	[sflag:s19] =	ssyncset.done $0x0  }
0x1ae: {  	s31 =	simm.s32 $0xE80;
	[sflag:s19] =	ssyncadd.s32 $0xFFFFC000  }
0x1af: {  	[spmem:s3] =	stream.indirect.scatter.add.f32 [tilespmem:s14], [sflag:$0x3], $0x80, s31, s16, $0xb8;
	[tilespmem:$0x1E000] =	vst v63  }
.LBB2_9:
0x1b0: {  	_ =	swait.ge [sflag:s19], $0x4000  }
0x1b1: {  	[sflag:s19] =	ssyncset.done $0x0  }
0x1b2: {  	s29 =	simm.s32 $0x80;
	[sflag:s19] =	ssyncadd.s32 $0xFFFFC000  }
0x1b3: {  	[spmem:s3] =	stream.indirect.scatter.add.f32 [tilespmem:s14], [sflag:$0x3], $0x80, s29, s16, $0xb8;
	[tilespmem:$0x1E000] =	vst v63  }
0x1b4: {  	_ =	swait.ge [sflag:s15], $0x4000  }
0x1b5: {  	[sflag:s15] =	ssyncset.done $0x0  }
0x1b6: {  	s29 =	simm.s32 $0x200;
	[sflag:s15] =	ssyncadd.s32 $0xFFFFC000  }
0x1b7: {  	[tilespmem:s14], [sflag:$0x1] =	stream.indirect.gather [hbm4b:s2+s16], $0x80, s29, s16, $0xb8;
	[tilespmem:$0x1E000] =	vst v63  }
0x1b8: {  	_ =	swait.ge [sflag:s20], $0x4000  }
0x1b9: {  	[sflag:s20] =	ssyncset.done $0x0  }
0x1ba: {  	s29 =	simm.s32 $0x180;
	[sflag:s20] =	ssyncadd.s32 $0xFFFFC000  }
0x1bb: {  	[spmem:s3] =	stream.indirect.scatter.add.f32 [tilespmem:s18], [sflag:$0x3], $0x80, s29, s16, $0xb8;
	[tilespmem:$0x1E000] =	vst v63  }
0x1bc: {  	_ =	swait.ge [sflag:s15], $0x4000  }
0x1bd: {  	[sflag:s15] =	ssyncset.done $0x0  }
0x1be: {  	s30 =	simm.s32 $0x300;
	s29 =	simm.s32 $0xFFFF9000;
	[sflag:s15] =	ssyncadd.s32 $0xFFFFC000  }
.LBB2_10:
0x1bf: {  	[tilespmem:s18], [sflag:$0x2] =	stream.indirect.gather [hbm4b:s2+s16], $0x80, s30, s16, $0xb8;
	[tilespmem:$0x1E000] =	vst v63  }
0x1c0: {  	s30 =	smov.u32 s29  }
0x1c1: {  	p2 =	sne.s32 s29, $0xFFFFF800;
	s29 =	sadd.s32 $0x800, s29;
	_ =	swait.ge [sflag:s19], $0x4000  }
0x1c2: {  	s30 =	sshra.s32 s30, $0x2;
	[sflag:s19] =	ssyncset.done $0x0  }
0x1c3: {  	s31 =	sadd.s32 $0x1E80, s30;
	[sflag:s19] =	ssyncadd.s32 $0xFFFFC000  }
0x1c4: {  	[spmem:s3] =	stream.indirect.scatter.add.f32 [tilespmem:s14], [sflag:$0x3], $0x80, s31, s16, $0xb8;
	[tilespmem:$0x1E000] =	vst v63  }
0x1c5: {  	_ =	swait.ge [sflag:s15], $0x4000  }
0x1c6: {  	[sflag:s15] =	ssyncset.done $0x0  }
0x1c7: {  	s31 =	sadd.s32 $0x2000, s30;
	[sflag:s15] =	ssyncadd.s32 $0xFFFFC000  }
0x1c8: {  	[tilespmem:s14], [sflag:$0x1] =	stream.indirect.gather [hbm4b:s2+s16], $0x80, s31, s16, $0xb8;
	[tilespmem:$0x1E000] =	vst v63  }
0x1c9: {  	_ =	swait.ge [sflag:s20], $0x4000  }
0x1ca: {  	[sflag:s20] =	ssyncset.done $0x0  }
.Ltmp7:
0x1cb: {  	s31 =	sadd.s32 $0x1F80, s30;
	[sflag:s20] =	ssyncadd.s32 $0xFFFFC000;
	(pc) =	sbr.rel @p2 .LBB2_10-.Ltmp7, $4  }
0x1cc: {  	[spmem:s3] =	stream.indirect.scatter.add.f32 [tilespmem:s18], [sflag:$0x3], $0x80, s31, s16, $0xb8;
	[tilespmem:$0x1E000] =	vst v63  }
0x1cd: {  	_ =	swait.ge [sflag:s15], $0x4000  }
0x1ce: {  	[sflag:s15] =	ssyncset.done $0x0  }
0x1cf: {  	s30 =	sadd.s32 $0x2100, s30;
	[sflag:s15] =	ssyncadd.s32 $0xFFFFC000  }
0x1d0: {  	[tilespmem:s18], [sflag:$0x2] =	stream.indirect.gather [hbm4b:s2+s16], $0x80, s30, s16, $0xb8;
	[tilespmem:$0x1E000] =	vst v63  }
0x1d1: {  	_ =	swait.ge [sflag:s19], $0x4000  }
0x1d2: {  	[sflag:s19] =	ssyncset.done $0x0  }
0x1d3: {  	[sflag:s19] =	ssyncadd.s32 $0xFFFFC000  }
0x1d4: {  	[spmem:s3] =	stream.indirect.scatter.add.f32 [tilespmem:s14], [sflag:$0x3], $0x80, s21, s16, $0xb8;
	[tilespmem:$0x1E000] =	vst v63  }
0x1d5: {  	_ =	swait.ge [sflag:s15], $0x4000  }
0x1d6: {  	[sflag:s15] =	ssyncset.done $0x0  }
0x1d7: {  	[sflag:s15] =	ssyncadd.s32 $0xFFFFC000  }
0x1d8: {  	_ =	swait.ge [sflag:s20], $0x4000  }
0x1d9: {  	[sflag:s20] =	ssyncset.done $0x0  }
0x1da: {  	[sflag:s20] =	ssyncadd.s32 $0xFFFFC000  }
0x1db: {  	[spmem:s3] =	stream.indirect.scatter.add.f32 [tilespmem:s18], [sflag:$0x3], $0x80, s24, s16, $0xb8;
	[tilespmem:$0x1E000] =	vst v63  }
0x1dc: {  	_ =	swait.ge [sflag:s15], $0x4000  }
0x1dd: {  	[sflag:s15] =	ssyncset.done $0x0  }
0x1de: {  	[sflag:s15] =	ssyncadd.s32 $0xFFFFC000  }
0x1df: {  	[tilespmem:s4], [sflag:$0x3] =	stream.linear.gather [hbm4b:s11+s4], $0x2000, $0x38;
	[tilespmem:$0x1E000] =	vst v63  }
0x1e0: {  	_ =	swait.ge [sflag:s15], $0x2000  }
0x1e1: {  	[sflag:s15] =	ssyncset.done $0x0  }
0x1e2: {  	[sflag:s15] =	ssyncadd.s32 $0xFFFFE000  }
0x1e3: {  	[tilespmem:s14], [sflag:$0x1] =	stream.indirect.gather [hbm4b:s2+s16], $0x80, s4, s16, $0xb8;
	[tilespmem:$0x1E000] =	vst v63  }
0x1e4: {  	_ = 	snop  }
0x1e5: {  	[tilespmem:s18], [sflag:$0x2] =	stream.indirect.gather [hbm4b:s2+s16], $0x80, s17, s16, $0xb8;
	[tilespmem:$0x1E000] =	vst v63  }
0x1e6: {  	_ =	swait.ge [sflag:s19], $0x4000  }
0x1e7: {  	[sflag:s19] =	ssyncset.done $0x0  }
0x1e8: {  	s29 =	simm.s32 $0x80;
	[sflag:s19] =	ssyncadd.s32 $0xFFFFC000  }
0x1e9: {  	[spmem:s3] =	stream.indirect.scatter.add.f32 [tilespmem:s14], [sflag:$0x3], $0x80, s29, s16, $0xb8;
	[tilespmem:$0x1E000] =	vst v63  }
0x1ea: {  	_ =	swait.ge [sflag:s15], $0x4000  }
0x1eb: {  	[sflag:s15] =	ssyncset.done $0x0  }
0x1ec: {  	s29 =	simm.s32 $0x200;
	[sflag:s15] =	ssyncadd.s32 $0xFFFFC000  }
0x1ed: {  	[tilespmem:s14], [sflag:$0x1] =	stream.indirect.gather [hbm4b:s2+s16], $0x80, s29, s16, $0xb8;
	[tilespmem:$0x1E000] =	vst v63  }
0x1ee: {  	_ =	swait.ge [sflag:s20], $0x4000  }
0x1ef: {  	[sflag:s20] =	ssyncset.done $0x0  }
0x1f0: {  	s29 =	simm.s32 $0x180;
	[sflag:s20] =	ssyncadd.s32 $0xFFFFC000  }
0x1f1: {  	[spmem:s3] =	stream.indirect.scatter.add.f32 [tilespmem:s18], [sflag:$0x3], $0x80, s29, s16, $0xb8;
	[tilespmem:$0x1E000] =	vst v63  }
0x1f2: {  	_ =	swait.ge [sflag:s15], $0x4000  }
0x1f3: {  	[sflag:s15] =	ssyncset.done $0x0  }
0x1f4: {  	s30 =	simm.s32 $0x300;
	s29 =	simm.s32 $0xFFFF9000;
	[sflag:s15] =	ssyncadd.s32 $0xFFFFC000  }
.LBB2_12:
0x1f5: {  	[tilespmem:s18], [sflag:$0x2] =	stream.indirect.gather [hbm4b:s2+s16], $0x80, s30, s16, $0xb8;
	[tilespmem:$0x1E000] =	vst v63  }
0x1f6: {  	s30 =	smov.u32 s29  }
0x1f7: {  	p2 =	sne.s32 s29, $0xFFFFF800;
	s29 =	sadd.s32 $0x800, s29;
	_ =	swait.ge [sflag:s19], $0x4000  }
0x1f8: {  	s30 =	sshra.s32 s30, $0x2;
	[sflag:s19] =	ssyncset.done $0x0  }
0x1f9: {  	s31 =	sadd.s32 $0x1E80, s30;
	[sflag:s19] =	ssyncadd.s32 $0xFFFFC000  }
0x1fa: {  	[spmem:s3] =	stream.indirect.scatter.add.f32 [tilespmem:s14], [sflag:$0x3], $0x80, s31, s16, $0xb8;
	[tilespmem:$0x1E000] =	vst v63  }
0x1fb: {  	_ =	swait.ge [sflag:s15], $0x4000  }
0x1fc: {  	[sflag:s15] =	ssyncset.done $0x0  }
0x1fd: {  	s31 =	sadd.s32 $0x2000, s30;
	[sflag:s15] =	ssyncadd.s32 $0xFFFFC000  }
0x1fe: {  	[tilespmem:s14], [sflag:$0x1] =	stream.indirect.gather [hbm4b:s2+s16], $0x80, s31, s16, $0xb8;
	[tilespmem:$0x1E000] =	vst v63  }
0x1ff: {  	_ =	swait.ge [sflag:s20], $0x4000  }
0x200: {  	[sflag:s20] =	ssyncset.done $0x0  }
.Ltmp8:
0x201: {  	s31 =	sadd.s32 $0x1F80, s30;
	[sflag:s20] =	ssyncadd.s32 $0xFFFFC000;
	(pc) =	sbr.rel @p2 .LBB2_12-.Ltmp8, $4  }
0x202: {  	[spmem:s3] =	stream.indirect.scatter.add.f32 [tilespmem:s18], [sflag:$0x3], $0x80, s31, s16, $0xb8;
	[tilespmem:$0x1E000] =	vst v63  }
0x203: {  	_ =	swait.ge [sflag:s15], $0x4000  }
0x204: {  	[sflag:s15] =	ssyncset.done $0x0  }
0x205: {  	s30 =	sadd.s32 $0x2100, s30;
	[sflag:s15] =	ssyncadd.s32 $0xFFFFC000  }
.Ltmp9:
0x206: {  	_ = 	snop;
	(pc) =	sbr.rel .LBB2_13-.Ltmp9, $1  }
0x207: {  	_ =	sdelay $0x3  }
.LBB2_15:
0x208: {  	_ =	sfence.sel $0x180000  }
0x209: {  	[bflag:$0x0] =	sbarrier.arrive $0xFFFF  }
0x20a: {  	_ =	strace $0x90000047  }
0x20b: {  	[bflag:$0x2] =	sbarrier.arrive $0xFFFF  }
0x20c: {  	p0 =	sne.s32 s0, $0x0;
	s0 =	rddreg [dreg:$0x3]  }
0x20d: {  	s0 =	sadd.s32 @!p0 $0x100000, s0  }
0x20e: {  	[sflag:s0] =	ssyncadd.tile.s32 @!p0 $0x1;
	_ =	shalt  }
.Lfunc_end2:
_tile_overlayer_lowered:
.L_overlay_start_2:
0x20f: {  	(tag) =	ssettag $0x2  }
0x210: {  	s0 =	rddreg [dreg:$0x0];
	s2 =	stileid.u32  }
0x211: {  	s1 =	rddreg [dreg:$0x1];
	p0 =	sne.s32 s2, $0x0  }
0x212: {  	s3 =	rddreg [dreg:$0x2];
	[bflag:$0x3] =	sbarrier.arrive $0xFFFF;
	s2 =	simm.s32 @!p0 $0x1C03  }
0x213: {  	[timem:s3], [sflag:s2] =	dma.local @!p0 [hbm:s0], s1  }
0x214: {  	s0 =	simm.s32 @!p0 $0x3  }
0x215: {  	_ =	swait.ge @!p0 [sflag:s0], s1  }
0x216: {  	s1 =	ssub.s32 @!p0 $0x0, s1;
	[sflag:s0] =	ssyncset.done @!p0 $0x0  }
0x217: {  	[sflag:s0] =	ssyncadd.s32 @!p0 s1  }
0x218: {  	[bflag:$0x3] =	sbarrier.arrive $0xFFFF  }
0x219: {  	_ =	shalt  }

</sc_bundles>
